<compile_context>
chip_gen: v7x
topology: tpu7x:2x2x1
jax: 0.10.2.dev20260603
libtpu: 0.0.44.dev20260713+nightly
codegen_flags: <defaults>
</compile_context>

<pallas_src>
import functools

import jax
import jax.numpy as jnp
from jax import lax
from jax.experimental import pallas as pl
from jax.experimental.pallas import tpu as pltpu
from jax.experimental.pallas import tpu_sc as plsc

IN_DIM = 4096
OUT_DIM = 8192
BATCH = 1024
NUM_FUNCTIONS = 16

B_LOC = 8
NB = 1024
N_WORKERS = 32
CHUNKS_PER_WORKER = BATCH // (B_LOC * N_WORKERS)

_FOLD = (
    (0.0, 0.0, 0.0, 0.0),
    (0.0, 0.0, 0.0, 1.0),
    (0.0, 1.0, 0.0, -1.0),
    (0.0, 1.0, 0.0, 0.0),
    (0.0, 0.0, 1.0, -1.0),
    (0.0, 0.0, 1.0, 0.0),
    (0.0, 1.0, 1.0, -2.0),
    (0.0, 1.0, 1.0, -1.0),
    (1.0, -1.0, -1.0, 1.0),
    (1.0, -1.0, -1.0, 2.0),
    (1.0, 0.0, -1.0, 0.0),
    (1.0, 0.0, -1.0, 1.0),
    (1.0, -1.0, 0.0, 0.0),
    (1.0, -1.0, 0.0, 1.0),
    (1.0, 0.0, 0.0, -1.0),
    (1.0, 0.0, 0.0, 0.0),
)


def _coef_body(wt_ref, c_ref):
    w = wt_ref[...]
    m = jnp.max(w, axis=0, keepdims=True)
    e = jnp.exp(w - m)
    s = jnp.sum(e, axis=0, keepdims=True)
    p = e / s
    rows = []
    for k in range(4):
        acc = jnp.zeros_like(p[0:1, :])
        for i in range(NUM_FUNCTIONS):
            coef = _FOLD[i][k]
            if coef:
                acc = acc + coef * p[i:i + 1, :]
        rows.append(acc)
    c_ref[...] = jnp.concatenate(rows, axis=0)


_coef_call = pl.pallas_call(
    _coef_body,
    out_shape=jax.ShapeDtypeStruct((4, OUT_DIM), jnp.float32),
)


def _compute_block(x_loc, idx_loc, c_loc, buf, col0):

    @plsc.parallel_loop(0, NB // 16, unroll=1)
    def jv_body(jj):
        j0 = col0 + jj * 16
        pk = idx_loc[pl.ds(j0, 16)]
        i0 = pk & 0xFFF
        i1 = lax.shift_right_logical(pk, 16)
        c0 = c_loc[0, pl.ds(j0, 16)]
        c1 = c_loc[1, pl.ds(j0, 16)]
        c2 = c_loc[2, pl.ds(j0, 16)]
        c3 = c_loc[3, pl.ds(j0, 16)]
        for t in range(B_LOC):
            row = x_loc.at[pl.ds(t * IN_DIM, IN_DIM)]
            a = plsc.load_gather(row, [i0])
            b = plsc.load_gather(row, [i1])
            o = c0 + c1 * a + c2 * b + c3 * (a * b)
            buf[t, pl.ds(jj * 16, 16)] = o


def _fire_x(x_hbm, xbuf, row0, sem):
    return [
        pltpu.async_copy(
            x_hbm.at[row0 + t, :],
            xbuf.at[pl.ds(t * IN_DIM, IN_DIM)], sem)
        for t in range(B_LOC)
    ]


def _sc_body(x_hbm, idx_hbm, c_hbm, out_hbm, x_loc0, x_loc1, idx_loc, c_loc,
             out_loc, sem_in, sem_x0, sem_x1):
    wid = lax.axis_index("s") * 2 + lax.axis_index("c")
    cp_idx = pltpu.async_copy(idx_hbm, idx_loc, sem_in)
    cp_c = pltpu.async_copy(c_hbm, c_loc, sem_in)
    xbufs = (x_loc0, x_loc1)
    xsems = (sem_x0, sem_x1)
    base_row = wid * CHUNKS_PER_WORKER * B_LOC
    pending = _fire_x(x_hbm, xbufs[0], base_row, xsems[0])
    for ci in range(CHUNKS_PER_WORKER):
        row0 = base_row + ci * B_LOC
        for cp in pending:
            cp.wait()
        if ci == 0:
            cp_idx.wait()
            cp_c.wait()
        if ci + 1 < CHUNKS_PER_WORKER:
            pending = _fire_x(x_hbm, xbufs[(ci + 1) % 2],
                              row0 + B_LOC, xsems[(ci + 1) % 2])
        x_loc = xbufs[ci % 2]

        def blk_body(bi, _, row0=row0, x_loc=x_loc):
            col0 = bi * NB
            _compute_block(x_loc, idx_loc, c_loc, out_loc, col0)
            pltpu.sync_copy(out_loc,
                            out_hbm.at[pl.ds(row0, B_LOC), pl.ds(col0, NB)])
            return 0

        lax.fori_loop(0, OUT_DIM // NB, blk_body, 0)


@functools.cache
def _sc_call():
    return functools.partial(
        pl.kernel,
        out_type=jax.ShapeDtypeStruct((BATCH, OUT_DIM), jnp.float32),
        mesh=plsc.VectorSubcoreMesh(core_axis_name="c", subcore_axis_name="s"),
        compiler_params=pltpu.CompilerParams(needs_layout_passes=False),
        scratch_types=[
            pltpu.VMEM((B_LOC * IN_DIM,), jnp.float32),
            pltpu.VMEM((B_LOC * IN_DIM,), jnp.float32),
            pltpu.VMEM((OUT_DIM,), jnp.int32),
            pltpu.VMEM((4, OUT_DIM), jnp.float32),
            pltpu.VMEM((B_LOC, NB), jnp.float32),
            pltpu.SemaphoreType.DMA,
            pltpu.SemaphoreType.DMA,
            pltpu.SemaphoreType.DMA,
        ],
    )(_sc_body)


@jax.jit
def kernel(x, weights, indices):
    idx32 = indices.astype(jnp.int32)
    packed = idx32[0] | (idx32[1] << 16)
    c = _coef_call(weights.T)
    return _sc_call()(x, packed, c)

# --- scband reference (transcript-rebuilt; emitter-appended) ---
"""Pipeline reference for scband-logic-layer-13657996002166 (READ-ONLY COPY).

The authoritative reference and input builder live on the scoring server;
editing this copy changes nothing except your own understanding.
"""

import jax, jax.numpy as jnp
import numpy as np

IN_DIM = 4096
OUT_DIM = 8192
BATCH = 1024
NUM_FUNCTIONS = 16  # 2^(2^fan_in), fan_in=2


def setup_inputs(seed: int = 0) -> dict:
    key = jax.random.key(seed)
    k1, k2, k3 = jax.random.split(key, 3)
    x = jax.random.uniform(k1, (BATCH, IN_DIM), dtype=jnp.float32)
    weights = jax.random.normal(k2, (OUT_DIM, NUM_FUNCTIONS), dtype=jnp.float32)
    # random connectivity: each of the fan_in=2 input slots picks a random input index per neuron
    indices = jax.random.randint(k3, (2, OUT_DIM), 0, IN_DIM, dtype=jnp.int64)
    return {"x": x, "weights": weights, "indices": indices}


def _multi_op_s(a, b, w):
    # a, b: [..., out_dim] gathered inputs; w: [out_dim, 16] softmaxed weights
    # The 16 soft binary logic functions (differentiable relaxation):
    ab = a * b
    ops = (
        jnp.zeros_like(a),            # 0: FALSE
        ab,                            # 1: a AND b
        a - ab,                        # 2: a AND NOT b
        a,                             # 3: a
        b - ab,                        # 4: NOT a AND b
        b,                             # 5: b
        a + b - 2.0 * ab,              # 6: a XOR b
        a + b - ab,                    # 7: a OR b
        1.0 - (a + b - ab),            # 8: NOT (a OR b)
        1.0 - (a + b - 2.0 * ab),      # 9: NOT (a XOR b)
        1.0 - b,                       # 10: NOT b
        1.0 - b + ab,                  # 11: a OR NOT b
        1.0 - a,                       # 12: NOT a
        1.0 - a + ab,                  # 13: NOT a OR b
        1.0 - ab,                      # 14: NOT (a AND b)
        jnp.ones_like(a),              # 15: TRUE
    )
    out = jnp.zeros_like(a)
    for i in range(NUM_FUNCTIONS):
        out = out + w[:, i] * ops[i]
    return out


def reference(x, weights, indices):
    # grad_factor == 1.0 -> GradFactor is identity in forward
    # training-mode path: soft mixture over the 16 logic functions via softmax weights
    a = jnp.take(x, indices[0], axis=-1)  # gather: [..., out_dim]
    b = jnp.take(x, indices[1], axis=-1)  # gather: [..., out_dim]
    w = jax.nn.softmax(weights, axis=-1)  # [out_dim, 16]
    return _multi_op_s(a, b, w)

if __name__ == "__main__":
    import jax
    _d = setup_inputs()
    print(jax.jit(kernel)(*tuple(_d.values())))

</pallas_src>

<mosaic_0001>
#map = affine_map<(d0, d1) -> (0, 0)>
#map1 = affine_map<(d0, d1) -> (0)>
module attributes {stable_mosaic.version = 14 : i64} {
  func.func @_sc_body(%arg0: i32, %arg1: i32, %arg2: memref<1024x4096xf32, #tpu.memory_space<hbm>>, %arg3: memref<8192xi32, #tpu.memory_space<hbm>>, %arg4: memref<4x8192xf32, #tpu.memory_space<hbm>>, %arg5: memref<1024x8192xf32, #tpu.memory_space<hbm>>, %arg6: memref<32768xf32, #tpu.memory_space<vmem>>, %arg7: memref<32768xf32, #tpu.memory_space<vmem>>, %arg8: memref<8192xi32, #tpu.memory_space<vmem>>, %arg9: memref<4x8192xf32, #tpu.memory_space<vmem>>, %arg10: memref<8x1024xf32, #tpu.memory_space<vmem>>, %arg11: memref<!tpu.dma_semaphore, #tpu.memory_space<semaphore_mem>>, %arg12: memref<!tpu.dma_semaphore, #tpu.memory_space<semaphore_mem>>, %arg13: memref<!tpu.dma_semaphore, #tpu.memory_space<semaphore_mem>>) attributes {dimension_semantics = [#tpu.dimension_semantics<core_parallel>, #tpu.dimension_semantics<subcore_parallel>], iteration_bounds = array<i64: 2, 16>, scalar_prefetch = 0 : i64, scratch_operands = 8 : i64, tpu.core_type = #tpu.core_type<sc_vector_subcore>, window_params = [{transform_indices = #map}, {transform_indices = #map1}, {transform_indices = #map}, {transform_indices = #map}]} {
    %mul3A = arith.constant 2 : i32
    %mul3A_0 = arith.muli %arg1, %mul3A : i32
    %add3A = arith.addi %mul3A_0, %arg0 : i32
    tpu.enqueue_dma source(%arg3 : memref<8192xi32, #tpu.memory_space<hbm>>) target(%arg8 : memref<8192xi32, #tpu.memory_space<vmem>>) target_semaphore(%arg11 : memref<!tpu.dma_semaphore, #tpu.memory_space<semaphore_mem>>)
    tpu.enqueue_dma source(%arg4 : memref<4x8192xf32, #tpu.memory_space<hbm>>) target(%arg9 : memref<4x8192xf32, #tpu.memory_space<vmem>>) target_semaphore(%arg11 : memref<!tpu.dma_semaphore, #tpu.memory_space<semaphore_mem>>)
    %mul3A_1 = arith.constant 4 : i32
    %mul3A_2 = arith.muli %add3A, %mul3A_1 : i32
    %mul3A_3 = arith.constant 8 : i32
    %mul3A_4 = arith.muli %mul3A_2, %mul3A_3 : i32
    %add3A_5 = arith.constant 0 : i32
    %add3A_6 = arith.addi %mul3A_4, %add3A_5 : i32
    %dma_start3A = arith.constant 0 : i32
    %dma_start3A_7 = tpu.memref_slice %arg6[%dma_start3A] : memref<32768xf32, #tpu.memory_space<vmem>> -> memref<4096xf32, #tpu.memory_space<vmem>>
    %dma_start3A_8 = arith.constant 0 : i32
    %dma_start3A_9 = tpu.memref_slice %arg2[%add3A_6, %dma_start3A_8] : memref<1024x4096xf32, #tpu.memory_space<hbm>> -> memref<1x4096xf32, #tpu.memory_space<hbm>>
    %dma_start3A_10 = tpu.memref_squeeze %dma_start3A_9 : memref<1x4096xf32, #tpu.memory_space<hbm>> -> memref<4096xf32, #tpu.memory_space<hbm>>
    %dma_start3A_11 = arith.constant 0 : i32
    %dma_start3A_12 = tpu.memref_slice %arg6[%dma_start3A_11] : memref<32768xf32, #tpu.memory_space<vmem>> -> memref<4096xf32, #tpu.memory_space<vmem>>
    %dma_start3A_13 = arith.constant 0 : i32
    %dma_start3A_14 = tpu.memref_slice %arg2[%add3A_6, %dma_start3A_13] : memref<1024x4096xf32, #tpu.memory_space<hbm>> -> memref<1x4096xf32, #tpu.memory_space<hbm>>
    %dma_start3A_15 = tpu.memref_squeeze %dma_start3A_14 : memref<1x4096xf32, #tpu.memory_space<hbm>> -> memref<4096xf32, #tpu.memory_space<hbm>>
    tpu.enqueue_dma source(%dma_start3A_15 : memref<4096xf32, #tpu.memory_space<hbm>>) target(%dma_start3A_12 : memref<4096xf32, #tpu.memory_space<vmem>>) target_semaphore(%arg12 : memref<!tpu.dma_semaphore, #tpu.memory_space<semaphore_mem>>)
    %add3A_16 = arith.constant 1 : i32
    %add3A_17 = arith.addi %mul3A_4, %add3A_16 : i32
    %dma_start3A_18 = arith.constant 4096 : i32
    %dma_start3A_19 = tpu.memref_slice %arg6[%dma_start3A_18] : memref<32768xf32, #tpu.memory_space<vmem>> -> memref<4096xf32, #tpu.memory_space<vmem>>
    %dma_start3A_20 = arith.constant 0 : i32
    %dma_start3A_21 = tpu.memref_slice %arg2[%add3A_17, %dma_start3A_20] : memref<1024x4096xf32, #tpu.memory_space<hbm>> -> memref<1x4096xf32, #tpu.memory_space<hbm>>
    %dma_start3A_22 = tpu.memref_squeeze %dma_start3A_21 : memref<1x4096xf32, #tpu.memory_space<hbm>> -> memref<4096xf32, #tpu.memory_space<hbm>>
    %dma_start3A_23 = arith.constant 4096 : i32
    %dma_start3A_24 = tpu.memref_slice %arg6[%dma_start3A_23] : memref<32768xf32, #tpu.memory_space<vmem>> -> memref<4096xf32, #tpu.memory_space<vmem>>
    %dma_start3A_25 = arith.constant 0 : i32
    %dma_start3A_26 = tpu.memref_slice %arg2[%add3A_17, %dma_start3A_25] : memref<1024x4096xf32, #tpu.memory_space<hbm>> -> memref<1x4096xf32, #tpu.memory_space<hbm>>
    %dma_start3A_27 = tpu.memref_squeeze %dma_start3A_26 : memref<1x4096xf32, #tpu.memory_space<hbm>> -> memref<4096xf32, #tpu.memory_space<hbm>>
    tpu.enqueue_dma source(%dma_start3A_27 : memref<4096xf32, #tpu.memory_space<hbm>>) target(%dma_start3A_24 : memref<4096xf32, #tpu.memory_space<vmem>>) target_semaphore(%arg12 : memref<!tpu.dma_semaphore, #tpu.memory_space<semaphore_mem>>)
    %add3A_28 = arith.constant 2 : i32
    %add3A_29 = arith.addi %mul3A_4, %add3A_28 : i32
    %dma_start3A_30 = arith.constant 8192 : i32
    %dma_start3A_31 = tpu.memref_slice %arg6[%dma_start3A_30] : memref<32768xf32, #tpu.memory_space<vmem>> -> memref<4096xf32, #tpu.memory_space<vmem>>
    %dma_start3A_32 = arith.constant 0 : i32
    %dma_start3A_33 = tpu.memref_slice %arg2[%add3A_29, %dma_start3A_32] : memref<1024x4096xf32, #tpu.memory_space<hbm>> -> memref<1x4096xf32, #tpu.memory_space<hbm>>
    %dma_start3A_34 = tpu.memref_squeeze %dma_start3A_33 : memref<1x4096xf32, #tpu.memory_space<hbm>> -> memref<4096xf32, #tpu.memory_space<hbm>>
    %dma_start3A_35 = arith.constant 8192 : i32
    %dma_start3A_36 = tpu.memref_slice %arg6[%dma_start3A_35] : memref<32768xf32, #tpu.memory_space<vmem>> -> memref<4096xf32, #tpu.memory_space<vmem>>
    %dma_start3A_37 = arith.constant 0 : i32
    %dma_start3A_38 = tpu.memref_slice %arg2[%add3A_29, %dma_start3A_37] : memref<1024x4096xf32, #tpu.memory_space<hbm>> -> memref<1x4096xf32, #tpu.memory_space<hbm>>
    %dma_start3A_39 = tpu.memref_squeeze %dma_start3A_38 : memref<1x4096xf32, #tpu.memory_space<hbm>> -> memref<4096xf32, #tpu.memory_space<hbm>>
    tpu.enqueue_dma source(%dma_start3A_39 : memref<4096xf32, #tpu.memory_space<hbm>>) target(%dma_start3A_36 : memref<4096xf32, #tpu.memory_space<vmem>>) target_semaphore(%arg12 : memref<!tpu.dma_semaphore, #tpu.memory_space<semaphore_mem>>)
    %add3A_40 = arith.constant 3 : i32
    %add3A_41 = arith.addi %mul3A_4, %add3A_40 : i32
    %dma_start3A_42 = arith.constant 12288 : i32
    %dma_start3A_43 = tpu.memref_slice %arg6[%dma_start3A_42] : memref<32768xf32, #tpu.memory_space<vmem>> -> memref<4096xf32, #tpu.memory_space<vmem>>
    %dma_start3A_44 = arith.constant 0 : i32
    %dma_start3A_45 = tpu.memref_slice %arg2[%add3A_41, %dma_start3A_44] : memref<1024x4096xf32, #tpu.memory_space<hbm>> -> memref<1x4096xf32, #tpu.memory_space<hbm>>
    %dma_start3A_46 = tpu.memref_squeeze %dma_start3A_45 : memref<1x4096xf32, #tpu.memory_space<hbm>> -> memref<4096xf32, #tpu.memory_space<hbm>>
    %dma_start3A_47 = arith.constant 12288 : i32
    %dma_start3A_48 = tpu.memref_slice %arg6[%dma_start3A_47] : memref<32768xf32, #tpu.memory_space<vmem>> -> memref<4096xf32, #tpu.memory_space<vmem>>
    %dma_start3A_49 = arith.constant 0 : i32
    %dma_start3A_50 = tpu.memref_slice %arg2[%add3A_41, %dma_start3A_49] : memref<1024x4096xf32, #tpu.memory_space<hbm>> -> memref<1x4096xf32, #tpu.memory_space<hbm>>
    %dma_start3A_51 = tpu.memref_squeeze %dma_start3A_50 : memref<1x4096xf32, #tpu.memory_space<hbm>> -> memref<4096xf32, #tpu.memory_space<hbm>>
    tpu.enqueue_dma source(%dma_start3A_51 : memref<4096xf32, #tpu.memory_space<hbm>>) target(%dma_start3A_48 : memref<4096xf32, #tpu.memory_space<vmem>>) target_semaphore(%arg12 : memref<!tpu.dma_semaphore, #tpu.memory_space<semaphore_mem>>)
    %add3A_52 = arith.constant 4 : i32
    %add3A_53 = arith.addi %mul3A_4, %add3A_52 : i32
    %dma_start3A_54 = arith.constant 16384 : i32
    %dma_start3A_55 = tpu.memref_slice %arg6[%dma_start3A_54] : memref<32768xf32, #tpu.memory_space<vmem>> -> memref<4096xf32, #tpu.memory_space<vmem>>
    %dma_start3A_56 = arith.constant 0 : i32
    %dma_start3A_57 = tpu.memref_slice %arg2[%add3A_53, %dma_start3A_56] : memref<1024x4096xf32, #tpu.memory_space<hbm>> -> memref<1x4096xf32, #tpu.memory_space<hbm>>
    %dma_start3A_58 = tpu.memref_squeeze %dma_start3A_57 : memref<1x4096xf32, #tpu.memory_space<hbm>> -> memref<4096xf32, #tpu.memory_space<hbm>>
    %dma_start3A_59 = arith.constant 16384 : i32
    %dma_start3A_60 = tpu.memref_slice %arg6[%dma_start3A_59] : memref<32768xf32, #tpu.memory_space<vmem>> -> memref<4096xf32, #tpu.memory_space<vmem>>
    %dma_start3A_61 = arith.constant 0 : i32
    %dma_start3A_62 = tpu.memref_slice %arg2[%add3A_53, %dma_start3A_61] : memref<1024x4096xf32, #tpu.memory_space<hbm>> -> memref<1x4096xf32, #tpu.memory_space<hbm>>
    %dma_start3A_63 = tpu.memref_squeeze %dma_start3A_62 : memref<1x4096xf32, #tpu.memory_space<hbm>> -> memref<4096xf32, #tpu.memory_space<hbm>>
    tpu.enqueue_dma source(%dma_start3A_63 : memref<4096xf32, #tpu.memory_space<hbm>>) target(%dma_start3A_60 : memref<4096xf32, #tpu.memory_space<vmem>>) target_semaphore(%arg12 : memref<!tpu.dma_semaphore, #tpu.memory_space<semaphore_mem>>)
    %add3A_64 = arith.constant 5 : i32
    %add3A_65 = arith.addi %mul3A_4, %add3A_64 : i32
    %dma_start3A_66 = arith.constant 20480 : i32
    %dma_start3A_67 = tpu.memref_slice %arg6[%dma_start3A_66] : memref<32768xf32, #tpu.memory_space<vmem>> -> memref<4096xf32, #tpu.memory_space<vmem>>
    %dma_start3A_68 = arith.constant 0 : i32
    %dma_start3A_69 = tpu.memref_slice %arg2[%add3A_65, %dma_start3A_68] : memref<1024x4096xf32, #tpu.memory_space<hbm>> -> memref<1x4096xf32, #tpu.memory_space<hbm>>
    %dma_start3A_70 = tpu.memref_squeeze %dma_start3A_69 : memref<1x4096xf32, #tpu.memory_space<hbm>> -> memref<4096xf32, #tpu.memory_space<hbm>>
    %dma_start3A_71 = arith.constant 20480 : i32
    %dma_start3A_72 = tpu.memref_slice %arg6[%dma_start3A_71] : memref<32768xf32, #tpu.memory_space<vmem>> -> memref<4096xf32, #tpu.memory_space<vmem>>
    %dma_start3A_73 = arith.constant 0 : i32
    %dma_start3A_74 = tpu.memref_slice %arg2[%add3A_65, %dma_start3A_73] : memref<1024x4096xf32, #tpu.memory_space<hbm>> -> memref<1x4096xf32, #tpu.memory_space<hbm>>
    %dma_start3A_75 = tpu.memref_squeeze %dma_start3A_74 : memref<1x4096xf32, #tpu.memory_space<hbm>> -> memref<4096xf32, #tpu.memory_space<hbm>>
    tpu.enqueue_dma source(%dma_start3A_75 : memref<4096xf32, #tpu.memory_space<hbm>>) target(%dma_start3A_72 : memref<4096xf32, #tpu.memory_space<vmem>>) target_semaphore(%arg12 : memref<!tpu.dma_semaphore, #tpu.memory_space<semaphore_mem>>)
    %add3A_76 = arith.constant 6 : i32
    %add3A_77 = arith.addi %mul3A_4, %add3A_76 : i32
    %dma_start3A_78 = arith.constant 24576 : i32
    %dma_start3A_79 = tpu.memref_slice %arg6[%dma_start3A_78] : memref<32768xf32, #tpu.memory_space<vmem>> -> memref<4096xf32, #tpu.memory_space<vmem>>
    %dma_start3A_80 = arith.constant 0 : i32
    %dma_start3A_81 = tpu.memref_slice %arg2[%add3A_77, %dma_start3A_80] : memref<1024x4096xf32, #tpu.memory_space<hbm>> -> memref<1x4096xf32, #tpu.memory_space<hbm>>
    %dma_start3A_82 = tpu.memref_squeeze %dma_start3A_81 : memref<1x4096xf32, #tpu.memory_space<hbm>> -> memref<4096xf32, #tpu.memory_space<hbm>>
    %dma_start3A_83 = arith.constant 24576 : i32
    %dma_start3A_84 = tpu.memref_slice %arg6[%dma_start3A_83] : memref<32768xf32, #tpu.memory_space<vmem>> -> memref<4096xf32, #tpu.memory_space<vmem>>
    %dma_start3A_85 = arith.constant 0 : i32
    %dma_start3A_86 = tpu.memref_slice %arg2[%add3A_77, %dma_start3A_85] : memref<1024x4096xf32, #tpu.memory_space<hbm>> -> memref<1x4096xf32, #tpu.memory_space<hbm>>
    %dma_start3A_87 = tpu.memref_squeeze %dma_start3A_86 : memref<1x4096xf32, #tpu.memory_space<hbm>> -> memref<4096xf32, #tpu.memory_space<hbm>>
    tpu.enqueue_dma source(%dma_start3A_87 : memref<4096xf32, #tpu.memory_space<hbm>>) target(%dma_start3A_84 : memref<4096xf32, #tpu.memory_space<vmem>>) target_semaphore(%arg12 : memref<!tpu.dma_semaphore, #tpu.memory_space<semaphore_mem>>)
    %add3A_88 = arith.constant 7 : i32
    %add3A_89 = arith.addi %mul3A_4, %add3A_88 : i32
    %dma_start3A_90 = arith.constant 28672 : i32
    %dma_start3A_91 = tpu.memref_slice %arg6[%dma_start3A_90] : memref<32768xf32, #tpu.memory_space<vmem>> -> memref<4096xf32, #tpu.memory_space<vmem>>
    %dma_start3A_92 = arith.constant 0 : i32
    %dma_start3A_93 = tpu.memref_slice %arg2[%add3A_89, %dma_start3A_92] : memref<1024x4096xf32, #tpu.memory_space<hbm>> -> memref<1x4096xf32, #tpu.memory_space<hbm>>
    %dma_start3A_94 = tpu.memref_squeeze %dma_start3A_93 : memref<1x4096xf32, #tpu.memory_space<hbm>> -> memref<4096xf32, #tpu.memory_space<hbm>>
    %dma_start3A_95 = arith.constant 28672 : i32
    %dma_start3A_96 = tpu.memref_slice %arg6[%dma_start3A_95] : memref<32768xf32, #tpu.memory_space<vmem>> -> memref<4096xf32, #tpu.memory_space<vmem>>
    %dma_start3A_97 = arith.constant 0 : i32
    %dma_start3A_98 = tpu.memref_slice %arg2[%add3A_89, %dma_start3A_97] : memref<1024x4096xf32, #tpu.memory_space<hbm>> -> memref<1x4096xf32, #tpu.memory_space<hbm>>
    %dma_start3A_99 = tpu.memref_squeeze %dma_start3A_98 : memref<1x4096xf32, #tpu.memory_space<hbm>> -> memref<4096xf32, #tpu.memory_space<hbm>>
    tpu.enqueue_dma source(%dma_start3A_99 : memref<4096xf32, #tpu.memory_space<hbm>>) target(%dma_start3A_96 : memref<4096xf32, #tpu.memory_space<vmem>>) target_semaphore(%arg12 : memref<!tpu.dma_semaphore, #tpu.memory_space<semaphore_mem>>)
    %add3A_100 = arith.constant 0 : i32
    %add3A_101 = arith.addi %mul3A_4, %add3A_100 : i32
    %dma_wait3A = arith.constant 0 : i32
    %dma_wait3A_102 = tpu.memref_slice %arg6[%dma_wait3A] : memref<32768xf32, #tpu.memory_space<vmem>> -> memref<4096xf32, #tpu.memory_space<vmem>>
    %dma_wait3A_103 = arith.constant 0 : i32
    %dma_wait3A_104 = tpu.memref_slice %arg2[%add3A_6, %dma_wait3A_103] : memref<1024x4096xf32, #tpu.memory_space<hbm>> -> memref<1x4096xf32, #tpu.memory_space<hbm>>
    %dma_wait3A_105 = tpu.memref_squeeze %dma_wait3A_104 : memref<1x4096xf32, #tpu.memory_space<hbm>> -> memref<4096xf32, #tpu.memory_space<hbm>>
    %dma_wait3A_106 = arith.constant 0 : i32
    %dma_wait3A_107 = tpu.memref_slice %arg6[%dma_wait3A_106] : memref<32768xf32, #tpu.memory_space<vmem>> -> memref<4096xf32, #tpu.memory_space<vmem>>
    %dma_wait3A_108 = arith.constant 0 : i32
    %dma_wait3A_109 = tpu.memref_slice %arg2[%add3A_6, %dma_wait3A_108] : memref<1024x4096xf32, #tpu.memory_space<hbm>> -> memref<1x4096xf32, #tpu.memory_space<hbm>>
    %dma_wait3A_110 = tpu.memref_squeeze %dma_wait3A_109 : memref<1x4096xf32, #tpu.memory_space<hbm>> -> memref<4096xf32, #tpu.memory_space<hbm>>
    tpu.wait_dma2 semaphore(%arg12 : memref<!tpu.dma_semaphore, #tpu.memory_space<semaphore_mem>>) src(%dma_wait3A_110 : memref<4096xf32, #tpu.memory_space<hbm>>) dst(%dma_wait3A_107 : memref<4096xf32, #tpu.memory_space<vmem>>)
    %dma_wait3A_111 = arith.constant 4096 : i32
    %dma_wait3A_112 = tpu.memref_slice %arg6[%dma_wait3A_111] : memref<32768xf32, #tpu.memory_space<vmem>> -> memref<4096xf32, #tpu.memory_space<vmem>>
    %dma_wait3A_113 = arith.constant 0 : i32
    %dma_wait3A_114 = tpu.memref_slice %arg2[%add3A_17, %dma_wait3A_113] : memref<1024x4096xf32, #tpu.memory_space<hbm>> -> memref<1x4096xf32, #tpu.memory_space<hbm>>
    %dma_wait3A_115 = tpu.memref_squeeze %dma_wait3A_114 : memref<1x4096xf32, #tpu.memory_space<hbm>> -> memref<4096xf32, #tpu.memory_space<hbm>>
    %dma_wait3A_116 = arith.constant 4096 : i32
    %dma_wait3A_117 = tpu.memref_slice %arg6[%dma_wait3A_116] : memref<32768xf32, #tpu.memory_space<vmem>> -> memref<4096xf32, #tpu.memory_space<vmem>>
    %dma_wait3A_118 = arith.constant 0 : i32
    %dma_wait3A_119 = tpu.memref_slice %arg2[%add3A_17, %dma_wait3A_118] : memref<1024x4096xf32, #tpu.memory_space<hbm>> -> memref<1x4096xf32, #tpu.memory_space<hbm>>
    %dma_wait3A_120 = tpu.memref_squeeze %dma_wait3A_119 : memref<1x4096xf32, #tpu.memory_space<hbm>> -> memref<4096xf32, #tpu.memory_space<hbm>>
    tpu.wait_dma2 semaphore(%arg12 : memref<!tpu.dma_semaphore, #tpu.memory_space<semaphore_mem>>) src(%dma_wait3A_120 : memref<4096xf32, #tpu.memory_space<hbm>>) dst(%dma_wait3A_117 : memref<4096xf32, #tpu.memory_space<vmem>>)
    %dma_wait3A_121 = arith.constant 8192 : i32
    %dma_wait3A_122 = tpu.memref_slice %arg6[%dma_wait3A_121] : memref<32768xf32, #tpu.memory_space<vmem>> -> memref<4096xf32, #tpu.memory_space<vmem>>
    %dma_wait3A_123 = arith.constant 0 : i32
    %dma_wait3A_124 = tpu.memref_slice %arg2[%add3A_29, %dma_wait3A_123] : memref<1024x4096xf32, #tpu.memory_space<hbm>> -> memref<1x4096xf32, #tpu.memory_space<hbm>>
    %dma_wait3A_125 = tpu.memref_squeeze %dma_wait3A_124 : memref<1x4096xf32, #tpu.memory_space<hbm>> -> memref<4096xf32, #tpu.memory_space<hbm>>
    %dma_wait3A_126 = arith.constant 8192 : i32
    %dma_wait3A_127 = tpu.memref_slice %arg6[%dma_wait3A_126] : memref<32768xf32, #tpu.memory_space<vmem>> -> memref<4096xf32, #tpu.memory_space<vmem>>
    %dma_wait3A_128 = arith.constant 0 : i32
    %dma_wait3A_129 = tpu.memref_slice %arg2[%add3A_29, %dma_wait3A_128] : memref<1024x4096xf32, #tpu.memory_space<hbm>> -> memref<1x4096xf32, #tpu.memory_space<hbm>>
    %dma_wait3A_130 = tpu.memref_squeeze %dma_wait3A_129 : memref<1x4096xf32, #tpu.memory_space<hbm>> -> memref<4096xf32, #tpu.memory_space<hbm>>
    tpu.wait_dma2 semaphore(%arg12 : memref<!tpu.dma_semaphore, #tpu.memory_space<semaphore_mem>>) src(%dma_wait3A_130 : memref<4096xf32, #tpu.memory_space<hbm>>) dst(%dma_wait3A_127 : memref<4096xf32, #tpu.memory_space<vmem>>)
    %dma_wait3A_131 = arith.constant 12288 : i32
    %dma_wait3A_132 = tpu.memref_slice %arg6[%dma_wait3A_131] : memref<32768xf32, #tpu.memory_space<vmem>> -> memref<4096xf32, #tpu.memory_space<vmem>>
    %dma_wait3A_133 = arith.constant 0 : i32
    %dma_wait3A_134 = tpu.memref_slice %arg2[%add3A_41, %dma_wait3A_133] : memref<1024x4096xf32, #tpu.memory_space<hbm>> -> memref<1x4096xf32, #tpu.memory_space<hbm>>
    %dma_wait3A_135 = tpu.memref_squeeze %dma_wait3A_134 : memref<1x4096xf32, #tpu.memory_space<hbm>> -> memref<4096xf32, #tpu.memory_space<hbm>>
    %dma_wait3A_136 = arith.constant 12288 : i32
    %dma_wait3A_137 = tpu.memref_slice %arg6[%dma_wait3A_136] : memref<32768xf32, #tpu.memory_space<vmem>> -> memref<4096xf32, #tpu.memory_space<vmem>>
    %dma_wait3A_138 = arith.constant 0 : i32
    %dma_wait3A_139 = tpu.memref_slice %arg2[%add3A_41, %dma_wait3A_138] : memref<1024x4096xf32, #tpu.memory_space<hbm>> -> memref<1x4096xf32, #tpu.memory_space<hbm>>
    %dma_wait3A_140 = tpu.memref_squeeze %dma_wait3A_139 : memref<1x4096xf32, #tpu.memory_space<hbm>> -> memref<4096xf32, #tpu.memory_space<hbm>>
    tpu.wait_dma2 semaphore(%arg12 : memref<!tpu.dma_semaphore, #tpu.memory_space<semaphore_mem>>) src(%dma_wait3A_140 : memref<4096xf32, #tpu.memory_space<hbm>>) dst(%dma_wait3A_137 : memref<4096xf32, #tpu.memory_space<vmem>>)
    %dma_wait3A_141 = arith.constant 16384 : i32
    %dma_wait3A_142 = tpu.memref_slice %arg6[%dma_wait3A_141] : memref<32768xf32, #tpu.memory_space<vmem>> -> memref<4096xf32, #tpu.memory_space<vmem>>
    %dma_wait3A_143 = arith.constant 0 : i32
    %dma_wait3A_144 = tpu.memref_slice %arg2[%add3A_53, %dma_wait3A_143] : memref<1024x4096xf32, #tpu.memory_space<hbm>> -> memref<1x4096xf32, #tpu.memory_space<hbm>>
    %dma_wait3A_145 = tpu.memref_squeeze %dma_wait3A_144 : memref<1x4096xf32, #tpu.memory_space<hbm>> -> memref<4096xf32, #tpu.memory_space<hbm>>
    %dma_wait3A_146 = arith.constant 16384 : i32
    %dma_wait3A_147 = tpu.memref_slice %arg6[%dma_wait3A_146] : memref<32768xf32, #tpu.memory_space<vmem>> -> memref<4096xf32, #tpu.memory_space<vmem>>
    %dma_wait3A_148 = arith.constant 0 : i32
    %dma_wait3A_149 = tpu.memref_slice %arg2[%add3A_53, %dma_wait3A_148] : memref<1024x4096xf32, #tpu.memory_space<hbm>> -> memref<1x4096xf32, #tpu.memory_space<hbm>>
    %dma_wait3A_150 = tpu.memref_squeeze %dma_wait3A_149 : memref<1x4096xf32, #tpu.memory_space<hbm>> -> memref<4096xf32, #tpu.memory_space<hbm>>
    tpu.wait_dma2 semaphore(%arg12 : memref<!tpu.dma_semaphore, #tpu.memory_space<semaphore_mem>>) src(%dma_wait3A_150 : memref<4096xf32, #tpu.memory_space<hbm>>) dst(%dma_wait3A_147 : memref<4096xf32, #tpu.memory_space<vmem>>)
    %dma_wait3A_151 = arith.constant 20480 : i32
    %dma_wait3A_152 = tpu.memref_slice %arg6[%dma_wait3A_151] : memref<32768xf32, #tpu.memory_space<vmem>> -> memref<4096xf32, #tpu.memory_space<vmem>>
    %dma_wait3A_153 = arith.constant 0 : i32
    %dma_wait3A_154 = tpu.memref_slice %arg2[%add3A_65, %dma_wait3A_153] : memref<1024x4096xf32, #tpu.memory_space<hbm>> -> memref<1x4096xf32, #tpu.memory_space<hbm>>
    %dma_wait3A_155 = tpu.memref_squeeze %dma_wait3A_154 : memref<1x4096xf32, #tpu.memory_space<hbm>> -> memref<4096xf32, #tpu.memory_space<hbm>>
    %dma_wait3A_156 = arith.constant 20480 : i32
    %dma_wait3A_157 = tpu.memref_slice %arg6[%dma_wait3A_156] : memref<32768xf32, #tpu.memory_space<vmem>> -> memref<4096xf32, #tpu.memory_space<vmem>>
    %dma_wait3A_158 = arith.constant 0 : i32
    %dma_wait3A_159 = tpu.memref_slice %arg2[%add3A_65, %dma_wait3A_158] : memref<1024x4096xf32, #tpu.memory_space<hbm>> -> memref<1x4096xf32, #tpu.memory_space<hbm>>
    %dma_wait3A_160 = tpu.memref_squeeze %dma_wait3A_159 : memref<1x4096xf32, #tpu.memory_space<hbm>> -> memref<4096xf32, #tpu.memory_space<hbm>>
    tpu.wait_dma2 semaphore(%arg12 : memref<!tpu.dma_semaphore, #tpu.memory_space<semaphore_mem>>) src(%dma_wait3A_160 : memref<4096xf32, #tpu.memory_space<hbm>>) dst(%dma_wait3A_157 : memref<4096xf32, #tpu.memory_space<vmem>>)
    %dma_wait3A_161 = arith.constant 24576 : i32
    %dma_wait3A_162 = tpu.memref_slice %arg6[%dma_wait3A_161] : memref<32768xf32, #tpu.memory_space<vmem>> -> memref<4096xf32, #tpu.memory_space<vmem>>
    %dma_wait3A_163 = arith.constant 0 : i32
    %dma_wait3A_164 = tpu.memref_slice %arg2[%add3A_77, %dma_wait3A_163] : memref<1024x4096xf32, #tpu.memory_space<hbm>> -> memref<1x4096xf32, #tpu.memory_space<hbm>>
    %dma_wait3A_165 = tpu.memref_squeeze %dma_wait3A_164 : memref<1x4096xf32, #tpu.memory_space<hbm>> -> memref<4096xf32, #tpu.memory_space<hbm>>
    %dma_wait3A_166 = arith.constant 24576 : i32
    %dma_wait3A_167 = tpu.memref_slice %arg6[%dma_wait3A_166] : memref<32768xf32, #tpu.memory_space<vmem>> -> memref<4096xf32, #tpu.memory_space<vmem>>
    %dma_wait3A_168 = arith.constant 0 : i32
    %dma_wait3A_169 = tpu.memref_slice %arg2[%add3A_77, %dma_wait3A_168] : memref<1024x4096xf32, #tpu.memory_space<hbm>> -> memref<1x4096xf32, #tpu.memory_space<hbm>>
    %dma_wait3A_170 = tpu.memref_squeeze %dma_wait3A_169 : memref<1x4096xf32, #tpu.memory_space<hbm>> -> memref<4096xf32, #tpu.memory_space<hbm>>
    tpu.wait_dma2 semaphore(%arg12 : memref<!tpu.dma_semaphore, #tpu.memory_space<semaphore_mem>>) src(%dma_wait3A_170 : memref<4096xf32, #tpu.memory_space<hbm>>) dst(%dma_wait3A_167 : memref<4096xf32, #tpu.memory_space<vmem>>)
    %dma_wait3A_171 = arith.constant 28672 : i32
    %dma_wait3A_172 = tpu.memref_slice %arg6[%dma_wait3A_171] : memref<32768xf32, #tpu.memory_space<vmem>> -> memref<4096xf32, #tpu.memory_space<vmem>>
    %dma_wait3A_173 = arith.constant 0 : i32
    %dma_wait3A_174 = tpu.memref_slice %arg2[%add3A_89, %dma_wait3A_173] : memref<1024x4096xf32, #tpu.memory_space<hbm>> -> memref<1x4096xf32, #tpu.memory_space<hbm>>
    %dma_wait3A_175 = tpu.memref_squeeze %dma_wait3A_174 : memref<1x4096xf32, #tpu.memory_space<hbm>> -> memref<4096xf32, #tpu.memory_space<hbm>>
    %dma_wait3A_176 = arith.constant 28672 : i32
    %dma_wait3A_177 = tpu.memref_slice %arg6[%dma_wait3A_176] : memref<32768xf32, #tpu.memory_space<vmem>> -> memref<4096xf32, #tpu.memory_space<vmem>>
    %dma_wait3A_178 = arith.constant 0 : i32
    %dma_wait3A_179 = tpu.memref_slice %arg2[%add3A_89, %dma_wait3A_178] : memref<1024x4096xf32, #tpu.memory_space<hbm>> -> memref<1x4096xf32, #tpu.memory_space<hbm>>
    %dma_wait3A_180 = tpu.memref_squeeze %dma_wait3A_179 : memref<1x4096xf32, #tpu.memory_space<hbm>> -> memref<4096xf32, #tpu.memory_space<hbm>>
    tpu.wait_dma2 semaphore(%arg12 : memref<!tpu.dma_semaphore, #tpu.memory_space<semaphore_mem>>) src(%dma_wait3A_180 : memref<4096xf32, #tpu.memory_space<hbm>>) dst(%dma_wait3A_177 : memref<4096xf32, #tpu.memory_space<vmem>>)
    tpu.wait_dma2 semaphore(%arg11 : memref<!tpu.dma_semaphore, #tpu.memory_space<semaphore_mem>>) src(%arg3 : memref<8192xi32, #tpu.memory_space<hbm>>) dst(%arg8 : memref<8192xi32, #tpu.memory_space<vmem>>)
    tpu.wait_dma2 semaphore(%arg11 : memref<!tpu.dma_semaphore, #tpu.memory_space<semaphore_mem>>) src(%arg4 : memref<4x8192xf32, #tpu.memory_space<hbm>>) dst(%arg9 : memref<4x8192xf32, #tpu.memory_space<vmem>>)
    %add3A_181 = arith.constant 8 : i32
    %add3A_182 = arith.addi %add3A_101, %add3A_181 : i32
    %add3A_183 = arith.constant 0 : i32
    %add3A_184 = arith.addi %add3A_182, %add3A_183 : i32
    %dma_start3A_185 = arith.constant 0 : i32
    %dma_start3A_186 = tpu.memref_slice %arg7[%dma_start3A_185] : memref<32768xf32, #tpu.memory_space<vmem>> -> memref<4096xf32, #tpu.memory_space<vmem>>
    %dma_start3A_187 = arith.constant 0 : i32
    %dma_start3A_188 = tpu.memref_slice %arg2[%add3A_184, %dma_start3A_187] : memref<1024x4096xf32, #tpu.memory_space<hbm>> -> memref<1x4096xf32, #tpu.memory_space<hbm>>
    %dma_start3A_189 = tpu.memref_squeeze %dma_start3A_188 : memref<1x4096xf32, #tpu.memory_space<hbm>> -> memref<4096xf32, #tpu.memory_space<hbm>>
    %dma_start3A_190 = arith.constant 0 : i32
    %dma_start3A_191 = tpu.memref_slice %arg7[%dma_start3A_190] : memref<32768xf32, #tpu.memory_space<vmem>> -> memref<4096xf32, #tpu.memory_space<vmem>>
    %dma_start3A_192 = arith.constant 0 : i32
    %dma_start3A_193 = tpu.memref_slice %arg2[%add3A_184, %dma_start3A_192] : memref<1024x4096xf32, #tpu.memory_space<hbm>> -> memref<1x4096xf32, #tpu.memory_space<hbm>>
    %dma_start3A_194 = tpu.memref_squeeze %dma_start3A_193 : memref<1x4096xf32, #tpu.memory_space<hbm>> -> memref<4096xf32, #tpu.memory_space<hbm>>
    tpu.enqueue_dma source(%dma_start3A_194 : memref<4096xf32, #tpu.memory_space<hbm>>) target(%dma_start3A_191 : memref<4096xf32, #tpu.memory_space<vmem>>) target_semaphore(%arg13 : memref<!tpu.dma_semaphore, #tpu.memory_space<semaphore_mem>>)
    %add3A_195 = arith.constant 1 : i32
    %add3A_196 = arith.addi %add3A_182, %add3A_195 : i32
    %dma_start3A_197 = arith.constant 4096 : i32
    %dma_start3A_198 = tpu.memref_slice %arg7[%dma_start3A_197] : memref<32768xf32, #tpu.memory_space<vmem>> -> memref<4096xf32, #tpu.memory_space<vmem>>
    %dma_start3A_199 = arith.constant 0 : i32
    %dma_start3A_200 = tpu.memref_slice %arg2[%add3A_196, %dma_start3A_199] : memref<1024x4096xf32, #tpu.memory_space<hbm>> -> memref<1x4096xf32, #tpu.memory_space<hbm>>
    %dma_start3A_201 = tpu.memref_squeeze %dma_start3A_200 : memref<1x4096xf32, #tpu.memory_space<hbm>> -> memref<4096xf32, #tpu.memory_space<hbm>>
    %dma_start3A_202 = arith.constant 4096 : i32
    %dma_start3A_203 = tpu.memref_slice %arg7[%dma_start3A_202] : memref<32768xf32, #tpu.memory_space<vmem>> -> memref<4096xf32, #tpu.memory_space<vmem>>
    %dma_start3A_204 = arith.constant 0 : i32
    %dma_start3A_205 = tpu.memref_slice %arg2[%add3A_196, %dma_start3A_204] : memref<1024x4096xf32, #tpu.memory_space<hbm>> -> memref<1x4096xf32, #tpu.memory_space<hbm>>
    %dma_start3A_206 = tpu.memref_squeeze %dma_start3A_205 : memref<1x4096xf32, #tpu.memory_space<hbm>> -> memref<4096xf32, #tpu.memory_space<hbm>>
    tpu.enqueue_dma source(%dma_start3A_206 : memref<4096xf32, #tpu.memory_space<hbm>>) target(%dma_start3A_203 : memref<4096xf32, #tpu.memory_space<vmem>>) target_semaphore(%arg13 : memref<!tpu.dma_semaphore, #tpu.memory_space<semaphore_mem>>)
    %add3A_207 = arith.constant 2 : i32
    %add3A_208 = arith.addi %add3A_182, %add3A_207 : i32
    %dma_start3A_209 = arith.constant 8192 : i32
    %dma_start3A_210 = tpu.memref_slice %arg7[%dma_start3A_209] : memref<32768xf32, #tpu.memory_space<vmem>> -> memref<4096xf32, #tpu.memory_space<vmem>>
    %dma_start3A_211 = arith.constant 0 : i32
    %dma_start3A_212 = tpu.memref_slice %arg2[%add3A_208, %dma_start3A_211] : memref<1024x4096xf32, #tpu.memory_space<hbm>> -> memref<1x4096xf32, #tpu.memory_space<hbm>>
    %dma_start3A_213 = tpu.memref_squeeze %dma_start3A_212 : memref<1x4096xf32, #tpu.memory_space<hbm>> -> memref<4096xf32, #tpu.memory_space<hbm>>
    %dma_start3A_214 = arith.constant 8192 : i32
    %dma_start3A_215 = tpu.memref_slice %arg7[%dma_start3A_214] : memref<32768xf32, #tpu.memory_space<vmem>> -> memref<4096xf32, #tpu.memory_space<vmem>>
    %dma_start3A_216 = arith.constant 0 : i32
    %dma_start3A_217 = tpu.memref_slice %arg2[%add3A_208, %dma_start3A_216] : memref<1024x4096xf32, #tpu.memory_space<hbm>> -> memref<1x4096xf32, #tpu.memory_space<hbm>>
    %dma_start3A_218 = tpu.memref_squeeze %dma_start3A_217 : memref<1x4096xf32, #tpu.memory_space<hbm>> -> memref<4096xf32, #tpu.memory_space<hbm>>
    tpu.enqueue_dma source(%dma_start3A_218 : memref<4096xf32, #tpu.memory_space<hbm>>) target(%dma_start3A_215 : memref<4096xf32, #tpu.memory_space<vmem>>) target_semaphore(%arg13 : memref<!tpu.dma_semaphore, #tpu.memory_space<semaphore_mem>>)
    %add3A_219 = arith.constant 3 : i32
    %add3A_220 = arith.addi %add3A_182, %add3A_219 : i32
    %dma_start3A_221 = arith.constant 12288 : i32
    %dma_start3A_222 = tpu.memref_slice %arg7[%dma_start3A_221] : memref<32768xf32, #tpu.memory_space<vmem>> -> memref<4096xf32, #tpu.memory_space<vmem>>
    %dma_start3A_223 = arith.constant 0 : i32
    %dma_start3A_224 = tpu.memref_slice %arg2[%add3A_220, %dma_start3A_223] : memref<1024x4096xf32, #tpu.memory_space<hbm>> -> memref<1x4096xf32, #tpu.memory_space<hbm>>
    %dma_start3A_225 = tpu.memref_squeeze %dma_start3A_224 : memref<1x4096xf32, #tpu.memory_space<hbm>> -> memref<4096xf32, #tpu.memory_space<hbm>>
    %dma_start3A_226 = arith.constant 12288 : i32
    %dma_start3A_227 = tpu.memref_slice %arg7[%dma_start3A_226] : memref<32768xf32, #tpu.memory_space<vmem>> -> memref<4096xf32, #tpu.memory_space<vmem>>
    %dma_start3A_228 = arith.constant 0 : i32
    %dma_start3A_229 = tpu.memref_slice %arg2[%add3A_220, %dma_start3A_228] : memref<1024x4096xf32, #tpu.memory_space<hbm>> -> memref<1x4096xf32, #tpu.memory_space<hbm>>
    %dma_start3A_230 = tpu.memref_squeeze %dma_start3A_229 : memref<1x4096xf32, #tpu.memory_space<hbm>> -> memref<4096xf32, #tpu.memory_space<hbm>>
    tpu.enqueue_dma source(%dma_start3A_230 : memref<4096xf32, #tpu.memory_space<hbm>>) target(%dma_start3A_227 : memref<4096xf32, #tpu.memory_space<vmem>>) target_semaphore(%arg13 : memref<!tpu.dma_semaphore, #tpu.memory_space<semaphore_mem>>)
    %add3A_231 = arith.constant 4 : i32
    %add3A_232 = arith.addi %add3A_182, %add3A_231 : i32
    %dma_start3A_233 = arith.constant 16384 : i32
    %dma_start3A_234 = tpu.memref_slice %arg7[%dma_start3A_233] : memref<32768xf32, #tpu.memory_space<vmem>> -> memref<4096xf32, #tpu.memory_space<vmem>>
    %dma_start3A_235 = arith.constant 0 : i32
    %dma_start3A_236 = tpu.memref_slice %arg2[%add3A_232, %dma_start3A_235] : memref<1024x4096xf32, #tpu.memory_space<hbm>> -> memref<1x4096xf32, #tpu.memory_space<hbm>>
    %dma_start3A_237 = tpu.memref_squeeze %dma_start3A_236 : memref<1x4096xf32, #tpu.memory_space<hbm>> -> memref<4096xf32, #tpu.memory_space<hbm>>
    %dma_start3A_238 = arith.constant 16384 : i32
    %dma_start3A_239 = tpu.memref_slice %arg7[%dma_start3A_238] : memref<32768xf32, #tpu.memory_space<vmem>> -> memref<4096xf32, #tpu.memory_space<vmem>>
    %dma_start3A_240 = arith.constant 0 : i32
    %dma_start3A_241 = tpu.memref_slice %arg2[%add3A_232, %dma_start3A_240] : memref<1024x4096xf32, #tpu.memory_space<hbm>> -> memref<1x4096xf32, #tpu.memory_space<hbm>>
    %dma_start3A_242 = tpu.memref_squeeze %dma_start3A_241 : memref<1x4096xf32, #tpu.memory_space<hbm>> -> memref<4096xf32, #tpu.memory_space<hbm>>
    tpu.enqueue_dma source(%dma_start3A_242 : memref<4096xf32, #tpu.memory_space<hbm>>) target(%dma_start3A_239 : memref<4096xf32, #tpu.memory_space<vmem>>) target_semaphore(%arg13 : memref<!tpu.dma_semaphore, #tpu.memory_space<semaphore_mem>>)
    %add3A_243 = arith.constant 5 : i32
    %add3A_244 = arith.addi %add3A_182, %add3A_243 : i32
    %dma_start3A_245 = arith.constant 20480 : i32
    %dma_start3A_246 = tpu.memref_slice %arg7[%dma_start3A_245] : memref<32768xf32, #tpu.memory_space<vmem>> -> memref<4096xf32, #tpu.memory_space<vmem>>
    %dma_start3A_247 = arith.constant 0 : i32
    %dma_start3A_248 = tpu.memref_slice %arg2[%add3A_244, %dma_start3A_247] : memref<1024x4096xf32, #tpu.memory_space<hbm>> -> memref<1x4096xf32, #tpu.memory_space<hbm>>
    %dma_start3A_249 = tpu.memref_squeeze %dma_start3A_248 : memref<1x4096xf32, #tpu.memory_space<hbm>> -> memref<4096xf32, #tpu.memory_space<hbm>>
    %dma_start3A_250 = arith.constant 20480 : i32
    %dma_start3A_251 = tpu.memref_slice %arg7[%dma_start3A_250] : memref<32768xf32, #tpu.memory_space<vmem>> -> memref<4096xf32, #tpu.memory_space<vmem>>
    %dma_start3A_252 = arith.constant 0 : i32
    %dma_start3A_253 = tpu.memref_slice %arg2[%add3A_244, %dma_start3A_252] : memref<1024x4096xf32, #tpu.memory_space<hbm>> -> memref<1x4096xf32, #tpu.memory_space<hbm>>
    %dma_start3A_254 = tpu.memref_squeeze %dma_start3A_253 : memref<1x4096xf32, #tpu.memory_space<hbm>> -> memref<4096xf32, #tpu.memory_space<hbm>>
    tpu.enqueue_dma source(%dma_start3A_254 : memref<4096xf32, #tpu.memory_space<hbm>>) target(%dma_start3A_251 : memref<4096xf32, #tpu.memory_space<vmem>>) target_semaphore(%arg13 : memref<!tpu.dma_semaphore, #tpu.memory_space<semaphore_mem>>)
    %add3A_255 = arith.constant 6 : i32
    %add3A_256 = arith.addi %add3A_182, %add3A_255 : i32
    %dma_start3A_257 = arith.constant 24576 : i32
    %dma_start3A_258 = tpu.memref_slice %arg7[%dma_start3A_257] : memref<32768xf32, #tpu.memory_space<vmem>> -> memref<4096xf32, #tpu.memory_space<vmem>>
    %dma_start3A_259 = arith.constant 0 : i32
    %dma_start3A_260 = tpu.memref_slice %arg2[%add3A_256, %dma_start3A_259] : memref<1024x4096xf32, #tpu.memory_space<hbm>> -> memref<1x4096xf32, #tpu.memory_space<hbm>>
    %dma_start3A_261 = tpu.memref_squeeze %dma_start3A_260 : memref<1x4096xf32, #tpu.memory_space<hbm>> -> memref<4096xf32, #tpu.memory_space<hbm>>
    %dma_start3A_262 = arith.constant 24576 : i32
    %dma_start3A_263 = tpu.memref_slice %arg7[%dma_start3A_262] : memref<32768xf32, #tpu.memory_space<vmem>> -> memref<4096xf32, #tpu.memory_space<vmem>>
    %dma_start3A_264 = arith.constant 0 : i32
    %dma_start3A_265 = tpu.memref_slice %arg2[%add3A_256, %dma_start3A_264] : memref<1024x4096xf32, #tpu.memory_space<hbm>> -> memref<1x4096xf32, #tpu.memory_space<hbm>>
    %dma_start3A_266 = tpu.memref_squeeze %dma_start3A_265 : memref<1x4096xf32, #tpu.memory_space<hbm>> -> memref<4096xf32, #tpu.memory_space<hbm>>
    tpu.enqueue_dma source(%dma_start3A_266 : memref<4096xf32, #tpu.memory_space<hbm>>) target(%dma_start3A_263 : memref<4096xf32, #tpu.memory_space<vmem>>) target_semaphore(%arg13 : memref<!tpu.dma_semaphore, #tpu.memory_space<semaphore_mem>>)
    %add3A_267 = arith.constant 7 : i32
    %add3A_268 = arith.addi %add3A_182, %add3A_267 : i32
    %dma_start3A_269 = arith.constant 28672 : i32
    %dma_start3A_270 = tpu.memref_slice %arg7[%dma_start3A_269] : memref<32768xf32, #tpu.memory_space<vmem>> -> memref<4096xf32, #tpu.memory_space<vmem>>
    %dma_start3A_271 = arith.constant 0 : i32
    %dma_start3A_272 = tpu.memref_slice %arg2[%add3A_268, %dma_start3A_271] : memref<1024x4096xf32, #tpu.memory_space<hbm>> -> memref<1x4096xf32, #tpu.memory_space<hbm>>
    %dma_start3A_273 = tpu.memref_squeeze %dma_start3A_272 : memref<1x4096xf32, #tpu.memory_space<hbm>> -> memref<4096xf32, #tpu.memory_space<hbm>>
    %dma_start3A_274 = arith.constant 28672 : i32
    %dma_start3A_275 = tpu.memref_slice %arg7[%dma_start3A_274] : memref<32768xf32, #tpu.memory_space<vmem>> -> memref<4096xf32, #tpu.memory_space<vmem>>
    %dma_start3A_276 = arith.constant 0 : i32
    %dma_start3A_277 = tpu.memref_slice %arg2[%add3A_268, %dma_start3A_276] : memref<1024x4096xf32, #tpu.memory_space<hbm>> -> memref<1x4096xf32, #tpu.memory_space<hbm>>
    %dma_start3A_278 = tpu.memref_squeeze %dma_start3A_277 : memref<1x4096xf32, #tpu.memory_space<hbm>> -> memref<4096xf32, #tpu.memory_space<hbm>>
    tpu.enqueue_dma source(%dma_start3A_278 : memref<4096xf32, #tpu.memory_space<hbm>>) target(%dma_start3A_275 : memref<4096xf32, #tpu.memory_space<vmem>>) target_semaphore(%arg13 : memref<!tpu.dma_semaphore, #tpu.memory_space<semaphore_mem>>)
    %scan3A = arith.constant 0 : i32
    %scan3A_279 = arith.constant 0 : i32
    %scan3A_280 = arith.constant 8 : i32
    %scan3A_281 = arith.addi %scan3A_279, %scan3A_280 : i32
    %scan3A_282 = arith.constant 1 : i32
    %scan3A_283 = scf.for %scan3A_748 = %scan3A_279 to %scan3A_281 step %scan3A_282 iter_args(%scan3A_749 = %scan3A) -> (i32)  : i32 {
      %mul3A_750 = arith.constant 1024 : i32
      %mul3A_751 = arith.muli %scan3A_748, %mul3A_750 : i32
      %parallel_loop3A = arith.constant 0 : i32
      %parallel_loop3A_752 = arith.constant 64 : i32
      %parallel_loop3A_753 = arith.constant 1 : i32
      scf.for %parallel_loop3A_755 = %parallel_loop3A to %parallel_loop3A_752 step %parallel_loop3A_753  : i32 {
        %parallel_loop3A_756 = arith.constant 16 : i32
        %parallel_loop3A_757 = arith.muli %parallel_loop3A_755, %parallel_loop3A_756 : i32
        %parallel_loop3A_758 = arith.addi %mul3A_751, %parallel_loop3A_757 : i32
        %parallel_loop3A_759 = arith.index_cast %parallel_loop3A_758 : i32 to index
        %parallel_loop3A_760 = tpu.vector_load %arg8[%parallel_loop3A_759] {strides = array<i32>} : memref<8192xi32, #tpu.memory_space<vmem>>, vector<16xi32>,
        %parallel_loop3A_761 = arith.constant 4095 : i32
        %parallel_loop3A_762 = vector.broadcast %parallel_loop3A_761 : i32 to vector<16xi32>
        %parallel_loop3A_763 = arith.andi %parallel_loop3A_760, %parallel_loop3A_762 : vector<16xi32>
        %parallel_loop3A_764 = arith.constant 16 : i32
        %parallel_loop3A_765 = vector.broadcast %parallel_loop3A_764 : i32 to vector<16xi32>
        %parallel_loop3A_766 = arith.shrui %parallel_loop3A_760, %parallel_loop3A_765 : vector<16xi32>
        %parallel_loop3A_767 = arith.constant 0 : i32
        %parallel_loop3A_768 = arith.index_cast %parallel_loop3A_767 : i32 to index
        %parallel_loop3A_769 = arith.index_cast %parallel_loop3A_758 : i32 to index
        %parallel_loop3A_770 = tpu.vector_load %arg9[%parallel_loop3A_768, %parallel_loop3A_769] {strides = array<i32>} : memref<4x8192xf32, #tpu.memory_space<vmem>>, vector<16xf32>,
        %parallel_loop3A_771 = arith.constant 1 : i32
        %parallel_loop3A_772 = arith.index_cast %parallel_loop3A_771 : i32 to index
        %parallel_loop3A_773 = arith.index_cast %parallel_loop3A_758 : i32 to index
        %parallel_loop3A_774 = tpu.vector_load %arg9[%parallel_loop3A_772, %parallel_loop3A_773] {strides = array<i32>} : memref<4x8192xf32, #tpu.memory_space<vmem>>, vector<16xf32>,
        %parallel_loop3A_775 = arith.constant 2 : i32
        %parallel_loop3A_776 = arith.index_cast %parallel_loop3A_775 : i32 to index
        %parallel_loop3A_777 = arith.index_cast %parallel_loop3A_758 : i32 to index
        %parallel_loop3A_778 = tpu.vector_load %arg9[%parallel_loop3A_776, %parallel_loop3A_777] {strides = array<i32>} : memref<4x8192xf32, #tpu.memory_space<vmem>>, vector<16xf32>,
        %parallel_loop3A_779 = arith.constant 3 : i32
        %parallel_loop3A_780 = arith.index_cast %parallel_loop3A_779 : i32 to index
        %parallel_loop3A_781 = arith.index_cast %parallel_loop3A_758 : i32 to index
        %parallel_loop3A_782 = tpu.vector_load %arg9[%parallel_loop3A_780, %parallel_loop3A_781] {strides = array<i32>} : memref<4x8192xf32, #tpu.memory_space<vmem>>, vector<16xf32>,
        %parallel_loop3A_783 = arith.constant 0 : i32
        %parallel_loop3A_784 = tpu.memref_slice %arg6[%parallel_loop3A_783] : memref<32768xf32, #tpu.memory_space<vmem>> -> memref<4096xf32, #tpu.memory_space<vmem>>
        %parallel_loop3A_785 = tpu.vector_load_idx %parallel_loop3A_784[%parallel_loop3A_763] : memref<4096xf32, #tpu.memory_space<vmem>>[vector<16xi32>], vector<16xf32>,
        %parallel_loop3A_786 = arith.constant 0 : i32
        %parallel_loop3A_787 = tpu.memref_slice %arg6[%parallel_loop3A_786] : memref<32768xf32, #tpu.memory_space<vmem>> -> memref<4096xf32, #tpu.memory_space<vmem>>
        %parallel_loop3A_788 = tpu.vector_load_idx %parallel_loop3A_787[%parallel_loop3A_766] : memref<4096xf32, #tpu.memory_space<vmem>>[vector<16xi32>], vector<16xf32>,
        %parallel_loop3A_789 = arith.mulf %parallel_loop3A_774, %parallel_loop3A_785 : vector<16xf32>
        %parallel_loop3A_790 = arith.addf %parallel_loop3A_770, %parallel_loop3A_789 : vector<16xf32>
        %parallel_loop3A_791 = arith.mulf %parallel_loop3A_778, %parallel_loop3A_788 : vector<16xf32>
        %parallel_loop3A_792 = arith.addf %parallel_loop3A_790, %parallel_loop3A_791 : vector<16xf32>
        %parallel_loop3A_793 = arith.mulf %parallel_loop3A_785, %parallel_loop3A_788 : vector<16xf32>
        %parallel_loop3A_794 = arith.mulf %parallel_loop3A_782, %parallel_loop3A_793 : vector<16xf32>
        %parallel_loop3A_795 = arith.addf %parallel_loop3A_792, %parallel_loop3A_794 : vector<16xf32>
        %parallel_loop3A_796 = arith.constant 16 : i32
        %parallel_loop3A_797 = arith.muli %parallel_loop3A_755, %parallel_loop3A_796 : i32
        %parallel_loop3A_798 = arith.constant 0 : i32
        %parallel_loop3A_799 = arith.index_cast %parallel_loop3A_798 : i32 to index
        %parallel_loop3A_800 = arith.index_cast %parallel_loop3A_797 : i32 to index
        %parallel_loop3A_801 = tpu.vector_load %arg10[%parallel_loop3A_799, %parallel_loop3A_800] {strides = array<i32>} : memref<8x1024xf32, #tpu.memory_space<vmem>>, vector<16xf32>,
        tpu.vector_store %arg10[%parallel_loop3A_799, %parallel_loop3A_800], %parallel_loop3A_795 {strides = array<i32>} : memref<8x1024xf32, #tpu.memory_space<vmem>>, vector<16xf32>,
        %parallel_loop3A_802 = arith.constant 4096 : i32
        %parallel_loop3A_803 = tpu.memref_slice %arg6[%parallel_loop3A_802] : memref<32768xf32, #tpu.memory_space<vmem>> -> memref<4096xf32, #tpu.memory_space<vmem>>
        %parallel_loop3A_804 = tpu.vector_load_idx %parallel_loop3A_803[%parallel_loop3A_763] : memref<4096xf32, #tpu.memory_space<vmem>>[vector<16xi32>], vector<16xf32>,
        %parallel_loop3A_805 = arith.constant 4096 : i32
        %parallel_loop3A_806 = tpu.memref_slice %arg6[%parallel_loop3A_805] : memref<32768xf32, #tpu.memory_space<vmem>> -> memref<4096xf32, #tpu.memory_space<vmem>>
        %parallel_loop3A_807 = tpu.vector_load_idx %parallel_loop3A_806[%parallel_loop3A_766] : memref<4096xf32, #tpu.memory_space<vmem>>[vector<16xi32>], vector<16xf32>,
        %parallel_loop3A_808 = arith.mulf %parallel_loop3A_774, %parallel_loop3A_804 : vector<16xf32>
        %parallel_loop3A_809 = arith.addf %parallel_loop3A_770, %parallel_loop3A_808 : vector<16xf32>
        %parallel_loop3A_810 = arith.mulf %parallel_loop3A_778, %parallel_loop3A_807 : vector<16xf32>
        %parallel_loop3A_811 = arith.addf %parallel_loop3A_809, %parallel_loop3A_810 : vector<16xf32>
        %parallel_loop3A_812 = arith.mulf %parallel_loop3A_804, %parallel_loop3A_807 : vector<16xf32>
        %parallel_loop3A_813 = arith.mulf %parallel_loop3A_782, %parallel_loop3A_812 : vector<16xf32>
        %parallel_loop3A_814 = arith.addf %parallel_loop3A_811, %parallel_loop3A_813 : vector<16xf32>
        %parallel_loop3A_815 = arith.constant 16 : i32
        %parallel_loop3A_816 = arith.muli %parallel_loop3A_755, %parallel_loop3A_815 : i32
        %parallel_loop3A_817 = arith.constant 1 : i32
        %parallel_loop3A_818 = arith.index_cast %parallel_loop3A_817 : i32 to index
        %parallel_loop3A_819 = arith.index_cast %parallel_loop3A_816 : i32 to index
        %parallel_loop3A_820 = tpu.vector_load %arg10[%parallel_loop3A_818, %parallel_loop3A_819] {strides = array<i32>} : memref<8x1024xf32, #tpu.memory_space<vmem>>, vector<16xf32>,
        tpu.vector_store %arg10[%parallel_loop3A_818, %parallel_loop3A_819], %parallel_loop3A_814 {strides = array<i32>} : memref<8x1024xf32, #tpu.memory_space<vmem>>, vector<16xf32>,
        %parallel_loop3A_821 = arith.constant 8192 : i32
        %parallel_loop3A_822 = tpu.memref_slice %arg6[%parallel_loop3A_821] : memref<32768xf32, #tpu.memory_space<vmem>> -> memref<4096xf32, #tpu.memory_space<vmem>>
        %parallel_loop3A_823 = tpu.vector_load_idx %parallel_loop3A_822[%parallel_loop3A_763] : memref<4096xf32, #tpu.memory_space<vmem>>[vector<16xi32>], vector<16xf32>,
        %parallel_loop3A_824 = arith.constant 8192 : i32
        %parallel_loop3A_825 = tpu.memref_slice %arg6[%parallel_loop3A_824] : memref<32768xf32, #tpu.memory_space<vmem>> -> memref<4096xf32, #tpu.memory_space<vmem>>
        %parallel_loop3A_826 = tpu.vector_load_idx %parallel_loop3A_825[%parallel_loop3A_766] : memref<4096xf32, #tpu.memory_space<vmem>>[vector<16xi32>], vector<16xf32>,
        %parallel_loop3A_827 = arith.mulf %parallel_loop3A_774, %parallel_loop3A_823 : vector<16xf32>
        %parallel_loop3A_828 = arith.addf %parallel_loop3A_770, %parallel_loop3A_827 : vector<16xf32>
        %parallel_loop3A_829 = arith.mulf %parallel_loop3A_778, %parallel_loop3A_826 : vector<16xf32>
        %parallel_loop3A_830 = arith.addf %parallel_loop3A_828, %parallel_loop3A_829 : vector<16xf32>
        %parallel_loop3A_831 = arith.mulf %parallel_loop3A_823, %parallel_loop3A_826 : vector<16xf32>
        %parallel_loop3A_832 = arith.mulf %parallel_loop3A_782, %parallel_loop3A_831 : vector<16xf32>
        %parallel_loop3A_833 = arith.addf %parallel_loop3A_830, %parallel_loop3A_832 : vector<16xf32>
        %parallel_loop3A_834 = arith.constant 16 : i32
        %parallel_loop3A_835 = arith.muli %parallel_loop3A_755, %parallel_loop3A_834 : i32
        %parallel_loop3A_836 = arith.constant 2 : i32
        %parallel_loop3A_837 = arith.index_cast %parallel_loop3A_836 : i32 to index
        %parallel_loop3A_838 = arith.index_cast %parallel_loop3A_835 : i32 to index
        %parallel_loop3A_839 = tpu.vector_load %arg10[%parallel_loop3A_837, %parallel_loop3A_838] {strides = array<i32>} : memref<8x1024xf32, #tpu.memory_space<vmem>>, vector<16xf32>,
        tpu.vector_store %arg10[%parallel_loop3A_837, %parallel_loop3A_838], %parallel_loop3A_833 {strides = array<i32>} : memref<8x1024xf32, #tpu.memory_space<vmem>>, vector<16xf32>,
        %parallel_loop3A_840 = arith.constant 12288 : i32
        %parallel_loop3A_841 = tpu.memref_slice %arg6[%parallel_loop3A_840] : memref<32768xf32, #tpu.memory_space<vmem>> -> memref<4096xf32, #tpu.memory_space<vmem>>
        %parallel_loop3A_842 = tpu.vector_load_idx %parallel_loop3A_841[%parallel_loop3A_763] : memref<4096xf32, #tpu.memory_space<vmem>>[vector<16xi32>], vector<16xf32>,
        %parallel_loop3A_843 = arith.constant 12288 : i32
        %parallel_loop3A_844 = tpu.memref_slice %arg6[%parallel_loop3A_843] : memref<32768xf32, #tpu.memory_space<vmem>> -> memref<4096xf32, #tpu.memory_space<vmem>>
        %parallel_loop3A_845 = tpu.vector_load_idx %parallel_loop3A_844[%parallel_loop3A_766] : memref<4096xf32, #tpu.memory_space<vmem>>[vector<16xi32>], vector<16xf32>,
        %parallel_loop3A_846 = arith.mulf %parallel_loop3A_774, %parallel_loop3A_842 : vector<16xf32>
        %parallel_loop3A_847 = arith.addf %parallel_loop3A_770, %parallel_loop3A_846 : vector<16xf32>
        %parallel_loop3A_848 = arith.mulf %parallel_loop3A_778, %parallel_loop3A_845 : vector<16xf32>
        %parallel_loop3A_849 = arith.addf %parallel_loop3A_847, %parallel_loop3A_848 : vector<16xf32>
        %parallel_loop3A_850 = arith.mulf %parallel_loop3A_842, %parallel_loop3A_845 : vector<16xf32>
        %parallel_loop3A_851 = arith.mulf %parallel_loop3A_782, %parallel_loop3A_850 : vector<16xf32>
        %parallel_loop3A_852 = arith.addf %parallel_loop3A_849, %parallel_loop3A_851 : vector<16xf32>
        %parallel_loop3A_853 = arith.constant 16 : i32
        %parallel_loop3A_854 = arith.muli %parallel_loop3A_755, %parallel_loop3A_853 : i32
        %parallel_loop3A_855 = arith.constant 3 : i32
        %parallel_loop3A_856 = arith.index_cast %parallel_loop3A_855 : i32 to index
        %parallel_loop3A_857 = arith.index_cast %parallel_loop3A_854 : i32 to index
        %parallel_loop3A_858 = tpu.vector_load %arg10[%parallel_loop3A_856, %parallel_loop3A_857] {strides = array<i32>} : memref<8x1024xf32, #tpu.memory_space<vmem>>, vector<16xf32>,
        tpu.vector_store %arg10[%parallel_loop3A_856, %parallel_loop3A_857], %parallel_loop3A_852 {strides = array<i32>} : memref<8x1024xf32, #tpu.memory_space<vmem>>, vector<16xf32>,
        %parallel_loop3A_859 = arith.constant 16384 : i32
        %parallel_loop3A_860 = tpu.memref_slice %arg6[%parallel_loop3A_859] : memref<32768xf32, #tpu.memory_space<vmem>> -> memref<4096xf32, #tpu.memory_space<vmem>>
        %parallel_loop3A_861 = tpu.vector_load_idx %parallel_loop3A_860[%parallel_loop3A_763] : memref<4096xf32, #tpu.memory_space<vmem>>[vector<16xi32>], vector<16xf32>,
        %parallel_loop3A_862 = arith.constant 16384 : i32
        %parallel_loop3A_863 = tpu.memref_slice %arg6[%parallel_loop3A_862] : memref<32768xf32, #tpu.memory_space<vmem>> -> memref<4096xf32, #tpu.memory_space<vmem>>
        %parallel_loop3A_864 = tpu.vector_load_idx %parallel_loop3A_863[%parallel_loop3A_766] : memref<4096xf32, #tpu.memory_space<vmem>>[vector<16xi32>], vector<16xf32>,
        %parallel_loop3A_865 = arith.mulf %parallel_loop3A_774, %parallel_loop3A_861 : vector<16xf32>
        %parallel_loop3A_866 = arith.addf %parallel_loop3A_770, %parallel_loop3A_865 : vector<16xf32>
        %parallel_loop3A_867 = arith.mulf %parallel_loop3A_778, %parallel_loop3A_864 : vector<16xf32>
        %parallel_loop3A_868 = arith.addf %parallel_loop3A_866, %parallel_loop3A_867 : vector<16xf32>
        %parallel_loop3A_869 = arith.mulf %parallel_loop3A_861, %parallel_loop3A_864 : vector<16xf32>
        %parallel_loop3A_870 = arith.mulf %parallel_loop3A_782, %parallel_loop3A_869 : vector<16xf32>
        %parallel_loop3A_871 = arith.addf %parallel_loop3A_868, %parallel_loop3A_870 : vector<16xf32>
        %parallel_loop3A_872 = arith.constant 16 : i32
        %parallel_loop3A_873 = arith.muli %parallel_loop3A_755, %parallel_loop3A_872 : i32
        %parallel_loop3A_874 = arith.constant 4 : i32
        %parallel_loop3A_875 = arith.index_cast %parallel_loop3A_874 : i32 to index
        %parallel_loop3A_876 = arith.index_cast %parallel_loop3A_873 : i32 to index
        %parallel_loop3A_877 = tpu.vector_load %arg10[%parallel_loop3A_875, %parallel_loop3A_876] {strides = array<i32>} : memref<8x1024xf32, #tpu.memory_space<vmem>>, vector<16xf32>,
        tpu.vector_store %arg10[%parallel_loop3A_875, %parallel_loop3A_876], %parallel_loop3A_871 {strides = array<i32>} : memref<8x1024xf32, #tpu.memory_space<vmem>>, vector<16xf32>,
        %parallel_loop3A_878 = arith.constant 20480 : i32
        %parallel_loop3A_879 = tpu.memref_slice %arg6[%parallel_loop3A_878] : memref<32768xf32, #tpu.memory_space<vmem>> -> memref<4096xf32, #tpu.memory_space<vmem>>
        %parallel_loop3A_880 = tpu.vector_load_idx %parallel_loop3A_879[%parallel_loop3A_763] : memref<4096xf32, #tpu.memory_space<vmem>>[vector<16xi32>], vector<16xf32>,
        %parallel_loop3A_881 = arith.constant 20480 : i32
        %parallel_loop3A_882 = tpu.memref_slice %arg6[%parallel_loop3A_881] : memref<32768xf32, #tpu.memory_space<vmem>> -> memref<4096xf32, #tpu.memory_space<vmem>>
        %parallel_loop3A_883 = tpu.vector_load_idx %parallel_loop3A_882[%parallel_loop3A_766] : memref<4096xf32, #tpu.memory_space<vmem>>[vector<16xi32>], vector<16xf32>,
        %parallel_loop3A_884 = arith.mulf %parallel_loop3A_774, %parallel_loop3A_880 : vector<16xf32>
        %parallel_loop3A_885 = arith.addf %parallel_loop3A_770, %parallel_loop3A_884 : vector<16xf32>
        %parallel_loop3A_886 = arith.mulf %parallel_loop3A_778, %parallel_loop3A_883 : vector<16xf32>
        %parallel_loop3A_887 = arith.addf %parallel_loop3A_885, %parallel_loop3A_886 : vector<16xf32>
        %parallel_loop3A_888 = arith.mulf %parallel_loop3A_880, %parallel_loop3A_883 : vector<16xf32>
        %parallel_loop3A_889 = arith.mulf %parallel_loop3A_782, %parallel_loop3A_888 : vector<16xf32>
        %parallel_loop3A_890 = arith.addf %parallel_loop3A_887, %parallel_loop3A_889 : vector<16xf32>
        %parallel_loop3A_891 = arith.constant 16 : i32
        %parallel_loop3A_892 = arith.muli %parallel_loop3A_755, %parallel_loop3A_891 : i32
        %parallel_loop3A_893 = arith.constant 5 : i32
        %parallel_loop3A_894 = arith.index_cast %parallel_loop3A_893 : i32 to index
        %parallel_loop3A_895 = arith.index_cast %parallel_loop3A_892 : i32 to index
        %parallel_loop3A_896 = tpu.vector_load %arg10[%parallel_loop3A_894, %parallel_loop3A_895] {strides = array<i32>} : memref<8x1024xf32, #tpu.memory_space<vmem>>, vector<16xf32>,
        tpu.vector_store %arg10[%parallel_loop3A_894, %parallel_loop3A_895], %parallel_loop3A_890 {strides = array<i32>} : memref<8x1024xf32, #tpu.memory_space<vmem>>, vector<16xf32>,
        %parallel_loop3A_897 = arith.constant 24576 : i32
        %parallel_loop3A_898 = tpu.memref_slice %arg6[%parallel_loop3A_897] : memref<32768xf32, #tpu.memory_space<vmem>> -> memref<4096xf32, #tpu.memory_space<vmem>>
        %parallel_loop3A_899 = tpu.vector_load_idx %parallel_loop3A_898[%parallel_loop3A_763] : memref<4096xf32, #tpu.memory_space<vmem>>[vector<16xi32>], vector<16xf32>,
        %parallel_loop3A_900 = arith.constant 24576 : i32
        %parallel_loop3A_901 = tpu.memref_slice %arg6[%parallel_loop3A_900] : memref<32768xf32, #tpu.memory_space<vmem>> -> memref<4096xf32, #tpu.memory_space<vmem>>
        %parallel_loop3A_902 = tpu.vector_load_idx %parallel_loop3A_901[%parallel_loop3A_766] : memref<4096xf32, #tpu.memory_space<vmem>>[vector<16xi32>], vector<16xf32>,
        %parallel_loop3A_903 = arith.mulf %parallel_loop3A_774, %parallel_loop3A_899 : vector<16xf32>
        %parallel_loop3A_904 = arith.addf %parallel_loop3A_770, %parallel_loop3A_903 : vector<16xf32>
        %parallel_loop3A_905 = arith.mulf %parallel_loop3A_778, %parallel_loop3A_902 : vector<16xf32>
        %parallel_loop3A_906 = arith.addf %parallel_loop3A_904, %parallel_loop3A_905 : vector<16xf32>
        %parallel_loop3A_907 = arith.mulf %parallel_loop3A_899, %parallel_loop3A_902 : vector<16xf32>
        %parallel_loop3A_908 = arith.mulf %parallel_loop3A_782, %parallel_loop3A_907 : vector<16xf32>
        %parallel_loop3A_909 = arith.addf %parallel_loop3A_906, %parallel_loop3A_908 : vector<16xf32>
        %parallel_loop3A_910 = arith.constant 16 : i32
        %parallel_loop3A_911 = arith.muli %parallel_loop3A_755, %parallel_loop3A_910 : i32
        %parallel_loop3A_912 = arith.constant 6 : i32
        %parallel_loop3A_913 = arith.index_cast %parallel_loop3A_912 : i32 to index
        %parallel_loop3A_914 = arith.index_cast %parallel_loop3A_911 : i32 to index
        %parallel_loop3A_915 = tpu.vector_load %arg10[%parallel_loop3A_913, %parallel_loop3A_914] {strides = array<i32>} : memref<8x1024xf32, #tpu.memory_space<vmem>>, vector<16xf32>,
        tpu.vector_store %arg10[%parallel_loop3A_913, %parallel_loop3A_914], %parallel_loop3A_909 {strides = array<i32>} : memref<8x1024xf32, #tpu.memory_space<vmem>>, vector<16xf32>,
        %parallel_loop3A_916 = arith.constant 28672 : i32
        %parallel_loop3A_917 = tpu.memref_slice %arg6[%parallel_loop3A_916] : memref<32768xf32, #tpu.memory_space<vmem>> -> memref<4096xf32, #tpu.memory_space<vmem>>
        %parallel_loop3A_918 = tpu.vector_load_idx %parallel_loop3A_917[%parallel_loop3A_763] : memref<4096xf32, #tpu.memory_space<vmem>>[vector<16xi32>], vector<16xf32>,
        %parallel_loop3A_919 = arith.constant 28672 : i32
        %parallel_loop3A_920 = tpu.memref_slice %arg6[%parallel_loop3A_919] : memref<32768xf32, #tpu.memory_space<vmem>> -> memref<4096xf32, #tpu.memory_space<vmem>>
        %parallel_loop3A_921 = tpu.vector_load_idx %parallel_loop3A_920[%parallel_loop3A_766] : memref<4096xf32, #tpu.memory_space<vmem>>[vector<16xi32>], vector<16xf32>,
        %parallel_loop3A_922 = arith.mulf %parallel_loop3A_774, %parallel_loop3A_918 : vector<16xf32>
        %parallel_loop3A_923 = arith.addf %parallel_loop3A_770, %parallel_loop3A_922 : vector<16xf32>
        %parallel_loop3A_924 = arith.mulf %parallel_loop3A_778, %parallel_loop3A_921 : vector<16xf32>
        %parallel_loop3A_925 = arith.addf %parallel_loop3A_923, %parallel_loop3A_924 : vector<16xf32>
        %parallel_loop3A_926 = arith.mulf %parallel_loop3A_918, %parallel_loop3A_921 : vector<16xf32>
        %parallel_loop3A_927 = arith.mulf %parallel_loop3A_782, %parallel_loop3A_926 : vector<16xf32>
        %parallel_loop3A_928 = arith.addf %parallel_loop3A_925, %parallel_loop3A_927 : vector<16xf32>
        %parallel_loop3A_929 = arith.constant 16 : i32
        %parallel_loop3A_930 = arith.muli %parallel_loop3A_755, %parallel_loop3A_929 : i32
        %parallel_loop3A_931 = arith.constant 7 : i32
        %parallel_loop3A_932 = arith.index_cast %parallel_loop3A_931 : i32 to index
        %parallel_loop3A_933 = arith.index_cast %parallel_loop3A_930 : i32 to index
        %parallel_loop3A_934 = tpu.vector_load %arg10[%parallel_loop3A_932, %parallel_loop3A_933] {strides = array<i32>} : memref<8x1024xf32, #tpu.memory_space<vmem>>, vector<16xf32>,
        tpu.vector_store %arg10[%parallel_loop3A_932, %parallel_loop3A_933], %parallel_loop3A_928 {strides = array<i32>} : memref<8x1024xf32, #tpu.memory_space<vmem>>, vector<16xf32>,
      } {sc.loop_unroll_factor = 1 : i64, sc.parallel_access}
      "tpu.region"() ({
        %run_scoped3A = tpu.sem_alloc : memref<!tpu.dma_semaphore, #tpu.memory_space<semaphore_mem>>
        %dma_start3A_755 = tpu.memref_slice %arg5[%add3A_101, %mul3A_751] : memref<1024x8192xf32, #tpu.memory_space<hbm>> -> memref<8x1024xf32, #tpu.memory_space<hbm>>
        %dma_start3A_756 = tpu.memref_slice %arg5[%add3A_101, %mul3A_751] : memref<1024x8192xf32, #tpu.memory_space<hbm>> -> memref<8x1024xf32, #tpu.memory_space<hbm>>
        tpu.enqueue_dma source(%arg10 : memref<8x1024xf32, #tpu.memory_space<vmem>>) target(%dma_start3A_756 : memref<8x1024xf32, #tpu.memory_space<hbm>>) target_semaphore(%run_scoped3A : memref<!tpu.dma_semaphore, #tpu.memory_space<semaphore_mem>>)
        %dma_wait3A_757 = tpu.memref_slice %arg5[%add3A_101, %mul3A_751] : memref<1024x8192xf32, #tpu.memory_space<hbm>> -> memref<8x1024xf32, #tpu.memory_space<hbm>>
        %dma_wait3A_758 = tpu.memref_slice %arg5[%add3A_101, %mul3A_751] : memref<1024x8192xf32, #tpu.memory_space<hbm>> -> memref<8x1024xf32, #tpu.memory_space<hbm>>
        tpu.wait_dma2 semaphore(%run_scoped3A : memref<!tpu.dma_semaphore, #tpu.memory_space<semaphore_mem>>) src(%arg10 : memref<8x1024xf32, #tpu.memory_space<vmem>>) dst(%dma_wait3A_758 : memref<8x1024xf32, #tpu.memory_space<hbm>>)
        tpu.yield
      }) : () -> ()
      %scan3A_754 = arith.constant 0 : i32
      scf.yield %scan3A_754 : i32
    }
    %scan3A_284 = arith.constant 8 : i32
    %add3A_285 = arith.constant 8 : i32
    %add3A_286 = arith.addi %mul3A_4, %add3A_285 : i32
    %dma_wait3A_287 = arith.constant 0 : i32
    %dma_wait3A_288 = tpu.memref_slice %arg7[%dma_wait3A_287] : memref<32768xf32, #tpu.memory_space<vmem>> -> memref<4096xf32, #tpu.memory_space<vmem>>
    %dma_wait3A_289 = arith.constant 0 : i32
    %dma_wait3A_290 = tpu.memref_slice %arg2[%add3A_184, %dma_wait3A_289] : memref<1024x4096xf32, #tpu.memory_space<hbm>> -> memref<1x4096xf32, #tpu.memory_space<hbm>>
    %dma_wait3A_291 = tpu.memref_squeeze %dma_wait3A_290 : memref<1x4096xf32, #tpu.memory_space<hbm>> -> memref<4096xf32, #tpu.memory_space<hbm>>
    %dma_wait3A_292 = arith.constant 0 : i32
    %dma_wait3A_293 = tpu.memref_slice %arg7[%dma_wait3A_292] : memref<32768xf32, #tpu.memory_space<vmem>> -> memref<4096xf32, #tpu.memory_space<vmem>>
    %dma_wait3A_294 = arith.constant 0 : i32
    %dma_wait3A_295 = tpu.memref_slice %arg2[%add3A_184, %dma_wait3A_294] : memref<1024x4096xf32, #tpu.memory_space<hbm>> -> memref<1x4096xf32, #tpu.memory_space<hbm>>
    %dma_wait3A_296 = tpu.memref_squeeze %dma_wait3A_295 : memref<1x4096xf32, #tpu.memory_space<hbm>> -> memref<4096xf32, #tpu.memory_space<hbm>>
    tpu.wait_dma2 semaphore(%arg13 : memref<!tpu.dma_semaphore, #tpu.memory_space<semaphore_mem>>) src(%dma_wait3A_296 : memref<4096xf32, #tpu.memory_space<hbm>>) dst(%dma_wait3A_293 : memref<4096xf32, #tpu.memory_space<vmem>>)
    %dma_wait3A_297 = arith.constant 4096 : i32
    %dma_wait3A_298 = tpu.memref_slice %arg7[%dma_wait3A_297] : memref<32768xf32, #tpu.memory_space<vmem>> -> memref<4096xf32, #tpu.memory_space<vmem>>
    %dma_wait3A_299 = arith.constant 0 : i32
    %dma_wait3A_300 = tpu.memref_slice %arg2[%add3A_196, %dma_wait3A_299] : memref<1024x4096xf32, #tpu.memory_space<hbm>> -> memref<1x4096xf32, #tpu.memory_space<hbm>>
    %dma_wait3A_301 = tpu.memref_squeeze %dma_wait3A_300 : memref<1x4096xf32, #tpu.memory_space<hbm>> -> memref<4096xf32, #tpu.memory_space<hbm>>
    %dma_wait3A_302 = arith.constant 4096 : i32
    %dma_wait3A_303 = tpu.memref_slice %arg7[%dma_wait3A_302] : memref<32768xf32, #tpu.memory_space<vmem>> -> memref<4096xf32, #tpu.memory_space<vmem>>
    %dma_wait3A_304 = arith.constant 0 : i32
    %dma_wait3A_305 = tpu.memref_slice %arg2[%add3A_196, %dma_wait3A_304] : memref<1024x4096xf32, #tpu.memory_space<hbm>> -> memref<1x4096xf32, #tpu.memory_space<hbm>>
    %dma_wait3A_306 = tpu.memref_squeeze %dma_wait3A_305 : memref<1x4096xf32, #tpu.memory_space<hbm>> -> memref<4096xf32, #tpu.memory_space<hbm>>
    tpu.wait_dma2 semaphore(%arg13 : memref<!tpu.dma_semaphore, #tpu.memory_space<semaphore_mem>>) src(%dma_wait3A_306 : memref<4096xf32, #tpu.memory_space<hbm>>) dst(%dma_wait3A_303 : memref<4096xf32, #tpu.memory_space<vmem>>)
    %dma_wait3A_307 = arith.constant 8192 : i32
    %dma_wait3A_308 = tpu.memref_slice %arg7[%dma_wait3A_307] : memref<32768xf32, #tpu.memory_space<vmem>> -> memref<4096xf32, #tpu.memory_space<vmem>>
    %dma_wait3A_309 = arith.constant 0 : i32
    %dma_wait3A_310 = tpu.memref_slice %arg2[%add3A_208, %dma_wait3A_309] : memref<1024x4096xf32, #tpu.memory_space<hbm>> -> memref<1x4096xf32, #tpu.memory_space<hbm>>
    %dma_wait3A_311 = tpu.memref_squeeze %dma_wait3A_310 : memref<1x4096xf32, #tpu.memory_space<hbm>> -> memref<4096xf32, #tpu.memory_space<hbm>>
    %dma_wait3A_312 = arith.constant 8192 : i32
    %dma_wait3A_313 = tpu.memref_slice %arg7[%dma_wait3A_312] : memref<32768xf32, #tpu.memory_space<vmem>> -> memref<4096xf32, #tpu.memory_space<vmem>>
    %dma_wait3A_314 = arith.constant 0 : i32
    %dma_wait3A_315 = tpu.memref_slice %arg2[%add3A_208, %dma_wait3A_314] : memref<1024x4096xf32, #tpu.memory_space<hbm>> -> memref<1x4096xf32, #tpu.memory_space<hbm>>
    %dma_wait3A_316 = tpu.memref_squeeze %dma_wait3A_315 : memref<1x4096xf32, #tpu.memory_space<hbm>> -> memref<4096xf32, #tpu.memory_space<hbm>>
    tpu.wait_dma2 semaphore(%arg13 : memref<!tpu.dma_semaphore, #tpu.memory_space<semaphore_mem>>) src(%dma_wait3A_316 : memref<4096xf32, #tpu.memory_space<hbm>>) dst(%dma_wait3A_313 : memref<4096xf32, #tpu.memory_space<vmem>>)
    %dma_wait3A_317 = arith.constant 12288 : i32
    %dma_wait3A_318 = tpu.memref_slice %arg7[%dma_wait3A_317] : memref<32768xf32, #tpu.memory_space<vmem>> -> memref<4096xf32, #tpu.memory_space<vmem>>
    %dma_wait3A_319 = arith.constant 0 : i32
    %dma_wait3A_320 = tpu.memref_slice %arg2[%add3A_220, %dma_wait3A_319] : memref<1024x4096xf32, #tpu.memory_space<hbm>> -> memref<1x4096xf32, #tpu.memory_space<hbm>>
    %dma_wait3A_321 = tpu.memref_squeeze %dma_wait3A_320 : memref<1x4096xf32, #tpu.memory_space<hbm>> -> memref<4096xf32, #tpu.memory_space<hbm>>
    %dma_wait3A_322 = arith.constant 12288 : i32
    %dma_wait3A_323 = tpu.memref_slice %arg7[%dma_wait3A_322] : memref<32768xf32, #tpu.memory_space<vmem>> -> memref<4096xf32, #tpu.memory_space<vmem>>
    %dma_wait3A_324 = arith.constant 0 : i32
    %dma_wait3A_325 = tpu.memref_slice %arg2[%add3A_220, %dma_wait3A_324] : memref<1024x4096xf32, #tpu.memory_space<hbm>> -> memref<1x4096xf32, #tpu.memory_space<hbm>>
    %dma_wait3A_326 = tpu.memref_squeeze %dma_wait3A_325 : memref<1x4096xf32, #tpu.memory_space<hbm>> -> memref<4096xf32, #tpu.memory_space<hbm>>
    tpu.wait_dma2 semaphore(%arg13 : memref<!tpu.dma_semaphore, #tpu.memory_space<semaphore_mem>>) src(%dma_wait3A_326 : memref<4096xf32, #tpu.memory_space<hbm>>) dst(%dma_wait3A_323 : memref<4096xf32, #tpu.memory_space<vmem>>)
    %dma_wait3A_327 = arith.constant 16384 : i32
    %dma_wait3A_328 = tpu.memref_slice %arg7[%dma_wait3A_327] : memref<32768xf32, #tpu.memory_space<vmem>> -> memref<4096xf32, #tpu.memory_space<vmem>>
    %dma_wait3A_329 = arith.constant 0 : i32
    %dma_wait3A_330 = tpu.memref_slice %arg2[%add3A_232, %dma_wait3A_329] : memref<1024x4096xf32, #tpu.memory_space<hbm>> -> memref<1x4096xf32, #tpu.memory_space<hbm>>
    %dma_wait3A_331 = tpu.memref_squeeze %dma_wait3A_330 : memref<1x4096xf32, #tpu.memory_space<hbm>> -> memref<4096xf32, #tpu.memory_space<hbm>>
    %dma_wait3A_332 = arith.constant 16384 : i32
    %dma_wait3A_333 = tpu.memref_slice %arg7[%dma_wait3A_332] : memref<32768xf32, #tpu.memory_space<vmem>> -> memref<4096xf32, #tpu.memory_space<vmem>>
    %dma_wait3A_334 = arith.constant 0 : i32
    %dma_wait3A_335 = tpu.memref_slice %arg2[%add3A_232, %dma_wait3A_334] : memref<1024x4096xf32, #tpu.memory_space<hbm>> -> memref<1x4096xf32, #tpu.memory_space<hbm>>
    %dma_wait3A_336 = tpu.memref_squeeze %dma_wait3A_335 : memref<1x4096xf32, #tpu.memory_space<hbm>> -> memref<4096xf32, #tpu.memory_space<hbm>>
    tpu.wait_dma2 semaphore(%arg13 : memref<!tpu.dma_semaphore, #tpu.memory_space<semaphore_mem>>) src(%dma_wait3A_336 : memref<4096xf32, #tpu.memory_space<hbm>>) dst(%dma_wait3A_333 : memref<4096xf32, #tpu.memory_space<vmem>>)
    %dma_wait3A_337 = arith.constant 20480 : i32
    %dma_wait3A_338 = tpu.memref_slice %arg7[%dma_wait3A_337] : memref<32768xf32, #tpu.memory_space<vmem>> -> memref<4096xf32, #tpu.memory_space<vmem>>
    %dma_wait3A_339 = arith.constant 0 : i32
    %dma_wait3A_340 = tpu.memref_slice %arg2[%add3A_244, %dma_wait3A_339] : memref<1024x4096xf32, #tpu.memory_space<hbm>> -> memref<1x4096xf32, #tpu.memory_space<hbm>>
    %dma_wait3A_341 = tpu.memref_squeeze %dma_wait3A_340 : memref<1x4096xf32, #tpu.memory_space<hbm>> -> memref<4096xf32, #tpu.memory_space<hbm>>
    %dma_wait3A_342 = arith.constant 20480 : i32
    %dma_wait3A_343 = tpu.memref_slice %arg7[%dma_wait3A_342] : memref<32768xf32, #tpu.memory_space<vmem>> -> memref<4096xf32, #tpu.memory_space<vmem>>
    %dma_wait3A_344 = arith.constant 0 : i32
    %dma_wait3A_345 = tpu.memref_slice %arg2[%add3A_244, %dma_wait3A_344] : memref<1024x4096xf32, #tpu.memory_space<hbm>> -> memref<1x4096xf32, #tpu.memory_space<hbm>>
    %dma_wait3A_346 = tpu.memref_squeeze %dma_wait3A_345 : memref<1x4096xf32, #tpu.memory_space<hbm>> -> memref<4096xf32, #tpu.memory_space<hbm>>
    tpu.wait_dma2 semaphore(%arg13 : memref<!tpu.dma_semaphore, #tpu.memory_space<semaphore_mem>>) src(%dma_wait3A_346 : memref<4096xf32, #tpu.memory_space<hbm>>) dst(%dma_wait3A_343 : memref<4096xf32, #tpu.memory_space<vmem>>)
    %dma_wait3A_347 = arith.constant 24576 : i32
    %dma_wait3A_348 = tpu.memref_slice %arg7[%dma_wait3A_347] : memref<32768xf32, #tpu.memory_space<vmem>> -> memref<4096xf32, #tpu.memory_space<vmem>>
    %dma_wait3A_349 = arith.constant 0 : i32
    %dma_wait3A_350 = tpu.memref_slice %arg2[%add3A_256, %dma_wait3A_349] : memref<1024x4096xf32, #tpu.memory_space<hbm>> -> memref<1x4096xf32, #tpu.memory_space<hbm>>
    %dma_wait3A_351 = tpu.memref_squeeze %dma_wait3A_350 : memref<1x4096xf32, #tpu.memory_space<hbm>> -> memref<4096xf32, #tpu.memory_space<hbm>>
    %dma_wait3A_352 = arith.constant 24576 : i32
    %dma_wait3A_353 = tpu.memref_slice %arg7[%dma_wait3A_352] : memref<32768xf32, #tpu.memory_space<vmem>> -> memref<4096xf32, #tpu.memory_space<vmem>>
    %dma_wait3A_354 = arith.constant 0 : i32
    %dma_wait3A_355 = tpu.memref_slice %arg2[%add3A_256, %dma_wait3A_354] : memref<1024x4096xf32, #tpu.memory_space<hbm>> -> memref<1x4096xf32, #tpu.memory_space<hbm>>
    %dma_wait3A_356 = tpu.memref_squeeze %dma_wait3A_355 : memref<1x4096xf32, #tpu.memory_space<hbm>> -> memref<4096xf32, #tpu.memory_space<hbm>>
    tpu.wait_dma2 semaphore(%arg13 : memref<!tpu.dma_semaphore, #tpu.memory_space<semaphore_mem>>) src(%dma_wait3A_356 : memref<4096xf32, #tpu.memory_space<hbm>>) dst(%dma_wait3A_353 : memref<4096xf32, #tpu.memory_space<vmem>>)
    %dma_wait3A_357 = arith.constant 28672 : i32
    %dma_wait3A_358 = tpu.memref_slice %arg7[%dma_wait3A_357] : memref<32768xf32, #tpu.memory_space<vmem>> -> memref<4096xf32, #tpu.memory_space<vmem>>
    %dma_wait3A_359 = arith.constant 0 : i32
    %dma_wait3A_360 = tpu.memref_slice %arg2[%add3A_268, %dma_wait3A_359] : memref<1024x4096xf32, #tpu.memory_space<hbm>> -> memref<1x4096xf32, #tpu.memory_space<hbm>>
    %dma_wait3A_361 = tpu.memref_squeeze %dma_wait3A_360 : memref<1x4096xf32, #tpu.memory_space<hbm>> -> memref<4096xf32, #tpu.memory_space<hbm>>
    %dma_wait3A_362 = arith.constant 28672 : i32
    %dma_wait3A_363 = tpu.memref_slice %arg7[%dma_wait3A_362] : memref<32768xf32, #tpu.memory_space<vmem>> -> memref<4096xf32, #tpu.memory_space<vmem>>
    %dma_wait3A_364 = arith.constant 0 : i32
    %dma_wait3A_365 = tpu.memref_slice %arg2[%add3A_268, %dma_wait3A_364] : memref<1024x4096xf32, #tpu.memory_space<hbm>> -> memref<1x4096xf32, #tpu.memory_space<hbm>>
    %dma_wait3A_366 = tpu.memref_squeeze %dma_wait3A_365 : memref<1x4096xf32, #tpu.memory_space<hbm>> -> memref<4096xf32, #tpu.memory_space<hbm>>
    tpu.wait_dma2 semaphore(%arg13 : memref<!tpu.dma_semaphore, #tpu.memory_space<semaphore_mem>>) src(%dma_wait3A_366 : memref<4096xf32, #tpu.memory_space<hbm>>) dst(%dma_wait3A_363 : memref<4096xf32, #tpu.memory_space<vmem>>)
    %add3A_367 = arith.constant 8 : i32
    %add3A_368 = arith.addi %add3A_286, %add3A_367 : i32
    %add3A_369 = arith.constant 0 : i32
    %add3A_370 = arith.addi %add3A_368, %add3A_369 : i32
    %dma_start3A_371 = arith.constant 0 : i32
    %dma_start3A_372 = tpu.memref_slice %arg6[%dma_start3A_371] : memref<32768xf32, #tpu.memory_space<vmem>> -> memref<4096xf32, #tpu.memory_space<vmem>>
    %dma_start3A_373 = arith.constant 0 : i32
    %dma_start3A_374 = tpu.memref_slice %arg2[%add3A_370, %dma_start3A_373] : memref<1024x4096xf32, #tpu.memory_space<hbm>> -> memref<1x4096xf32, #tpu.memory_space<hbm>>
    %dma_start3A_375 = tpu.memref_squeeze %dma_start3A_374 : memref<1x4096xf32, #tpu.memory_space<hbm>> -> memref<4096xf32, #tpu.memory_space<hbm>>
    %dma_start3A_376 = arith.constant 0 : i32
    %dma_start3A_377 = tpu.memref_slice %arg6[%dma_start3A_376] : memref<32768xf32, #tpu.memory_space<vmem>> -> memref<4096xf32, #tpu.memory_space<vmem>>
    %dma_start3A_378 = arith.constant 0 : i32
    %dma_start3A_379 = tpu.memref_slice %arg2[%add3A_370, %dma_start3A_378] : memref<1024x4096xf32, #tpu.memory_space<hbm>> -> memref<1x4096xf32, #tpu.memory_space<hbm>>
    %dma_start3A_380 = tpu.memref_squeeze %dma_start3A_379 : memref<1x4096xf32, #tpu.memory_space<hbm>> -> memref<4096xf32, #tpu.memory_space<hbm>>
    tpu.enqueue_dma source(%dma_start3A_380 : memref<4096xf32, #tpu.memory_space<hbm>>) target(%dma_start3A_377 : memref<4096xf32, #tpu.memory_space<vmem>>) target_semaphore(%arg12 : memref<!tpu.dma_semaphore, #tpu.memory_space<semaphore_mem>>)
    %add3A_381 = arith.constant 1 : i32
    %add3A_382 = arith.addi %add3A_368, %add3A_381 : i32
    %dma_start3A_383 = arith.constant 4096 : i32
    %dma_start3A_384 = tpu.memref_slice %arg6[%dma_start3A_383] : memref<32768xf32, #tpu.memory_space<vmem>> -> memref<4096xf32, #tpu.memory_space<vmem>>
    %dma_start3A_385 = arith.constant 0 : i32
    %dma_start3A_386 = tpu.memref_slice %arg2[%add3A_382, %dma_start3A_385] : memref<1024x4096xf32, #tpu.memory_space<hbm>> -> memref<1x4096xf32, #tpu.memory_space<hbm>>
    %dma_start3A_387 = tpu.memref_squeeze %dma_start3A_386 : memref<1x4096xf32, #tpu.memory_space<hbm>> -> memref<4096xf32, #tpu.memory_space<hbm>>
    %dma_start3A_388 = arith.constant 4096 : i32
    %dma_start3A_389 = tpu.memref_slice %arg6[%dma_start3A_388] : memref<32768xf32, #tpu.memory_space<vmem>> -> memref<4096xf32, #tpu.memory_space<vmem>>
    %dma_start3A_390 = arith.constant 0 : i32
    %dma_start3A_391 = tpu.memref_slice %arg2[%add3A_382, %dma_start3A_390] : memref<1024x4096xf32, #tpu.memory_space<hbm>> -> memref<1x4096xf32, #tpu.memory_space<hbm>>
    %dma_start3A_392 = tpu.memref_squeeze %dma_start3A_391 : memref<1x4096xf32, #tpu.memory_space<hbm>> -> memref<4096xf32, #tpu.memory_space<hbm>>
    tpu.enqueue_dma source(%dma_start3A_392 : memref<4096xf32, #tpu.memory_space<hbm>>) target(%dma_start3A_389 : memref<4096xf32, #tpu.memory_space<vmem>>) target_semaphore(%arg12 : memref<!tpu.dma_semaphore, #tpu.memory_space<semaphore_mem>>)
    %add3A_393 = arith.constant 2 : i32
    %add3A_394 = arith.addi %add3A_368, %add3A_393 : i32
    %dma_start3A_395 = arith.constant 8192 : i32
    %dma_start3A_396 = tpu.memref_slice %arg6[%dma_start3A_395] : memref<32768xf32, #tpu.memory_space<vmem>> -> memref<4096xf32, #tpu.memory_space<vmem>>
    %dma_start3A_397 = arith.constant 0 : i32
    %dma_start3A_398 = tpu.memref_slice %arg2[%add3A_394, %dma_start3A_397] : memref<1024x4096xf32, #tpu.memory_space<hbm>> -> memref<1x4096xf32, #tpu.memory_space<hbm>>
    %dma_start3A_399 = tpu.memref_squeeze %dma_start3A_398 : memref<1x4096xf32, #tpu.memory_space<hbm>> -> memref<4096xf32, #tpu.memory_space<hbm>>
    %dma_start3A_400 = arith.constant 8192 : i32
    %dma_start3A_401 = tpu.memref_slice %arg6[%dma_start3A_400] : memref<32768xf32, #tpu.memory_space<vmem>> -> memref<4096xf32, #tpu.memory_space<vmem>>
    %dma_start3A_402 = arith.constant 0 : i32
    %dma_start3A_403 = tpu.memref_slice %arg2[%add3A_394, %dma_start3A_402] : memref<1024x4096xf32, #tpu.memory_space<hbm>> -> memref<1x4096xf32, #tpu.memory_space<hbm>>
    %dma_start3A_404 = tpu.memref_squeeze %dma_start3A_403 : memref<1x4096xf32, #tpu.memory_space<hbm>> -> memref<4096xf32, #tpu.memory_space<hbm>>
    tpu.enqueue_dma source(%dma_start3A_404 : memref<4096xf32, #tpu.memory_space<hbm>>) target(%dma_start3A_401 : memref<4096xf32, #tpu.memory_space<vmem>>) target_semaphore(%arg12 : memref<!tpu.dma_semaphore, #tpu.memory_space<semaphore_mem>>)
    %add3A_405 = arith.constant 3 : i32
    %add3A_406 = arith.addi %add3A_368, %add3A_405 : i32
    %dma_start3A_407 = arith.constant 12288 : i32
    %dma_start3A_408 = tpu.memref_slice %arg6[%dma_start3A_407] : memref<32768xf32, #tpu.memory_space<vmem>> -> memref<4096xf32, #tpu.memory_space<vmem>>
    %dma_start3A_409 = arith.constant 0 : i32
    %dma_start3A_410 = tpu.memref_slice %arg2[%add3A_406, %dma_start3A_409] : memref<1024x4096xf32, #tpu.memory_space<hbm>> -> memref<1x4096xf32, #tpu.memory_space<hbm>>
    %dma_start3A_411 = tpu.memref_squeeze %dma_start3A_410 : memref<1x4096xf32, #tpu.memory_space<hbm>> -> memref<4096xf32, #tpu.memory_space<hbm>>
    %dma_start3A_412 = arith.constant 12288 : i32
    %dma_start3A_413 = tpu.memref_slice %arg6[%dma_start3A_412] : memref<32768xf32, #tpu.memory_space<vmem>> -> memref<4096xf32, #tpu.memory_space<vmem>>
    %dma_start3A_414 = arith.constant 0 : i32
    %dma_start3A_415 = tpu.memref_slice %arg2[%add3A_406, %dma_start3A_414] : memref<1024x4096xf32, #tpu.memory_space<hbm>> -> memref<1x4096xf32, #tpu.memory_space<hbm>>
    %dma_start3A_416 = tpu.memref_squeeze %dma_start3A_415 : memref<1x4096xf32, #tpu.memory_space<hbm>> -> memref<4096xf32, #tpu.memory_space<hbm>>
    tpu.enqueue_dma source(%dma_start3A_416 : memref<4096xf32, #tpu.memory_space<hbm>>) target(%dma_start3A_413 : memref<4096xf32, #tpu.memory_space<vmem>>) target_semaphore(%arg12 : memref<!tpu.dma_semaphore, #tpu.memory_space<semaphore_mem>>)
    %add3A_417 = arith.constant 4 : i32
    %add3A_418 = arith.addi %add3A_368, %add3A_417 : i32
    %dma_start3A_419 = arith.constant 16384 : i32
    %dma_start3A_420 = tpu.memref_slice %arg6[%dma_start3A_419] : memref<32768xf32, #tpu.memory_space<vmem>> -> memref<4096xf32, #tpu.memory_space<vmem>>
    %dma_start3A_421 = arith.constant 0 : i32
    %dma_start3A_422 = tpu.memref_slice %arg2[%add3A_418, %dma_start3A_421] : memref<1024x4096xf32, #tpu.memory_space<hbm>> -> memref<1x4096xf32, #tpu.memory_space<hbm>>
    %dma_start3A_423 = tpu.memref_squeeze %dma_start3A_422 : memref<1x4096xf32, #tpu.memory_space<hbm>> -> memref<4096xf32, #tpu.memory_space<hbm>>
    %dma_start3A_424 = arith.constant 16384 : i32
    %dma_start3A_425 = tpu.memref_slice %arg6[%dma_start3A_424] : memref<32768xf32, #tpu.memory_space<vmem>> -> memref<4096xf32, #tpu.memory_space<vmem>>
    %dma_start3A_426 = arith.constant 0 : i32
    %dma_start3A_427 = tpu.memref_slice %arg2[%add3A_418, %dma_start3A_426] : memref<1024x4096xf32, #tpu.memory_space<hbm>> -> memref<1x4096xf32, #tpu.memory_space<hbm>>
    %dma_start3A_428 = tpu.memref_squeeze %dma_start3A_427 : memref<1x4096xf32, #tpu.memory_space<hbm>> -> memref<4096xf32, #tpu.memory_space<hbm>>
    tpu.enqueue_dma source(%dma_start3A_428 : memref<4096xf32, #tpu.memory_space<hbm>>) target(%dma_start3A_425 : memref<4096xf32, #tpu.memory_space<vmem>>) target_semaphore(%arg12 : memref<!tpu.dma_semaphore, #tpu.memory_space<semaphore_mem>>)
    %add3A_429 = arith.constant 5 : i32
    %add3A_430 = arith.addi %add3A_368, %add3A_429 : i32
    %dma_start3A_431 = arith.constant 20480 : i32
    %dma_start3A_432 = tpu.memref_slice %arg6[%dma_start3A_431] : memref<32768xf32, #tpu.memory_space<vmem>> -> memref<4096xf32, #tpu.memory_space<vmem>>
    %dma_start3A_433 = arith.constant 0 : i32
    %dma_start3A_434 = tpu.memref_slice %arg2[%add3A_430, %dma_start3A_433] : memref<1024x4096xf32, #tpu.memory_space<hbm>> -> memref<1x4096xf32, #tpu.memory_space<hbm>>
    %dma_start3A_435 = tpu.memref_squeeze %dma_start3A_434 : memref<1x4096xf32, #tpu.memory_space<hbm>> -> memref<4096xf32, #tpu.memory_space<hbm>>
    %dma_start3A_436 = arith.constant 20480 : i32
    %dma_start3A_437 = tpu.memref_slice %arg6[%dma_start3A_436] : memref<32768xf32, #tpu.memory_space<vmem>> -> memref<4096xf32, #tpu.memory_space<vmem>>
    %dma_start3A_438 = arith.constant 0 : i32
    %dma_start3A_439 = tpu.memref_slice %arg2[%add3A_430, %dma_start3A_438] : memref<1024x4096xf32, #tpu.memory_space<hbm>> -> memref<1x4096xf32, #tpu.memory_space<hbm>>
    %dma_start3A_440 = tpu.memref_squeeze %dma_start3A_439 : memref<1x4096xf32, #tpu.memory_space<hbm>> -> memref<4096xf32, #tpu.memory_space<hbm>>
    tpu.enqueue_dma source(%dma_start3A_440 : memref<4096xf32, #tpu.memory_space<hbm>>) target(%dma_start3A_437 : memref<4096xf32, #tpu.memory_space<vmem>>) target_semaphore(%arg12 : memref<!tpu.dma_semaphore, #tpu.memory_space<semaphore_mem>>)
    %add3A_441 = arith.constant 6 : i32
    %add3A_442 = arith.addi %add3A_368, %add3A_441 : i32
    %dma_start3A_443 = arith.constant 24576 : i32
    %dma_start3A_444 = tpu.memref_slice %arg6[%dma_start3A_443] : memref<32768xf32, #tpu.memory_space<vmem>> -> memref<4096xf32, #tpu.memory_space<vmem>>
    %dma_start3A_445 = arith.constant 0 : i32
    %dma_start3A_446 = tpu.memref_slice %arg2[%add3A_442, %dma_start3A_445] : memref<1024x4096xf32, #tpu.memory_space<hbm>> -> memref<1x4096xf32, #tpu.memory_space<hbm>>
    %dma_start3A_447 = tpu.memref_squeeze %dma_start3A_446 : memref<1x4096xf32, #tpu.memory_space<hbm>> -> memref<4096xf32, #tpu.memory_space<hbm>>
    %dma_start3A_448 = arith.constant 24576 : i32
    %dma_start3A_449 = tpu.memref_slice %arg6[%dma_start3A_448] : memref<32768xf32, #tpu.memory_space<vmem>> -> memref<4096xf32, #tpu.memory_space<vmem>>
    %dma_start3A_450 = arith.constant 0 : i32
    %dma_start3A_451 = tpu.memref_slice %arg2[%add3A_442, %dma_start3A_450] : memref<1024x4096xf32, #tpu.memory_space<hbm>> -> memref<1x4096xf32, #tpu.memory_space<hbm>>
    %dma_start3A_452 = tpu.memref_squeeze %dma_start3A_451 : memref<1x4096xf32, #tpu.memory_space<hbm>> -> memref<4096xf32, #tpu.memory_space<hbm>>
    tpu.enqueue_dma source(%dma_start3A_452 : memref<4096xf32, #tpu.memory_space<hbm>>) target(%dma_start3A_449 : memref<4096xf32, #tpu.memory_space<vmem>>) target_semaphore(%arg12 : memref<!tpu.dma_semaphore, #tpu.memory_space<semaphore_mem>>)
    %add3A_453 = arith.constant 7 : i32
    %add3A_454 = arith.addi %add3A_368, %add3A_453 : i32
    %dma_start3A_455 = arith.constant 28672 : i32
    %dma_start3A_456 = tpu.memref_slice %arg6[%dma_start3A_455] : memref<32768xf32, #tpu.memory_space<vmem>> -> memref<4096xf32, #tpu.memory_space<vmem>>
    %dma_start3A_457 = arith.constant 0 : i32
    %dma_start3A_458 = tpu.memref_slice %arg2[%add3A_454, %dma_start3A_457] : memref<1024x4096xf32, #tpu.memory_space<hbm>> -> memref<1x4096xf32, #tpu.memory_space<hbm>>
    %dma_start3A_459 = tpu.memref_squeeze %dma_start3A_458 : memref<1x4096xf32, #tpu.memory_space<hbm>> -> memref<4096xf32, #tpu.memory_space<hbm>>
    %dma_start3A_460 = arith.constant 28672 : i32
    %dma_start3A_461 = tpu.memref_slice %arg6[%dma_start3A_460] : memref<32768xf32, #tpu.memory_space<vmem>> -> memref<4096xf32, #tpu.memory_space<vmem>>
    %dma_start3A_462 = arith.constant 0 : i32
    %dma_start3A_463 = tpu.memref_slice %arg2[%add3A_454, %dma_start3A_462] : memref<1024x4096xf32, #tpu.memory_space<hbm>> -> memref<1x4096xf32, #tpu.memory_space<hbm>>
    %dma_start3A_464 = tpu.memref_squeeze %dma_start3A_463 : memref<1x4096xf32, #tpu.memory_space<hbm>> -> memref<4096xf32, #tpu.memory_space<hbm>>
    tpu.enqueue_dma source(%dma_start3A_464 : memref<4096xf32, #tpu.memory_space<hbm>>) target(%dma_start3A_461 : memref<4096xf32, #tpu.memory_space<vmem>>) target_semaphore(%arg12 : memref<!tpu.dma_semaphore, #tpu.memory_space<semaphore_mem>>)
    %scan3A_465 = arith.constant 0 : i32
    %scan3A_466 = arith.constant 0 : i32
    %scan3A_467 = arith.constant 8 : i32
    %scan3A_468 = arith.addi %scan3A_466, %scan3A_467 : i32
    %scan3A_469 = arith.constant 1 : i32
    %scan3A_470 = scf.for %scan3A_748 = %scan3A_466 to %scan3A_468 step %scan3A_469 iter_args(%scan3A_749 = %scan3A_465) -> (i32)  : i32 {
      %mul3A_750 = arith.constant 1024 : i32
      %mul3A_751 = arith.muli %scan3A_748, %mul3A_750 : i32
      %parallel_loop3A = arith.constant 0 : i32
      %parallel_loop3A_752 = arith.constant 64 : i32
      %parallel_loop3A_753 = arith.constant 1 : i32
      scf.for %parallel_loop3A_755 = %parallel_loop3A to %parallel_loop3A_752 step %parallel_loop3A_753  : i32 {
        %parallel_loop3A_756 = arith.constant 16 : i32
        %parallel_loop3A_757 = arith.muli %parallel_loop3A_755, %parallel_loop3A_756 : i32
        %parallel_loop3A_758 = arith.addi %mul3A_751, %parallel_loop3A_757 : i32
        %parallel_loop3A_759 = arith.index_cast %parallel_loop3A_758 : i32 to index
        %parallel_loop3A_760 = tpu.vector_load %arg8[%parallel_loop3A_759] {strides = array<i32>} : memref<8192xi32, #tpu.memory_space<vmem>>, vector<16xi32>,
        %parallel_loop3A_761 = arith.constant 4095 : i32
        %parallel_loop3A_762 = vector.broadcast %parallel_loop3A_761 : i32 to vector<16xi32>
        %parallel_loop3A_763 = arith.andi %parallel_loop3A_760, %parallel_loop3A_762 : vector<16xi32>
        %parallel_loop3A_764 = arith.constant 16 : i32
        %parallel_loop3A_765 = vector.broadcast %parallel_loop3A_764 : i32 to vector<16xi32>
        %parallel_loop3A_766 = arith.shrui %parallel_loop3A_760, %parallel_loop3A_765 : vector<16xi32>
        %parallel_loop3A_767 = arith.constant 0 : i32
        %parallel_loop3A_768 = arith.index_cast %parallel_loop3A_767 : i32 to index
        %parallel_loop3A_769 = arith.index_cast %parallel_loop3A_758 : i32 to index
        %parallel_loop3A_770 = tpu.vector_load %arg9[%parallel_loop3A_768, %parallel_loop3A_769] {strides = array<i32>} : memref<4x8192xf32, #tpu.memory_space<vmem>>, vector<16xf32>,
        %parallel_loop3A_771 = arith.constant 1 : i32
        %parallel_loop3A_772 = arith.index_cast %parallel_loop3A_771 : i32 to index
        %parallel_loop3A_773 = arith.index_cast %parallel_loop3A_758 : i32 to index
        %parallel_loop3A_774 = tpu.vector_load %arg9[%parallel_loop3A_772, %parallel_loop3A_773] {strides = array<i32>} : memref<4x8192xf32, #tpu.memory_space<vmem>>, vector<16xf32>,
        %parallel_loop3A_775 = arith.constant 2 : i32
        %parallel_loop3A_776 = arith.index_cast %parallel_loop3A_775 : i32 to index
        %parallel_loop3A_777 = arith.index_cast %parallel_loop3A_758 : i32 to index
        %parallel_loop3A_778 = tpu.vector_load %arg9[%parallel_loop3A_776, %parallel_loop3A_777] {strides = array<i32>} : memref<4x8192xf32, #tpu.memory_space<vmem>>, vector<16xf32>,
        %parallel_loop3A_779 = arith.constant 3 : i32
        %parallel_loop3A_780 = arith.index_cast %parallel_loop3A_779 : i32 to index
        %parallel_loop3A_781 = arith.index_cast %parallel_loop3A_758 : i32 to index
        %parallel_loop3A_782 = tpu.vector_load %arg9[%parallel_loop3A_780, %parallel_loop3A_781] {strides = array<i32>} : memref<4x8192xf32, #tpu.memory_space<vmem>>, vector<16xf32>,
        %parallel_loop3A_783 = arith.constant 0 : i32
        %parallel_loop3A_784 = tpu.memref_slice %arg7[%parallel_loop3A_783] : memref<32768xf32, #tpu.memory_space<vmem>> -> memref<4096xf32, #tpu.memory_space<vmem>>
        %parallel_loop3A_785 = tpu.vector_load_idx %parallel_loop3A_784[%parallel_loop3A_763] : memref<4096xf32, #tpu.memory_space<vmem>>[vector<16xi32>], vector<16xf32>,
        %parallel_loop3A_786 = arith.constant 0 : i32
        %parallel_loop3A_787 = tpu.memref_slice %arg7[%parallel_loop3A_786] : memref<32768xf32, #tpu.memory_space<vmem>> -> memref<4096xf32, #tpu.memory_space<vmem>>
        %parallel_loop3A_788 = tpu.vector_load_idx %parallel_loop3A_787[%parallel_loop3A_766] : memref<4096xf32, #tpu.memory_space<vmem>>[vector<16xi32>], vector<16xf32>,
        %parallel_loop3A_789 = arith.mulf %parallel_loop3A_774, %parallel_loop3A_785 : vector<16xf32>
        %parallel_loop3A_790 = arith.addf %parallel_loop3A_770, %parallel_loop3A_789 : vector<16xf32>
        %parallel_loop3A_791 = arith.mulf %parallel_loop3A_778, %parallel_loop3A_788 : vector<16xf32>
        %parallel_loop3A_792 = arith.addf %parallel_loop3A_790, %parallel_loop3A_791 : vector<16xf32>
        %parallel_loop3A_793 = arith.mulf %parallel_loop3A_785, %parallel_loop3A_788 : vector<16xf32>
        %parallel_loop3A_794 = arith.mulf %parallel_loop3A_782, %parallel_loop3A_793 : vector<16xf32>
        %parallel_loop3A_795 = arith.addf %parallel_loop3A_792, %parallel_loop3A_794 : vector<16xf32>
        %parallel_loop3A_796 = arith.constant 16 : i32
        %parallel_loop3A_797 = arith.muli %parallel_loop3A_755, %parallel_loop3A_796 : i32
        %parallel_loop3A_798 = arith.constant 0 : i32
        %parallel_loop3A_799 = arith.index_cast %parallel_loop3A_798 : i32 to index
        %parallel_loop3A_800 = arith.index_cast %parallel_loop3A_797 : i32 to index
        %parallel_loop3A_801 = tpu.vector_load %arg10[%parallel_loop3A_799, %parallel_loop3A_800] {strides = array<i32>} : memref<8x1024xf32, #tpu.memory_space<vmem>>, vector<16xf32>,
        tpu.vector_store %arg10[%parallel_loop3A_799, %parallel_loop3A_800], %parallel_loop3A_795 {strides = array<i32>} : memref<8x1024xf32, #tpu.memory_space<vmem>>, vector<16xf32>,
        %parallel_loop3A_802 = arith.constant 4096 : i32
        %parallel_loop3A_803 = tpu.memref_slice %arg7[%parallel_loop3A_802] : memref<32768xf32, #tpu.memory_space<vmem>> -> memref<4096xf32, #tpu.memory_space<vmem>>
        %parallel_loop3A_804 = tpu.vector_load_idx %parallel_loop3A_803[%parallel_loop3A_763] : memref<4096xf32, #tpu.memory_space<vmem>>[vector<16xi32>], vector<16xf32>,
        %parallel_loop3A_805 = arith.constant 4096 : i32
        %parallel_loop3A_806 = tpu.memref_slice %arg7[%parallel_loop3A_805] : memref<32768xf32, #tpu.memory_space<vmem>> -> memref<4096xf32, #tpu.memory_space<vmem>>
        %parallel_loop3A_807 = tpu.vector_load_idx %parallel_loop3A_806[%parallel_loop3A_766] : memref<4096xf32, #tpu.memory_space<vmem>>[vector<16xi32>], vector<16xf32>,
        %parallel_loop3A_808 = arith.mulf %parallel_loop3A_774, %parallel_loop3A_804 : vector<16xf32>
        %parallel_loop3A_809 = arith.addf %parallel_loop3A_770, %parallel_loop3A_808 : vector<16xf32>
        %parallel_loop3A_810 = arith.mulf %parallel_loop3A_778, %parallel_loop3A_807 : vector<16xf32>
        %parallel_loop3A_811 = arith.addf %parallel_loop3A_809, %parallel_loop3A_810 : vector<16xf32>
        %parallel_loop3A_812 = arith.mulf %parallel_loop3A_804, %parallel_loop3A_807 : vector<16xf32>
        %parallel_loop3A_813 = arith.mulf %parallel_loop3A_782, %parallel_loop3A_812 : vector<16xf32>
        %parallel_loop3A_814 = arith.addf %parallel_loop3A_811, %parallel_loop3A_813 : vector<16xf32>
        %parallel_loop3A_815 = arith.constant 16 : i32
        %parallel_loop3A_816 = arith.muli %parallel_loop3A_755, %parallel_loop3A_815 : i32
        %parallel_loop3A_817 = arith.constant 1 : i32
        %parallel_loop3A_818 = arith.index_cast %parallel_loop3A_817 : i32 to index
        %parallel_loop3A_819 = arith.index_cast %parallel_loop3A_816 : i32 to index
        %parallel_loop3A_820 = tpu.vector_load %arg10[%parallel_loop3A_818, %parallel_loop3A_819] {strides = array<i32>} : memref<8x1024xf32, #tpu.memory_space<vmem>>, vector<16xf32>,
        tpu.vector_store %arg10[%parallel_loop3A_818, %parallel_loop3A_819], %parallel_loop3A_814 {strides = array<i32>} : memref<8x1024xf32, #tpu.memory_space<vmem>>, vector<16xf32>,
        %parallel_loop3A_821 = arith.constant 8192 : i32
        %parallel_loop3A_822 = tpu.memref_slice %arg7[%parallel_loop3A_821] : memref<32768xf32, #tpu.memory_space<vmem>> -> memref<4096xf32, #tpu.memory_space<vmem>>
        %parallel_loop3A_823 = tpu.vector_load_idx %parallel_loop3A_822[%parallel_loop3A_763] : memref<4096xf32, #tpu.memory_space<vmem>>[vector<16xi32>], vector<16xf32>,
        %parallel_loop3A_824 = arith.constant 8192 : i32
        %parallel_loop3A_825 = tpu.memref_slice %arg7[%parallel_loop3A_824] : memref<32768xf32, #tpu.memory_space<vmem>> -> memref<4096xf32, #tpu.memory_space<vmem>>
        %parallel_loop3A_826 = tpu.vector_load_idx %parallel_loop3A_825[%parallel_loop3A_766] : memref<4096xf32, #tpu.memory_space<vmem>>[vector<16xi32>], vector<16xf32>,
        %parallel_loop3A_827 = arith.mulf %parallel_loop3A_774, %parallel_loop3A_823 : vector<16xf32>
        %parallel_loop3A_828 = arith.addf %parallel_loop3A_770, %parallel_loop3A_827 : vector<16xf32>
        %parallel_loop3A_829 = arith.mulf %parallel_loop3A_778, %parallel_loop3A_826 : vector<16xf32>
        %parallel_loop3A_830 = arith.addf %parallel_loop3A_828, %parallel_loop3A_829 : vector<16xf32>
        %parallel_loop3A_831 = arith.mulf %parallel_loop3A_823, %parallel_loop3A_826 : vector<16xf32>
        %parallel_loop3A_832 = arith.mulf %parallel_loop3A_782, %parallel_loop3A_831 : vector<16xf32>
        %parallel_loop3A_833 = arith.addf %parallel_loop3A_830, %parallel_loop3A_832 : vector<16xf32>
        %parallel_loop3A_834 = arith.constant 16 : i32
        %parallel_loop3A_835 = arith.muli %parallel_loop3A_755, %parallel_loop3A_834 : i32
        %parallel_loop3A_836 = arith.constant 2 : i32
        %parallel_loop3A_837 = arith.index_cast %parallel_loop3A_836 : i32 to index
        %parallel_loop3A_838 = arith.index_cast %parallel_loop3A_835 : i32 to index
        %parallel_loop3A_839 = tpu.vector_load %arg10[%parallel_loop3A_837, %parallel_loop3A_838] {strides = array<i32>} : memref<8x1024xf32, #tpu.memory_space<vmem>>, vector<16xf32>,
        tpu.vector_store %arg10[%parallel_loop3A_837, %parallel_loop3A_838], %parallel_loop3A_833 {strides = array<i32>} : memref<8x1024xf32, #tpu.memory_space<vmem>>, vector<16xf32>,
        %parallel_loop3A_840 = arith.constant 12288 : i32
        %parallel_loop3A_841 = tpu.memref_slice %arg7[%parallel_loop3A_840] : memref<32768xf32, #tpu.memory_space<vmem>> -> memref<4096xf32, #tpu.memory_space<vmem>>
        %parallel_loop3A_842 = tpu.vector_load_idx %parallel_loop3A_841[%parallel_loop3A_763] : memref<4096xf32, #tpu.memory_space<vmem>>[vector<16xi32>], vector<16xf32>,
        %parallel_loop3A_843 = arith.constant 12288 : i32
        %parallel_loop3A_844 = tpu.memref_slice %arg7[%parallel_loop3A_843] : memref<32768xf32, #tpu.memory_space<vmem>> -> memref<4096xf32, #tpu.memory_space<vmem>>
        %parallel_loop3A_845 = tpu.vector_load_idx %parallel_loop3A_844[%parallel_loop3A_766] : memref<4096xf32, #tpu.memory_space<vmem>>[vector<16xi32>], vector<16xf32>,
        %parallel_loop3A_846 = arith.mulf %parallel_loop3A_774, %parallel_loop3A_842 : vector<16xf32>
        %parallel_loop3A_847 = arith.addf %parallel_loop3A_770, %parallel_loop3A_846 : vector<16xf32>
        %parallel_loop3A_848 = arith.mulf %parallel_loop3A_778, %parallel_loop3A_845 : vector<16xf32>
        %parallel_loop3A_849 = arith.addf %parallel_loop3A_847, %parallel_loop3A_848 : vector<16xf32>
        %parallel_loop3A_850 = arith.mulf %parallel_loop3A_842, %parallel_loop3A_845 : vector<16xf32>
        %parallel_loop3A_851 = arith.mulf %parallel_loop3A_782, %parallel_loop3A_850 : vector<16xf32>
        %parallel_loop3A_852 = arith.addf %parallel_loop3A_849, %parallel_loop3A_851 : vector<16xf32>
        %parallel_loop3A_853 = arith.constant 16 : i32
        %parallel_loop3A_854 = arith.muli %parallel_loop3A_755, %parallel_loop3A_853 : i32
        %parallel_loop3A_855 = arith.constant 3 : i32
        %parallel_loop3A_856 = arith.index_cast %parallel_loop3A_855 : i32 to index
        %parallel_loop3A_857 = arith.index_cast %parallel_loop3A_854 : i32 to index
        %parallel_loop3A_858 = tpu.vector_load %arg10[%parallel_loop3A_856, %parallel_loop3A_857] {strides = array<i32>} : memref<8x1024xf32, #tpu.memory_space<vmem>>, vector<16xf32>,
        tpu.vector_store %arg10[%parallel_loop3A_856, %parallel_loop3A_857], %parallel_loop3A_852 {strides = array<i32>} : memref<8x1024xf32, #tpu.memory_space<vmem>>, vector<16xf32>,
        %parallel_loop3A_859 = arith.constant 16384 : i32
        %parallel_loop3A_860 = tpu.memref_slice %arg7[%parallel_loop3A_859] : memref<32768xf32, #tpu.memory_space<vmem>> -> memref<4096xf32, #tpu.memory_space<vmem>>
        %parallel_loop3A_861 = tpu.vector_load_idx %parallel_loop3A_860[%parallel_loop3A_763] : memref<4096xf32, #tpu.memory_space<vmem>>[vector<16xi32>], vector<16xf32>,
        %parallel_loop3A_862 = arith.constant 16384 : i32
        %parallel_loop3A_863 = tpu.memref_slice %arg7[%parallel_loop3A_862] : memref<32768xf32, #tpu.memory_space<vmem>> -> memref<4096xf32, #tpu.memory_space<vmem>>
        %parallel_loop3A_864 = tpu.vector_load_idx %parallel_loop3A_863[%parallel_loop3A_766] : memref<4096xf32, #tpu.memory_space<vmem>>[vector<16xi32>], vector<16xf32>,
        %parallel_loop3A_865 = arith.mulf %parallel_loop3A_774, %parallel_loop3A_861 : vector<16xf32>
        %parallel_loop3A_866 = arith.addf %parallel_loop3A_770, %parallel_loop3A_865 : vector<16xf32>
        %parallel_loop3A_867 = arith.mulf %parallel_loop3A_778, %parallel_loop3A_864 : vector<16xf32>
        %parallel_loop3A_868 = arith.addf %parallel_loop3A_866, %parallel_loop3A_867 : vector<16xf32>
        %parallel_loop3A_869 = arith.mulf %parallel_loop3A_861, %parallel_loop3A_864 : vector<16xf32>
        %parallel_loop3A_870 = arith.mulf %parallel_loop3A_782, %parallel_loop3A_869 : vector<16xf32>
        %parallel_loop3A_871 = arith.addf %parallel_loop3A_868, %parallel_loop3A_870 : vector<16xf32>
        %parallel_loop3A_872 = arith.constant 16 : i32
        %parallel_loop3A_873 = arith.muli %parallel_loop3A_755, %parallel_loop3A_872 : i32
        %parallel_loop3A_874 = arith.constant 4 : i32
        %parallel_loop3A_875 = arith.index_cast %parallel_loop3A_874 : i32 to index
        %parallel_loop3A_876 = arith.index_cast %parallel_loop3A_873 : i32 to index
        %parallel_loop3A_877 = tpu.vector_load %arg10[%parallel_loop3A_875, %parallel_loop3A_876] {strides = array<i32>} : memref<8x1024xf32, #tpu.memory_space<vmem>>, vector<16xf32>,
        tpu.vector_store %arg10[%parallel_loop3A_875, %parallel_loop3A_876], %parallel_loop3A_871 {strides = array<i32>} : memref<8x1024xf32, #tpu.memory_space<vmem>>, vector<16xf32>,
        %parallel_loop3A_878 = arith.constant 20480 : i32
        %parallel_loop3A_879 = tpu.memref_slice %arg7[%parallel_loop3A_878] : memref<32768xf32, #tpu.memory_space<vmem>> -> memref<4096xf32, #tpu.memory_space<vmem>>
        %parallel_loop3A_880 = tpu.vector_load_idx %parallel_loop3A_879[%parallel_loop3A_763] : memref<4096xf32, #tpu.memory_space<vmem>>[vector<16xi32>], vector<16xf32>,
        %parallel_loop3A_881 = arith.constant 20480 : i32
        %parallel_loop3A_882 = tpu.memref_slice %arg7[%parallel_loop3A_881] : memref<32768xf32, #tpu.memory_space<vmem>> -> memref<4096xf32, #tpu.memory_space<vmem>>
        %parallel_loop3A_883 = tpu.vector_load_idx %parallel_loop3A_882[%parallel_loop3A_766] : memref<4096xf32, #tpu.memory_space<vmem>>[vector<16xi32>], vector<16xf32>,
        %parallel_loop3A_884 = arith.mulf %parallel_loop3A_774, %parallel_loop3A_880 : vector<16xf32>
        %parallel_loop3A_885 = arith.addf %parallel_loop3A_770, %parallel_loop3A_884 : vector<16xf32>
        %parallel_loop3A_886 = arith.mulf %parallel_loop3A_778, %parallel_loop3A_883 : vector<16xf32>
        %parallel_loop3A_887 = arith.addf %parallel_loop3A_885, %parallel_loop3A_886 : vector<16xf32>
        %parallel_loop3A_888 = arith.mulf %parallel_loop3A_880, %parallel_loop3A_883 : vector<16xf32>
        %parallel_loop3A_889 = arith.mulf %parallel_loop3A_782, %parallel_loop3A_888 : vector<16xf32>
        %parallel_loop3A_890 = arith.addf %parallel_loop3A_887, %parallel_loop3A_889 : vector<16xf32>
        %parallel_loop3A_891 = arith.constant 16 : i32
        %parallel_loop3A_892 = arith.muli %parallel_loop3A_755, %parallel_loop3A_891 : i32
        %parallel_loop3A_893 = arith.constant 5 : i32
        %parallel_loop3A_894 = arith.index_cast %parallel_loop3A_893 : i32 to index
        %parallel_loop3A_895 = arith.index_cast %parallel_loop3A_892 : i32 to index
        %parallel_loop3A_896 = tpu.vector_load %arg10[%parallel_loop3A_894, %parallel_loop3A_895] {strides = array<i32>} : memref<8x1024xf32, #tpu.memory_space<vmem>>, vector<16xf32>,
        tpu.vector_store %arg10[%parallel_loop3A_894, %parallel_loop3A_895], %parallel_loop3A_890 {strides = array<i32>} : memref<8x1024xf32, #tpu.memory_space<vmem>>, vector<16xf32>,
        %parallel_loop3A_897 = arith.constant 24576 : i32
        %parallel_loop3A_898 = tpu.memref_slice %arg7[%parallel_loop3A_897] : memref<32768xf32, #tpu.memory_space<vmem>> -> memref<4096xf32, #tpu.memory_space<vmem>>
        %parallel_loop3A_899 = tpu.vector_load_idx %parallel_loop3A_898[%parallel_loop3A_763] : memref<4096xf32, #tpu.memory_space<vmem>>[vector<16xi32>], vector<16xf32>,
        %parallel_loop3A_900 = arith.constant 24576 : i32
        %parallel_loop3A_901 = tpu.memref_slice %arg7[%parallel_loop3A_900] : memref<32768xf32, #tpu.memory_space<vmem>> -> memref<4096xf32, #tpu.memory_space<vmem>>
        %parallel_loop3A_902 = tpu.vector_load_idx %parallel_loop3A_901[%parallel_loop3A_766] : memref<4096xf32, #tpu.memory_space<vmem>>[vector<16xi32>], vector<16xf32>,
        %parallel_loop3A_903 = arith.mulf %parallel_loop3A_774, %parallel_loop3A_899 : vector<16xf32>
        %parallel_loop3A_904 = arith.addf %parallel_loop3A_770, %parallel_loop3A_903 : vector<16xf32>
        %parallel_loop3A_905 = arith.mulf %parallel_loop3A_778, %parallel_loop3A_902 : vector<16xf32>
        %parallel_loop3A_906 = arith.addf %parallel_loop3A_904, %parallel_loop3A_905 : vector<16xf32>
        %parallel_loop3A_907 = arith.mulf %parallel_loop3A_899, %parallel_loop3A_902 : vector<16xf32>
        %parallel_loop3A_908 = arith.mulf %parallel_loop3A_782, %parallel_loop3A_907 : vector<16xf32>
        %parallel_loop3A_909 = arith.addf %parallel_loop3A_906, %parallel_loop3A_908 : vector<16xf32>
        %parallel_loop3A_910 = arith.constant 16 : i32
        %parallel_loop3A_911 = arith.muli %parallel_loop3A_755, %parallel_loop3A_910 : i32
        %parallel_loop3A_912 = arith.constant 6 : i32
        %parallel_loop3A_913 = arith.index_cast %parallel_loop3A_912 : i32 to index
        %parallel_loop3A_914 = arith.index_cast %parallel_loop3A_911 : i32 to index
        %parallel_loop3A_915 = tpu.vector_load %arg10[%parallel_loop3A_913, %parallel_loop3A_914] {strides = array<i32>} : memref<8x1024xf32, #tpu.memory_space<vmem>>, vector<16xf32>,
        tpu.vector_store %arg10[%parallel_loop3A_913, %parallel_loop3A_914], %parallel_loop3A_909 {strides = array<i32>} : memref<8x1024xf32, #tpu.memory_space<vmem>>, vector<16xf32>,
        %parallel_loop3A_916 = arith.constant 28672 : i32
        %parallel_loop3A_917 = tpu.memref_slice %arg7[%parallel_loop3A_916] : memref<32768xf32, #tpu.memory_space<vmem>> -> memref<4096xf32, #tpu.memory_space<vmem>>
        %parallel_loop3A_918 = tpu.vector_load_idx %parallel_loop3A_917[%parallel_loop3A_763] : memref<4096xf32, #tpu.memory_space<vmem>>[vector<16xi32>], vector<16xf32>,
        %parallel_loop3A_919 = arith.constant 28672 : i32
        %parallel_loop3A_920 = tpu.memref_slice %arg7[%parallel_loop3A_919] : memref<32768xf32, #tpu.memory_space<vmem>> -> memref<4096xf32, #tpu.memory_space<vmem>>
        %parallel_loop3A_921 = tpu.vector_load_idx %parallel_loop3A_920[%parallel_loop3A_766] : memref<4096xf32, #tpu.memory_space<vmem>>[vector<16xi32>], vector<16xf32>,
        %parallel_loop3A_922 = arith.mulf %parallel_loop3A_774, %parallel_loop3A_918 : vector<16xf32>
        %parallel_loop3A_923 = arith.addf %parallel_loop3A_770, %parallel_loop3A_922 : vector<16xf32>
        %parallel_loop3A_924 = arith.mulf %parallel_loop3A_778, %parallel_loop3A_921 : vector<16xf32>
        %parallel_loop3A_925 = arith.addf %parallel_loop3A_923, %parallel_loop3A_924 : vector<16xf32>
        %parallel_loop3A_926 = arith.mulf %parallel_loop3A_918, %parallel_loop3A_921 : vector<16xf32>
        %parallel_loop3A_927 = arith.mulf %parallel_loop3A_782, %parallel_loop3A_926 : vector<16xf32>
        %parallel_loop3A_928 = arith.addf %parallel_loop3A_925, %parallel_loop3A_927 : vector<16xf32>
        %parallel_loop3A_929 = arith.constant 16 : i32
        %parallel_loop3A_930 = arith.muli %parallel_loop3A_755, %parallel_loop3A_929 : i32
        %parallel_loop3A_931 = arith.constant 7 : i32
        %parallel_loop3A_932 = arith.index_cast %parallel_loop3A_931 : i32 to index
        %parallel_loop3A_933 = arith.index_cast %parallel_loop3A_930 : i32 to index
        %parallel_loop3A_934 = tpu.vector_load %arg10[%parallel_loop3A_932, %parallel_loop3A_933] {strides = array<i32>} : memref<8x1024xf32, #tpu.memory_space<vmem>>, vector<16xf32>,
        tpu.vector_store %arg10[%parallel_loop3A_932, %parallel_loop3A_933], %parallel_loop3A_928 {strides = array<i32>} : memref<8x1024xf32, #tpu.memory_space<vmem>>, vector<16xf32>,
      } {sc.loop_unroll_factor = 1 : i64, sc.parallel_access}
      "tpu.region"() ({
        %run_scoped3A = tpu.sem_alloc : memref<!tpu.dma_semaphore, #tpu.memory_space<semaphore_mem>>
        %dma_start3A_755 = tpu.memref_slice %arg5[%add3A_286, %mul3A_751] : memref<1024x8192xf32, #tpu.memory_space<hbm>> -> memref<8x1024xf32, #tpu.memory_space<hbm>>
        %dma_start3A_756 = tpu.memref_slice %arg5[%add3A_286, %mul3A_751] : memref<1024x8192xf32, #tpu.memory_space<hbm>> -> memref<8x1024xf32, #tpu.memory_space<hbm>>
        tpu.enqueue_dma source(%arg10 : memref<8x1024xf32, #tpu.memory_space<vmem>>) target(%dma_start3A_756 : memref<8x1024xf32, #tpu.memory_space<hbm>>) target_semaphore(%run_scoped3A : memref<!tpu.dma_semaphore, #tpu.memory_space<semaphore_mem>>)
        %dma_wait3A_757 = tpu.memref_slice %arg5[%add3A_286, %mul3A_751] : memref<1024x8192xf32, #tpu.memory_space<hbm>> -> memref<8x1024xf32, #tpu.memory_space<hbm>>
        %dma_wait3A_758 = tpu.memref_slice %arg5[%add3A_286, %mul3A_751] : memref<1024x8192xf32, #tpu.memory_space<hbm>> -> memref<8x1024xf32, #tpu.memory_space<hbm>>
        tpu.wait_dma2 semaphore(%run_scoped3A : memref<!tpu.dma_semaphore, #tpu.memory_space<semaphore_mem>>) src(%arg10 : memref<8x1024xf32, #tpu.memory_space<vmem>>) dst(%dma_wait3A_758 : memref<8x1024xf32, #tpu.memory_space<hbm>>)
        tpu.yield
      }) : () -> ()
      %scan3A_754 = arith.constant 0 : i32
      scf.yield %scan3A_754 : i32
    }
    %scan3A_471 = arith.constant 8 : i32
    %add3A_472 = arith.constant 16 : i32
    %add3A_473 = arith.addi %mul3A_4, %add3A_472 : i32
    %dma_wait3A_474 = arith.constant 0 : i32
    %dma_wait3A_475 = tpu.memref_slice %arg6[%dma_wait3A_474] : memref<32768xf32, #tpu.memory_space<vmem>> -> memref<4096xf32, #tpu.memory_space<vmem>>
    %dma_wait3A_476 = arith.constant 0 : i32
    %dma_wait3A_477 = tpu.memref_slice %arg2[%add3A_370, %dma_wait3A_476] : memref<1024x4096xf32, #tpu.memory_space<hbm>> -> memref<1x4096xf32, #tpu.memory_space<hbm>>
    %dma_wait3A_478 = tpu.memref_squeeze %dma_wait3A_477 : memref<1x4096xf32, #tpu.memory_space<hbm>> -> memref<4096xf32, #tpu.memory_space<hbm>>
    %dma_wait3A_479 = arith.constant 0 : i32
    %dma_wait3A_480 = tpu.memref_slice %arg6[%dma_wait3A_479] : memref<32768xf32, #tpu.memory_space<vmem>> -> memref<4096xf32, #tpu.memory_space<vmem>>
    %dma_wait3A_481 = arith.constant 0 : i32
    %dma_wait3A_482 = tpu.memref_slice %arg2[%add3A_370, %dma_wait3A_481] : memref<1024x4096xf32, #tpu.memory_space<hbm>> -> memref<1x4096xf32, #tpu.memory_space<hbm>>
    %dma_wait3A_483 = tpu.memref_squeeze %dma_wait3A_482 : memref<1x4096xf32, #tpu.memory_space<hbm>> -> memref<4096xf32, #tpu.memory_space<hbm>>
    tpu.wait_dma2 semaphore(%arg12 : memref<!tpu.dma_semaphore, #tpu.memory_space<semaphore_mem>>) src(%dma_wait3A_483 : memref<4096xf32, #tpu.memory_space<hbm>>) dst(%dma_wait3A_480 : memref<4096xf32, #tpu.memory_space<vmem>>)
    %dma_wait3A_484 = arith.constant 4096 : i32
    %dma_wait3A_485 = tpu.memref_slice %arg6[%dma_wait3A_484] : memref<32768xf32, #tpu.memory_space<vmem>> -> memref<4096xf32, #tpu.memory_space<vmem>>
    %dma_wait3A_486 = arith.constant 0 : i32
    %dma_wait3A_487 = tpu.memref_slice %arg2[%add3A_382, %dma_wait3A_486] : memref<1024x4096xf32, #tpu.memory_space<hbm>> -> memref<1x4096xf32, #tpu.memory_space<hbm>>
    %dma_wait3A_488 = tpu.memref_squeeze %dma_wait3A_487 : memref<1x4096xf32, #tpu.memory_space<hbm>> -> memref<4096xf32, #tpu.memory_space<hbm>>
    %dma_wait3A_489 = arith.constant 4096 : i32
    %dma_wait3A_490 = tpu.memref_slice %arg6[%dma_wait3A_489] : memref<32768xf32, #tpu.memory_space<vmem>> -> memref<4096xf32, #tpu.memory_space<vmem>>
    %dma_wait3A_491 = arith.constant 0 : i32
    %dma_wait3A_492 = tpu.memref_slice %arg2[%add3A_382, %dma_wait3A_491] : memref<1024x4096xf32, #tpu.memory_space<hbm>> -> memref<1x4096xf32, #tpu.memory_space<hbm>>
    %dma_wait3A_493 = tpu.memref_squeeze %dma_wait3A_492 : memref<1x4096xf32, #tpu.memory_space<hbm>> -> memref<4096xf32, #tpu.memory_space<hbm>>
    tpu.wait_dma2 semaphore(%arg12 : memref<!tpu.dma_semaphore, #tpu.memory_space<semaphore_mem>>) src(%dma_wait3A_493 : memref<4096xf32, #tpu.memory_space<hbm>>) dst(%dma_wait3A_490 : memref<4096xf32, #tpu.memory_space<vmem>>)
    %dma_wait3A_494 = arith.constant 8192 : i32
    %dma_wait3A_495 = tpu.memref_slice %arg6[%dma_wait3A_494] : memref<32768xf32, #tpu.memory_space<vmem>> -> memref<4096xf32, #tpu.memory_space<vmem>>
    %dma_wait3A_496 = arith.constant 0 : i32
    %dma_wait3A_497 = tpu.memref_slice %arg2[%add3A_394, %dma_wait3A_496] : memref<1024x4096xf32, #tpu.memory_space<hbm>> -> memref<1x4096xf32, #tpu.memory_space<hbm>>
    %dma_wait3A_498 = tpu.memref_squeeze %dma_wait3A_497 : memref<1x4096xf32, #tpu.memory_space<hbm>> -> memref<4096xf32, #tpu.memory_space<hbm>>
    %dma_wait3A_499 = arith.constant 8192 : i32
    %dma_wait3A_500 = tpu.memref_slice %arg6[%dma_wait3A_499] : memref<32768xf32, #tpu.memory_space<vmem>> -> memref<4096xf32, #tpu.memory_space<vmem>>
    %dma_wait3A_501 = arith.constant 0 : i32
    %dma_wait3A_502 = tpu.memref_slice %arg2[%add3A_394, %dma_wait3A_501] : memref<1024x4096xf32, #tpu.memory_space<hbm>> -> memref<1x4096xf32, #tpu.memory_space<hbm>>
    %dma_wait3A_503 = tpu.memref_squeeze %dma_wait3A_502 : memref<1x4096xf32, #tpu.memory_space<hbm>> -> memref<4096xf32, #tpu.memory_space<hbm>>
    tpu.wait_dma2 semaphore(%arg12 : memref<!tpu.dma_semaphore, #tpu.memory_space<semaphore_mem>>) src(%dma_wait3A_503 : memref<4096xf32, #tpu.memory_space<hbm>>) dst(%dma_wait3A_500 : memref<4096xf32, #tpu.memory_space<vmem>>)
    %dma_wait3A_504 = arith.constant 12288 : i32
    %dma_wait3A_505 = tpu.memref_slice %arg6[%dma_wait3A_504] : memref<32768xf32, #tpu.memory_space<vmem>> -> memref<4096xf32, #tpu.memory_space<vmem>>
    %dma_wait3A_506 = arith.constant 0 : i32
    %dma_wait3A_507 = tpu.memref_slice %arg2[%add3A_406, %dma_wait3A_506] : memref<1024x4096xf32, #tpu.memory_space<hbm>> -> memref<1x4096xf32, #tpu.memory_space<hbm>>
    %dma_wait3A_508 = tpu.memref_squeeze %dma_wait3A_507 : memref<1x4096xf32, #tpu.memory_space<hbm>> -> memref<4096xf32, #tpu.memory_space<hbm>>
    %dma_wait3A_509 = arith.constant 12288 : i32
    %dma_wait3A_510 = tpu.memref_slice %arg6[%dma_wait3A_509] : memref<32768xf32, #tpu.memory_space<vmem>> -> memref<4096xf32, #tpu.memory_space<vmem>>
    %dma_wait3A_511 = arith.constant 0 : i32
    %dma_wait3A_512 = tpu.memref_slice %arg2[%add3A_406, %dma_wait3A_511] : memref<1024x4096xf32, #tpu.memory_space<hbm>> -> memref<1x4096xf32, #tpu.memory_space<hbm>>
    %dma_wait3A_513 = tpu.memref_squeeze %dma_wait3A_512 : memref<1x4096xf32, #tpu.memory_space<hbm>> -> memref<4096xf32, #tpu.memory_space<hbm>>
    tpu.wait_dma2 semaphore(%arg12 : memref<!tpu.dma_semaphore, #tpu.memory_space<semaphore_mem>>) src(%dma_wait3A_513 : memref<4096xf32, #tpu.memory_space<hbm>>) dst(%dma_wait3A_510 : memref<4096xf32, #tpu.memory_space<vmem>>)
    %dma_wait3A_514 = arith.constant 16384 : i32
    %dma_wait3A_515 = tpu.memref_slice %arg6[%dma_wait3A_514] : memref<32768xf32, #tpu.memory_space<vmem>> -> memref<4096xf32, #tpu.memory_space<vmem>>
    %dma_wait3A_516 = arith.constant 0 : i32
    %dma_wait3A_517 = tpu.memref_slice %arg2[%add3A_418, %dma_wait3A_516] : memref<1024x4096xf32, #tpu.memory_space<hbm>> -> memref<1x4096xf32, #tpu.memory_space<hbm>>
    %dma_wait3A_518 = tpu.memref_squeeze %dma_wait3A_517 : memref<1x4096xf32, #tpu.memory_space<hbm>> -> memref<4096xf32, #tpu.memory_space<hbm>>
    %dma_wait3A_519 = arith.constant 16384 : i32
    %dma_wait3A_520 = tpu.memref_slice %arg6[%dma_wait3A_519] : memref<32768xf32, #tpu.memory_space<vmem>> -> memref<4096xf32, #tpu.memory_space<vmem>>
    %dma_wait3A_521 = arith.constant 0 : i32
    %dma_wait3A_522 = tpu.memref_slice %arg2[%add3A_418, %dma_wait3A_521] : memref<1024x4096xf32, #tpu.memory_space<hbm>> -> memref<1x4096xf32, #tpu.memory_space<hbm>>
    %dma_wait3A_523 = tpu.memref_squeeze %dma_wait3A_522 : memref<1x4096xf32, #tpu.memory_space<hbm>> -> memref<4096xf32, #tpu.memory_space<hbm>>
    tpu.wait_dma2 semaphore(%arg12 : memref<!tpu.dma_semaphore, #tpu.memory_space<semaphore_mem>>) src(%dma_wait3A_523 : memref<4096xf32, #tpu.memory_space<hbm>>) dst(%dma_wait3A_520 : memref<4096xf32, #tpu.memory_space<vmem>>)
    %dma_wait3A_524 = arith.constant 20480 : i32
    %dma_wait3A_525 = tpu.memref_slice %arg6[%dma_wait3A_524] : memref<32768xf32, #tpu.memory_space<vmem>> -> memref<4096xf32, #tpu.memory_space<vmem>>
    %dma_wait3A_526 = arith.constant 0 : i32
    %dma_wait3A_527 = tpu.memref_slice %arg2[%add3A_430, %dma_wait3A_526] : memref<1024x4096xf32, #tpu.memory_space<hbm>> -> memref<1x4096xf32, #tpu.memory_space<hbm>>
    %dma_wait3A_528 = tpu.memref_squeeze %dma_wait3A_527 : memref<1x4096xf32, #tpu.memory_space<hbm>> -> memref<4096xf32, #tpu.memory_space<hbm>>
    %dma_wait3A_529 = arith.constant 20480 : i32
    %dma_wait3A_530 = tpu.memref_slice %arg6[%dma_wait3A_529] : memref<32768xf32, #tpu.memory_space<vmem>> -> memref<4096xf32, #tpu.memory_space<vmem>>
    %dma_wait3A_531 = arith.constant 0 : i32
    %dma_wait3A_532 = tpu.memref_slice %arg2[%add3A_430, %dma_wait3A_531] : memref<1024x4096xf32, #tpu.memory_space<hbm>> -> memref<1x4096xf32, #tpu.memory_space<hbm>>
    %dma_wait3A_533 = tpu.memref_squeeze %dma_wait3A_532 : memref<1x4096xf32, #tpu.memory_space<hbm>> -> memref<4096xf32, #tpu.memory_space<hbm>>
    tpu.wait_dma2 semaphore(%arg12 : memref<!tpu.dma_semaphore, #tpu.memory_space<semaphore_mem>>) src(%dma_wait3A_533 : memref<4096xf32, #tpu.memory_space<hbm>>) dst(%dma_wait3A_530 : memref<4096xf32, #tpu.memory_space<vmem>>)
    %dma_wait3A_534 = arith.constant 24576 : i32
    %dma_wait3A_535 = tpu.memref_slice %arg6[%dma_wait3A_534] : memref<32768xf32, #tpu.memory_space<vmem>> -> memref<4096xf32, #tpu.memory_space<vmem>>
    %dma_wait3A_536 = arith.constant 0 : i32
    %dma_wait3A_537 = tpu.memref_slice %arg2[%add3A_442, %dma_wait3A_536] : memref<1024x4096xf32, #tpu.memory_space<hbm>> -> memref<1x4096xf32, #tpu.memory_space<hbm>>
    %dma_wait3A_538 = tpu.memref_squeeze %dma_wait3A_537 : memref<1x4096xf32, #tpu.memory_space<hbm>> -> memref<4096xf32, #tpu.memory_space<hbm>>
    %dma_wait3A_539 = arith.constant 24576 : i32
    %dma_wait3A_540 = tpu.memref_slice %arg6[%dma_wait3A_539] : memref<32768xf32, #tpu.memory_space<vmem>> -> memref<4096xf32, #tpu.memory_space<vmem>>
    %dma_wait3A_541 = arith.constant 0 : i32
    %dma_wait3A_542 = tpu.memref_slice %arg2[%add3A_442, %dma_wait3A_541] : memref<1024x4096xf32, #tpu.memory_space<hbm>> -> memref<1x4096xf32, #tpu.memory_space<hbm>>
    %dma_wait3A_543 = tpu.memref_squeeze %dma_wait3A_542 : memref<1x4096xf32, #tpu.memory_space<hbm>> -> memref<4096xf32, #tpu.memory_space<hbm>>
    tpu.wait_dma2 semaphore(%arg12 : memref<!tpu.dma_semaphore, #tpu.memory_space<semaphore_mem>>) src(%dma_wait3A_543 : memref<4096xf32, #tpu.memory_space<hbm>>) dst(%dma_wait3A_540 : memref<4096xf32, #tpu.memory_space<vmem>>)
    %dma_wait3A_544 = arith.constant 28672 : i32
    %dma_wait3A_545 = tpu.memref_slice %arg6[%dma_wait3A_544] : memref<32768xf32, #tpu.memory_space<vmem>> -> memref<4096xf32, #tpu.memory_space<vmem>>
    %dma_wait3A_546 = arith.constant 0 : i32
    %dma_wait3A_547 = tpu.memref_slice %arg2[%add3A_454, %dma_wait3A_546] : memref<1024x4096xf32, #tpu.memory_space<hbm>> -> memref<1x4096xf32, #tpu.memory_space<hbm>>
    %dma_wait3A_548 = tpu.memref_squeeze %dma_wait3A_547 : memref<1x4096xf32, #tpu.memory_space<hbm>> -> memref<4096xf32, #tpu.memory_space<hbm>>
    %dma_wait3A_549 = arith.constant 28672 : i32
    %dma_wait3A_550 = tpu.memref_slice %arg6[%dma_wait3A_549] : memref<32768xf32, #tpu.memory_space<vmem>> -> memref<4096xf32, #tpu.memory_space<vmem>>
    %dma_wait3A_551 = arith.constant 0 : i32
    %dma_wait3A_552 = tpu.memref_slice %arg2[%add3A_454, %dma_wait3A_551] : memref<1024x4096xf32, #tpu.memory_space<hbm>> -> memref<1x4096xf32, #tpu.memory_space<hbm>>
    %dma_wait3A_553 = tpu.memref_squeeze %dma_wait3A_552 : memref<1x4096xf32, #tpu.memory_space<hbm>> -> memref<4096xf32, #tpu.memory_space<hbm>>
    tpu.wait_dma2 semaphore(%arg12 : memref<!tpu.dma_semaphore, #tpu.memory_space<semaphore_mem>>) src(%dma_wait3A_553 : memref<4096xf32, #tpu.memory_space<hbm>>) dst(%dma_wait3A_550 : memref<4096xf32, #tpu.memory_space<vmem>>)
    %add3A_554 = arith.constant 8 : i32
    %add3A_555 = arith.addi %add3A_473, %add3A_554 : i32
    %add3A_556 = arith.constant 0 : i32
    %add3A_557 = arith.addi %add3A_555, %add3A_556 : i32
    %dma_start3A_558 = arith.constant 0 : i32
    %dma_start3A_559 = tpu.memref_slice %arg7[%dma_start3A_558] : memref<32768xf32, #tpu.memory_space<vmem>> -> memref<4096xf32, #tpu.memory_space<vmem>>
    %dma_start3A_560 = arith.constant 0 : i32
    %dma_start3A_561 = tpu.memref_slice %arg2[%add3A_557, %dma_start3A_560] : memref<1024x4096xf32, #tpu.memory_space<hbm>> -> memref<1x4096xf32, #tpu.memory_space<hbm>>
    %dma_start3A_562 = tpu.memref_squeeze %dma_start3A_561 : memref<1x4096xf32, #tpu.memory_space<hbm>> -> memref<4096xf32, #tpu.memory_space<hbm>>
    %dma_start3A_563 = arith.constant 0 : i32
    %dma_start3A_564 = tpu.memref_slice %arg7[%dma_start3A_563] : memref<32768xf32, #tpu.memory_space<vmem>> -> memref<4096xf32, #tpu.memory_space<vmem>>
    %dma_start3A_565 = arith.constant 0 : i32
    %dma_start3A_566 = tpu.memref_slice %arg2[%add3A_557, %dma_start3A_565] : memref<1024x4096xf32, #tpu.memory_space<hbm>> -> memref<1x4096xf32, #tpu.memory_space<hbm>>
    %dma_start3A_567 = tpu.memref_squeeze %dma_start3A_566 : memref<1x4096xf32, #tpu.memory_space<hbm>> -> memref<4096xf32, #tpu.memory_space<hbm>>
    tpu.enqueue_dma source(%dma_start3A_567 : memref<4096xf32, #tpu.memory_space<hbm>>) target(%dma_start3A_564 : memref<4096xf32, #tpu.memory_space<vmem>>) target_semaphore(%arg13 : memref<!tpu.dma_semaphore, #tpu.memory_space<semaphore_mem>>)
    %add3A_568 = arith.constant 1 : i32
    %add3A_569 = arith.addi %add3A_555, %add3A_568 : i32
    %dma_start3A_570 = arith.constant 4096 : i32
    %dma_start3A_571 = tpu.memref_slice %arg7[%dma_start3A_570] : memref<32768xf32, #tpu.memory_space<vmem>> -> memref<4096xf32, #tpu.memory_space<vmem>>
    %dma_start3A_572 = arith.constant 0 : i32
    %dma_start3A_573 = tpu.memref_slice %arg2[%add3A_569, %dma_start3A_572] : memref<1024x4096xf32, #tpu.memory_space<hbm>> -> memref<1x4096xf32, #tpu.memory_space<hbm>>
    %dma_start3A_574 = tpu.memref_squeeze %dma_start3A_573 : memref<1x4096xf32, #tpu.memory_space<hbm>> -> memref<4096xf32, #tpu.memory_space<hbm>>
    %dma_start3A_575 = arith.constant 4096 : i32
    %dma_start3A_576 = tpu.memref_slice %arg7[%dma_start3A_575] : memref<32768xf32, #tpu.memory_space<vmem>> -> memref<4096xf32, #tpu.memory_space<vmem>>
    %dma_start3A_577 = arith.constant 0 : i32
    %dma_start3A_578 = tpu.memref_slice %arg2[%add3A_569, %dma_start3A_577] : memref<1024x4096xf32, #tpu.memory_space<hbm>> -> memref<1x4096xf32, #tpu.memory_space<hbm>>
    %dma_start3A_579 = tpu.memref_squeeze %dma_start3A_578 : memref<1x4096xf32, #tpu.memory_space<hbm>> -> memref<4096xf32, #tpu.memory_space<hbm>>
    tpu.enqueue_dma source(%dma_start3A_579 : memref<4096xf32, #tpu.memory_space<hbm>>) target(%dma_start3A_576 : memref<4096xf32, #tpu.memory_space<vmem>>) target_semaphore(%arg13 : memref<!tpu.dma_semaphore, #tpu.memory_space<semaphore_mem>>)
    %add3A_580 = arith.constant 2 : i32
    %add3A_581 = arith.addi %add3A_555, %add3A_580 : i32
    %dma_start3A_582 = arith.constant 8192 : i32
    %dma_start3A_583 = tpu.memref_slice %arg7[%dma_start3A_582] : memref<32768xf32, #tpu.memory_space<vmem>> -> memref<4096xf32, #tpu.memory_space<vmem>>
    %dma_start3A_584 = arith.constant 0 : i32
    %dma_start3A_585 = tpu.memref_slice %arg2[%add3A_581, %dma_start3A_584] : memref<1024x4096xf32, #tpu.memory_space<hbm>> -> memref<1x4096xf32, #tpu.memory_space<hbm>>
    %dma_start3A_586 = tpu.memref_squeeze %dma_start3A_585 : memref<1x4096xf32, #tpu.memory_space<hbm>> -> memref<4096xf32, #tpu.memory_space<hbm>>
    %dma_start3A_587 = arith.constant 8192 : i32
    %dma_start3A_588 = tpu.memref_slice %arg7[%dma_start3A_587] : memref<32768xf32, #tpu.memory_space<vmem>> -> memref<4096xf32, #tpu.memory_space<vmem>>
    %dma_start3A_589 = arith.constant 0 : i32
    %dma_start3A_590 = tpu.memref_slice %arg2[%add3A_581, %dma_start3A_589] : memref<1024x4096xf32, #tpu.memory_space<hbm>> -> memref<1x4096xf32, #tpu.memory_space<hbm>>
    %dma_start3A_591 = tpu.memref_squeeze %dma_start3A_590 : memref<1x4096xf32, #tpu.memory_space<hbm>> -> memref<4096xf32, #tpu.memory_space<hbm>>
    tpu.enqueue_dma source(%dma_start3A_591 : memref<4096xf32, #tpu.memory_space<hbm>>) target(%dma_start3A_588 : memref<4096xf32, #tpu.memory_space<vmem>>) target_semaphore(%arg13 : memref<!tpu.dma_semaphore, #tpu.memory_space<semaphore_mem>>)
    %add3A_592 = arith.constant 3 : i32
    %add3A_593 = arith.addi %add3A_555, %add3A_592 : i32
    %dma_start3A_594 = arith.constant 12288 : i32
    %dma_start3A_595 = tpu.memref_slice %arg7[%dma_start3A_594] : memref<32768xf32, #tpu.memory_space<vmem>> -> memref<4096xf32, #tpu.memory_space<vmem>>
    %dma_start3A_596 = arith.constant 0 : i32
    %dma_start3A_597 = tpu.memref_slice %arg2[%add3A_593, %dma_start3A_596] : memref<1024x4096xf32, #tpu.memory_space<hbm>> -> memref<1x4096xf32, #tpu.memory_space<hbm>>
    %dma_start3A_598 = tpu.memref_squeeze %dma_start3A_597 : memref<1x4096xf32, #tpu.memory_space<hbm>> -> memref<4096xf32, #tpu.memory_space<hbm>>
    %dma_start3A_599 = arith.constant 12288 : i32
    %dma_start3A_600 = tpu.memref_slice %arg7[%dma_start3A_599] : memref<32768xf32, #tpu.memory_space<vmem>> -> memref<4096xf32, #tpu.memory_space<vmem>>
    %dma_start3A_601 = arith.constant 0 : i32
    %dma_start3A_602 = tpu.memref_slice %arg2[%add3A_593, %dma_start3A_601] : memref<1024x4096xf32, #tpu.memory_space<hbm>> -> memref<1x4096xf32, #tpu.memory_space<hbm>>
    %dma_start3A_603 = tpu.memref_squeeze %dma_start3A_602 : memref<1x4096xf32, #tpu.memory_space<hbm>> -> memref<4096xf32, #tpu.memory_space<hbm>>
    tpu.enqueue_dma source(%dma_start3A_603 : memref<4096xf32, #tpu.memory_space<hbm>>) target(%dma_start3A_600 : memref<4096xf32, #tpu.memory_space<vmem>>) target_semaphore(%arg13 : memref<!tpu.dma_semaphore, #tpu.memory_space<semaphore_mem>>)
    %add3A_604 = arith.constant 4 : i32
    %add3A_605 = arith.addi %add3A_555, %add3A_604 : i32
    %dma_start3A_606 = arith.constant 16384 : i32
    %dma_start3A_607 = tpu.memref_slice %arg7[%dma_start3A_606] : memref<32768xf32, #tpu.memory_space<vmem>> -> memref<4096xf32, #tpu.memory_space<vmem>>
    %dma_start3A_608 = arith.constant 0 : i32
    %dma_start3A_609 = tpu.memref_slice %arg2[%add3A_605, %dma_start3A_608] : memref<1024x4096xf32, #tpu.memory_space<hbm>> -> memref<1x4096xf32, #tpu.memory_space<hbm>>
    %dma_start3A_610 = tpu.memref_squeeze %dma_start3A_609 : memref<1x4096xf32, #tpu.memory_space<hbm>> -> memref<4096xf32, #tpu.memory_space<hbm>>
    %dma_start3A_611 = arith.constant 16384 : i32
    %dma_start3A_612 = tpu.memref_slice %arg7[%dma_start3A_611] : memref<32768xf32, #tpu.memory_space<vmem>> -> memref<4096xf32, #tpu.memory_space<vmem>>
    %dma_start3A_613 = arith.constant 0 : i32
    %dma_start3A_614 = tpu.memref_slice %arg2[%add3A_605, %dma_start3A_613] : memref<1024x4096xf32, #tpu.memory_space<hbm>> -> memref<1x4096xf32, #tpu.memory_space<hbm>>
    %dma_start3A_615 = tpu.memref_squeeze %dma_start3A_614 : memref<1x4096xf32, #tpu.memory_space<hbm>> -> memref<4096xf32, #tpu.memory_space<hbm>>
    tpu.enqueue_dma source(%dma_start3A_615 : memref<4096xf32, #tpu.memory_space<hbm>>) target(%dma_start3A_612 : memref<4096xf32, #tpu.memory_space<vmem>>) target_semaphore(%arg13 : memref<!tpu.dma_semaphore, #tpu.memory_space<semaphore_mem>>)
    %add3A_616 = arith.constant 5 : i32
    %add3A_617 = arith.addi %add3A_555, %add3A_616 : i32
    %dma_start3A_618 = arith.constant 20480 : i32
    %dma_start3A_619 = tpu.memref_slice %arg7[%dma_start3A_618] : memref<32768xf32, #tpu.memory_space<vmem>> -> memref<4096xf32, #tpu.memory_space<vmem>>
    %dma_start3A_620 = arith.constant 0 : i32
    %dma_start3A_621 = tpu.memref_slice %arg2[%add3A_617, %dma_start3A_620] : memref<1024x4096xf32, #tpu.memory_space<hbm>> -> memref<1x4096xf32, #tpu.memory_space<hbm>>
    %dma_start3A_622 = tpu.memref_squeeze %dma_start3A_621 : memref<1x4096xf32, #tpu.memory_space<hbm>> -> memref<4096xf32, #tpu.memory_space<hbm>>
    %dma_start3A_623 = arith.constant 20480 : i32
    %dma_start3A_624 = tpu.memref_slice %arg7[%dma_start3A_623] : memref<32768xf32, #tpu.memory_space<vmem>> -> memref<4096xf32, #tpu.memory_space<vmem>>
    %dma_start3A_625 = arith.constant 0 : i32
    %dma_start3A_626 = tpu.memref_slice %arg2[%add3A_617, %dma_start3A_625] : memref<1024x4096xf32, #tpu.memory_space<hbm>> -> memref<1x4096xf32, #tpu.memory_space<hbm>>
    %dma_start3A_627 = tpu.memref_squeeze %dma_start3A_626 : memref<1x4096xf32, #tpu.memory_space<hbm>> -> memref<4096xf32, #tpu.memory_space<hbm>>
    tpu.enqueue_dma source(%dma_start3A_627 : memref<4096xf32, #tpu.memory_space<hbm>>) target(%dma_start3A_624 : memref<4096xf32, #tpu.memory_space<vmem>>) target_semaphore(%arg13 : memref<!tpu.dma_semaphore, #tpu.memory_space<semaphore_mem>>)
    %add3A_628 = arith.constant 6 : i32
    %add3A_629 = arith.addi %add3A_555, %add3A_628 : i32
    %dma_start3A_630 = arith.constant 24576 : i32
    %dma_start3A_631 = tpu.memref_slice %arg7[%dma_start3A_630] : memref<32768xf32, #tpu.memory_space<vmem>> -> memref<4096xf32, #tpu.memory_space<vmem>>
    %dma_start3A_632 = arith.constant 0 : i32
    %dma_start3A_633 = tpu.memref_slice %arg2[%add3A_629, %dma_start3A_632] : memref<1024x4096xf32, #tpu.memory_space<hbm>> -> memref<1x4096xf32, #tpu.memory_space<hbm>>
    %dma_start3A_634 = tpu.memref_squeeze %dma_start3A_633 : memref<1x4096xf32, #tpu.memory_space<hbm>> -> memref<4096xf32, #tpu.memory_space<hbm>>
    %dma_start3A_635 = arith.constant 24576 : i32
    %dma_start3A_636 = tpu.memref_slice %arg7[%dma_start3A_635] : memref<32768xf32, #tpu.memory_space<vmem>> -> memref<4096xf32, #tpu.memory_space<vmem>>
    %dma_start3A_637 = arith.constant 0 : i32
    %dma_start3A_638 = tpu.memref_slice %arg2[%add3A_629, %dma_start3A_637] : memref<1024x4096xf32, #tpu.memory_space<hbm>> -> memref<1x4096xf32, #tpu.memory_space<hbm>>
    %dma_start3A_639 = tpu.memref_squeeze %dma_start3A_638 : memref<1x4096xf32, #tpu.memory_space<hbm>> -> memref<4096xf32, #tpu.memory_space<hbm>>
    tpu.enqueue_dma source(%dma_start3A_639 : memref<4096xf32, #tpu.memory_space<hbm>>) target(%dma_start3A_636 : memref<4096xf32, #tpu.memory_space<vmem>>) target_semaphore(%arg13 : memref<!tpu.dma_semaphore, #tpu.memory_space<semaphore_mem>>)
    %add3A_640 = arith.constant 7 : i32
    %add3A_641 = arith.addi %add3A_555, %add3A_640 : i32
    %dma_start3A_642 = arith.constant 28672 : i32
    %dma_start3A_643 = tpu.memref_slice %arg7[%dma_start3A_642] : memref<32768xf32, #tpu.memory_space<vmem>> -> memref<4096xf32, #tpu.memory_space<vmem>>
    %dma_start3A_644 = arith.constant 0 : i32
    %dma_start3A_645 = tpu.memref_slice %arg2[%add3A_641, %dma_start3A_644] : memref<1024x4096xf32, #tpu.memory_space<hbm>> -> memref<1x4096xf32, #tpu.memory_space<hbm>>
    %dma_start3A_646 = tpu.memref_squeeze %dma_start3A_645 : memref<1x4096xf32, #tpu.memory_space<hbm>> -> memref<4096xf32, #tpu.memory_space<hbm>>
    %dma_start3A_647 = arith.constant 28672 : i32
    %dma_start3A_648 = tpu.memref_slice %arg7[%dma_start3A_647] : memref<32768xf32, #tpu.memory_space<vmem>> -> memref<4096xf32, #tpu.memory_space<vmem>>
    %dma_start3A_649 = arith.constant 0 : i32
    %dma_start3A_650 = tpu.memref_slice %arg2[%add3A_641, %dma_start3A_649] : memref<1024x4096xf32, #tpu.memory_space<hbm>> -> memref<1x4096xf32, #tpu.memory_space<hbm>>
    %dma_start3A_651 = tpu.memref_squeeze %dma_start3A_650 : memref<1x4096xf32, #tpu.memory_space<hbm>> -> memref<4096xf32, #tpu.memory_space<hbm>>
    tpu.enqueue_dma source(%dma_start3A_651 : memref<4096xf32, #tpu.memory_space<hbm>>) target(%dma_start3A_648 : memref<4096xf32, #tpu.memory_space<vmem>>) target_semaphore(%arg13 : memref<!tpu.dma_semaphore, #tpu.memory_space<semaphore_mem>>)
    %scan3A_652 = arith.constant 0 : i32
    %scan3A_653 = arith.constant 0 : i32
    %scan3A_654 = arith.constant 8 : i32
    %scan3A_655 = arith.addi %scan3A_653, %scan3A_654 : i32
    %scan3A_656 = arith.constant 1 : i32
    %scan3A_657 = scf.for %scan3A_748 = %scan3A_653 to %scan3A_655 step %scan3A_656 iter_args(%scan3A_749 = %scan3A_652) -> (i32)  : i32 {
      %mul3A_750 = arith.constant 1024 : i32
      %mul3A_751 = arith.muli %scan3A_748, %mul3A_750 : i32
      %parallel_loop3A = arith.constant 0 : i32
      %parallel_loop3A_752 = arith.constant 64 : i32
      %parallel_loop3A_753 = arith.constant 1 : i32
      scf.for %parallel_loop3A_755 = %parallel_loop3A to %parallel_loop3A_752 step %parallel_loop3A_753  : i32 {
        %parallel_loop3A_756 = arith.constant 16 : i32
        %parallel_loop3A_757 = arith.muli %parallel_loop3A_755, %parallel_loop3A_756 : i32
        %parallel_loop3A_758 = arith.addi %mul3A_751, %parallel_loop3A_757 : i32
        %parallel_loop3A_759 = arith.index_cast %parallel_loop3A_758 : i32 to index
        %parallel_loop3A_760 = tpu.vector_load %arg8[%parallel_loop3A_759] {strides = array<i32>} : memref<8192xi32, #tpu.memory_space<vmem>>, vector<16xi32>,
        %parallel_loop3A_761 = arith.constant 4095 : i32
        %parallel_loop3A_762 = vector.broadcast %parallel_loop3A_761 : i32 to vector<16xi32>
        %parallel_loop3A_763 = arith.andi %parallel_loop3A_760, %parallel_loop3A_762 : vector<16xi32>
        %parallel_loop3A_764 = arith.constant 16 : i32
        %parallel_loop3A_765 = vector.broadcast %parallel_loop3A_764 : i32 to vector<16xi32>
        %parallel_loop3A_766 = arith.shrui %parallel_loop3A_760, %parallel_loop3A_765 : vector<16xi32>
        %parallel_loop3A_767 = arith.constant 0 : i32
        %parallel_loop3A_768 = arith.index_cast %parallel_loop3A_767 : i32 to index
        %parallel_loop3A_769 = arith.index_cast %parallel_loop3A_758 : i32 to index
        %parallel_loop3A_770 = tpu.vector_load %arg9[%parallel_loop3A_768, %parallel_loop3A_769] {strides = array<i32>} : memref<4x8192xf32, #tpu.memory_space<vmem>>, vector<16xf32>,
        %parallel_loop3A_771 = arith.constant 1 : i32
        %parallel_loop3A_772 = arith.index_cast %parallel_loop3A_771 : i32 to index
        %parallel_loop3A_773 = arith.index_cast %parallel_loop3A_758 : i32 to index
        %parallel_loop3A_774 = tpu.vector_load %arg9[%parallel_loop3A_772, %parallel_loop3A_773] {strides = array<i32>} : memref<4x8192xf32, #tpu.memory_space<vmem>>, vector<16xf32>,
        %parallel_loop3A_775 = arith.constant 2 : i32
        %parallel_loop3A_776 = arith.index_cast %parallel_loop3A_775 : i32 to index
        %parallel_loop3A_777 = arith.index_cast %parallel_loop3A_758 : i32 to index
        %parallel_loop3A_778 = tpu.vector_load %arg9[%parallel_loop3A_776, %parallel_loop3A_777] {strides = array<i32>} : memref<4x8192xf32, #tpu.memory_space<vmem>>, vector<16xf32>,
        %parallel_loop3A_779 = arith.constant 3 : i32
        %parallel_loop3A_780 = arith.index_cast %parallel_loop3A_779 : i32 to index
        %parallel_loop3A_781 = arith.index_cast %parallel_loop3A_758 : i32 to index
        %parallel_loop3A_782 = tpu.vector_load %arg9[%parallel_loop3A_780, %parallel_loop3A_781] {strides = array<i32>} : memref<4x8192xf32, #tpu.memory_space<vmem>>, vector<16xf32>,
        %parallel_loop3A_783 = arith.constant 0 : i32
        %parallel_loop3A_784 = tpu.memref_slice %arg6[%parallel_loop3A_783] : memref<32768xf32, #tpu.memory_space<vmem>> -> memref<4096xf32, #tpu.memory_space<vmem>>
        %parallel_loop3A_785 = tpu.vector_load_idx %parallel_loop3A_784[%parallel_loop3A_763] : memref<4096xf32, #tpu.memory_space<vmem>>[vector<16xi32>], vector<16xf32>,
        %parallel_loop3A_786 = arith.constant 0 : i32
        %parallel_loop3A_787 = tpu.memref_slice %arg6[%parallel_loop3A_786] : memref<32768xf32, #tpu.memory_space<vmem>> -> memref<4096xf32, #tpu.memory_space<vmem>>
        %parallel_loop3A_788 = tpu.vector_load_idx %parallel_loop3A_787[%parallel_loop3A_766] : memref<4096xf32, #tpu.memory_space<vmem>>[vector<16xi32>], vector<16xf32>,
        %parallel_loop3A_789 = arith.mulf %parallel_loop3A_774, %parallel_loop3A_785 : vector<16xf32>
        %parallel_loop3A_790 = arith.addf %parallel_loop3A_770, %parallel_loop3A_789 : vector<16xf32>
        %parallel_loop3A_791 = arith.mulf %parallel_loop3A_778, %parallel_loop3A_788 : vector<16xf32>
        %parallel_loop3A_792 = arith.addf %parallel_loop3A_790, %parallel_loop3A_791 : vector<16xf32>
        %parallel_loop3A_793 = arith.mulf %parallel_loop3A_785, %parallel_loop3A_788 : vector<16xf32>
        %parallel_loop3A_794 = arith.mulf %parallel_loop3A_782, %parallel_loop3A_793 : vector<16xf32>
        %parallel_loop3A_795 = arith.addf %parallel_loop3A_792, %parallel_loop3A_794 : vector<16xf32>
        %parallel_loop3A_796 = arith.constant 16 : i32
        %parallel_loop3A_797 = arith.muli %parallel_loop3A_755, %parallel_loop3A_796 : i32
        %parallel_loop3A_798 = arith.constant 0 : i32
        %parallel_loop3A_799 = arith.index_cast %parallel_loop3A_798 : i32 to index
        %parallel_loop3A_800 = arith.index_cast %parallel_loop3A_797 : i32 to index
        %parallel_loop3A_801 = tpu.vector_load %arg10[%parallel_loop3A_799, %parallel_loop3A_800] {strides = array<i32>} : memref<8x1024xf32, #tpu.memory_space<vmem>>, vector<16xf32>,
        tpu.vector_store %arg10[%parallel_loop3A_799, %parallel_loop3A_800], %parallel_loop3A_795 {strides = array<i32>} : memref<8x1024xf32, #tpu.memory_space<vmem>>, vector<16xf32>,
        %parallel_loop3A_802 = arith.constant 4096 : i32
        %parallel_loop3A_803 = tpu.memref_slice %arg6[%parallel_loop3A_802] : memref<32768xf32, #tpu.memory_space<vmem>> -> memref<4096xf32, #tpu.memory_space<vmem>>
        %parallel_loop3A_804 = tpu.vector_load_idx %parallel_loop3A_803[%parallel_loop3A_763] : memref<4096xf32, #tpu.memory_space<vmem>>[vector<16xi32>], vector<16xf32>,
        %parallel_loop3A_805 = arith.constant 4096 : i32
        %parallel_loop3A_806 = tpu.memref_slice %arg6[%parallel_loop3A_805] : memref<32768xf32, #tpu.memory_space<vmem>> -> memref<4096xf32, #tpu.memory_space<vmem>>
        %parallel_loop3A_807 = tpu.vector_load_idx %parallel_loop3A_806[%parallel_loop3A_766] : memref<4096xf32, #tpu.memory_space<vmem>>[vector<16xi32>], vector<16xf32>,
        %parallel_loop3A_808 = arith.mulf %parallel_loop3A_774, %parallel_loop3A_804 : vector<16xf32>
        %parallel_loop3A_809 = arith.addf %parallel_loop3A_770, %parallel_loop3A_808 : vector<16xf32>
        %parallel_loop3A_810 = arith.mulf %parallel_loop3A_778, %parallel_loop3A_807 : vector<16xf32>
        %parallel_loop3A_811 = arith.addf %parallel_loop3A_809, %parallel_loop3A_810 : vector<16xf32>
        %parallel_loop3A_812 = arith.mulf %parallel_loop3A_804, %parallel_loop3A_807 : vector<16xf32>
        %parallel_loop3A_813 = arith.mulf %parallel_loop3A_782, %parallel_loop3A_812 : vector<16xf32>
        %parallel_loop3A_814 = arith.addf %parallel_loop3A_811, %parallel_loop3A_813 : vector<16xf32>
        %parallel_loop3A_815 = arith.constant 16 : i32
        %parallel_loop3A_816 = arith.muli %parallel_loop3A_755, %parallel_loop3A_815 : i32
        %parallel_loop3A_817 = arith.constant 1 : i32
        %parallel_loop3A_818 = arith.index_cast %parallel_loop3A_817 : i32 to index
        %parallel_loop3A_819 = arith.index_cast %parallel_loop3A_816 : i32 to index
        %parallel_loop3A_820 = tpu.vector_load %arg10[%parallel_loop3A_818, %parallel_loop3A_819] {strides = array<i32>} : memref<8x1024xf32, #tpu.memory_space<vmem>>, vector<16xf32>,
        tpu.vector_store %arg10[%parallel_loop3A_818, %parallel_loop3A_819], %parallel_loop3A_814 {strides = array<i32>} : memref<8x1024xf32, #tpu.memory_space<vmem>>, vector<16xf32>,
        %parallel_loop3A_821 = arith.constant 8192 : i32
        %parallel_loop3A_822 = tpu.memref_slice %arg6[%parallel_loop3A_821] : memref<32768xf32, #tpu.memory_space<vmem>> -> memref<4096xf32, #tpu.memory_space<vmem>>
        %parallel_loop3A_823 = tpu.vector_load_idx %parallel_loop3A_822[%parallel_loop3A_763] : memref<4096xf32, #tpu.memory_space<vmem>>[vector<16xi32>], vector<16xf32>,
        %parallel_loop3A_824 = arith.constant 8192 : i32
        %parallel_loop3A_825 = tpu.memref_slice %arg6[%parallel_loop3A_824] : memref<32768xf32, #tpu.memory_space<vmem>> -> memref<4096xf32, #tpu.memory_space<vmem>>
        %parallel_loop3A_826 = tpu.vector_load_idx %parallel_loop3A_825[%parallel_loop3A_766] : memref<4096xf32, #tpu.memory_space<vmem>>[vector<16xi32>], vector<16xf32>,
        %parallel_loop3A_827 = arith.mulf %parallel_loop3A_774, %parallel_loop3A_823 : vector<16xf32>
        %parallel_loop3A_828 = arith.addf %parallel_loop3A_770, %parallel_loop3A_827 : vector<16xf32>
        %parallel_loop3A_829 = arith.mulf %parallel_loop3A_778, %parallel_loop3A_826 : vector<16xf32>
        %parallel_loop3A_830 = arith.addf %parallel_loop3A_828, %parallel_loop3A_829 : vector<16xf32>
        %parallel_loop3A_831 = arith.mulf %parallel_loop3A_823, %parallel_loop3A_826 : vector<16xf32>
        %parallel_loop3A_832 = arith.mulf %parallel_loop3A_782, %parallel_loop3A_831 : vector<16xf32>
        %parallel_loop3A_833 = arith.addf %parallel_loop3A_830, %parallel_loop3A_832 : vector<16xf32>
        %parallel_loop3A_834 = arith.constant 16 : i32
        %parallel_loop3A_835 = arith.muli %parallel_loop3A_755, %parallel_loop3A_834 : i32
        %parallel_loop3A_836 = arith.constant 2 : i32
        %parallel_loop3A_837 = arith.index_cast %parallel_loop3A_836 : i32 to index
        %parallel_loop3A_838 = arith.index_cast %parallel_loop3A_835 : i32 to index
        %parallel_loop3A_839 = tpu.vector_load %arg10[%parallel_loop3A_837, %parallel_loop3A_838] {strides = array<i32>} : memref<8x1024xf32, #tpu.memory_space<vmem>>, vector<16xf32>,
        tpu.vector_store %arg10[%parallel_loop3A_837, %parallel_loop3A_838], %parallel_loop3A_833 {strides = array<i32>} : memref<8x1024xf32, #tpu.memory_space<vmem>>, vector<16xf32>,
        %parallel_loop3A_840 = arith.constant 12288 : i32
        %parallel_loop3A_841 = tpu.memref_slice %arg6[%parallel_loop3A_840] : memref<32768xf32, #tpu.memory_space<vmem>> -> memref<4096xf32, #tpu.memory_space<vmem>>
        %parallel_loop3A_842 = tpu.vector_load_idx %parallel_loop3A_841[%parallel_loop3A_763] : memref<4096xf32, #tpu.memory_space<vmem>>[vector<16xi32>], vector<16xf32>,
        %parallel_loop3A_843 = arith.constant 12288 : i32
        %parallel_loop3A_844 = tpu.memref_slice %arg6[%parallel_loop3A_843] : memref<32768xf32, #tpu.memory_space<vmem>> -> memref<4096xf32, #tpu.memory_space<vmem>>
        %parallel_loop3A_845 = tpu.vector_load_idx %parallel_loop3A_844[%parallel_loop3A_766] : memref<4096xf32, #tpu.memory_space<vmem>>[vector<16xi32>], vector<16xf32>,
        %parallel_loop3A_846 = arith.mulf %parallel_loop3A_774, %parallel_loop3A_842 : vector<16xf32>
        %parallel_loop3A_847 = arith.addf %parallel_loop3A_770, %parallel_loop3A_846 : vector<16xf32>
        %parallel_loop3A_848 = arith.mulf %parallel_loop3A_778, %parallel_loop3A_845 : vector<16xf32>
        %parallel_loop3A_849 = arith.addf %parallel_loop3A_847, %parallel_loop3A_848 : vector<16xf32>
        %parallel_loop3A_850 = arith.mulf %parallel_loop3A_842, %parallel_loop3A_845 : vector<16xf32>
        %parallel_loop3A_851 = arith.mulf %parallel_loop3A_782, %parallel_loop3A_850 : vector<16xf32>
        %parallel_loop3A_852 = arith.addf %parallel_loop3A_849, %parallel_loop3A_851 : vector<16xf32>
        %parallel_loop3A_853 = arith.constant 16 : i32
        %parallel_loop3A_854 = arith.muli %parallel_loop3A_755, %parallel_loop3A_853 : i32
        %parallel_loop3A_855 = arith.constant 3 : i32
        %parallel_loop3A_856 = arith.index_cast %parallel_loop3A_855 : i32 to index
        %parallel_loop3A_857 = arith.index_cast %parallel_loop3A_854 : i32 to index
        %parallel_loop3A_858 = tpu.vector_load %arg10[%parallel_loop3A_856, %parallel_loop3A_857] {strides = array<i32>} : memref<8x1024xf32, #tpu.memory_space<vmem>>, vector<16xf32>,
        tpu.vector_store %arg10[%parallel_loop3A_856, %parallel_loop3A_857], %parallel_loop3A_852 {strides = array<i32>} : memref<8x1024xf32, #tpu.memory_space<vmem>>, vector<16xf32>,
        %parallel_loop3A_859 = arith.constant 16384 : i32
        %parallel_loop3A_860 = tpu.memref_slice %arg6[%parallel_loop3A_859] : memref<32768xf32, #tpu.memory_space<vmem>> -> memref<4096xf32, #tpu.memory_space<vmem>>
        %parallel_loop3A_861 = tpu.vector_load_idx %parallel_loop3A_860[%parallel_loop3A_763] : memref<4096xf32, #tpu.memory_space<vmem>>[vector<16xi32>], vector<16xf32>,
        %parallel_loop3A_862 = arith.constant 16384 : i32
        %parallel_loop3A_863 = tpu.memref_slice %arg6[%parallel_loop3A_862] : memref<32768xf32, #tpu.memory_space<vmem>> -> memref<4096xf32, #tpu.memory_space<vmem>>
        %parallel_loop3A_864 = tpu.vector_load_idx %parallel_loop3A_863[%parallel_loop3A_766] : memref<4096xf32, #tpu.memory_space<vmem>>[vector<16xi32>], vector<16xf32>,
        %parallel_loop3A_865 = arith.mulf %parallel_loop3A_774, %parallel_loop3A_861 : vector<16xf32>
        %parallel_loop3A_866 = arith.addf %parallel_loop3A_770, %parallel_loop3A_865 : vector<16xf32>
        %parallel_loop3A_867 = arith.mulf %parallel_loop3A_778, %parallel_loop3A_864 : vector<16xf32>
        %parallel_loop3A_868 = arith.addf %parallel_loop3A_866, %parallel_loop3A_867 : vector<16xf32>
        %parallel_loop3A_869 = arith.mulf %parallel_loop3A_861, %parallel_loop3A_864 : vector<16xf32>
        %parallel_loop3A_870 = arith.mulf %parallel_loop3A_782, %parallel_loop3A_869 : vector<16xf32>
        %parallel_loop3A_871 = arith.addf %parallel_loop3A_868, %parallel_loop3A_870 : vector<16xf32>
        %parallel_loop3A_872 = arith.constant 16 : i32
        %parallel_loop3A_873 = arith.muli %parallel_loop3A_755, %parallel_loop3A_872 : i32
        %parallel_loop3A_874 = arith.constant 4 : i32
        %parallel_loop3A_875 = arith.index_cast %parallel_loop3A_874 : i32 to index
        %parallel_loop3A_876 = arith.index_cast %parallel_loop3A_873 : i32 to index
        %parallel_loop3A_877 = tpu.vector_load %arg10[%parallel_loop3A_875, %parallel_loop3A_876] {strides = array<i32>} : memref<8x1024xf32, #tpu.memory_space<vmem>>, vector<16xf32>,
        tpu.vector_store %arg10[%parallel_loop3A_875, %parallel_loop3A_876], %parallel_loop3A_871 {strides = array<i32>} : memref<8x1024xf32, #tpu.memory_space<vmem>>, vector<16xf32>,
        %parallel_loop3A_878 = arith.constant 20480 : i32
        %parallel_loop3A_879 = tpu.memref_slice %arg6[%parallel_loop3A_878] : memref<32768xf32, #tpu.memory_space<vmem>> -> memref<4096xf32, #tpu.memory_space<vmem>>
        %parallel_loop3A_880 = tpu.vector_load_idx %parallel_loop3A_879[%parallel_loop3A_763] : memref<4096xf32, #tpu.memory_space<vmem>>[vector<16xi32>], vector<16xf32>,
        %parallel_loop3A_881 = arith.constant 20480 : i32
        %parallel_loop3A_882 = tpu.memref_slice %arg6[%parallel_loop3A_881] : memref<32768xf32, #tpu.memory_space<vmem>> -> memref<4096xf32, #tpu.memory_space<vmem>>
        %parallel_loop3A_883 = tpu.vector_load_idx %parallel_loop3A_882[%parallel_loop3A_766] : memref<4096xf32, #tpu.memory_space<vmem>>[vector<16xi32>], vector<16xf32>,
        %parallel_loop3A_884 = arith.mulf %parallel_loop3A_774, %parallel_loop3A_880 : vector<16xf32>
        %parallel_loop3A_885 = arith.addf %parallel_loop3A_770, %parallel_loop3A_884 : vector<16xf32>
        %parallel_loop3A_886 = arith.mulf %parallel_loop3A_778, %parallel_loop3A_883 : vector<16xf32>
        %parallel_loop3A_887 = arith.addf %parallel_loop3A_885, %parallel_loop3A_886 : vector<16xf32>
        %parallel_loop3A_888 = arith.mulf %parallel_loop3A_880, %parallel_loop3A_883 : vector<16xf32>
        %parallel_loop3A_889 = arith.mulf %parallel_loop3A_782, %parallel_loop3A_888 : vector<16xf32>
        %parallel_loop3A_890 = arith.addf %parallel_loop3A_887, %parallel_loop3A_889 : vector<16xf32>
        %parallel_loop3A_891 = arith.constant 16 : i32
        %parallel_loop3A_892 = arith.muli %parallel_loop3A_755, %parallel_loop3A_891 : i32
        %parallel_loop3A_893 = arith.constant 5 : i32
        %parallel_loop3A_894 = arith.index_cast %parallel_loop3A_893 : i32 to index
        %parallel_loop3A_895 = arith.index_cast %parallel_loop3A_892 : i32 to index
        %parallel_loop3A_896 = tpu.vector_load %arg10[%parallel_loop3A_894, %parallel_loop3A_895] {strides = array<i32>} : memref<8x1024xf32, #tpu.memory_space<vmem>>, vector<16xf32>,
        tpu.vector_store %arg10[%parallel_loop3A_894, %parallel_loop3A_895], %parallel_loop3A_890 {strides = array<i32>} : memref<8x1024xf32, #tpu.memory_space<vmem>>, vector<16xf32>,
        %parallel_loop3A_897 = arith.constant 24576 : i32
        %parallel_loop3A_898 = tpu.memref_slice %arg6[%parallel_loop3A_897] : memref<32768xf32, #tpu.memory_space<vmem>> -> memref<4096xf32, #tpu.memory_space<vmem>>
        %parallel_loop3A_899 = tpu.vector_load_idx %parallel_loop3A_898[%parallel_loop3A_763] : memref<4096xf32, #tpu.memory_space<vmem>>[vector<16xi32>], vector<16xf32>,
        %parallel_loop3A_900 = arith.constant 24576 : i32
        %parallel_loop3A_901 = tpu.memref_slice %arg6[%parallel_loop3A_900] : memref<32768xf32, #tpu.memory_space<vmem>> -> memref<4096xf32, #tpu.memory_space<vmem>>
        %parallel_loop3A_902 = tpu.vector_load_idx %parallel_loop3A_901[%parallel_loop3A_766] : memref<4096xf32, #tpu.memory_space<vmem>>[vector<16xi32>], vector<16xf32>,
        %parallel_loop3A_903 = arith.mulf %parallel_loop3A_774, %parallel_loop3A_899 : vector<16xf32>
        %parallel_loop3A_904 = arith.addf %parallel_loop3A_770, %parallel_loop3A_903 : vector<16xf32>
        %parallel_loop3A_905 = arith.mulf %parallel_loop3A_778, %parallel_loop3A_902 : vector<16xf32>
        %parallel_loop3A_906 = arith.addf %parallel_loop3A_904, %parallel_loop3A_905 : vector<16xf32>
        %parallel_loop3A_907 = arith.mulf %parallel_loop3A_899, %parallel_loop3A_902 : vector<16xf32>
        %parallel_loop3A_908 = arith.mulf %parallel_loop3A_782, %parallel_loop3A_907 : vector<16xf32>
        %parallel_loop3A_909 = arith.addf %parallel_loop3A_906, %parallel_loop3A_908 : vector<16xf32>
        %parallel_loop3A_910 = arith.constant 16 : i32
        %parallel_loop3A_911 = arith.muli %parallel_loop3A_755, %parallel_loop3A_910 : i32
        %parallel_loop3A_912 = arith.constant 6 : i32
        %parallel_loop3A_913 = arith.index_cast %parallel_loop3A_912 : i32 to index
        %parallel_loop3A_914 = arith.index_cast %parallel_loop3A_911 : i32 to index
        %parallel_loop3A_915 = tpu.vector_load %arg10[%parallel_loop3A_913, %parallel_loop3A_914] {strides = array<i32>} : memref<8x1024xf32, #tpu.memory_space<vmem>>, vector<16xf32>,
        tpu.vector_store %arg10[%parallel_loop3A_913, %parallel_loop3A_914], %parallel_loop3A_909 {strides = array<i32>} : memref<8x1024xf32, #tpu.memory_space<vmem>>, vector<16xf32>,
        %parallel_loop3A_916 = arith.constant 28672 : i32
        %parallel_loop3A_917 = tpu.memref_slice %arg6[%parallel_loop3A_916] : memref<32768xf32, #tpu.memory_space<vmem>> -> memref<4096xf32, #tpu.memory_space<vmem>>
        %parallel_loop3A_918 = tpu.vector_load_idx %parallel_loop3A_917[%parallel_loop3A_763] : memref<4096xf32, #tpu.memory_space<vmem>>[vector<16xi32>], vector<16xf32>,
        %parallel_loop3A_919 = arith.constant 28672 : i32
        %parallel_loop3A_920 = tpu.memref_slice %arg6[%parallel_loop3A_919] : memref<32768xf32, #tpu.memory_space<vmem>> -> memref<4096xf32, #tpu.memory_space<vmem>>
        %parallel_loop3A_921 = tpu.vector_load_idx %parallel_loop3A_920[%parallel_loop3A_766] : memref<4096xf32, #tpu.memory_space<vmem>>[vector<16xi32>], vector<16xf32>,
        %parallel_loop3A_922 = arith.mulf %parallel_loop3A_774, %parallel_loop3A_918 : vector<16xf32>
        %parallel_loop3A_923 = arith.addf %parallel_loop3A_770, %parallel_loop3A_922 : vector<16xf32>
        %parallel_loop3A_924 = arith.mulf %parallel_loop3A_778, %parallel_loop3A_921 : vector<16xf32>
        %parallel_loop3A_925 = arith.addf %parallel_loop3A_923, %parallel_loop3A_924 : vector<16xf32>
        %parallel_loop3A_926 = arith.mulf %parallel_loop3A_918, %parallel_loop3A_921 : vector<16xf32>
        %parallel_loop3A_927 = arith.mulf %parallel_loop3A_782, %parallel_loop3A_926 : vector<16xf32>
        %parallel_loop3A_928 = arith.addf %parallel_loop3A_925, %parallel_loop3A_927 : vector<16xf32>
        %parallel_loop3A_929 = arith.constant 16 : i32
        %parallel_loop3A_930 = arith.muli %parallel_loop3A_755, %parallel_loop3A_929 : i32
        %parallel_loop3A_931 = arith.constant 7 : i32
        %parallel_loop3A_932 = arith.index_cast %parallel_loop3A_931 : i32 to index
        %parallel_loop3A_933 = arith.index_cast %parallel_loop3A_930 : i32 to index
        %parallel_loop3A_934 = tpu.vector_load %arg10[%parallel_loop3A_932, %parallel_loop3A_933] {strides = array<i32>} : memref<8x1024xf32, #tpu.memory_space<vmem>>, vector<16xf32>,
        tpu.vector_store %arg10[%parallel_loop3A_932, %parallel_loop3A_933], %parallel_loop3A_928 {strides = array<i32>} : memref<8x1024xf32, #tpu.memory_space<vmem>>, vector<16xf32>,
      } {sc.loop_unroll_factor = 1 : i64, sc.parallel_access}
      "tpu.region"() ({
        %run_scoped3A = tpu.sem_alloc : memref<!tpu.dma_semaphore, #tpu.memory_space<semaphore_mem>>
        %dma_start3A_755 = tpu.memref_slice %arg5[%add3A_473, %mul3A_751] : memref<1024x8192xf32, #tpu.memory_space<hbm>> -> memref<8x1024xf32, #tpu.memory_space<hbm>>
        %dma_start3A_756 = tpu.memref_slice %arg5[%add3A_473, %mul3A_751] : memref<1024x8192xf32, #tpu.memory_space<hbm>> -> memref<8x1024xf32, #tpu.memory_space<hbm>>
        tpu.enqueue_dma source(%arg10 : memref<8x1024xf32, #tpu.memory_space<vmem>>) target(%dma_start3A_756 : memref<8x1024xf32, #tpu.memory_space<hbm>>) target_semaphore(%run_scoped3A : memref<!tpu.dma_semaphore, #tpu.memory_space<semaphore_mem>>)
        %dma_wait3A_757 = tpu.memref_slice %arg5[%add3A_473, %mul3A_751] : memref<1024x8192xf32, #tpu.memory_space<hbm>> -> memref<8x1024xf32, #tpu.memory_space<hbm>>
        %dma_wait3A_758 = tpu.memref_slice %arg5[%add3A_473, %mul3A_751] : memref<1024x8192xf32, #tpu.memory_space<hbm>> -> memref<8x1024xf32, #tpu.memory_space<hbm>>
        tpu.wait_dma2 semaphore(%run_scoped3A : memref<!tpu.dma_semaphore, #tpu.memory_space<semaphore_mem>>) src(%arg10 : memref<8x1024xf32, #tpu.memory_space<vmem>>) dst(%dma_wait3A_758 : memref<8x1024xf32, #tpu.memory_space<hbm>>)
        tpu.yield
      }) : () -> ()
      %scan3A_754 = arith.constant 0 : i32
      scf.yield %scan3A_754 : i32
    }
    %scan3A_658 = arith.constant 8 : i32
    %add3A_659 = arith.constant 24 : i32
    %add3A_660 = arith.addi %mul3A_4, %add3A_659 : i32
    %dma_wait3A_661 = arith.constant 0 : i32
    %dma_wait3A_662 = tpu.memref_slice %arg7[%dma_wait3A_661] : memref<32768xf32, #tpu.memory_space<vmem>> -> memref<4096xf32, #tpu.memory_space<vmem>>
    %dma_wait3A_663 = arith.constant 0 : i32
    %dma_wait3A_664 = tpu.memref_slice %arg2[%add3A_557, %dma_wait3A_663] : memref<1024x4096xf32, #tpu.memory_space<hbm>> -> memref<1x4096xf32, #tpu.memory_space<hbm>>
    %dma_wait3A_665 = tpu.memref_squeeze %dma_wait3A_664 : memref<1x4096xf32, #tpu.memory_space<hbm>> -> memref<4096xf32, #tpu.memory_space<hbm>>
    %dma_wait3A_666 = arith.constant 0 : i32
    %dma_wait3A_667 = tpu.memref_slice %arg7[%dma_wait3A_666] : memref<32768xf32, #tpu.memory_space<vmem>> -> memref<4096xf32, #tpu.memory_space<vmem>>
    %dma_wait3A_668 = arith.constant 0 : i32
    %dma_wait3A_669 = tpu.memref_slice %arg2[%add3A_557, %dma_wait3A_668] : memref<1024x4096xf32, #tpu.memory_space<hbm>> -> memref<1x4096xf32, #tpu.memory_space<hbm>>
    %dma_wait3A_670 = tpu.memref_squeeze %dma_wait3A_669 : memref<1x4096xf32, #tpu.memory_space<hbm>> -> memref<4096xf32, #tpu.memory_space<hbm>>
    tpu.wait_dma2 semaphore(%arg13 : memref<!tpu.dma_semaphore, #tpu.memory_space<semaphore_mem>>) src(%dma_wait3A_670 : memref<4096xf32, #tpu.memory_space<hbm>>) dst(%dma_wait3A_667 : memref<4096xf32, #tpu.memory_space<vmem>>)
    %dma_wait3A_671 = arith.constant 4096 : i32
    %dma_wait3A_672 = tpu.memref_slice %arg7[%dma_wait3A_671] : memref<32768xf32, #tpu.memory_space<vmem>> -> memref<4096xf32, #tpu.memory_space<vmem>>
    %dma_wait3A_673 = arith.constant 0 : i32
    %dma_wait3A_674 = tpu.memref_slice %arg2[%add3A_569, %dma_wait3A_673] : memref<1024x4096xf32, #tpu.memory_space<hbm>> -> memref<1x4096xf32, #tpu.memory_space<hbm>>
    %dma_wait3A_675 = tpu.memref_squeeze %dma_wait3A_674 : memref<1x4096xf32, #tpu.memory_space<hbm>> -> memref<4096xf32, #tpu.memory_space<hbm>>
    %dma_wait3A_676 = arith.constant 4096 : i32
    %dma_wait3A_677 = tpu.memref_slice %arg7[%dma_wait3A_676] : memref<32768xf32, #tpu.memory_space<vmem>> -> memref<4096xf32, #tpu.memory_space<vmem>>
    %dma_wait3A_678 = arith.constant 0 : i32
    %dma_wait3A_679 = tpu.memref_slice %arg2[%add3A_569, %dma_wait3A_678] : memref<1024x4096xf32, #tpu.memory_space<hbm>> -> memref<1x4096xf32, #tpu.memory_space<hbm>>
    %dma_wait3A_680 = tpu.memref_squeeze %dma_wait3A_679 : memref<1x4096xf32, #tpu.memory_space<hbm>> -> memref<4096xf32, #tpu.memory_space<hbm>>
    tpu.wait_dma2 semaphore(%arg13 : memref<!tpu.dma_semaphore, #tpu.memory_space<semaphore_mem>>) src(%dma_wait3A_680 : memref<4096xf32, #tpu.memory_space<hbm>>) dst(%dma_wait3A_677 : memref<4096xf32, #tpu.memory_space<vmem>>)
    %dma_wait3A_681 = arith.constant 8192 : i32
    %dma_wait3A_682 = tpu.memref_slice %arg7[%dma_wait3A_681] : memref<32768xf32, #tpu.memory_space<vmem>> -> memref<4096xf32, #tpu.memory_space<vmem>>
    %dma_wait3A_683 = arith.constant 0 : i32
    %dma_wait3A_684 = tpu.memref_slice %arg2[%add3A_581, %dma_wait3A_683] : memref<1024x4096xf32, #tpu.memory_space<hbm>> -> memref<1x4096xf32, #tpu.memory_space<hbm>>
    %dma_wait3A_685 = tpu.memref_squeeze %dma_wait3A_684 : memref<1x4096xf32, #tpu.memory_space<hbm>> -> memref<4096xf32, #tpu.memory_space<hbm>>
    %dma_wait3A_686 = arith.constant 8192 : i32
    %dma_wait3A_687 = tpu.memref_slice %arg7[%dma_wait3A_686] : memref<32768xf32, #tpu.memory_space<vmem>> -> memref<4096xf32, #tpu.memory_space<vmem>>
    %dma_wait3A_688 = arith.constant 0 : i32
    %dma_wait3A_689 = tpu.memref_slice %arg2[%add3A_581, %dma_wait3A_688] : memref<1024x4096xf32, #tpu.memory_space<hbm>> -> memref<1x4096xf32, #tpu.memory_space<hbm>>
    %dma_wait3A_690 = tpu.memref_squeeze %dma_wait3A_689 : memref<1x4096xf32, #tpu.memory_space<hbm>> -> memref<4096xf32, #tpu.memory_space<hbm>>
    tpu.wait_dma2 semaphore(%arg13 : memref<!tpu.dma_semaphore, #tpu.memory_space<semaphore_mem>>) src(%dma_wait3A_690 : memref<4096xf32, #tpu.memory_space<hbm>>) dst(%dma_wait3A_687 : memref<4096xf32, #tpu.memory_space<vmem>>)
    %dma_wait3A_691 = arith.constant 12288 : i32
    %dma_wait3A_692 = tpu.memref_slice %arg7[%dma_wait3A_691] : memref<32768xf32, #tpu.memory_space<vmem>> -> memref<4096xf32, #tpu.memory_space<vmem>>
    %dma_wait3A_693 = arith.constant 0 : i32
    %dma_wait3A_694 = tpu.memref_slice %arg2[%add3A_593, %dma_wait3A_693] : memref<1024x4096xf32, #tpu.memory_space<hbm>> -> memref<1x4096xf32, #tpu.memory_space<hbm>>
    %dma_wait3A_695 = tpu.memref_squeeze %dma_wait3A_694 : memref<1x4096xf32, #tpu.memory_space<hbm>> -> memref<4096xf32, #tpu.memory_space<hbm>>
    %dma_wait3A_696 = arith.constant 12288 : i32
    %dma_wait3A_697 = tpu.memref_slice %arg7[%dma_wait3A_696] : memref<32768xf32, #tpu.memory_space<vmem>> -> memref<4096xf32, #tpu.memory_space<vmem>>
    %dma_wait3A_698 = arith.constant 0 : i32
    %dma_wait3A_699 = tpu.memref_slice %arg2[%add3A_593, %dma_wait3A_698] : memref<1024x4096xf32, #tpu.memory_space<hbm>> -> memref<1x4096xf32, #tpu.memory_space<hbm>>
    %dma_wait3A_700 = tpu.memref_squeeze %dma_wait3A_699 : memref<1x4096xf32, #tpu.memory_space<hbm>> -> memref<4096xf32, #tpu.memory_space<hbm>>
    tpu.wait_dma2 semaphore(%arg13 : memref<!tpu.dma_semaphore, #tpu.memory_space<semaphore_mem>>) src(%dma_wait3A_700 : memref<4096xf32, #tpu.memory_space<hbm>>) dst(%dma_wait3A_697 : memref<4096xf32, #tpu.memory_space<vmem>>)
    %dma_wait3A_701 = arith.constant 16384 : i32
    %dma_wait3A_702 = tpu.memref_slice %arg7[%dma_wait3A_701] : memref<32768xf32, #tpu.memory_space<vmem>> -> memref<4096xf32, #tpu.memory_space<vmem>>
    %dma_wait3A_703 = arith.constant 0 : i32
    %dma_wait3A_704 = tpu.memref_slice %arg2[%add3A_605, %dma_wait3A_703] : memref<1024x4096xf32, #tpu.memory_space<hbm>> -> memref<1x4096xf32, #tpu.memory_space<hbm>>
    %dma_wait3A_705 = tpu.memref_squeeze %dma_wait3A_704 : memref<1x4096xf32, #tpu.memory_space<hbm>> -> memref<4096xf32, #tpu.memory_space<hbm>>
    %dma_wait3A_706 = arith.constant 16384 : i32
    %dma_wait3A_707 = tpu.memref_slice %arg7[%dma_wait3A_706] : memref<32768xf32, #tpu.memory_space<vmem>> -> memref<4096xf32, #tpu.memory_space<vmem>>
    %dma_wait3A_708 = arith.constant 0 : i32
    %dma_wait3A_709 = tpu.memref_slice %arg2[%add3A_605, %dma_wait3A_708] : memref<1024x4096xf32, #tpu.memory_space<hbm>> -> memref<1x4096xf32, #tpu.memory_space<hbm>>
    %dma_wait3A_710 = tpu.memref_squeeze %dma_wait3A_709 : memref<1x4096xf32, #tpu.memory_space<hbm>> -> memref<4096xf32, #tpu.memory_space<hbm>>
    tpu.wait_dma2 semaphore(%arg13 : memref<!tpu.dma_semaphore, #tpu.memory_space<semaphore_mem>>) src(%dma_wait3A_710 : memref<4096xf32, #tpu.memory_space<hbm>>) dst(%dma_wait3A_707 : memref<4096xf32, #tpu.memory_space<vmem>>)
    %dma_wait3A_711 = arith.constant 20480 : i32
    %dma_wait3A_712 = tpu.memref_slice %arg7[%dma_wait3A_711] : memref<32768xf32, #tpu.memory_space<vmem>> -> memref<4096xf32, #tpu.memory_space<vmem>>
    %dma_wait3A_713 = arith.constant 0 : i32
    %dma_wait3A_714 = tpu.memref_slice %arg2[%add3A_617, %dma_wait3A_713] : memref<1024x4096xf32, #tpu.memory_space<hbm>> -> memref<1x4096xf32, #tpu.memory_space<hbm>>
    %dma_wait3A_715 = tpu.memref_squeeze %dma_wait3A_714 : memref<1x4096xf32, #tpu.memory_space<hbm>> -> memref<4096xf32, #tpu.memory_space<hbm>>
    %dma_wait3A_716 = arith.constant 20480 : i32
    %dma_wait3A_717 = tpu.memref_slice %arg7[%dma_wait3A_716] : memref<32768xf32, #tpu.memory_space<vmem>> -> memref<4096xf32, #tpu.memory_space<vmem>>
    %dma_wait3A_718 = arith.constant 0 : i32
    %dma_wait3A_719 = tpu.memref_slice %arg2[%add3A_617, %dma_wait3A_718] : memref<1024x4096xf32, #tpu.memory_space<hbm>> -> memref<1x4096xf32, #tpu.memory_space<hbm>>
    %dma_wait3A_720 = tpu.memref_squeeze %dma_wait3A_719 : memref<1x4096xf32, #tpu.memory_space<hbm>> -> memref<4096xf32, #tpu.memory_space<hbm>>
    tpu.wait_dma2 semaphore(%arg13 : memref<!tpu.dma_semaphore, #tpu.memory_space<semaphore_mem>>) src(%dma_wait3A_720 : memref<4096xf32, #tpu.memory_space<hbm>>) dst(%dma_wait3A_717 : memref<4096xf32, #tpu.memory_space<vmem>>)
    %dma_wait3A_721 = arith.constant 24576 : i32
    %dma_wait3A_722 = tpu.memref_slice %arg7[%dma_wait3A_721] : memref<32768xf32, #tpu.memory_space<vmem>> -> memref<4096xf32, #tpu.memory_space<vmem>>
    %dma_wait3A_723 = arith.constant 0 : i32
    %dma_wait3A_724 = tpu.memref_slice %arg2[%add3A_629, %dma_wait3A_723] : memref<1024x4096xf32, #tpu.memory_space<hbm>> -> memref<1x4096xf32, #tpu.memory_space<hbm>>
    %dma_wait3A_725 = tpu.memref_squeeze %dma_wait3A_724 : memref<1x4096xf32, #tpu.memory_space<hbm>> -> memref<4096xf32, #tpu.memory_space<hbm>>
    %dma_wait3A_726 = arith.constant 24576 : i32
    %dma_wait3A_727 = tpu.memref_slice %arg7[%dma_wait3A_726] : memref<32768xf32, #tpu.memory_space<vmem>> -> memref<4096xf32, #tpu.memory_space<vmem>>
    %dma_wait3A_728 = arith.constant 0 : i32
    %dma_wait3A_729 = tpu.memref_slice %arg2[%add3A_629, %dma_wait3A_728] : memref<1024x4096xf32, #tpu.memory_space<hbm>> -> memref<1x4096xf32, #tpu.memory_space<hbm>>
    %dma_wait3A_730 = tpu.memref_squeeze %dma_wait3A_729 : memref<1x4096xf32, #tpu.memory_space<hbm>> -> memref<4096xf32, #tpu.memory_space<hbm>>
    tpu.wait_dma2 semaphore(%arg13 : memref<!tpu.dma_semaphore, #tpu.memory_space<semaphore_mem>>) src(%dma_wait3A_730 : memref<4096xf32, #tpu.memory_space<hbm>>) dst(%dma_wait3A_727 : memref<4096xf32, #tpu.memory_space<vmem>>)
    %dma_wait3A_731 = arith.constant 28672 : i32
    %dma_wait3A_732 = tpu.memref_slice %arg7[%dma_wait3A_731] : memref<32768xf32, #tpu.memory_space<vmem>> -> memref<4096xf32, #tpu.memory_space<vmem>>
    %dma_wait3A_733 = arith.constant 0 : i32
    %dma_wait3A_734 = tpu.memref_slice %arg2[%add3A_641, %dma_wait3A_733] : memref<1024x4096xf32, #tpu.memory_space<hbm>> -> memref<1x4096xf32, #tpu.memory_space<hbm>>
    %dma_wait3A_735 = tpu.memref_squeeze %dma_wait3A_734 : memref<1x4096xf32, #tpu.memory_space<hbm>> -> memref<4096xf32, #tpu.memory_space<hbm>>
    %dma_wait3A_736 = arith.constant 28672 : i32
    %dma_wait3A_737 = tpu.memref_slice %arg7[%dma_wait3A_736] : memref<32768xf32, #tpu.memory_space<vmem>> -> memref<4096xf32, #tpu.memory_space<vmem>>
    %dma_wait3A_738 = arith.constant 0 : i32
    %dma_wait3A_739 = tpu.memref_slice %arg2[%add3A_641, %dma_wait3A_738] : memref<1024x4096xf32, #tpu.memory_space<hbm>> -> memref<1x4096xf32, #tpu.memory_space<hbm>>
    %dma_wait3A_740 = tpu.memref_squeeze %dma_wait3A_739 : memref<1x4096xf32, #tpu.memory_space<hbm>> -> memref<4096xf32, #tpu.memory_space<hbm>>
    tpu.wait_dma2 semaphore(%arg13 : memref<!tpu.dma_semaphore, #tpu.memory_space<semaphore_mem>>) src(%dma_wait3A_740 : memref<4096xf32, #tpu.memory_space<hbm>>) dst(%dma_wait3A_737 : memref<4096xf32, #tpu.memory_space<vmem>>)
    %scan3A_741 = arith.constant 0 : i32
    %scan3A_742 = arith.constant 0 : i32
    %scan3A_743 = arith.constant 8 : i32
    %scan3A_744 = arith.addi %scan3A_742, %scan3A_743 : i32
    %scan3A_745 = arith.constant 1 : i32
    %scan3A_746 = scf.for %scan3A_748 = %scan3A_742 to %scan3A_744 step %scan3A_745 iter_args(%scan3A_749 = %scan3A_741) -> (i32)  : i32 {
      %mul3A_750 = arith.constant 1024 : i32
      %mul3A_751 = arith.muli %scan3A_748, %mul3A_750 : i32
      %parallel_loop3A = arith.constant 0 : i32
      %parallel_loop3A_752 = arith.constant 64 : i32
      %parallel_loop3A_753 = arith.constant 1 : i32
      scf.for %parallel_loop3A_755 = %parallel_loop3A to %parallel_loop3A_752 step %parallel_loop3A_753  : i32 {
        %parallel_loop3A_756 = arith.constant 16 : i32
        %parallel_loop3A_757 = arith.muli %parallel_loop3A_755, %parallel_loop3A_756 : i32
        %parallel_loop3A_758 = arith.addi %mul3A_751, %parallel_loop3A_757 : i32
        %parallel_loop3A_759 = arith.index_cast %parallel_loop3A_758 : i32 to index
        %parallel_loop3A_760 = tpu.vector_load %arg8[%parallel_loop3A_759] {strides = array<i32>} : memref<8192xi32, #tpu.memory_space<vmem>>, vector<16xi32>,
        %parallel_loop3A_761 = arith.constant 4095 : i32
        %parallel_loop3A_762 = vector.broadcast %parallel_loop3A_761 : i32 to vector<16xi32>
        %parallel_loop3A_763 = arith.andi %parallel_loop3A_760, %parallel_loop3A_762 : vector<16xi32>
        %parallel_loop3A_764 = arith.constant 16 : i32
        %parallel_loop3A_765 = vector.broadcast %parallel_loop3A_764 : i32 to vector<16xi32>
        %parallel_loop3A_766 = arith.shrui %parallel_loop3A_760, %parallel_loop3A_765 : vector<16xi32>
        %parallel_loop3A_767 = arith.constant 0 : i32
        %parallel_loop3A_768 = arith.index_cast %parallel_loop3A_767 : i32 to index
        %parallel_loop3A_769 = arith.index_cast %parallel_loop3A_758 : i32 to index
        %parallel_loop3A_770 = tpu.vector_load %arg9[%parallel_loop3A_768, %parallel_loop3A_769] {strides = array<i32>} : memref<4x8192xf32, #tpu.memory_space<vmem>>, vector<16xf32>,
        %parallel_loop3A_771 = arith.constant 1 : i32
        %parallel_loop3A_772 = arith.index_cast %parallel_loop3A_771 : i32 to index
        %parallel_loop3A_773 = arith.index_cast %parallel_loop3A_758 : i32 to index
        %parallel_loop3A_774 = tpu.vector_load %arg9[%parallel_loop3A_772, %parallel_loop3A_773] {strides = array<i32>} : memref<4x8192xf32, #tpu.memory_space<vmem>>, vector<16xf32>,
        %parallel_loop3A_775 = arith.constant 2 : i32
        %parallel_loop3A_776 = arith.index_cast %parallel_loop3A_775 : i32 to index
        %parallel_loop3A_777 = arith.index_cast %parallel_loop3A_758 : i32 to index
        %parallel_loop3A_778 = tpu.vector_load %arg9[%parallel_loop3A_776, %parallel_loop3A_777] {strides = array<i32>} : memref<4x8192xf32, #tpu.memory_space<vmem>>, vector<16xf32>,
        %parallel_loop3A_779 = arith.constant 3 : i32
        %parallel_loop3A_780 = arith.index_cast %parallel_loop3A_779 : i32 to index
        %parallel_loop3A_781 = arith.index_cast %parallel_loop3A_758 : i32 to index
        %parallel_loop3A_782 = tpu.vector_load %arg9[%parallel_loop3A_780, %parallel_loop3A_781] {strides = array<i32>} : memref<4x8192xf32, #tpu.memory_space<vmem>>, vector<16xf32>,
        %parallel_loop3A_783 = arith.constant 0 : i32
        %parallel_loop3A_784 = tpu.memref_slice %arg7[%parallel_loop3A_783] : memref<32768xf32, #tpu.memory_space<vmem>> -> memref<4096xf32, #tpu.memory_space<vmem>>
        %parallel_loop3A_785 = tpu.vector_load_idx %parallel_loop3A_784[%parallel_loop3A_763] : memref<4096xf32, #tpu.memory_space<vmem>>[vector<16xi32>], vector<16xf32>,
        %parallel_loop3A_786 = arith.constant 0 : i32
        %parallel_loop3A_787 = tpu.memref_slice %arg7[%parallel_loop3A_786] : memref<32768xf32, #tpu.memory_space<vmem>> -> memref<4096xf32, #tpu.memory_space<vmem>>
        %parallel_loop3A_788 = tpu.vector_load_idx %parallel_loop3A_787[%parallel_loop3A_766] : memref<4096xf32, #tpu.memory_space<vmem>>[vector<16xi32>], vector<16xf32>,
        %parallel_loop3A_789 = arith.mulf %parallel_loop3A_774, %parallel_loop3A_785 : vector<16xf32>
        %parallel_loop3A_790 = arith.addf %parallel_loop3A_770, %parallel_loop3A_789 : vector<16xf32>
        %parallel_loop3A_791 = arith.mulf %parallel_loop3A_778, %parallel_loop3A_788 : vector<16xf32>
        %parallel_loop3A_792 = arith.addf %parallel_loop3A_790, %parallel_loop3A_791 : vector<16xf32>
        %parallel_loop3A_793 = arith.mulf %parallel_loop3A_785, %parallel_loop3A_788 : vector<16xf32>
        %parallel_loop3A_794 = arith.mulf %parallel_loop3A_782, %parallel_loop3A_793 : vector<16xf32>
        %parallel_loop3A_795 = arith.addf %parallel_loop3A_792, %parallel_loop3A_794 : vector<16xf32>
        %parallel_loop3A_796 = arith.constant 16 : i32
        %parallel_loop3A_797 = arith.muli %parallel_loop3A_755, %parallel_loop3A_796 : i32
        %parallel_loop3A_798 = arith.constant 0 : i32
        %parallel_loop3A_799 = arith.index_cast %parallel_loop3A_798 : i32 to index
        %parallel_loop3A_800 = arith.index_cast %parallel_loop3A_797 : i32 to index
        %parallel_loop3A_801 = tpu.vector_load %arg10[%parallel_loop3A_799, %parallel_loop3A_800] {strides = array<i32>} : memref<8x1024xf32, #tpu.memory_space<vmem>>, vector<16xf32>,
        tpu.vector_store %arg10[%parallel_loop3A_799, %parallel_loop3A_800], %parallel_loop3A_795 {strides = array<i32>} : memref<8x1024xf32, #tpu.memory_space<vmem>>, vector<16xf32>,
        %parallel_loop3A_802 = arith.constant 4096 : i32
        %parallel_loop3A_803 = tpu.memref_slice %arg7[%parallel_loop3A_802] : memref<32768xf32, #tpu.memory_space<vmem>> -> memref<4096xf32, #tpu.memory_space<vmem>>
        %parallel_loop3A_804 = tpu.vector_load_idx %parallel_loop3A_803[%parallel_loop3A_763] : memref<4096xf32, #tpu.memory_space<vmem>>[vector<16xi32>], vector<16xf32>,
        %parallel_loop3A_805 = arith.constant 4096 : i32
        %parallel_loop3A_806 = tpu.memref_slice %arg7[%parallel_loop3A_805] : memref<32768xf32, #tpu.memory_space<vmem>> -> memref<4096xf32, #tpu.memory_space<vmem>>
        %parallel_loop3A_807 = tpu.vector_load_idx %parallel_loop3A_806[%parallel_loop3A_766] : memref<4096xf32, #tpu.memory_space<vmem>>[vector<16xi32>], vector<16xf32>,
        %parallel_loop3A_808 = arith.mulf %parallel_loop3A_774, %parallel_loop3A_804 : vector<16xf32>
        %parallel_loop3A_809 = arith.addf %parallel_loop3A_770, %parallel_loop3A_808 : vector<16xf32>
        %parallel_loop3A_810 = arith.mulf %parallel_loop3A_778, %parallel_loop3A_807 : vector<16xf32>
        %parallel_loop3A_811 = arith.addf %parallel_loop3A_809, %parallel_loop3A_810 : vector<16xf32>
        %parallel_loop3A_812 = arith.mulf %parallel_loop3A_804, %parallel_loop3A_807 : vector<16xf32>
        %parallel_loop3A_813 = arith.mulf %parallel_loop3A_782, %parallel_loop3A_812 : vector<16xf32>
        %parallel_loop3A_814 = arith.addf %parallel_loop3A_811, %parallel_loop3A_813 : vector<16xf32>
        %parallel_loop3A_815 = arith.constant 16 : i32
        %parallel_loop3A_816 = arith.muli %parallel_loop3A_755, %parallel_loop3A_815 : i32
        %parallel_loop3A_817 = arith.constant 1 : i32
        %parallel_loop3A_818 = arith.index_cast %parallel_loop3A_817 : i32 to index
        %parallel_loop3A_819 = arith.index_cast %parallel_loop3A_816 : i32 to index
        %parallel_loop3A_820 = tpu.vector_load %arg10[%parallel_loop3A_818, %parallel_loop3A_819] {strides = array<i32>} : memref<8x1024xf32, #tpu.memory_space<vmem>>, vector<16xf32>,
        tpu.vector_store %arg10[%parallel_loop3A_818, %parallel_loop3A_819], %parallel_loop3A_814 {strides = array<i32>} : memref<8x1024xf32, #tpu.memory_space<vmem>>, vector<16xf32>,
        %parallel_loop3A_821 = arith.constant 8192 : i32
        %parallel_loop3A_822 = tpu.memref_slice %arg7[%parallel_loop3A_821] : memref<32768xf32, #tpu.memory_space<vmem>> -> memref<4096xf32, #tpu.memory_space<vmem>>
        %parallel_loop3A_823 = tpu.vector_load_idx %parallel_loop3A_822[%parallel_loop3A_763] : memref<4096xf32, #tpu.memory_space<vmem>>[vector<16xi32>], vector<16xf32>,
        %parallel_loop3A_824 = arith.constant 8192 : i32
        %parallel_loop3A_825 = tpu.memref_slice %arg7[%parallel_loop3A_824] : memref<32768xf32, #tpu.memory_space<vmem>> -> memref<4096xf32, #tpu.memory_space<vmem>>
        %parallel_loop3A_826 = tpu.vector_load_idx %parallel_loop3A_825[%parallel_loop3A_766] : memref<4096xf32, #tpu.memory_space<vmem>>[vector<16xi32>], vector<16xf32>,
        %parallel_loop3A_827 = arith.mulf %parallel_loop3A_774, %parallel_loop3A_823 : vector<16xf32>
        %parallel_loop3A_828 = arith.addf %parallel_loop3A_770, %parallel_loop3A_827 : vector<16xf32>
        %parallel_loop3A_829 = arith.mulf %parallel_loop3A_778, %parallel_loop3A_826 : vector<16xf32>
        %parallel_loop3A_830 = arith.addf %parallel_loop3A_828, %parallel_loop3A_829 : vector<16xf32>
        %parallel_loop3A_831 = arith.mulf %parallel_loop3A_823, %parallel_loop3A_826 : vector<16xf32>
        %parallel_loop3A_832 = arith.mulf %parallel_loop3A_782, %parallel_loop3A_831 : vector<16xf32>
        %parallel_loop3A_833 = arith.addf %parallel_loop3A_830, %parallel_loop3A_832 : vector<16xf32>
        %parallel_loop3A_834 = arith.constant 16 : i32
        %parallel_loop3A_835 = arith.muli %parallel_loop3A_755, %parallel_loop3A_834 : i32
        %parallel_loop3A_836 = arith.constant 2 : i32
        %parallel_loop3A_837 = arith.index_cast %parallel_loop3A_836 : i32 to index
        %parallel_loop3A_838 = arith.index_cast %parallel_loop3A_835 : i32 to index
        %parallel_loop3A_839 = tpu.vector_load %arg10[%parallel_loop3A_837, %parallel_loop3A_838] {strides = array<i32>} : memref<8x1024xf32, #tpu.memory_space<vmem>>, vector<16xf32>,
        tpu.vector_store %arg10[%parallel_loop3A_837, %parallel_loop3A_838], %parallel_loop3A_833 {strides = array<i32>} : memref<8x1024xf32, #tpu.memory_space<vmem>>, vector<16xf32>,
        %parallel_loop3A_840 = arith.constant 12288 : i32
        %parallel_loop3A_841 = tpu.memref_slice %arg7[%parallel_loop3A_840] : memref<32768xf32, #tpu.memory_space<vmem>> -> memref<4096xf32, #tpu.memory_space<vmem>>
        %parallel_loop3A_842 = tpu.vector_load_idx %parallel_loop3A_841[%parallel_loop3A_763] : memref<4096xf32, #tpu.memory_space<vmem>>[vector<16xi32>], vector<16xf32>,
        %parallel_loop3A_843 = arith.constant 12288 : i32
        %parallel_loop3A_844 = tpu.memref_slice %arg7[%parallel_loop3A_843] : memref<32768xf32, #tpu.memory_space<vmem>> -> memref<4096xf32, #tpu.memory_space<vmem>>
        %parallel_loop3A_845 = tpu.vector_load_idx %parallel_loop3A_844[%parallel_loop3A_766] : memref<4096xf32, #tpu.memory_space<vmem>>[vector<16xi32>], vector<16xf32>,
        %parallel_loop3A_846 = arith.mulf %parallel_loop3A_774, %parallel_loop3A_842 : vector<16xf32>
        %parallel_loop3A_847 = arith.addf %parallel_loop3A_770, %parallel_loop3A_846 : vector<16xf32>
        %parallel_loop3A_848 = arith.mulf %parallel_loop3A_778, %parallel_loop3A_845 : vector<16xf32>
        %parallel_loop3A_849 = arith.addf %parallel_loop3A_847, %parallel_loop3A_848 : vector<16xf32>
        %parallel_loop3A_850 = arith.mulf %parallel_loop3A_842, %parallel_loop3A_845 : vector<16xf32>
        %parallel_loop3A_851 = arith.mulf %parallel_loop3A_782, %parallel_loop3A_850 : vector<16xf32>
        %parallel_loop3A_852 = arith.addf %parallel_loop3A_849, %parallel_loop3A_851 : vector<16xf32>
        %parallel_loop3A_853 = arith.constant 16 : i32
        %parallel_loop3A_854 = arith.muli %parallel_loop3A_755, %parallel_loop3A_853 : i32
        %parallel_loop3A_855 = arith.constant 3 : i32
        %parallel_loop3A_856 = arith.index_cast %parallel_loop3A_855 : i32 to index
        %parallel_loop3A_857 = arith.index_cast %parallel_loop3A_854 : i32 to index
        %parallel_loop3A_858 = tpu.vector_load %arg10[%parallel_loop3A_856, %parallel_loop3A_857] {strides = array<i32>} : memref<8x1024xf32, #tpu.memory_space<vmem>>, vector<16xf32>,
        tpu.vector_store %arg10[%parallel_loop3A_856, %parallel_loop3A_857], %parallel_loop3A_852 {strides = array<i32>} : memref<8x1024xf32, #tpu.memory_space<vmem>>, vector<16xf32>,
        %parallel_loop3A_859 = arith.constant 16384 : i32
        %parallel_loop3A_860 = tpu.memref_slice %arg7[%parallel_loop3A_859] : memref<32768xf32, #tpu.memory_space<vmem>> -> memref<4096xf32, #tpu.memory_space<vmem>>
        %parallel_loop3A_861 = tpu.vector_load_idx %parallel_loop3A_860[%parallel_loop3A_763] : memref<4096xf32, #tpu.memory_space<vmem>>[vector<16xi32>], vector<16xf32>,
        %parallel_loop3A_862 = arith.constant 16384 : i32
        %parallel_loop3A_863 = tpu.memref_slice %arg7[%parallel_loop3A_862] : memref<32768xf32, #tpu.memory_space<vmem>> -> memref<4096xf32, #tpu.memory_space<vmem>>
        %parallel_loop3A_864 = tpu.vector_load_idx %parallel_loop3A_863[%parallel_loop3A_766] : memref<4096xf32, #tpu.memory_space<vmem>>[vector<16xi32>], vector<16xf32>,
        %parallel_loop3A_865 = arith.mulf %parallel_loop3A_774, %parallel_loop3A_861 : vector<16xf32>
        %parallel_loop3A_866 = arith.addf %parallel_loop3A_770, %parallel_loop3A_865 : vector<16xf32>
        %parallel_loop3A_867 = arith.mulf %parallel_loop3A_778, %parallel_loop3A_864 : vector<16xf32>
        %parallel_loop3A_868 = arith.addf %parallel_loop3A_866, %parallel_loop3A_867 : vector<16xf32>
        %parallel_loop3A_869 = arith.mulf %parallel_loop3A_861, %parallel_loop3A_864 : vector<16xf32>
        %parallel_loop3A_870 = arith.mulf %parallel_loop3A_782, %parallel_loop3A_869 : vector<16xf32>
        %parallel_loop3A_871 = arith.addf %parallel_loop3A_868, %parallel_loop3A_870 : vector<16xf32>
        %parallel_loop3A_872 = arith.constant 16 : i32
        %parallel_loop3A_873 = arith.muli %parallel_loop3A_755, %parallel_loop3A_872 : i32
        %parallel_loop3A_874 = arith.constant 4 : i32
        %parallel_loop3A_875 = arith.index_cast %parallel_loop3A_874 : i32 to index
        %parallel_loop3A_876 = arith.index_cast %parallel_loop3A_873 : i32 to index
        %parallel_loop3A_877 = tpu.vector_load %arg10[%parallel_loop3A_875, %parallel_loop3A_876] {strides = array<i32>} : memref<8x1024xf32, #tpu.memory_space<vmem>>, vector<16xf32>,
        tpu.vector_store %arg10[%parallel_loop3A_875, %parallel_loop3A_876], %parallel_loop3A_871 {strides = array<i32>} : memref<8x1024xf32, #tpu.memory_space<vmem>>, vector<16xf32>,
        %parallel_loop3A_878 = arith.constant 20480 : i32
        %parallel_loop3A_879 = tpu.memref_slice %arg7[%parallel_loop3A_878] : memref<32768xf32, #tpu.memory_space<vmem>> -> memref<4096xf32, #tpu.memory_space<vmem>>
        %parallel_loop3A_880 = tpu.vector_load_idx %parallel_loop3A_879[%parallel_loop3A_763] : memref<4096xf32, #tpu.memory_space<vmem>>[vector<16xi32>], vector<16xf32>,
        %parallel_loop3A_881 = arith.constant 20480 : i32
        %parallel_loop3A_882 = tpu.memref_slice %arg7[%parallel_loop3A_881] : memref<32768xf32, #tpu.memory_space<vmem>> -> memref<4096xf32, #tpu.memory_space<vmem>>
        %parallel_loop3A_883 = tpu.vector_load_idx %parallel_loop3A_882[%parallel_loop3A_766] : memref<4096xf32, #tpu.memory_space<vmem>>[vector<16xi32>], vector<16xf32>,
        %parallel_loop3A_884 = arith.mulf %parallel_loop3A_774, %parallel_loop3A_880 : vector<16xf32>
        %parallel_loop3A_885 = arith.addf %parallel_loop3A_770, %parallel_loop3A_884 : vector<16xf32>
        %parallel_loop3A_886 = arith.mulf %parallel_loop3A_778, %parallel_loop3A_883 : vector<16xf32>
        %parallel_loop3A_887 = arith.addf %parallel_loop3A_885, %parallel_loop3A_886 : vector<16xf32>
        %parallel_loop3A_888 = arith.mulf %parallel_loop3A_880, %parallel_loop3A_883 : vector<16xf32>
        %parallel_loop3A_889 = arith.mulf %parallel_loop3A_782, %parallel_loop3A_888 : vector<16xf32>
        %parallel_loop3A_890 = arith.addf %parallel_loop3A_887, %parallel_loop3A_889 : vector<16xf32>
        %parallel_loop3A_891 = arith.constant 16 : i32
        %parallel_loop3A_892 = arith.muli %parallel_loop3A_755, %parallel_loop3A_891 : i32
        %parallel_loop3A_893 = arith.constant 5 : i32
        %parallel_loop3A_894 = arith.index_cast %parallel_loop3A_893 : i32 to index
        %parallel_loop3A_895 = arith.index_cast %parallel_loop3A_892 : i32 to index
        %parallel_loop3A_896 = tpu.vector_load %arg10[%parallel_loop3A_894, %parallel_loop3A_895] {strides = array<i32>} : memref<8x1024xf32, #tpu.memory_space<vmem>>, vector<16xf32>,
        tpu.vector_store %arg10[%parallel_loop3A_894, %parallel_loop3A_895], %parallel_loop3A_890 {strides = array<i32>} : memref<8x1024xf32, #tpu.memory_space<vmem>>, vector<16xf32>,
        %parallel_loop3A_897 = arith.constant 24576 : i32
        %parallel_loop3A_898 = tpu.memref_slice %arg7[%parallel_loop3A_897] : memref<32768xf32, #tpu.memory_space<vmem>> -> memref<4096xf32, #tpu.memory_space<vmem>>
        %parallel_loop3A_899 = tpu.vector_load_idx %parallel_loop3A_898[%parallel_loop3A_763] : memref<4096xf32, #tpu.memory_space<vmem>>[vector<16xi32>], vector<16xf32>,
        %parallel_loop3A_900 = arith.constant 24576 : i32
        %parallel_loop3A_901 = tpu.memref_slice %arg7[%parallel_loop3A_900] : memref<32768xf32, #tpu.memory_space<vmem>> -> memref<4096xf32, #tpu.memory_space<vmem>>
        %parallel_loop3A_902 = tpu.vector_load_idx %parallel_loop3A_901[%parallel_loop3A_766] : memref<4096xf32, #tpu.memory_space<vmem>>[vector<16xi32>], vector<16xf32>,
        %parallel_loop3A_903 = arith.mulf %parallel_loop3A_774, %parallel_loop3A_899 : vector<16xf32>
        %parallel_loop3A_904 = arith.addf %parallel_loop3A_770, %parallel_loop3A_903 : vector<16xf32>
        %parallel_loop3A_905 = arith.mulf %parallel_loop3A_778, %parallel_loop3A_902 : vector<16xf32>
        %parallel_loop3A_906 = arith.addf %parallel_loop3A_904, %parallel_loop3A_905 : vector<16xf32>
        %parallel_loop3A_907 = arith.mulf %parallel_loop3A_899, %parallel_loop3A_902 : vector<16xf32>
        %parallel_loop3A_908 = arith.mulf %parallel_loop3A_782, %parallel_loop3A_907 : vector<16xf32>
        %parallel_loop3A_909 = arith.addf %parallel_loop3A_906, %parallel_loop3A_908 : vector<16xf32>
        %parallel_loop3A_910 = arith.constant 16 : i32
        %parallel_loop3A_911 = arith.muli %parallel_loop3A_755, %parallel_loop3A_910 : i32
        %parallel_loop3A_912 = arith.constant 6 : i32
        %parallel_loop3A_913 = arith.index_cast %parallel_loop3A_912 : i32 to index
        %parallel_loop3A_914 = arith.index_cast %parallel_loop3A_911 : i32 to index
        %parallel_loop3A_915 = tpu.vector_load %arg10[%parallel_loop3A_913, %parallel_loop3A_914] {strides = array<i32>} : memref<8x1024xf32, #tpu.memory_space<vmem>>, vector<16xf32>,
        tpu.vector_store %arg10[%parallel_loop3A_913, %parallel_loop3A_914], %parallel_loop3A_909 {strides = array<i32>} : memref<8x1024xf32, #tpu.memory_space<vmem>>, vector<16xf32>,
        %parallel_loop3A_916 = arith.constant 28672 : i32
        %parallel_loop3A_917 = tpu.memref_slice %arg7[%parallel_loop3A_916] : memref<32768xf32, #tpu.memory_space<vmem>> -> memref<4096xf32, #tpu.memory_space<vmem>>
        %parallel_loop3A_918 = tpu.vector_load_idx %parallel_loop3A_917[%parallel_loop3A_763] : memref<4096xf32, #tpu.memory_space<vmem>>[vector<16xi32>], vector<16xf32>,
        %parallel_loop3A_919 = arith.constant 28672 : i32
        %parallel_loop3A_920 = tpu.memref_slice %arg7[%parallel_loop3A_919] : memref<32768xf32, #tpu.memory_space<vmem>> -> memref<4096xf32, #tpu.memory_space<vmem>>
        %parallel_loop3A_921 = tpu.vector_load_idx %parallel_loop3A_920[%parallel_loop3A_766] : memref<4096xf32, #tpu.memory_space<vmem>>[vector<16xi32>], vector<16xf32>,
        %parallel_loop3A_922 = arith.mulf %parallel_loop3A_774, %parallel_loop3A_918 : vector<16xf32>
        %parallel_loop3A_923 = arith.addf %parallel_loop3A_770, %parallel_loop3A_922 : vector<16xf32>
        %parallel_loop3A_924 = arith.mulf %parallel_loop3A_778, %parallel_loop3A_921 : vector<16xf32>
        %parallel_loop3A_925 = arith.addf %parallel_loop3A_923, %parallel_loop3A_924 : vector<16xf32>
        %parallel_loop3A_926 = arith.mulf %parallel_loop3A_918, %parallel_loop3A_921 : vector<16xf32>
        %parallel_loop3A_927 = arith.mulf %parallel_loop3A_782, %parallel_loop3A_926 : vector<16xf32>
        %parallel_loop3A_928 = arith.addf %parallel_loop3A_925, %parallel_loop3A_927 : vector<16xf32>
        %parallel_loop3A_929 = arith.constant 16 : i32
        %parallel_loop3A_930 = arith.muli %parallel_loop3A_755, %parallel_loop3A_929 : i32
        %parallel_loop3A_931 = arith.constant 7 : i32
        %parallel_loop3A_932 = arith.index_cast %parallel_loop3A_931 : i32 to index
        %parallel_loop3A_933 = arith.index_cast %parallel_loop3A_930 : i32 to index
        %parallel_loop3A_934 = tpu.vector_load %arg10[%parallel_loop3A_932, %parallel_loop3A_933] {strides = array<i32>} : memref<8x1024xf32, #tpu.memory_space<vmem>>, vector<16xf32>,
        tpu.vector_store %arg10[%parallel_loop3A_932, %parallel_loop3A_933], %parallel_loop3A_928 {strides = array<i32>} : memref<8x1024xf32, #tpu.memory_space<vmem>>, vector<16xf32>,
      } {sc.loop_unroll_factor = 1 : i64, sc.parallel_access}
      "tpu.region"() ({
        %run_scoped3A = tpu.sem_alloc : memref<!tpu.dma_semaphore, #tpu.memory_space<semaphore_mem>>
        %dma_start3A_755 = tpu.memref_slice %arg5[%add3A_660, %mul3A_751] : memref<1024x8192xf32, #tpu.memory_space<hbm>> -> memref<8x1024xf32, #tpu.memory_space<hbm>>
        %dma_start3A_756 = tpu.memref_slice %arg5[%add3A_660, %mul3A_751] : memref<1024x8192xf32, #tpu.memory_space<hbm>> -> memref<8x1024xf32, #tpu.memory_space<hbm>>
        tpu.enqueue_dma source(%arg10 : memref<8x1024xf32, #tpu.memory_space<vmem>>) target(%dma_start3A_756 : memref<8x1024xf32, #tpu.memory_space<hbm>>) target_semaphore(%run_scoped3A : memref<!tpu.dma_semaphore, #tpu.memory_space<semaphore_mem>>)
        %dma_wait3A_757 = tpu.memref_slice %arg5[%add3A_660, %mul3A_751] : memref<1024x8192xf32, #tpu.memory_space<hbm>> -> memref<8x1024xf32, #tpu.memory_space<hbm>>
        %dma_wait3A_758 = tpu.memref_slice %arg5[%add3A_660, %mul3A_751] : memref<1024x8192xf32, #tpu.memory_space<hbm>> -> memref<8x1024xf32, #tpu.memory_space<hbm>>
        tpu.wait_dma2 semaphore(%run_scoped3A : memref<!tpu.dma_semaphore, #tpu.memory_space<semaphore_mem>>) src(%arg10 : memref<8x1024xf32, #tpu.memory_space<vmem>>) dst(%dma_wait3A_758 : memref<8x1024xf32, #tpu.memory_space<hbm>>)
        tpu.yield
      }) : () -> ()
      %scan3A_754 = arith.constant 0 : i32
      scf.yield %scan3A_754 : i32
    }
    %scan3A_747 = arith.constant 8 : i32
    return
  }
}

module attributes {stable_mosaic.version = 14 : i64} {
  func.func @_coef_body(%arg0: memref<16x8192xf32, #tpu.memory_space<vmem>>, %arg1: memref<4x8192xf32, #tpu.memory_space<vmem>>) attributes {dimension_semantics = [], scalar_prefetch = 0 : i64, scratch_operands = 0 : i64, tpu.core_type = #tpu.core_type<tc>} {
    %get3A = arith.constant 0 : index
    %get3A_0 = arith.constant 0 : index
    %get3A_1 = vector.load %arg0[%get3A, %get3A_0] : memref<16x8192xf32, #tpu.memory_space<vmem>>, vector<16x8192xf32>
    %reduce_max3A = arith.constant dense<0xFF800000> : vector<8192xf32>
    %reduce_max3A_2 = vector.multi_reduction <maximumf>, %get3A_1, %reduce_max3A [0] : vector<16x8192xf32> to vector<8192xf32>
    %broadcast_in_dim3A = vector.shape_cast %reduce_max3A_2 : vector<8192xf32> to vector<1x8192xf32>
    %sub3A = vector.broadcast %broadcast_in_dim3A : vector<1x8192xf32> to vector<16x8192xf32>
    %sub3A_3 = arith.subf %get3A_1, %sub3A : vector<16x8192xf32>
    %exp3A = math.exp %sub3A_3 : vector<16x8192xf32>
    %reduce_sum3A = arith.constant dense<0.000000e+00> : vector<8192xf32>
    %reduce_sum3A_4 = vector.multi_reduction <add>, %exp3A, %reduce_sum3A [0] : vector<16x8192xf32> to vector<8192xf32>
    %broadcast_in_dim3A_5 = vector.shape_cast %reduce_sum3A_4 : vector<8192xf32> to vector<1x8192xf32>
    %div3A = vector.broadcast %broadcast_in_dim3A_5 : vector<1x8192xf32> to vector<16x8192xf32>
    %div3A_6 = arith.divf %exp3A, %div3A : vector<16x8192xf32>
    %broadcast_in_dim3A_7 = arith.constant 0.000000e+00 : f32
    %broadcast_in_dim3A_8 = vector.broadcast %broadcast_in_dim3A_7 : f32 to vector<1x8192xf32>
    %slice3A = vector.extract_strided_slice %div3A_6 {offsets = [8, 0], sizes = [1, 8192], strides = [1, 1]} : vector<16x8192xf32> to vector<1x8192xf32>
    %mul3A = arith.constant 1.000000e+00 : f32
    %mul3A_9 = vector.broadcast %mul3A : f32 to vector<1x8192xf32>
    %mul3A_10 = arith.mulf %mul3A_9, %slice3A : vector<1x8192xf32>
    %add3A = arith.addf %broadcast_in_dim3A_8, %mul3A_10 : vector<1x8192xf32>
    %slice3A_11 = vector.extract_strided_slice %div3A_6 {offsets = [9, 0], sizes = [1, 8192], strides = [1, 1]} : vector<16x8192xf32> to vector<1x8192xf32>
    %mul3A_12 = arith.constant 1.000000e+00 : f32
    %mul3A_13 = vector.broadcast %mul3A_12 : f32 to vector<1x8192xf32>
    %mul3A_14 = arith.mulf %mul3A_13, %slice3A_11 : vector<1x8192xf32>
    %add3A_15 = arith.addf %add3A, %mul3A_14 : vector<1x8192xf32>
    %slice3A_16 = vector.extract_strided_slice %div3A_6 {offsets = [10, 0], sizes = [1, 8192], strides = [1, 1]} : vector<16x8192xf32> to vector<1x8192xf32>
    %mul3A_17 = arith.constant 1.000000e+00 : f32
    %mul3A_18 = vector.broadcast %mul3A_17 : f32 to vector<1x8192xf32>
    %mul3A_19 = arith.mulf %mul3A_18, %slice3A_16 : vector<1x8192xf32>
    %add3A_20 = arith.addf %add3A_15, %mul3A_19 : vector<1x8192xf32>
    %slice3A_21 = vector.extract_strided_slice %div3A_6 {offsets = [11, 0], sizes = [1, 8192], strides = [1, 1]} : vector<16x8192xf32> to vector<1x8192xf32>
    %mul3A_22 = arith.constant 1.000000e+00 : f32
    %mul3A_23 = vector.broadcast %mul3A_22 : f32 to vector<1x8192xf32>
    %mul3A_24 = arith.mulf %mul3A_23, %slice3A_21 : vector<1x8192xf32>
    %add3A_25 = arith.addf %add3A_20, %mul3A_24 : vector<1x8192xf32>
    %slice3A_26 = vector.extract_strided_slice %div3A_6 {offsets = [12, 0], sizes = [1, 8192], strides = [1, 1]} : vector<16x8192xf32> to vector<1x8192xf32>
    %mul3A_27 = arith.constant 1.000000e+00 : f32
    %mul3A_28 = vector.broadcast %mul3A_27 : f32 to vector<1x8192xf32>
    %mul3A_29 = arith.mulf %mul3A_28, %slice3A_26 : vector<1x8192xf32>
    %add3A_30 = arith.addf %add3A_25, %mul3A_29 : vector<1x8192xf32>
    %slice3A_31 = vector.extract_strided_slice %div3A_6 {offsets = [13, 0], sizes = [1, 8192], strides = [1, 1]} : vector<16x8192xf32> to vector<1x8192xf32>
    %mul3A_32 = arith.constant 1.000000e+00 : f32
    %mul3A_33 = vector.broadcast %mul3A_32 : f32 to vector<1x8192xf32>
    %mul3A_34 = arith.mulf %mul3A_33, %slice3A_31 : vector<1x8192xf32>
    %add3A_35 = arith.addf %add3A_30, %mul3A_34 : vector<1x8192xf32>
    %slice3A_36 = vector.extract_strided_slice %div3A_6 {offsets = [14, 0], sizes = [1, 8192], strides = [1, 1]} : vector<16x8192xf32> to vector<1x8192xf32>
    %mul3A_37 = arith.constant 1.000000e+00 : f32
    %mul3A_38 = vector.broadcast %mul3A_37 : f32 to vector<1x8192xf32>
    %mul3A_39 = arith.mulf %mul3A_38, %slice3A_36 : vector<1x8192xf32>
    %add3A_40 = arith.addf %add3A_35, %mul3A_39 : vector<1x8192xf32>
    %slice3A_41 = vector.extract_strided_slice %div3A_6 {offsets = [15, 0], sizes = [1, 8192], strides = [1, 1]} : vector<16x8192xf32> to vector<1x8192xf32>
    %mul3A_42 = arith.constant 1.000000e+00 : f32
    %mul3A_43 = vector.broadcast %mul3A_42 : f32 to vector<1x8192xf32>
    %mul3A_44 = arith.mulf %mul3A_43, %slice3A_41 : vector<1x8192xf32>
    %add3A_45 = arith.addf %add3A_40, %mul3A_44 : vector<1x8192xf32>
    %broadcast_in_dim3A_46 = arith.constant 0.000000e+00 : f32
    %broadcast_in_dim3A_47 = vector.broadcast %broadcast_in_dim3A_46 : f32 to vector<1x8192xf32>
    %slice3A_48 = vector.extract_strided_slice %div3A_6 {offsets = [2, 0], sizes = [1, 8192], strides = [1, 1]} : vector<16x8192xf32> to vector<1x8192xf32>
    %mul3A_49 = arith.constant 1.000000e+00 : f32
    %mul3A_50 = vector.broadcast %mul3A_49 : f32 to vector<1x8192xf32>
    %mul3A_51 = arith.mulf %mul3A_50, %slice3A_48 : vector<1x8192xf32>
    %add3A_52 = arith.addf %broadcast_in_dim3A_47, %mul3A_51 : vector<1x8192xf32>
    %slice3A_53 = vector.extract_strided_slice %div3A_6 {offsets = [3, 0], sizes = [1, 8192], strides = [1, 1]} : vector<16x8192xf32> to vector<1x8192xf32>
    %mul3A_54 = arith.constant 1.000000e+00 : f32
    %mul3A_55 = vector.broadcast %mul3A_54 : f32 to vector<1x8192xf32>
    %mul3A_56 = arith.mulf %mul3A_55, %slice3A_53 : vector<1x8192xf32>
    %add3A_57 = arith.addf %add3A_52, %mul3A_56 : vector<1x8192xf32>
    %slice3A_58 = vector.extract_strided_slice %div3A_6 {offsets = [6, 0], sizes = [1, 8192], strides = [1, 1]} : vector<16x8192xf32> to vector<1x8192xf32>
    %mul3A_59 = arith.constant 1.000000e+00 : f32
    %mul3A_60 = vector.broadcast %mul3A_59 : f32 to vector<1x8192xf32>
    %mul3A_61 = arith.mulf %mul3A_60, %slice3A_58 : vector<1x8192xf32>
    %add3A_62 = arith.addf %add3A_57, %mul3A_61 : vector<1x8192xf32>
    %slice3A_63 = vector.extract_strided_slice %div3A_6 {offsets = [7, 0], sizes = [1, 8192], strides = [1, 1]} : vector<16x8192xf32> to vector<1x8192xf32>
    %mul3A_64 = arith.constant 1.000000e+00 : f32
    %mul3A_65 = vector.broadcast %mul3A_64 : f32 to vector<1x8192xf32>
    %mul3A_66 = arith.mulf %mul3A_65, %slice3A_63 : vector<1x8192xf32>
    %add3A_67 = arith.addf %add3A_62, %mul3A_66 : vector<1x8192xf32>
    %slice3A_68 = vector.extract_strided_slice %div3A_6 {offsets = [8, 0], sizes = [1, 8192], strides = [1, 1]} : vector<16x8192xf32> to vector<1x8192xf32>
    %mul3A_69 = arith.constant -1.000000e+00 : f32
    %mul3A_70 = vector.broadcast %mul3A_69 : f32 to vector<1x8192xf32>
    %mul3A_71 = arith.mulf %mul3A_70, %slice3A_68 : vector<1x8192xf32>
    %add3A_72 = arith.addf %add3A_67, %mul3A_71 : vector<1x8192xf32>
    %slice3A_73 = vector.extract_strided_slice %div3A_6 {offsets = [9, 0], sizes = [1, 8192], strides = [1, 1]} : vector<16x8192xf32> to vector<1x8192xf32>
    %mul3A_74 = arith.constant -1.000000e+00 : f32
    %mul3A_75 = vector.broadcast %mul3A_74 : f32 to vector<1x8192xf32>
    %mul3A_76 = arith.mulf %mul3A_75, %slice3A_73 : vector<1x8192xf32>
    %add3A_77 = arith.addf %add3A_72, %mul3A_76 : vector<1x8192xf32>
    %slice3A_78 = vector.extract_strided_slice %div3A_6 {offsets = [12, 0], sizes = [1, 8192], strides = [1, 1]} : vector<16x8192xf32> to vector<1x8192xf32>
    %mul3A_79 = arith.constant -1.000000e+00 : f32
    %mul3A_80 = vector.broadcast %mul3A_79 : f32 to vector<1x8192xf32>
    %mul3A_81 = arith.mulf %mul3A_80, %slice3A_78 : vector<1x8192xf32>
    %add3A_82 = arith.addf %add3A_77, %mul3A_81 : vector<1x8192xf32>
    %slice3A_83 = vector.extract_strided_slice %div3A_6 {offsets = [13, 0], sizes = [1, 8192], strides = [1, 1]} : vector<16x8192xf32> to vector<1x8192xf32>
    %mul3A_84 = arith.constant -1.000000e+00 : f32
    %mul3A_85 = vector.broadcast %mul3A_84 : f32 to vector<1x8192xf32>
    %mul3A_86 = arith.mulf %mul3A_85, %slice3A_83 : vector<1x8192xf32>
    %add3A_87 = arith.addf %add3A_82, %mul3A_86 : vector<1x8192xf32>
    %broadcast_in_dim3A_88 = arith.constant 0.000000e+00 : f32
    %broadcast_in_dim3A_89 = vector.broadcast %broadcast_in_dim3A_88 : f32 to vector<1x8192xf32>
    %slice3A_90 = vector.extract_strided_slice %div3A_6 {offsets = [4, 0], sizes = [1, 8192], strides = [1, 1]} : vector<16x8192xf32> to vector<1x8192xf32>
    %mul3A_91 = arith.constant 1.000000e+00 : f32
    %mul3A_92 = vector.broadcast %mul3A_91 : f32 to vector<1x8192xf32>
    %mul3A_93 = arith.mulf %mul3A_92, %slice3A_90 : vector<1x8192xf32>
    %add3A_94 = arith.addf %broadcast_in_dim3A_89, %mul3A_93 : vector<1x8192xf32>
    %slice3A_95 = vector.extract_strided_slice %div3A_6 {offsets = [5, 0], sizes = [1, 8192], strides = [1, 1]} : vector<16x8192xf32> to vector<1x8192xf32>
    %mul3A_96 = arith.constant 1.000000e+00 : f32
    %mul3A_97 = vector.broadcast %mul3A_96 : f32 to vector<1x8192xf32>
    %mul3A_98 = arith.mulf %mul3A_97, %slice3A_95 : vector<1x8192xf32>
    %add3A_99 = arith.addf %add3A_94, %mul3A_98 : vector<1x8192xf32>
    %slice3A_100 = vector.extract_strided_slice %div3A_6 {offsets = [6, 0], sizes = [1, 8192], strides = [1, 1]} : vector<16x8192xf32> to vector<1x8192xf32>
    %mul3A_101 = arith.constant 1.000000e+00 : f32
    %mul3A_102 = vector.broadcast %mul3A_101 : f32 to vector<1x8192xf32>
    %mul3A_103 = arith.mulf %mul3A_102, %slice3A_100 : vector<1x8192xf32>
    %add3A_104 = arith.addf %add3A_99, %mul3A_103 : vector<1x8192xf32>
    %slice3A_105 = vector.extract_strided_slice %div3A_6 {offsets = [7, 0], sizes = [1, 8192], strides = [1, 1]} : vector<16x8192xf32> to vector<1x8192xf32>
    %mul3A_106 = arith.constant 1.000000e+00 : f32
    %mul3A_107 = vector.broadcast %mul3A_106 : f32 to vector<1x8192xf32>
    %mul3A_108 = arith.mulf %mul3A_107, %slice3A_105 : vector<1x8192xf32>
    %add3A_109 = arith.addf %add3A_104, %mul3A_108 : vector<1x8192xf32>
    %slice3A_110 = vector.extract_strided_slice %div3A_6 {offsets = [8, 0], sizes = [1, 8192], strides = [1, 1]} : vector<16x8192xf32> to vector<1x8192xf32>
    %mul3A_111 = arith.constant -1.000000e+00 : f32
    %mul3A_112 = vector.broadcast %mul3A_111 : f32 to vector<1x8192xf32>
    %mul3A_113 = arith.mulf %mul3A_112, %slice3A_110 : vector<1x8192xf32>
    %add3A_114 = arith.addf %add3A_109, %mul3A_113 : vector<1x8192xf32>
    %slice3A_115 = vector.extract_strided_slice %div3A_6 {offsets = [9, 0], sizes = [1, 8192], strides = [1, 1]} : vector<16x8192xf32> to vector<1x8192xf32>
    %mul3A_116 = arith.constant -1.000000e+00 : f32
    %mul3A_117 = vector.broadcast %mul3A_116 : f32 to vector<1x8192xf32>
    %mul3A_118 = arith.mulf %mul3A_117, %slice3A_115 : vector<1x8192xf32>
    %add3A_119 = arith.addf %add3A_114, %mul3A_118 : vector<1x8192xf32>
    %slice3A_120 = vector.extract_strided_slice %div3A_6 {offsets = [10, 0], sizes = [1, 8192], strides = [1, 1]} : vector<16x8192xf32> to vector<1x8192xf32>
    %mul3A_121 = arith.constant -1.000000e+00 : f32
    %mul3A_122 = vector.broadcast %mul3A_121 : f32 to vector<1x8192xf32>
    %mul3A_123 = arith.mulf %mul3A_122, %slice3A_120 : vector<1x8192xf32>
    %add3A_124 = arith.addf %add3A_119, %mul3A_123 : vector<1x8192xf32>
    %slice3A_125 = vector.extract_strided_slice %div3A_6 {offsets = [11, 0], sizes = [1, 8192], strides = [1, 1]} : vector<16x8192xf32> to vector<1x8192xf32>
    %mul3A_126 = arith.constant -1.000000e+00 : f32
    %mul3A_127 = vector.broadcast %mul3A_126 : f32 to vector<1x8192xf32>
    %mul3A_128 = arith.mulf %mul3A_127, %slice3A_125 : vector<1x8192xf32>
    %add3A_129 = arith.addf %add3A_124, %mul3A_128 : vector<1x8192xf32>
    %broadcast_in_dim3A_130 = arith.constant 0.000000e+00 : f32
    %broadcast_in_dim3A_131 = vector.broadcast %broadcast_in_dim3A_130 : f32 to vector<1x8192xf32>
    %slice3A_132 = vector.extract_strided_slice %div3A_6 {offsets = [1, 0], sizes = [1, 8192], strides = [1, 1]} : vector<16x8192xf32> to vector<1x8192xf32>
    %mul3A_133 = arith.constant 1.000000e+00 : f32
    %mul3A_134 = vector.broadcast %mul3A_133 : f32 to vector<1x8192xf32>
    %mul3A_135 = arith.mulf %mul3A_134, %slice3A_132 : vector<1x8192xf32>
    %add3A_136 = arith.addf %broadcast_in_dim3A_131, %mul3A_135 : vector<1x8192xf32>
    %slice3A_137 = vector.extract_strided_slice %div3A_6 {offsets = [2, 0], sizes = [1, 8192], strides = [1, 1]} : vector<16x8192xf32> to vector<1x8192xf32>
    %mul3A_138 = arith.constant -1.000000e+00 : f32
    %mul3A_139 = vector.broadcast %mul3A_138 : f32 to vector<1x8192xf32>
    %mul3A_140 = arith.mulf %mul3A_139, %slice3A_137 : vector<1x8192xf32>
    %add3A_141 = arith.addf %add3A_136, %mul3A_140 : vector<1x8192xf32>
    %slice3A_142 = vector.extract_strided_slice %div3A_6 {offsets = [4, 0], sizes = [1, 8192], strides = [1, 1]} : vector<16x8192xf32> to vector<1x8192xf32>
    %mul3A_143 = arith.constant -1.000000e+00 : f32
    %mul3A_144 = vector.broadcast %mul3A_143 : f32 to vector<1x8192xf32>
    %mul3A_145 = arith.mulf %mul3A_144, %slice3A_142 : vector<1x8192xf32>
    %add3A_146 = arith.addf %add3A_141, %mul3A_145 : vector<1x8192xf32>
    %slice3A_147 = vector.extract_strided_slice %div3A_6 {offsets = [6, 0], sizes = [1, 8192], strides = [1, 1]} : vector<16x8192xf32> to vector<1x8192xf32>
    %mul3A_148 = arith.constant -2.000000e+00 : f32
    %mul3A_149 = vector.broadcast %mul3A_148 : f32 to vector<1x8192xf32>
    %mul3A_150 = arith.mulf %mul3A_149, %slice3A_147 : vector<1x8192xf32>
    %add3A_151 = arith.addf %add3A_146, %mul3A_150 : vector<1x8192xf32>
    %slice3A_152 = vector.extract_strided_slice %div3A_6 {offsets = [7, 0], sizes = [1, 8192], strides = [1, 1]} : vector<16x8192xf32> to vector<1x8192xf32>
    %mul3A_153 = arith.constant -1.000000e+00 : f32
    %mul3A_154 = vector.broadcast %mul3A_153 : f32 to vector<1x8192xf32>
    %mul3A_155 = arith.mulf %mul3A_154, %slice3A_152 : vector<1x8192xf32>
    %add3A_156 = arith.addf %add3A_151, %mul3A_155 : vector<1x8192xf32>
    %slice3A_157 = vector.extract_strided_slice %div3A_6 {offsets = [8, 0], sizes = [1, 8192], strides = [1, 1]} : vector<16x8192xf32> to vector<1x8192xf32>
    %mul3A_158 = arith.constant 1.000000e+00 : f32
    %mul3A_159 = vector.broadcast %mul3A_158 : f32 to vector<1x8192xf32>
    %mul3A_160 = arith.mulf %mul3A_159, %slice3A_157 : vector<1x8192xf32>
    %add3A_161 = arith.addf %add3A_156, %mul3A_160 : vector<1x8192xf32>
    %slice3A_162 = vector.extract_strided_slice %div3A_6 {offsets = [9, 0], sizes = [1, 8192], strides = [1, 1]} : vector<16x8192xf32> to vector<1x8192xf32>
    %mul3A_163 = arith.constant 2.000000e+00 : f32
    %mul3A_164 = vector.broadcast %mul3A_163 : f32 to vector<1x8192xf32>
    %mul3A_165 = arith.mulf %mul3A_164, %slice3A_162 : vector<1x8192xf32>
    %add3A_166 = arith.addf %add3A_161, %mul3A_165 : vector<1x8192xf32>
    %slice3A_167 = vector.extract_strided_slice %div3A_6 {offsets = [11, 0], sizes = [1, 8192], strides = [1, 1]} : vector<16x8192xf32> to vector<1x8192xf32>
    %mul3A_168 = arith.constant 1.000000e+00 : f32
    %mul3A_169 = vector.broadcast %mul3A_168 : f32 to vector<1x8192xf32>
    %mul3A_170 = arith.mulf %mul3A_169, %slice3A_167 : vector<1x8192xf32>
    %add3A_171 = arith.addf %add3A_166, %mul3A_170 : vector<1x8192xf32>
    %slice3A_172 = vector.extract_strided_slice %div3A_6 {offsets = [13, 0], sizes = [1, 8192], strides = [1, 1]} : vector<16x8192xf32> to vector<1x8192xf32>
    %mul3A_173 = arith.constant 1.000000e+00 : f32
    %mul3A_174 = vector.broadcast %mul3A_173 : f32 to vector<1x8192xf32>
    %mul3A_175 = arith.mulf %mul3A_174, %slice3A_172 : vector<1x8192xf32>
    %add3A_176 = arith.addf %add3A_171, %mul3A_175 : vector<1x8192xf32>
    %slice3A_177 = vector.extract_strided_slice %div3A_6 {offsets = [14, 0], sizes = [1, 8192], strides = [1, 1]} : vector<16x8192xf32> to vector<1x8192xf32>
    %mul3A_178 = arith.constant -1.000000e+00 : f32
    %mul3A_179 = vector.broadcast %mul3A_178 : f32 to vector<1x8192xf32>
    %mul3A_180 = arith.mulf %mul3A_179, %slice3A_177 : vector<1x8192xf32>
    %add3A_181 = arith.addf %add3A_176, %mul3A_180 : vector<1x8192xf32>
    %concatenate3A = tpu.concatenate %add3A_45, %add3A_87, %add3A_129, %add3A_181 in 0 : vector<1x8192xf32>, vector<1x8192xf32>, vector<1x8192xf32>, vector<1x8192xf32> -> vector<4x8192xf32>
    %swap3A = arith.constant 0 : index
    %swap3A_182 = arith.constant 0 : index
    %swap3A_183 = vector.load %arg1[%swap3A, %swap3A_182] : memref<4x8192xf32, #tpu.memory_space<vmem>>, vector<4x8192xf32>
    tpu.vector_store %arg1[%swap3A, %swap3A_182], %concatenate3A {strides = array<i32>} : memref<4x8192xf32, #tpu.memory_space<vmem>>, vector<4x8192xf32>,
    return
  }
}

</mosaic_0001>

<sc_bundles>
// kernel: kernel.4.cloned.1.call-start
scs
__scs_entry_jumppad:
0x0: {  	(pc) =	sbr.rel $0x88, $3  }
0x1: {  	(tag) =	ssettag $0x0;
	lr =	simm.s32 $0x1  }
0x2: {  	[smem:$0x3F9E] =	sst lr;
	_ =	strace $0xD0000000  }
0x3: {  	_ = 	snop  }
0x4: {  	_ = 	snop  }
0x5: {  	_ = 	snop  }
0x6: {  	_ = 	snop  }
0x7: {  	_ = 	snop  }
__scs_overlays_trampoline_lowered:
0x8: {  	[smem:$0x3FAD] =	sst s0  }
0x9: {  	[smem:$0x3FAE] =	sst s1  }
0xa: {  	[smem:$0x3FAF] =	sst s2  }
0xb: {  	[smem:$0x3FB0] =	sst s3  }
0xc: {  	[smem:$0x3FB1] =	sst s4  }
0xd: {  	[smem:$0x3FB2] =	sst s5  }
0xe: {  	[smem:$0x3FB3] =	sst s6  }
0xf: {  	[smem:$0x3FB4] =	sst s7  }
0x10: {  	[smem:$0x3FB5] =	sst s8  }
0x11: {  	[smem:$0x3FB6] =	sst s9;
	s0 =	simm.s32 @!p0 $0x0  }
0x12: {  	s1 =	sld [smem:$0x3F9C];
	s0 =	simm.s32 @p0 $0x1  }
0x13: {  	[smem:$0x3FB7] =	sst s0;
	s0 =	simm.s32 @!p1 $0x0  }
0x14: {  	s2 =	sld [smem:$0x3F9B];
	s0 =	simm.s32 @p1 $0x1  }
0x15: {  	[smem:$0x3FB8] =	sst s0;
	s0 =	simm.s32 @!p2 $0x0  }
0x16: {  	s3 =	sld [smem:$0x3FDB];
	s0 =	simm.s32 @p2 $0x1  }
0x17: {  	s4 =	simm.s32 $0x1BF5;
	[smem:$0x3FBA] =	sst s0  }
0x18: {  	s0 =	sld [smem:$0x3F9D];
	_ =	swait.ge [sflag:s4], $0x0  }
0x19: {  	s7 =	sld [smem:$0x3F9E]  }
0x1a: {  	s8 =	sadd.s32 $0xFFFFE003, lr  }
0x1b: {  	s9 =	sadd.s32 $0xFFFFFEF7, lr;
	s5 =	simm.s32 $0xFFFFFFFF;
	p2 =	slt.u32 s8, $0xFFFFF086  }
0x1c: {  	p1 =	slt.u32 s9, $0xF7A;
	s5 =	simm.s32 @!p2 $0x0  }
0x1d: {  	s5 =	simm.s32 @p1 $0x1;
	p0 =	seq.s32 s7, s2  }
0x1e: {  	s7 =	smul.u32 @!p0 $0xF7A, s2;
	p2 =	seq.s32 @!p0 s5, $0x0  }
0x1f: {  	s9 =	smul.u32 $0xF7A, s1;
	s8 =	simm.s32 @!p0 $0x1BF5;
	p2 =	por !p2, p0  }
0x20: {  	[sflag:s8] =	ssyncset.s32 @!p0 $0xFFFFF086;
	s6 =	sadd.s32 @!p0 s3, s7;
	s7 =	simm.s32 @!p0 $0x108  }
0x21: {  	s3 =	sadd.s32 s3, s9;
	s6 =	sadd.s32 @!p0 $0x88, s6;
	s7 =	simm.s32 @p2 $0x1082  }
0x22: {  	[simem:s7], [sflag:s8] =	dma.local @!p0 [hbm:s6], $0xF7A  }
0x23: {  	s9 =	sor.u32 $0xD0000000, s2;
	s6 =	simm.s32 $0x108;
	_ =	swait.ge @!p0 [sflag:s8], $0x0  }
0x24: {  	s3 =	sadd.s32 $0x88, s3;
	s6 =	simm.s32 @!p1 $0x1082;
	[sflag:s4] =	ssyncset.s32 $0xFFFFF086  }
0x25: {  	[simem:s6], [sflag:s4] =	dma.local [hbm:s3], $0xF7A  }
0x26: {  	[smem:$0x3F9E] =	sst s1;
	(tag) =	ssettag s2;
	_ =	strace s9  }
0x27: {  	s1 =	sld [smem:$0x3FAE]  }
0x28: {  	s2 =	sld [smem:$0x3FAF]  }
0x29: {  	s4 =	sld [smem:$0x3FB1]  }
0x2a: {  	p0 =	seq.s32 s5, $0x0;
	s5 =	sld [smem:$0x3FB2]  }
0x2b: {  	s6 =	sld [smem:$0x3FB3]  }
0x2c: {  	s7 =	sld [smem:$0x3FB4]  }
0x2d: {  	s3 =	simm.s32 $0x108;
	s8 =	sld [smem:$0x3FB5]  }
0x2e: {  	s3 =	simm.s32 @!p0 $0x1082;
	s9 =	sld [smem:$0x3FB6]  }
0x2f: {  	lr =	sadd.s32 s0, s3;
	s0 =	sld [smem:$0x3FAD]  }
0x30: {  	s3 =	sld [smem:$0x3FB0]  }
0x31: {  	[smem:$0x3FB9] =	sst s10  }
0x32: {  	s10 =	sld [smem:$0x3FB7];
	_ =	sdelay $0x3  }
0x33: {  	p0 =	seq.s32 s10, $0x1;
	s10 =	sld [smem:$0x3FB9];
	_ =	sdelay $0x3  }
0x34: {  	[smem:$0x3FB9] =	sst s10  }
0x35: {  	s10 =	sld [smem:$0x3FB8];
	_ =	sdelay $0x3  }
0x36: {  	p1 =	seq.s32 s10, $0x1;
	s10 =	sld [smem:$0x3FB9];
	_ =	sdelay $0x3  }
0x37: {  	[smem:$0x3FB9] =	sst s10  }
0x38: {  	s10 =	sld [smem:$0x3FBA]  }
0x39: {  	_ = 	snop;
	(pc) =	sbr.ind lr, $3  }
0x3a: {  	_ = 	snop  }
0x3b: {  	_ = 	snop  }
0x3c: {  	p2 =	seq.s32 s10, $0x1;
	s10 =	sld [smem:$0x3FB9]  }
0x3d: {  	_ =	shalt  }
0x3e: {  	_ =	shalt  }
0x3f: {  	_ =	shalt  }
0x40: {  	_ =	shalt  }
0x41: {  	_ =	shalt  }
0x42: {  	_ =	shalt  }
0x43: {  	_ =	shalt  }
0x44: {  	_ =	shalt  }
0x45: {  	_ =	shalt  }
0x46: {  	_ =	shalt  }
0x47: {  	_ =	shalt  }
0x48: {  	_ =	shalt  }
0x49: {  	_ =	shalt  }
0x4a: {  	_ =	shalt  }
0x4b: {  	_ =	shalt  }
0x4c: {  	_ =	shalt  }
0x4d: {  	_ =	shalt  }
0x4e: {  	_ =	shalt  }
0x4f: {  	_ =	shalt  }
0x50: {  	_ =	shalt  }
0x51: {  	_ =	shalt  }
0x52: {  	_ =	shalt  }
0x53: {  	_ =	shalt  }
0x54: {  	_ =	shalt  }
0x55: {  	_ =	shalt  }
0x56: {  	_ =	shalt  }
0x57: {  	_ =	shalt  }
0x58: {  	_ =	shalt  }
0x59: {  	_ =	shalt  }
0x5a: {  	_ =	shalt  }
0x5b: {  	_ =	shalt  }
0x5c: {  	_ =	shalt  }
0x5d: {  	_ =	shalt  }
0x5e: {  	_ =	shalt  }
0x5f: {  	_ =	shalt  }
0x60: {  	_ =	shalt  }
0x61: {  	_ =	shalt  }
0x62: {  	_ =	shalt  }
0x63: {  	_ =	shalt  }
0x64: {  	_ =	shalt  }
0x65: {  	_ =	shalt  }
0x66: {  	_ =	shalt  }
0x67: {  	_ =	shalt  }
0x68: {  	_ =	shalt  }
0x69: {  	_ =	shalt  }
0x6a: {  	_ =	shalt  }
0x6b: {  	_ =	shalt  }
0x6c: {  	_ =	shalt  }
0x6d: {  	_ =	shalt  }
0x6e: {  	_ =	shalt  }
0x6f: {  	_ =	shalt  }
0x70: {  	_ =	shalt  }
0x71: {  	_ =	shalt  }
0x72: {  	_ =	shalt  }
0x73: {  	_ =	shalt  }
0x74: {  	_ =	shalt  }
0x75: {  	_ =	shalt  }
0x76: {  	_ =	shalt  }
0x77: {  	_ =	shalt  }
0x78: {  	_ =	shalt  }
0x79: {  	_ =	shalt  }
0x7a: {  	_ =	shalt  }
0x7b: {  	_ =	shalt  }
0x7c: {  	_ =	shalt  }
0x7d: {  	_ =	shalt  }
0x7e: {  	_ =	shalt  }
0x7f: {  	_ =	shalt  }
0x80: {  	_ =	shalt  }
0x81: {  	_ =	shalt  }
0x82: {  	_ =	shalt  }
0x83: {  	_ =	shalt  }
0x84: {  	_ =	shalt  }
0x85: {  	_ =	shalt  }
0x86: {  	_ =	shalt  }
0x87: {  	_ =	shalt  }
.Lfunc_end0:
.L_simem_size_0:
called_computation_lowered:
.L_overlay_start_0:
0x88: {  	s2 =	sld [smem:$0x3FD9]  }
0x89: {  	s3 =	sld [smem:$0x3FFE];
	_ =	sdelay $0x1  }
0x8a: {  	s1 =	srdreg.scid  }
0x8b: {  	s0 =	sand.u32 $0x1, s1  }
0x8c: {  	s17 =	sshll.u32 s0, $0xA;
	s2 =	sadd.s32 s3, s2  }
0x8d: {  	s2 =	sadd.s32 s2, s17  }
0x8e: {  	[smem:$0x3FC5] =	sst s2  }
0x8f: {  	_ = 	snop  }
0x90: {  	s2 =	sld [smem:$0x3FC9]  }
0x91: {  	s18 =	sld [smem:$0x3FD0];
	(tm) =	ssettm $0x1  }
0x92: {  	s4 =	sld [smem:$0x3FFB];
	_ =	sdelay $0x3  }
0x93: {  	_ =	strace s4  }
0x94: {  	s4 =	sld [smem:$0x3FFC];
	_ =	sdelay $0x3  }
0x95: {  	_ =	strace s4  }
0x96: {  	s4 =	sld [smem:$0x3FFD];
	_ =	sdelay $0x3  }
0x97: {  	_ =	strace s4  }
0x98: {  	_ =	strace $0x8FFFFFFF  }
0x99: {  	s19 =	sld [smem:$0x3FDB];
	_ =	sdelay $0x1  }
0x9a: {  	s5 =	simm.s32 $_scs_section_size  }
0x9b: {  	s6 =	simm.s32 $_size__tile_overlayer_lowered;
	s7 =	simm.s32 $_tile_overlayer_lowered  }
0x9c: {  	s22 =	simm.s32 $0x1BFF;
	s21 =	sshll.u32 s7, $0x1;
	s4 =	sadd.s32 s5, s19  }
0x9d: {  	s8 =	simm.s32 $0x0;
	s20 =	sshll.u32 s6, $0x1;
	s6 =	sadd.s32 s21, s4  }
0x9e: {  	[timem:s8], [sflag:s22] =	dma.local [hbm:s6], s20  }
0x9f: {  	_ =	swait.ge [sflag:s22], s20  }
0xa0: {  	s5 =	ssub.s32 $0x0, s20;
	[sflag:s22] =	ssyncset.done $0x0  }
0xa1: {  	[sflag:s22] =	ssyncadd.s32 s5;
	_ =	sdelay $0x1  }
0xa2: {  	s23 =	simm.s32 $0x1B8B  }
0xa3: {  	_ =	swait.ge [sflag:s23], $0x1  }
0xa4: {  	[sflag:s23] =	ssyncset.done $0x0  }
0xa5: {  	s25 =	simm.s32 $0x1B8E;
	s24 =	sld [smem:$0x3FFE];
	[sflag:s23] =	ssyncadd.s32 $0xFFFFFFFF  }
0xa6: {  	s26 =	simm.s32 $execute0_lowered;
	[smem:$0x3FD2] =	sst s25  }
0xa7: {  	s6 =	sshll.u32 s26, $0x1;
	_ =	strace $0x80000046;
	[dreg:$0x1] =	wrdreg $0xFFFFFFFF  }
0xa8: {  	s28 =	simm.s32 $_size_execute0_lowered;
	s4 =	sadd.s32 s4, s6;
	[dreg:$0x0] =	wrdreg $0x0  }
0xa9: {  	s6 =	sshll.u32 s28, $0x1;
	[dreg:$0x2] =	wrdreg s4  }
0xaa: {  	[dreg:$0x3] =	wrdreg s6  }
0xab: {  	[dreg:$0x4] =	wrdreg $0xC0  }
0xac: {  	_ =	task [dreg:s8], $0x5FFFF  }
0xad: {  	[dreg:$0x1] =	wrdreg $0xFFFFFFFF  }
0xae: {  	[dreg:$0x0] =	wrdreg $0x60  }
0xaf: {  	[dreg:$0x2] =	wrdreg s2  }
0xb0: {  	[dreg:$0x3] =	wrdreg s24  }
0xb1: {  	[dreg:$0x4] =	wrdreg s18  }
0xb2: {  	[dreg:$0x5] =	wrdreg $0x9  }
0xb3: {  	_ =	task.clear_ibuf [dreg:s8], $0x6FFFF;
	_ =	strace $0x90000046  }
0xb4: {  	s29 =	simm.s32 $0x9;
	_ =	strace $0x80000048  }
0xb5: {  	_ =	swait.ge [sflag:s29], $0x1  }
0xb6: {  	[sflag:s29] =	ssyncadd.s32 $0xFFFFFFFF  }
0xb7: {  	_ =	strace $0x90000048  }
0xb8: {  	_ =	sfence  }
0xb9: {  	s30 =	sld [smem:$0x0];
	_ =	sdelay $0x2  }
0xba: {  	s31 =	sshll.u32 s1, $0xD;
	s1 =	sshrl.u32 s1, $0x2  }
0xbb: {  	s3 =	sand.u32 $0x4000, s31;
	s1 =	sadd.s32 s1, s30  }
0xbc: {  	s0 =	sor.u32 s3, s0;
	s1 =	sshll.u32 s1, $0x11  }
0xbd: {  	s0 =	sor.u32 s1, s0  }
0xbe: {  	s0 =	sadd.s32 $0x8F2B, s0  }
0xbf: {  	[sflag:s0] =	ssyncadd.remote.s32 $0x1  }
0xc0: {  	_ =	sfence.sel $0xFFFF  }
0xc1: {  	[dreg:$0x0] =	wrdreg $0xFFFFFFFF;
	(pc) =	sbr.abs _section_cstart, $3  }
0xc2: {  	[dreg:$0x1] =	wrdreg $0xFFFFFFFF  }
0xc3: {  	_ =	task.clear_ibuf [dreg:s8], $0x2FFFF;
	_ =	strace $0x9FFFFFFF  }
0xc4: {  	(tm) =	ssettm $0x7FFFFFFF  }
0xc5: {  	_ =	shalt  }
tec
execute0_lowered:
.L_overlay_start_1:
0x0: {  	(tag) =	ssettag $0x1  }
0x1: {  	s0 =	rddreg [dreg:$0x0]  }
0x2: {  	s1 =	rddreg [dreg:$0x1]  }
0x3: {  	s6 =	rddreg [dreg:$0x2];
	s2 =	srdreg.scid  }
0x4: {  	s3 =	stileid.u32;
	s25 =	simm.s32 $0x0;
	s2 =	sand.u32 $0x1, s2  }
0x5: {  	s3 =	sshll.u32 s3, $0x6;
	[smem:$0x7FF] =	sst s25;
	s10 =	sadd.s32 $0x800, s1  }
0x6: {  	s1 =	sadd.s32 $0xC00, s1;
	s4 =	sshll.u32 s2, $0x5;
	s2 =	ssub.s32 $0x2, s2  }
0x7: {  	_ =	strace $0x80000047;
	[dreg:$0x5] =	wrdreg s10;
	s11 =	sshrl.u32 s2, $0x1  }
0x8: {  	[dreg:$0x7] =	wrdreg s1;
	s5 =	sor.u32 s4, s3;
	s12 =	ssub.s32 s2, s11  }
0x9: {  	s3 =	sshll.u32 s5, $0x9;
	[dreg:$0x4] =	wrdreg s5;
	s10 =	smax.u32 s12, $0x1  }
0xa: {  	s7 =	sadd.s32 s0, s3;
	[dreg:$0x19] =	wrdreg s10  }
0xb: {  	s13 =	sadd.s32 $0x10, s7;
	[dreg:$0x6] =	wrdreg s7  }
0xc: {  	s14 =	sadd.s32 $0x20, s7;
	[dreg:$0x8] =	wrdreg s13  }
0xd: {  	s15 =	sadd.s32 $0x30, s7;
	[dreg:$0x9] =	wrdreg s14  }
0xe: {  	s3 =	sadd.s32 $0x40, s7;
	[dreg:$0xa] =	wrdreg s15  }
0xf: {  	s17 =	sadd.s32 $0x50, s7;
	[dreg:$0xb] =	wrdreg s3  }
0x10: {  	s19 =	sadd.s32 $0x60, s7;
	[dreg:$0xc] =	wrdreg s17  }
0x11: {  	s20 =	sadd.s32 $0x70, s7;
	[dreg:$0xd] =	wrdreg s19  }
0x12: {  	s22 =	sadd.s32 $0x1010, s7;
	[dreg:$0xe] =	wrdreg s20  }
0x13: {  	s24 =	sadd.s32 $0x1020, s7;
	[dreg:$0x10] =	wrdreg s22  }
0x14: {  	s16 =	sshrl.u32 s5, $0x3;
	s8 =	sadd.s32 $0x1030, s7;
	[dreg:$0x11] =	wrdreg s24  }
0x15: {  	s18 =	sor.u32 $0x1, s16;
	s30 =	sadd.s32 $0x1040, s7;
	[dreg:$0x12] =	wrdreg s8  }
0x16: {  	s23 =	sor.u32 $0x2, s16;
	s11 =	sadd.s32 $0x1050, s7;
	[dreg:$0x15] =	wrdreg s30  }
0x17: {  	s2 =	sor.u32 $0x3, s16;
	s12 =	sadd.s32 $0x1060, s7;
	[dreg:$0x1a] =	wrdreg s11  }
0x18: {  	s21 =	sshll.u32 s18, $0xC;
	s16 =	sadd.s32 $0x2030, s7;
	[dreg:$0x1b] =	wrdreg s12  }
0x19: {  	s26 =	sshll.u32 s23, $0xC;
	s4 =	sadd.s32 s0, s21;
	[dreg:$0x1f] =	wrdreg s16  }
0x1a: {  	s29 =	sshll.u32 s2, $0xC;
	s5 =	sadd.s32 s0, s26;
	[dreg:$0xf] =	wrdreg s4  }
0x1b: {  	s2 =	sshll.u32 s2, $0xD;
	s0 =	sadd.s32 s0, s29;
	[dreg:$0x13] =	wrdreg s5  }
0x1c: {  	s9 =	sadd.s32 s6, s2;
	[dreg:$0x14] =	wrdreg s0  }
0x1d: {  	s13 =	sadd.s32 $0x1070, s7;
	[dreg:$0x18] =	wrdreg s9  }
0x1e: {  	s14 =	sadd.s32 $0x2010, s7;
	[dreg:$0x1c] =	wrdreg s13  }
0x1f: {  	s15 =	sadd.s32 $0x2020, s7;
	[dreg:$0x1d] =	wrdreg s14  }
0x20: {  	s17 =	sadd.s32 $0x2040, s7;
	[dreg:$0x1e] =	wrdreg s15  }
0x21: {  	s19 =	sadd.s32 $0x2060, s7;
	[smem:$0x7F3] =	sst s17  }
0x22: {  	s28 =	simm.s32 $0x3000;
	s20 =	sadd.s32 $0x2070, s7;
	[smem:$0x7F5] =	sst s19  }
0x23: {  	s31 =	simm.s32 $0x5000;
	s21 =	sadd.s32 $0x3010, s7;
	[smem:$0x7F6] =	sst s20  }
0x24: {  	s1 =	simm.s32 $0xB000;
	s22 =	sadd.s32 $0x3020, s7;
	[smem:$0x7F7] =	sst s21  }
0x25: {  	s8 =	sshll.u32 s23, $0xD;
	s23 =	sadd.s32 $0x3030, s7;
	[smem:$0x7F8] =	sst s22  }
0x26: {  	s10 =	simm.s32 $0xF000;
	s24 =	sadd.s32 $0x3040, s7;
	[smem:$0x7F9] =	sst s23  }
0x27: {  	s26 =	sadd.s32 $0x3050, s7;
	s29 =	sadd.s32 $0x3060, s7;
	[smem:$0x7FA] =	sst s24  }
0x28: {  	s30 =	sadd.s32 $0x3070, s7;
	s3 =	simm.s32 $0x0;
	[smem:$0x7FB] =	sst s26  }
0x29: {  	s5 =	sshll.u32 s18, $0xD;
	s18 =	sadd.s32 $0x2050, s7;
	[smem:$0x7FC] =	sst s29  }
0x2a: {  	[smem:$0x7FD] =	sst s30;
	s21 =	simm.s32 $0x1000;
	s26 =	simm.s32 $0x2000  }
0x2b: {  	s20 =	simm.s32 $0xA000;
	s7 =	simm.s32 $0xC000;
	s9 =	simm.s32 $0xE000  }
0x2c: {  	s0 =	sadd.s32 s6, s5;
	[smem:$0x7F4] =	sst s18;
	s5 =	simm.s32 $0x8000  }
0x2d: {  	[dreg:$0x16] =	wrdreg s0;
	s0 =	sadd.s32 s6, s8;
	s6 =	simm.s32 $0x9000  }
0x2e: {  	s8 =	simm.s32 $0xD000;
	[dreg:$0x17] =	wrdreg s0;
	s0 =	simm.s32 $0x6000  }
.LBB2_1:
0x2f: {  	[smem:$0x7F2] =	sst s3  }
0x30: {  	s2 =	rddreg [dreg:$0x5];
	s17 =	simm.s32 $0x10000  }
0x31: {  	[tilespmem:s17], [sflag:$0x1] =	stream.linear.gather [hbm4b:s2+s25], $0x2000, $0x38;
	[tilespmem:$0x1C000] =	vst v63  }
0x32: {  	s18 =	rddreg [dreg:$0x7];
	s19 =	simm.s32 $0x12000  }
0x33: {  	[tilespmem:s19], [sflag:$0x1] =	stream.linear.gather [hbm4b:s18+s25], $0x8000, $0x38;
	[tilespmem:$0x1C000] =	vst v63  }
0x34: {  	s22 =	rddreg [dreg:$0x6];
	s3 =	simm.s32 $0x80;
	s4 =	simm.s32 $0x400  }
0x35: {  	[tilespmem:s25], [sflag:$0x2] =	stream.strided.gather [hbm4b:s22+s3], $0x1000, s4, s3, $0x38;
	[tilespmem:$0x1C000] =	vst v63  }
0x36: {  	s23 =	rddreg [dreg:$0x8]  }
0x37: {  	[tilespmem:s21], [sflag:$0x2] =	stream.strided.gather [hbm4b:s23+s3], $0x1000, s4, s3, $0x38;
	[tilespmem:$0x1C000] =	vst v63  }
0x38: {  	s24 =	rddreg [dreg:$0x9]  }
0x39: {  	[tilespmem:s26], [sflag:$0x2] =	stream.strided.gather [hbm4b:s24+s3], $0x1000, s4, s3, $0x38;
	[tilespmem:$0x1C000] =	vst v63  }
0x3a: {  	s29 =	rddreg [dreg:$0xa]  }
0x3b: {  	[tilespmem:s28], [sflag:$0x2] =	stream.strided.gather [hbm4b:s29+s3], $0x1000, s4, s3, $0x38;
	[tilespmem:$0x1C000] =	vst v63  }
0x3c: {  	s11 =	rddreg [dreg:$0xb];
	s30 =	simm.s32 $0x4000  }
0x3d: {  	[tilespmem:s30], [sflag:$0x2] =	stream.strided.gather [hbm4b:s11+s3], $0x1000, s4, s3, $0x38;
	[tilespmem:$0x1C000] =	vst v63  }
0x3e: {  	s12 =	rddreg [dreg:$0xc]  }
0x3f: {  	[tilespmem:s31], [sflag:$0x2] =	stream.strided.gather [hbm4b:s12+s3], $0x1000, s4, s3, $0x38;
	[tilespmem:$0x1C000] =	vst v63  }
0x40: {  	s13 =	rddreg [dreg:$0xd]  }
0x41: {  	[tilespmem:s0], [sflag:$0x2] =	stream.strided.gather [hbm4b:s13+s3], $0x1000, s4, s3, $0x38;
	[tilespmem:$0x1C000] =	vst v63  }
0x42: {  	s14 =	rddreg [dreg:$0xe];
	s15 =	simm.s32 $0x2;
	s11 =	simm.s32 $0x7000  }
0x43: {  	[tilespmem:s11], [sflag:$0x2] =	stream.strided.gather [hbm4b:s14+s3], $0x1000, s4, s3, $0x38;
	[tilespmem:$0x1C000] =	vst v63  }
0x44: {  	_ =	swait.ge [sflag:s15], $0x1000  }
0x45: {  	[sflag:s15] =	ssyncset.done $0x0  }
0x46: {  	[sflag:s15] =	ssyncadd.s32 $0xFFFFF000  }
0x47: {  	_ =	swait.ge [sflag:s15], $0x1000  }
0x48: {  	[sflag:s15] =	ssyncset.done $0x0  }
0x49: {  	[sflag:s15] =	ssyncadd.s32 $0xFFFFF000  }
0x4a: {  	_ =	swait.ge [sflag:s15], $0x1000  }
0x4b: {  	[sflag:s15] =	ssyncset.done $0x0  }
0x4c: {  	[sflag:s15] =	ssyncadd.s32 $0xFFFFF000  }
0x4d: {  	_ =	swait.ge [sflag:s15], $0x1000  }
0x4e: {  	[sflag:s15] =	ssyncset.done $0x0  }
0x4f: {  	[sflag:s15] =	ssyncadd.s32 $0xFFFFF000  }
0x50: {  	_ =	swait.ge [sflag:s15], $0x1000  }
0x51: {  	[sflag:s15] =	ssyncset.done $0x0  }
0x52: {  	[sflag:s15] =	ssyncadd.s32 $0xFFFFF000  }
0x53: {  	_ =	swait.ge [sflag:s15], $0x1000  }
0x54: {  	[sflag:s15] =	ssyncset.done $0x0  }
0x55: {  	[sflag:s15] =	ssyncadd.s32 $0xFFFFF000  }
0x56: {  	_ =	swait.ge [sflag:s15], $0x1000  }
0x57: {  	[sflag:s15] =	ssyncset.done $0x0  }
0x58: {  	[sflag:s15] =	ssyncadd.s32 $0xFFFFF000  }
0x59: {  	_ =	swait.ge [sflag:s15], $0x1000  }
0x5a: {  	[sflag:s15] =	ssyncset.done $0x0  }
0x5b: {  	s16 =	simm.s32 $0x1;
	[sflag:s15] =	ssyncadd.s32 $0xFFFFF000  }
0x5c: {  	_ =	swait.ge [sflag:s16], $0x2000  }
0x5d: {  	[sflag:s16] =	ssyncset.done $0x0  }
0x5e: {  	[sflag:s16] =	ssyncadd.s32 $0xFFFFE000  }
0x5f: {  	_ =	swait.ge [sflag:s16], $0x8000  }
0x60: {  	[sflag:s16] =	ssyncset.done $0x0;
	s17 =	rddreg [dreg:$0xf]  }
0x61: {  	s18 =	rddreg [dreg:$0x10];
	[sflag:s16] =	ssyncadd.s32 $0xFFFF8000  }
0x62: {  	[tilespmem:s5], [sflag:$0x3] =	stream.strided.gather [hbm4b:s17+s3], $0x1000, s4, s3, $0x38;
	[tilespmem:$0x1C000] =	vst v63  }
0x63: {  	s19 =	rddreg [dreg:$0x11]  }
0x64: {  	[tilespmem:s6], [sflag:$0x3] =	stream.strided.gather [hbm4b:s18+s3], $0x1000, s4, s3, $0x38;
	[tilespmem:$0x1C000] =	vst v63  }
0x65: {  	s22 =	rddreg [dreg:$0x15]  }
0x66: {  	[tilespmem:s20], [sflag:$0x3] =	stream.strided.gather [hbm4b:s19+s3], $0x1000, s4, s3, $0x38;
	[tilespmem:$0x1C000] =	vst v63  }
0x67: {  	s20 =	rddreg [dreg:$0x12]  }
0x68: {  	[tilespmem:s1], [sflag:$0x3] =	stream.strided.gather [hbm4b:s20+s3], $0x1000, s4, s3, $0x38;
	[tilespmem:$0x1C000] =	vst v63  }
0x69: {  	s23 =	rddreg [dreg:$0x1a]  }
0x6a: {  	[tilespmem:s7], [sflag:$0x3] =	stream.strided.gather [hbm4b:s22+s3], $0x1000, s4, s3, $0x38;
	[tilespmem:$0x1C000] =	vst v63  }
0x6b: {  	s24 =	rddreg [dreg:$0x1b]  }
0x6c: {  	[tilespmem:s8], [sflag:$0x3] =	stream.strided.gather [hbm4b:s23+s3], $0x1000, s4, s3, $0x38;
	[tilespmem:$0x1C000] =	vst v63  }
0x6d: {  	s15 =	simm.s32 $0x0;
	s29 =	rddreg [dreg:$0x1c]  }
0x6e: {  	[tilespmem:s9], [sflag:$0x3] =	stream.strided.gather [hbm4b:s24+s3], $0x1000, s4, s3, $0x38;
	[tilespmem:$0x1C000] =	vst v63  }
0x6f: {  	s5 =	simm.s32 $0x7000;
	s6 =	simm.s32 $0x0;
	s1 =	simm.s32 $0x0  }
0x70: {  	[tilespmem:s10], [sflag:$0x3] =	stream.strided.gather [hbm4b:s29+s3], $0x1000, s4, s3, $0x38;
	[tilespmem:$0x1C000] =	vst v63  }
.LBB2_2:
0x71: {  	s2 =	simm.s32 $0x0;
	s3 =	sadd.s32 $0x0, s15  }
0x72: {  	s4 =	sand.u32 $0x70, s2;
	s3 =	sand.u32 $0x1F80, s3  }
0x73: {  	[smem:$0x7F0] =	sst s6;
	s3 =	sor.u32 s4, s3  }
0x74: {  	v0 =	vld [tilespmem:s3+$0x10000];
	_ =	sdelay $0x4  }
0x75: {  	s20 =	sand.u32 $0x7E00, s1;
	v28 =	vand.u32 $0xFFF, v0  }
0x76: {  	s3 =	sor.u32 s4, s20  }
0x77: {  	s22 =	sadd.s32 $0x12000, s3;
	v27 =	vshrl.u32 v0, $0x10  }
0x78: {  	v30 =	vld [tilespmem:s22+$0x80]  }
0x79: {  	v8 =	vld [tilespmem:s22+$0x100]  }
0x7a: {  	v2 =	vld.idx.msk [tilespmem:v28+s25+$0x0], $0xffff  }
0x7b: {  	v0 =	vld [tilespmem:s3+$0x12000]  }
0x7c: {  	v1 =	vld.idx.msk [tilespmem:v27+s25+$0x0], $0xffff;
	_ =	sdelay $0x1  }
0x7d: {  	v7 =	vld [tilespmem:s22+$0x180]  }
0x7e: {  	v3 =	vmul.f32 v2, v30;
	_ =	sdelay $0x1  }
0x7f: {  	s14 =	simm.s32 $0x10;
	s23 =	sadd.s32 $0x10, s15;
	v2 =	vmul.f32 v1, v2;
	v1 =	vmul.f32 v1, v8;
	v3 =	vadd.f32 v3, v0  }
0x80: {  	s24 =	sand.u32 $0x70, s14;
	s3 =	sand.u32 $0x1F80, s23  }
0x81: {  	s3 =	sor.u32 s24, s3;
	v2 =	vmul.f32 v2, v7;
	v1 =	vadd.f32 v1, v3  }
0x82: {  	v4 =	vld [tilespmem:s3+$0x10000]  }
0x83: {  	s17 =	sand.u32 $0x1C00, s2;
	v1 =	vadd.f32 v2, v1  }
0x84: {  	s3 =	sor.u32 s4, s17  }
0x85: {  	[tilespmem:s3+$0x1A000] =	vst v1  }
0x86: {  	v1 =	vld.idx.msk [tilespmem:v28+s21+$0x0], $0xffff  }
0x87: {  	v3 =	vshrl.u32 v4, $0x10  }
0x88: {  	v6 =	vand.u32 $0xFFF, v4;
	v2 =	vld.idx.msk [tilespmem:v27+s21+$0x0], $0xffff;
	_ =	sdelay $0x1  }
0x89: {  	s12 =	sadd.s32 $0x40, s1  }
0x8a: {  	s18 =	sand.u32 $0x7E00, s12;
	[smem:$0x7F1] =	sst s1;
	v4 =	vmul.f32 v1, v30  }
0x8b: {  	s4 =	sor.u32 s24, s18;
	v9 =	vld.idx.msk [tilespmem:v3+s25+$0x0], $0xffff  }
0x8c: {  	s13 =	sadd.s32 $0x12000, s4;
	v10 =	vld.idx.msk [tilespmem:v6+s25+$0x0], $0xffff;
	v5 =	vmul.f32 v2, v8;
	v1 =	vmul.f32 v2, v1;
	v2 =	vadd.f32 v4, v0  }
0x8d: {  	v4 =	vld [tilespmem:s13+$0x80]  }
0x8e: {  	v1 =	vmul.f32 v1, v7;
	v11 =	vadd.f32 v5, v2;
	v5 =	vld [tilespmem:s4+$0x12000]  }
0x8f: {  	s16 =	simm.s32 $0x20;
	s19 =	sadd.s32 $0x20, s15;
	v2 =	vld [tilespmem:s13+$0x100]  }
0x90: {  	s11 =	sand.u32 $0x70, s16;
	s4 =	sand.u32 $0x1F80, s19;
	v11 =	vadd.f32 v1, v11  }
0x91: {  	s4 =	sor.u32 s11, s4;
	v1 =	vld [tilespmem:s13+$0x180]  }
0x92: {  	v13 =	vld [tilespmem:s4+$0x10000];
	[tilespmem:s3+$0x1A080] =	vst v11;
	v11 =	vmul.f32 v10, v4  }
0x93: {  	v12 =	vld.idx.msk [tilespmem:v28+s26+$0x0], $0xffff  }
0x94: {  	v10 =	vmul.f32 v9, v10;
	v9 =	vmul.f32 v9, v2;
	v14 =	vld.idx.msk [tilespmem:v27+s26+$0x0], $0xffff;
	v11 =	vadd.f32 v11, v5;
	_ =	sdelay $0x1  }
0x95: {  	v10 =	vmul.f32 v10, v1;
	v9 =	vadd.f32 v9, v11  }
0x96: {  	s17 =	simm.s32 $0x80  }
0x97: {  	s20 =	sand.u32 $0x1C00, s17;
	v11 =	vmul.f32 v12, v30;
	v10 =	vadd.f32 v10, v9  }
0x98: {  	s4 =	sor.u32 s24, s20;
	v9 =	vshrl.u32 v13, $0x10;
	v15 =	vmul.f32 v14, v8  }
0x99: {  	v12 =	vmul.f32 v14, v12;
	v16 =	vadd.f32 v11, v0;
	[tilespmem:s4+$0x1A000] =	vst v10;
	v11 =	vand.u32 $0xFFF, v13  }
0x9a: {  	v10 =	vld.idx.msk [tilespmem:v6+s21+$0x0], $0xffff  }
0x9b: {  	s12 =	sadd.s32 $0x40, s12;
	v12 =	vmul.f32 v12, v7;
	v13 =	vadd.f32 v15, v16  }
0x9c: {  	s22 =	sand.u32 $0x7E00, s12;
	v14 =	vld.idx.msk [tilespmem:v3+s21+$0x0], $0xffff  }
0x9d: {  	s6 =	sor.u32 s11, s22;
	v15 =	vld.idx.msk [tilespmem:v9+s25+$0x0], $0xffff;
	v12 =	vadd.f32 v12, v13  }
0x9e: {  	s23 =	sadd.s32 $0x12000, s6;
	v16 =	vld.idx.msk [tilespmem:v11+s25+$0x0], $0xffff  }
0x9f: {  	[tilespmem:s3+$0x1A100] =	vst v12;
	v13 =	vmul.f32 v10, v4;
	v12 =	vld [tilespmem:s23+$0x80]  }
0xa0: {  	v17 =	vld.idx.msk [tilespmem:v28+s28+$0x0], $0xffff  }
0xa1: {  	v18 =	vmul.f32 v14, v2;
	v14 =	vmul.f32 v14, v10;
	v10 =	vld [tilespmem:s6+$0x12000];
	v19 =	vadd.f32 v13, v5  }
0xa2: {  	v20 =	vld.idx.msk [tilespmem:v27+s28+$0x0], $0xffff  }
0xa3: {  	v13 =	vld [tilespmem:s23+$0x100];
	v18 =	vadd.f32 v18, v19;
	v19 =	vmul.f32 v14, v1  }
0xa4: {  	s29 =	simm.s32 $0x30;
	s18 =	sadd.s32 $0x30, s15  }
0xa5: {  	s18 =	sand.u32 $0x1F80, s18;
	s6 =	sand.u32 $0x70, s29;
	v14 =	vld [tilespmem:s23+$0x180];
	v21 =	vmul.f32 v17, v30;
	v18 =	vadd.f32 v19, v18  }
0xa6: {  	s24 =	sor.u32 s6, s18;
	v22 =	vmul.f32 v16, v12  }
0xa7: {  	v17 =	vmul.f32 v20, v17;
	v19 =	vadd.f32 v21, v0;
	v21 =	vmul.f32 v20, v8;
	v20 =	vld [tilespmem:s24+$0x10000];
	[tilespmem:s4+$0x1A080] =	vst v18  }
0xa8: {  	v16 =	vmul.f32 v15, v16;
	v15 =	vmul.f32 v15, v13;
	v18 =	vadd.f32 v22, v10;
	v22 =	vld.idx.msk [tilespmem:v6+s26+$0x0], $0xffff  }
0xa9: {  	v17 =	vmul.f32 v17, v7;
	v19 =	vadd.f32 v21, v19  }
0xaa: {  	v16 =	vmul.f32 v16, v14;
	v21 =	vld.idx.msk [tilespmem:v3+s26+$0x0], $0xffff;
	v15 =	vadd.f32 v15, v18  }
0xab: {  	s13 =	simm.s32 $0x100;
	v17 =	vadd.f32 v17, v19  }
0xac: {  	s1 =	sand.u32 $0x1C00, s13;
	v16 =	vadd.f32 v16, v15  }
0xad: {  	s23 =	sor.u32 s11, s1;
	v15 =	vshrl.u32 v20, $0x10;
	[tilespmem:s3+$0x1A180] =	vst v17;
	v18 =	vmul.f32 v22, v4  }
0xae: {  	[tilespmem:s23+$0x1A000] =	vst v16;
	v17 =	vand.u32 $0xFFF, v20;
	v19 =	vld.idx.msk [tilespmem:v28+s30+$0x0], $0xffff  }
0xaf: {  	v16 =	vmul.f32 v21, v2;
	v20 =	vmul.f32 v21, v22;
	v21 =	vld.idx.msk [tilespmem:v27+s30+$0x0], $0xffff;
	v18 =	vadd.f32 v18, v5  }
0xb0: {  	v22 =	vld.idx.msk [tilespmem:v11+s21+$0x0], $0xffff  }
0xb1: {  	s19 =	sadd.s32 $0x40, s12;
	v23 =	vld.idx.msk [tilespmem:v9+s21+$0x0], $0xffff;
	v16 =	vadd.f32 v16, v18;
	v18 =	vmul.f32 v20, v1  }
0xb2: {  	s12 =	sand.u32 $0x7E00, s19;
	v24 =	vld.idx.msk [tilespmem:v15+s25+$0x0], $0xffff  }
0xb3: {  	s12 =	sor.u32 s6, s12;
	v25 =	vld.idx.msk [tilespmem:v17+s25+$0x0], $0xffff;
	v20 =	vmul.f32 v19, v30;
	v18 =	vadd.f32 v18, v16  }
0xb4: {  	s24 =	sadd.s32 $0x12000, s12;
	v16 =	vld [tilespmem:s12+$0x12000]  }
0xb5: {  	v26 =	vmul.f32 v21, v8;
	v21 =	vmul.f32 v21, v19;
	v19 =	vld [tilespmem:s24+$0x80];
	v20 =	vadd.f32 v20, v0;
	[tilespmem:s4+$0x1A100] =	vst v18  }
0xb6: {  	v29 =	vmul.f32 v22, v12;
	v31 =	vld.idx.msk [tilespmem:v6+s28+$0x0], $0xffff  }
0xb7: {  	v21 =	vmul.f32 v21, v7;
	v18 =	vld [tilespmem:s24+$0x100];
	v20 =	vadd.f32 v26, v20  }
0xb8: {  	v22 =	vmul.f32 v23, v22;
	v26 =	vmul.f32 v23, v13;
	v23 =	vadd.f32 v29, v10;
	v29 =	vld.idx.msk [tilespmem:v3+s28+$0x0], $0xffff  }
0xb9: {  	v21 =	vadd.f32 v21, v20  }
0xba: {  	v22 =	vmul.f32 v22, v14;
	v23 =	vadd.f32 v26, v23;
	v26 =	vmul.f32 v25, v19  }
0xbb: {  	v20 =	vld [tilespmem:s24+$0x180];
	[tilespmem:s3+$0x1A200] =	vst v21;
	v21 =	vmul.f32 v24, v25;
	v32 =	vmul.f32 v31, v4  }
0xbc: {  	s22 =	simm.s32 $0x40;
	s1 =	sadd.s32 $0x40, s15;
	v22 =	vadd.f32 v22, v23;
	v23 =	vmul.f32 v24, v18;
	v24 =	vadd.f32 v26, v16  }
0xbd: {  	s20 =	sand.u32 $0x70, s22;
	s12 =	sand.u32 $0x1F80, s1;
	v25 =	vld.idx.msk [tilespmem:v28+s31+$0x0], $0xffff;
	v33 =	vmul.f32 v29, v2;
	v29 =	vmul.f32 v29, v31;
	v32 =	vadd.f32 v32, v5  }
0xbe: {  	s12 =	sor.u32 s20, s12;
	v26 =	vld.idx.msk [tilespmem:v27+s31+$0x0], $0xffff  }
0xbf: {  	v31 =	vld [tilespmem:s12+$0x10000];
	[tilespmem:s23+$0x1A080] =	vst v22;
	v22 =	vadd.f32 v23, v24;
	v29 =	vmul.f32 v29, v1;
	v24 =	vadd.f32 v33, v32  }
0xc0: {  	v21 =	vmul.f32 v21, v20  }
0xc1: {  	s24 =	simm.s32 $0x180;
	v23 =	vld.idx.msk [tilespmem:v11+s26+$0x0], $0xffff;
	v24 =	vadd.f32 v29, v24  }
0xc2: {  	s18 =	sand.u32 $0x1C00, s24;
	v46 =	vld.idx.msk [tilespmem:v9+s26+$0x0], $0xffff;
	v21 =	vadd.f32 v21, v22;
	v22 =	vmul.f32 v25, v30  }
0xc3: {  	s12 =	sor.u32 s6, s18;
	v29 =	vmul.f32 v26, v8;
	[tilespmem:s4+$0x1A180] =	vst v24  }
0xc4: {  	v25 =	vmul.f32 v26, v25;
	[tilespmem:s12+$0x1A000] =	vst v21;
	v21 =	vshrl.u32 v31, $0x10;
	v22 =	vadd.f32 v22, v0;
	v26 =	vld.idx.msk [tilespmem:v6+s30+$0x0], $0xffff  }
0xc5: {  	v48 =	vld.idx.msk [tilespmem:v3+s30+$0x0], $0xffff  }
0xc6: {  	s18 =	sadd.s32 $0x40, s19;
	v24 =	vmul.f32 v23, v12;
	v25 =	vmul.f32 v25, v7;
	v29 =	vadd.f32 v29, v22  }
0xc7: {  	s19 =	sand.u32 $0x7E00, s18;
	v23 =	vmul.f32 v46, v23;
	v22 =	vand.u32 $0xFFF, v31;
	v31 =	vld.idx.msk [tilespmem:v17+s21+$0x0], $0xffff  }
0xc8: {  	s6 =	sor.u32 s20, s19;
	v47 =	vmul.f32 v46, v13;
	v24 =	vadd.f32 v24, v10;
	v25 =	vadd.f32 v25, v29;
	v29 =	vld.idx.msk [tilespmem:v15+s21+$0x0], $0xffff  }
0xc9: {  	s19 =	sadd.s32 $0x12000, s6;
	v23 =	vmul.f32 v23, v14;
	v34 =	vld.idx.msk [tilespmem:v21+s25+$0x0], $0xffff  }
0xca: {  	v24 =	vadd.f32 v47, v24;
	[tilespmem:s3+$0x1A280] =	vst v25;
	v25 =	vmul.f32 v26, v4;
	v32 =	vmul.f32 v48, v26;
	v26 =	vld [tilespmem:s19+$0x80]  }
0xcb: {  	v49 =	vld.idx.msk [tilespmem:v28+s0+$0x0], $0xffff  }
0xcc: {  	v23 =	vadd.f32 v23, v24;
	v35 =	vld.idx.msk [tilespmem:v22+s25+$0x0], $0xffff  }
0xcd: {  	v38 =	vmul.f32 v48, v2;
	v24 =	vmul.f32 v31, v19;
	v36 =	vld.idx.msk [tilespmem:v27+s0+$0x0], $0xffff;
	v37 =	vadd.f32 v25, v5  }
0xce: {  	v25 =	vld [tilespmem:s6+$0x12000];
	[tilespmem:s23+$0x1A100] =	vst v23;
	v32 =	vmul.f32 v32, v1;
	v39 =	vmul.f32 v29, v18  }
0xcf: {  	v29 =	vmul.f32 v29, v31;
	v23 =	vadd.f32 v24, v16;
	v50 =	vld.idx.msk [tilespmem:v11+s28+$0x0], $0xffff;
	v31 =	vadd.f32 v38, v37  }
0xd0: {  	v24 =	vld [tilespmem:s19+$0x100];
	v51 =	vmul.f32 v49, v30  }
0xd1: {  	s11 =	simm.s32 $0x50;
	s1 =	sadd.s32 $0x50, s15;
	v52 =	vld.idx.msk [tilespmem:v9+s28+$0x0], $0xffff;
	v39 =	vadd.f32 v39, v23;
	v29 =	vmul.f32 v29, v20;
	v31 =	vadd.f32 v32, v31  }
0xd2: {  	s6 =	sand.u32 $0x1F80, s1;
	v23 =	vld [tilespmem:s19+$0x180];
	s19 =	sand.u32 $0x70, s11;
	v40 =	vmul.f32 v36, v8;
	v33 =	vmul.f32 v36, v49;
	v38 =	vadd.f32 v51, v0  }
0xd3: {  	v53 =	vmul.f32 v35, v26;
	v35 =	vmul.f32 v34, v35;
	s6 =	sor.u32 s19, s6;
	v29 =	vadd.f32 v29, v39  }
0xd4: {  	v56 =	vld [tilespmem:s6+$0x10000];
	[tilespmem:s4+$0x1A200] =	vst v31;
	v33 =	vmul.f32 v33, v7;
	v55 =	vmul.f32 v50, v12;
	v31 =	vadd.f32 v40, v38  }
0xd5: {  	v34 =	vmul.f32 v34, v24;
	v36 =	vadd.f32 v53, v25;
	v54 =	vld.idx.msk [tilespmem:v6+s31+$0x0], $0xffff;
	[tilespmem:s12+$0x1A080] =	vst v29  }
0xd6: {  	v58 =	vmul.f32 v52, v13;
	v32 =	vmul.f32 v52, v50;
	v59 =	vld.idx.msk [tilespmem:v15+s26+$0x0], $0xffff;
	v29 =	vadd.f32 v33, v31  }
0xd7: {  	v57 =	vadd.f32 v55, v10;
	v34 =	vadd.f32 v34, v36;
	v35 =	vmul.f32 v35, v23;
	v31 =	vld.idx.msk [tilespmem:v3+s31+$0x0], $0xffff  }
0xd8: {  	s6 =	simm.s32 $0x200;
	v42 =	vld.idx.msk [tilespmem:v17+s26+$0x0], $0xffff;
	[tilespmem:s3+$0x1A300] =	vst v29  }
0xd9: {  	v32 =	vmul.f32 v32, v14;
	s26 =	sand.u32 $0x1C00, s6;
	v33 =	vadd.f32 v58, v57;
	v29 =	vld.idx.msk [tilespmem:v28+s5+$0x0], $0xffff;
	v28 =	vadd.f32 v35, v34  }
0xda: {  	v60 =	vmul.f32 v54, v4;
	s3 =	sor.u32 s20, s26  }
0xdb: {  	v32 =	vadd.f32 v32, v33;
	[tilespmem:s3+$0x1A000] =	vst v28  }
0xdc: {  	v28 =	vadd.f32 v60, v5;
	v61 =	vmul.f32 v31, v2;
	v62 =	vmul.f32 v31, v54;
	v31 =	vld.idx.msk [tilespmem:v27+s5+$0x0], $0xffff  }
0xdd: {  	[tilespmem:s23+$0x1A180] =	vst v32;
	v27 =	vshrl.u32 v56, $0x10  }
0xde: {  	s0 =	simm.s32 $0x5000;
	v63 =	vmul.f32 v42, v19;
	v36 =	vld.idx.msk [tilespmem:v11+s30+$0x0], $0xffff;
	v33 =	vadd.f32 v61, v28;
	v34 =	vmul.f32 v62, v1  }
0xdf: {  	s1 =	simm.s32 $0x6000;
	s28 =	simm.s32 $0x2000;
	s31 =	simm.s32 $0x3000;
	v40 =	vmul.f32 v59, v18;
	v38 =	vld.idx.msk [tilespmem:v9+s30+$0x0], $0xffff;
	v28 =	vand.u32 $0xFFF, v56;
	v35 =	vmul.f32 v29, v30  }
0xe0: {  	s20 =	simm.s32 $0x60;
	v42 =	vmul.f32 v59, v42;
	v41 =	vadd.f32 v63, v16;
	s30 =	simm.s32 $0x0;
	s5 =	simm.s32 $0x7000;
	v39 =	vld.idx.msk [tilespmem:v22+s21+$0x0], $0xffff;
	v37 =	vadd.f32 v34, v33  }
.LBB2_3:
0xe1: {  	p0 =	sne.s32 s20, $0x3F0;
	v32 =	vld.idx.msk [tilespmem:v21+s21+$0x0], $0xffff;
	v43 =	vadd.f32 v35, v0;
	v8 =	vmul.f32 v31, v8;
	v29 =	vmul.f32 v31, v29  }
0xe2: {  	v0 =	vmov v5;
	v31 =	vld.idx.msk [tilespmem:v27+s25+$0x0], $0xffff;
	v33 =	vadd.f32 v40, v41;
	v34 =	vmul.f32 v42, v20;
	[tilespmem:s4+$0x1A280] =	vst v37  }
0xe3: {  	s18 =	sadd.s32 $0x40, s18;
	v5 =	vmovc v10;
	v10 =	vmov v16;
	v35 =	vld.idx.msk [tilespmem:v6+s1+$0x0], $0xffff;
	v8 =	vadd.f32 v8, v43;
	v7 =	vmul.f32 v29, v7  }
0xe4: {  	v16 =	vmovc v25;
	v30 =	vmov v12;
	s21 =	sand.u32 $0x7E00, s18;
	v29 =	vld.idx.msk [tilespmem:v28+s25+$0x0], $0xffff;
	v33 =	vadd.f32 v34, v33;
	v34 =	vmul.f32 v36, v12  }
0xe5: {  	s2 =	sor.u32 s30, s2;
	s30 =	smov.u32 s17;
	s21 =	sor.u32 s19, s21;
	v37 =	vmul.f32 v39, v26;
	v12 =	vmovc v19;
	v19 =	vmov v26;
	v40 =	vld.idx.msk [tilespmem:v3+s1+$0x0], $0xffff;
	v7 =	vadd.f32 v7, v8  }
0xe6: {  	s17 =	smov.u32 s13;
	s2 =	sor.u32 $0x380, s2;
	s25 =	sadd.s32 $0x12000, s21;
	v36 =	vmul.f32 v38, v36;
	v25 =	vld [tilespmem:s21+$0x12000];
	[tilespmem:s12+$0x1A100] =	vst v33;
	v33 =	vadd.f32 v34, v5;
	v34 =	vmul.f32 v38, v13  }
0xe7: {  	s13 =	smov.u32 s24;
	s24 =	smov.u32 s6;
	v38 =	vmul.f32 v32, v24;
	v32 =	vmul.f32 v32, v39;
	v26 =	vld [tilespmem:s25+$0x80];
	[tilespmem:s2+$0x1A000] =	vst v7;
	v8 =	vmovc v2;
	v2 =	vmov v13;
	s2 =	smov.u32 s14  }
0xe8: {  	v37 =	vadd.f32 v37, v16;
	s14 =	smov.u32 s16;
	s16 =	smov.u32 s29;
	s29 =	smov.u32 s22;
	v39 =	vld.idx.msk [tilespmem:v17+s31+$0x0], $0xffff;
	v33 =	vadd.f32 v34, v33;
	v34 =	vmul.f32 v36, v14  }
0xe9: {  	v13 =	vmovc v18;
	v18 =	vmovc v24;
	s22 =	smov.u32 s11;
	s11 =	smov.u32 s20;
	v36 =	vmul.f32 v35, v4;
	v24 =	vld [tilespmem:s25+$0x100];
	v7 =	vmov v1;
	v1 =	vmov v14  }
0xea: {  	v37 =	vadd.f32 v38, v37;
	v32 =	vmul.f32 v32, v23;
	v38 =	vld.idx.msk [tilespmem:v15+s31+$0x0], $0xffff;
	v33 =	vadd.f32 v34, v33  }
0xeb: {  	s21 =	sadd.s32 s20, s15;
	v14 =	vmovc v20;
	v34 =	vadd.f32 v36, v0;
	v36 =	vmul.f32 v40, v8;
	v35 =	vmul.f32 v40, v35  }
0xec: {  	s26 =	sand.u32 $0x70, s20;
	s21 =	sand.u32 $0x1F80, s21;
	v20 =	vmov v23;
	v40 =	vmul.f32 v29, v26;
	v29 =	vmul.f32 v31, v29;
	[tilespmem:s23+$0x1A200] =	vst v33;
	v23 =	vld [tilespmem:s25+$0x180];
	s25 =	simm.s32 $0x0  }
0xed: {  	s21 =	sor.u32 s26, s21;
	v32 =	vadd.f32 v32, v37;
	v34 =	vadd.f32 v36, v34;
	v35 =	vmul.f32 v35, v7;
	v33 =	vld.idx.msk [tilespmem:v11+s0+$0x0], $0xffff  }
0xee: {  	v36 =	vmul.f32 v39, v12;
	v37 =	vld [tilespmem:s21+$0x10000];
	s21 =	simm.s32 $0x1000;
	v31 =	vmul.f32 v31, v24  }
0xef: {  	v40 =	vadd.f32 v40, v25;
	v34 =	vadd.f32 v35, v34;
	[tilespmem:s3+$0x1A080] =	vst v32;
	v32 =	vld.idx.msk [tilespmem:v9+s0+$0x0], $0xffff  }
0xf0: {  	v35 =	vadd.f32 v36, v10;
	v36 =	vmul.f32 v38, v13;
	v38 =	vmul.f32 v38, v39;
	v42 =	vld.idx.msk [tilespmem:v21+s28+$0x0], $0xffff  }
0xf1: {  	v31 =	vadd.f32 v31, v40;
	v39 =	vmul.f32 v29, v23;
	v43 =	vld.idx.msk [tilespmem:v22+s28+$0x0], $0xffff;
	[tilespmem:s4+$0x1A300] =	vst v34;
	s4 =	smov.u32 s23;
	s23 =	smov.u32 s12;
	s12 =	smov.u32 s3  }
0xf2: {  	s6 =	sadd.s32 $0x80, s6;
	v34 =	vadd.f32 v36, v35;
	v35 =	vmul.f32 v38, v14;
	v29 =	vld.idx.msk [tilespmem:v6+s5+$0x0], $0xffff;
	v6 =	vmovc v11;
	v11 =	vmov v17  }
0xf3: {  	s3 =	sand.u32 $0x1C00, s6;
	v38 =	vmul.f32 v33, v30;
	v17 =	vmovc v22;
	v22 =	vmov v28;
	v36 =	vadd.f32 v39, v31  }
0xf4: {  	s3 =	sor.u32 s19, s3;
	s19 =	smov.u32 s26;
	s26 =	simm.s32 $0x4000;
	v28 =	vadd.f32 v35, v34;
	v31 =	vld.idx.msk [tilespmem:v3+s5+$0x0], $0xffff;
	v3 =	vmovc v9;
	v9 =	vmovc v15;
	v15 =	vmov v21;
	v21 =	vmov v27  }
.Ltmp0:
0xf5: {  	v34 =	vadd.f32 v38, v5;
	v35 =	vmul.f32 v32, v2;
	v32 =	vmul.f32 v32, v33;
	[tilespmem:s3+$0x1A000] =	vst v36;
	(pc) =	sbr.rel @p0 .LBB2_3-.Ltmp0, $4  }
0xf6: {  	v27 =	vshrl.u32 v37, $0x10;
	[tilespmem:s23+$0x1A180] =	vst v28  }
0xf7: {  	v33 =	vmul.f32 v43, v19;
	v34 =	vadd.f32 v35, v34;
	v32 =	vmul.f32 v32, v1;
	v36 =	vld.idx.msk [tilespmem:v11+s26+$0x0], $0xffff  }
0xf8: {  	v40 =	vmul.f32 v42, v18;
	v28 =	vand.u32 $0xFFF, v37;
	v35 =	vmul.f32 v29, v4;
	v4 =	vmovc v30;
	v39 =	vld.idx.msk [tilespmem:v22+s21+$0x0], $0xffff  }
0xf9: {  	s20 =	sadd.s32 $0x10, s20;
	v42 =	vmul.f32 v42, v43;
	v41 =	vadd.f32 v33, v16;
	v37 =	vadd.f32 v32, v34;
	v38 =	vld.idx.msk [tilespmem:v9+s26+$0x0], $0xffff  }
0xfa: {  	_ =	sdelay $0x1  }
0xfb: {  	s18 =	sadd.s32 $0x40, s18  }
0xfc: {  	s18 =	sand.u32 $0x7E00, s18  }
0xfd: {  	v43 =	vld.idx.msk [tilespmem:v27+s25+$0x0], $0xffff;
	s18 =	sor.u32 s19, s18  }
0xfe: {  	v44 =	vld.idx.msk [tilespmem:v28+s25+$0x0], $0xffff;
	s20 =	sadd.s32 $0x12000, s18  }
0xff: {  	v34 =	vld [tilespmem:s20+$0x80]  }
0x100: {  	v32 =	vld [tilespmem:s18+$0x12000]  }
0x101: {  	v33 =	vld [tilespmem:s20+$0x100];
	_ =	sdelay $0x1  }
0x102: {  	v30 =	vld [tilespmem:s20+$0x180]  }
0x103: {  	v45 =	vmul.f32 v44, v34;
	_ =	sdelay $0x1  }
0x104: {  	v44 =	vmul.f32 v43, v44;
	v43 =	vmul.f32 v43, v33;
	v45 =	vadd.f32 v45, v32  }
0x105: {  	v48 =	vld.idx.msk [tilespmem:v21+s21+$0x0], $0xffff  }
0x106: {  	v44 =	vmul.f32 v44, v30;
	v43 =	vadd.f32 v43, v45  }
0x107: {  	s20 =	sadd.s32 $0x80, s6  }
0x108: {  	v49 =	vmul.f32 v39, v26;
	s18 =	sand.u32 $0x1C00, s20;
	v43 =	vadd.f32 v44, v43  }
0x109: {  	s18 =	sor.u32 s19, s18  }
0x10a: {  	v47 =	vmul.f32 v48, v24;
	v50 =	vmul.f32 v48, v39;
	v51 =	vadd.f32 v49, v25;
	[tilespmem:s18+$0x1A000] =	vst v43  }
0x10b: {  	v43 =	vld.idx.msk [tilespmem:v28+s21+$0x0], $0xffff  }
0x10c: {  	v39 =	vmul.f32 v50, v23;
	v44 =	vadd.f32 v47, v51  }
0x10d: {  	v46 =	vld.idx.msk [tilespmem:v27+s21+$0x0], $0xffff  }
0x10e: {  	v39 =	vadd.f32 v39, v44;
	_ =	sdelay $0x1  }
0x10f: {  	[tilespmem:s3+$0x1A080] =	vst v39;
	v52 =	vmul.f32 v43, v34  }
0x110: {  	v39 =	vld.idx.msk [tilespmem:v22+s28+$0x0], $0xffff  }
0x111: {  	v43 =	vmul.f32 v46, v43;
	v46 =	vmul.f32 v46, v33;
	v45 =	vadd.f32 v52, v32  }
0x112: {  	v54 =	vld.idx.msk [tilespmem:v21+s28+$0x0], $0xffff  }
0x113: {  	v43 =	vmul.f32 v43, v30;
	v53 =	vadd.f32 v46, v45;
	_ =	sdelay $0x1  }
0x114: {  	v55 =	vmul.f32 v39, v26;
	v43 =	vadd.f32 v43, v53  }
0x115: {  	v40 =	vadd.f32 v40, v41;
	v57 =	vmul.f32 v42, v20  }
0x116: {  	v58 =	vmul.f32 v54, v24;
	v39 =	vmul.f32 v54, v39;
	v45 =	vadd.f32 v55, v25;
	[tilespmem:s18+$0x1A080] =	vst v43  }
0x117: {  	v40 =	vadd.f32 v57, v40;
	v43 =	vld.idx.msk [tilespmem:v28+s28+$0x0], $0xffff  }
0x118: {  	v39 =	vmul.f32 v39, v23;
	v42 =	vadd.f32 v58, v45  }
0x119: {  	[tilespmem:s12+$0x1A100] =	vst v40;
	v56 =	vld.idx.msk [tilespmem:v27+s28+$0x0], $0xffff  }
0x11a: {  	v61 =	vld.idx.msk [tilespmem:v17+s31+$0x0], $0xffff;
	v39 =	vadd.f32 v39, v42;
	_ =	sdelay $0x1  }
0x11b: {  	v63 =	vld.idx.msk [tilespmem:v15+s31+$0x0], $0xffff;
	[tilespmem:s3+$0x1A100] =	vst v39;
	v59 =	vmul.f32 v43, v34  }
0x11c: {  	v39 =	vld.idx.msk [tilespmem:v22+s31+$0x0], $0xffff  }
0x11d: {  	v60 =	vmul.f32 v56, v33;
	v43 =	vmul.f32 v56, v43;
	v41 =	vadd.f32 v59, v32  }
0x11e: {  	v48 =	vmul.f32 v61, v19;
	v49 =	vld.idx.msk [tilespmem:v21+s31+$0x0], $0xffff  }
0x11f: {  	v62 =	vmul.f32 v43, v30;
	v40 =	vadd.f32 v60, v41  }
0x120: {  	v50 =	vmul.f32 v63, v18;
	v42 =	vmul.f32 v63, v61;
	v41 =	vadd.f32 v48, v16  }
0x121: {  	v51 =	vmul.f32 v39, v26;
	v40 =	vadd.f32 v62, v40  }
0x122: {  	v42 =	vmul.f32 v42, v20;
	v41 =	vadd.f32 v50, v41  }
0x123: {  	v53 =	vmul.f32 v49, v24;
	v39 =	vmul.f32 v49, v39;
	v44 =	vadd.f32 v51, v25;
	[tilespmem:s18+$0x1A100] =	vst v40  }
0x124: {  	v41 =	vadd.f32 v42, v41;
	v40 =	vld.idx.msk [tilespmem:v28+s31+$0x0], $0xffff  }
0x125: {  	v39 =	vmul.f32 v39, v23;
	v55 =	vadd.f32 v53, v44  }
0x126: {  	v59 =	vmul.f32 v36, v12;
	v52 =	vld.idx.msk [tilespmem:v27+s31+$0x0], $0xffff;
	[tilespmem:s12+$0x1A180] =	vst v41  }
0x127: {  	v39 =	vadd.f32 v39, v55;
	v58 =	vld.idx.msk [tilespmem:v17+s26+$0x0], $0xffff  }
0x128: {  	v63 =	vmul.f32 v38, v36;
	v61 =	vadd.f32 v59, v10;
	v62 =	vmul.f32 v38, v13  }
0x129: {  	[tilespmem:s3+$0x1A180] =	vst v39;
	v60 =	vld.idx.msk [tilespmem:v15+s26+$0x0], $0xffff;
	v54 =	vmul.f32 v40, v34  }
0x12a: {  	v36 =	vmul.f32 v63, v14;
	v50 =	vadd.f32 v62, v61;
	v39 =	vld.idx.msk [tilespmem:v22+s26+$0x0], $0xffff  }
0x12b: {  	v49 =	vld.idx.msk [tilespmem:v21+s26+$0x0], $0xffff;
	v57 =	vmul.f32 v52, v33;
	v40 =	vmul.f32 v52, v40;
	v56 =	vadd.f32 v54, v32  }
0x12c: {  	v48 =	vmul.f32 v58, v19  }
0x12d: {  	v36 =	vadd.f32 v36, v50;
	v40 =	vmul.f32 v40, v30;
	v41 =	vadd.f32 v57, v56  }
0x12e: {  	v52 =	vmul.f32 v60, v18;
	v43 =	vmul.f32 v60, v58;
	v38 =	vadd.f32 v48, v16  }
0x12f: {  	v53 =	vmul.f32 v39, v26;
	v40 =	vadd.f32 v40, v41  }
0x130: {  	[tilespmem:s23+$0x1A200] =	vst v36;
	v39 =	vmul.f32 v49, v39;
	v55 =	vmul.f32 v43, v20;
	v38 =	vadd.f32 v52, v38  }
0x131: {  	v58 =	vld.idx.msk [tilespmem:v11+s0+$0x0], $0xffff;
	v56 =	vadd.f32 v53, v25;
	v57 =	vmul.f32 v49, v24;
	[tilespmem:s18+$0x1A180] =	vst v40  }
0x132: {  	v38 =	vadd.f32 v55, v38;
	v51 =	vld.idx.msk [tilespmem:v28+s26+$0x0], $0xffff  }
0x133: {  	v60 =	vld.idx.msk [tilespmem:v9+s0+$0x0], $0xffff;
	v39 =	vmul.f32 v39, v23;
	v36 =	vadd.f32 v57, v56  }
0x134: {  	v54 =	vld.idx.msk [tilespmem:v27+s26+$0x0], $0xffff;
	[tilespmem:s12+$0x1A200] =	vst v38  }
0x135: {  	v36 =	vadd.f32 v39, v36;
	v63 =	vld.idx.msk [tilespmem:v17+s0+$0x0], $0xffff;
	_ =	sdelay $0x1  }
0x136: {  	v49 =	vmul.f32 v58, v12;
	[tilespmem:s3+$0x1A200] =	vst v36;
	v50 =	vld.idx.msk [tilespmem:v15+s0+$0x0], $0xffff;
	v59 =	vmul.f32 v51, v34  }
0x137: {  	v52 =	vmul.f32 v60, v13;
	v43 =	vmul.f32 v60, v58;
	v36 =	vld.idx.msk [tilespmem:v22+s0+$0x0], $0xffff  }
0x138: {  	v62 =	vmul.f32 v54, v33;
	v41 =	vmul.f32 v54, v51;
	v61 =	vadd.f32 v59, v32  }
0x139: {  	v56 =	vmul.f32 v43, v14;
	v53 =	vmul.f32 v63, v19  }
0x13a: {  	v51 =	vadd.f32 v49, v10;
	v54 =	vld.idx.msk [tilespmem:v21+s0+$0x0], $0xffff;
	v48 =	vmul.f32 v41, v30;
	v38 =	vadd.f32 v62, v61  }
0x13b: {  	v59 =	vmul.f32 v50, v18;
	v41 =	vmul.f32 v50, v63;
	v58 =	vadd.f32 v53, v16  }
0x13c: {  	[tilespmem:s4+$0x1A280] =	vst v37;
	v55 =	vadd.f32 v52, v51;
	v60 =	vmul.f32 v36, v26;
	v38 =	vadd.f32 v48, v38  }
0x13d: {  	v49 =	vld.idx.msk [tilespmem:v3+s1+$0x0], $0xffff;
	v41 =	vmul.f32 v41, v20;
	v63 =	vadd.f32 v59, v58  }
0x13e: {  	v62 =	vld.idx.msk [tilespmem:v6+s1+$0x0], $0xffff;
	v37 =	vadd.f32 v60, v25;
	[tilespmem:s18+$0x1A200] =	vst v38;
	v38 =	vadd.f32 v56, v55  }
0x13f: {  	v36 =	vmul.f32 v54, v36;
	v48 =	vmul.f32 v54, v24;
	v50 =	vadd.f32 v41, v63;
	v57 =	vld.idx.msk [tilespmem:v28+s0+$0x0], $0xffff  }
0x140: {  	v61 =	vld.idx.msk [tilespmem:v27+s0+$0x0], $0xffff;
	[tilespmem:s23+$0x1A280] =	vst v38  }
0x141: {  	v36 =	vmul.f32 v36, v23;
	v37 =	vadd.f32 v48, v37;
	[tilespmem:s12+$0x1A280] =	vst v50;
	v41 =	vld.idx.msk [tilespmem:v11+s1+$0x0], $0xffff  }
0x142: {  	v55 =	vld.idx.msk [tilespmem:v17+s1+$0x0], $0xffff  }
0x143: {  	v36 =	vadd.f32 v36, v37;
	v56 =	vld.idx.msk [tilespmem:v9+s1+$0x0], $0xffff  }
0x144: {  	v59 =	vmul.f32 v49, v2;
	v60 =	vld.idx.msk [tilespmem:v15+s1+$0x0], $0xffff;
	v51 =	vmul.f32 v57, v34  }
0x145: {  	v54 =	vmul.f32 v62, v4;
	[tilespmem:s3+$0x1A280] =	vst v36;
	v40 =	vmul.f32 v61, v57  }
0x146: {  	v53 =	vmul.f32 v61, v33;
	v61 =	vmul.f32 v49, v62;
	v62 =	vld.idx.msk [tilespmem:v22+s1+$0x0], $0xffff;
	v52 =	vadd.f32 v51, v32  }
0x147: {  	v58 =	vadd.f32 v54, v5;
	v50 =	vld.idx.msk [tilespmem:v21+s1+$0x0], $0xffff;
	v57 =	vmul.f32 v40, v30;
	v48 =	vmul.f32 v41, v12  }
0x148: {  	v36 =	vmul.f32 v61, v1;
	v49 =	vmul.f32 v55, v19;
	v38 =	vadd.f32 v53, v52  }
0x149: {  	v63 =	vadd.f32 v59, v58;
	v37 =	vmul.f32 v56, v41;
	v43 =	vmul.f32 v60, v55  }
0x14a: {  	v45 =	vmul.f32 v60, v18;
	v51 =	vadd.f32 v48, v10;
	v38 =	vadd.f32 v57, v38  }
0x14b: {  	v52 =	vmul.f32 v56, v13;
	v42 =	vadd.f32 v49, v16;
	v54 =	vmul.f32 v62, v26  }
0x14c: {  	v36 =	vadd.f32 v36, v63;
	v43 =	vmul.f32 v43, v20;
	v58 =	vmul.f32 v50, v24;
	[tilespmem:s18+$0x1A280] =	vst v38  }
0x14d: {  	v42 =	vadd.f32 v45, v42;
	v57 =	vmul.f32 v50, v62;
	v56 =	vadd.f32 v54, v25;
	v53 =	vld.idx.msk [tilespmem:v28+s1+$0x0], $0xffff  }
0x14e: {  	v37 =	vmul.f32 v37, v14;
	[tilespmem:s4+$0x1A300] =	vst v36;
	v38 =	vadd.f32 v52, v51  }
0x14f: {  	v42 =	vadd.f32 v43, v42;
	v39 =	vmul.f32 v57, v23;
	v55 =	vld.idx.msk [tilespmem:v27+s1+$0x0], $0xffff;
	v36 =	vadd.f32 v58, v56  }
0x150: {  	v37 =	vadd.f32 v37, v38  }
0x151: {  	v59 =	vld.idx.msk [tilespmem:v6+s5+$0x0], $0xffff;
	[tilespmem:s12+$0x1A300] =	vst v42;
	v36 =	vadd.f32 v39, v36  }
0x152: {  	v61 =	vld.idx.msk [tilespmem:v3+s5+$0x0], $0xffff;
	[tilespmem:s23+$0x1A300] =	vst v37;
	v60 =	vmul.f32 v53, v34  }
0x153: {  	v39 =	vld.idx.msk [tilespmem:v17+s5+$0x0], $0xffff;
	[tilespmem:s3+$0x1A300] =	vst v36  }
0x154: {  	v36 =	vld.idx.msk [tilespmem:v11+s5+$0x0], $0xffff;
	v41 =	vmul.f32 v55, v53;
	v40 =	vmul.f32 v55, v33;
	v38 =	vadd.f32 v60, v32  }
0x155: {  	v0 =	vadd.f32 v35, v0;
	v8 =	vmul.f32 v31, v8;
	v29 =	vmul.f32 v31, v29;
	v43 =	vld.idx.msk [tilespmem:v15+s5+$0x0], $0xffff  }
0x156: {  	v35 =	vmul.f32 v59, v4;
	v42 =	vld.idx.msk [tilespmem:v9+s5+$0x0], $0xffff;
	v63 =	vmul.f32 v41, v30;
	v62 =	vadd.f32 v40, v38  }
0x157: {  	v7 =	vmul.f32 v29, v7;
	v3 =	vmul.f32 v61, v59  }
0x158: {  	v4 =	vadd.f32 v35, v5;
	v41 =	vmul.f32 v61, v2;
	v40 =	vadd.f32 v63, v62  }
0x159: {  	v0 =	vadd.f32 v8, v0;
	v44 =	vmul.f32 v3, v1;
	v45 =	vld.idx.msk [tilespmem:v22+s5+$0x0], $0xffff;
	v46 =	vmul.f32 v36, v12  }
0x15a: {  	v48 =	vmul.f32 v39, v19;
	v51 =	vmul.f32 v43, v18;
	v2 =	vadd.f32 v41, v4;
	[tilespmem:s18+$0x1A300] =	vst v40  }
0x15b: {  	v9 =	vmul.f32 v42, v13;
	v5 =	vmul.f32 v42, v36;
	v4 =	vadd.f32 v46, v10;
	v47 =	vld.idx.msk [tilespmem:v28+s5+$0x0], $0xffff  }
0x15c: {  	v49 =	vld.idx.msk [tilespmem:v21+s5+$0x0], $0xffff;
	v6 =	vmul.f32 v43, v39;
	v1 =	vadd.f32 v44, v2;
	v2 =	vadd.f32 v48, v16  }
0x15d: {  	s2 =	sor.u32 s30, s2;
	v0 =	vadd.f32 v7, v0;
	v5 =	vmul.f32 v5, v14;
	v4 =	vadd.f32 v9, v4;
	v50 =	vld.idx.msk [tilespmem:v27+s5+$0x0], $0xffff  }
0x15e: {  	s2 =	sor.u32 $0x380, s2;
	s12 =	sor.u32 s17, s14;
	v6 =	vmul.f32 v6, v20;
	v2 =	vadd.f32 v51, v2  }
0x15f: {  	[tilespmem:s2+$0x1A000] =	vst v0;
	s14 =	sor.u32 s13, s16;
	s3 =	sor.u32 $0x380, s12;
	v52 =	vmul.f32 v45, v26;
	v57 =	vadd.f32 v5, v4  }
0x160: {  	s16 =	sor.u32 s24, s29;
	s2 =	sor.u32 $0x380, s14;
	[tilespmem:s3+$0x1A000] =	vst v1;
	v59 =	vadd.f32 v6, v2;
	v53 =	vmul.f32 v47, v34  }
0x161: {  	v54 =	vmul.f32 v49, v24;
	v3 =	vmul.f32 v49, v45;
	v9 =	vadd.f32 v52, v25;
	s3 =	sor.u32 $0x380, s16;
	[tilespmem:s2+$0x1A000] =	vst v57  }
0x162: {  	[tilespmem:s3+$0x1A000] =	vst v59;
	v56 =	vmul.f32 v50, v33;
	v8 =	vmul.f32 v50, v47;
	v55 =	vadd.f32 v53, v32  }
0x163: {  	v3 =	vmul.f32 v3, v23;
	v58 =	vadd.f32 v54, v9;
	s19 =	sld [smem:$0x7F0]  }
0x164: {  	s23 =	rddreg [dreg:$0x2];
	v61 =	vmul.f32 v8, v30;
	v60 =	vadd.f32 v56, v55  }
0x165: {  	s26 =	simm.s32 $0x4;
	s17 =	sor.u32 s6, s22;
	v62 =	vadd.f32 v3, v58;
	s4 =	rddreg [dreg:$0x4]  }
0x166: {  	s18 =	sor.u32 s20, s11;
	s2 =	sor.u32 $0x380, s17;
	s4 =	sadd.s32 s4, s19;
	v63 =	vadd.f32 v61, v60  }
0x167: {  	s20 =	sor.u32 $0x380, s18;
	[tilespmem:s2+$0x1A000] =	vst v62;
	s6 =	sadd.s32 $0x1, s19;
	s22 =	sshll.u32 s4, $0xA  }
0x168: {  	s24 =	simm.s32 $0x1A000;
	p0 =	sne.s32 s6, $0x8;
	s2 =	sadd.s32 s23, s22;
	[tilespmem:s20+$0x1A000] =	vst v63  }
0x169: {  	[hbm4b:s2+s25] =	stream.linear.scatter [tilespmem:s24], [sflag:$0x4], $0x2000, $0x38;
	[tilespmem:$0x1C000] =	vst v63  }
.Ltmp1:
0x16a: {  	_ =	swait.ge [sflag:s26], $0x2000;
	(pc) =	sbr.rel @p0 .LBB2_2-.Ltmp1, $4  }
0x16b: {  	s15 =	sadd.s32 $0x400, s15;
	s29 =	sld [smem:$0x7F1]  }
0x16c: {  	s30 =	simm.s32 $0x4000;
	s28 =	simm.s32 $0x3000;
	s31 =	simm.s32 $0x5000  }
0x16d: {  	s0 =	simm.s32 $0x6000;
	s5 =	simm.s32 $0x7000;
	[sflag:s26] =	ssyncset.done $0x0  }
0x16e: {  	[sflag:s26] =	ssyncadd.s32 $0xFFFFE000;
	s26 =	simm.s32 $0x2000;
	s1 =	sadd.s32 $0x1000, s29  }
0x16f: {  	s1 =	simm.s32 $0x3  }
0x170: {  	_ =	swait.ge [sflag:s1], $0x1000  }
0x171: {  	[sflag:s1] =	ssyncset.done $0x0  }
0x172: {  	[sflag:s1] =	ssyncadd.s32 $0xFFFFF000  }
0x173: {  	_ =	swait.ge [sflag:s1], $0x1000  }
0x174: {  	[sflag:s1] =	ssyncset.done $0x0  }
0x175: {  	[sflag:s1] =	ssyncadd.s32 $0xFFFFF000  }
0x176: {  	_ =	swait.ge [sflag:s1], $0x1000  }
0x177: {  	[sflag:s1] =	ssyncset.done $0x0  }
0x178: {  	[sflag:s1] =	ssyncadd.s32 $0xFFFFF000  }
0x179: {  	_ =	swait.ge [sflag:s1], $0x1000  }
0x17a: {  	[sflag:s1] =	ssyncset.done $0x0  }
0x17b: {  	[sflag:s1] =	ssyncadd.s32 $0xFFFFF000  }
0x17c: {  	_ =	swait.ge [sflag:s1], $0x1000  }
0x17d: {  	[sflag:s1] =	ssyncset.done $0x0  }
0x17e: {  	[sflag:s1] =	ssyncadd.s32 $0xFFFFF000  }
0x17f: {  	_ =	swait.ge [sflag:s1], $0x1000  }
0x180: {  	[sflag:s1] =	ssyncset.done $0x0  }
0x181: {  	[sflag:s1] =	ssyncadd.s32 $0xFFFFF000  }
0x182: {  	_ =	swait.ge [sflag:s1], $0x1000  }
0x183: {  	[sflag:s1] =	ssyncset.done $0x0  }
0x184: {  	[sflag:s1] =	ssyncadd.s32 $0xFFFFF000  }
0x185: {  	s19 =	simm.s32 $0x0;
	_ =	swait.ge [sflag:s1], $0x1000  }
0x186: {  	s3 =	simm.s32 $0x80;
	[sflag:s1] =	ssyncset.done $0x0;
	s2 =	rddreg [dreg:$0x13]  }
0x187: {  	s4 =	simm.s32 $0x400;
	s20 =	rddreg [dreg:$0x1d];
	[sflag:s1] =	ssyncadd.s32 $0xFFFFF000  }
0x188: {  	[tilespmem:s19], [sflag:$0x2] =	stream.strided.gather [hbm4b:s2+s3], $0x1000, s4, s3, $0x38;
	[tilespmem:$0x1C000] =	vst v63  }
0x189: {  	s22 =	rddreg [dreg:$0x1e]  }
0x18a: {  	[tilespmem:s21], [sflag:$0x2] =	stream.strided.gather [hbm4b:s20+s3], $0x1000, s4, s3, $0x38;
	[tilespmem:$0x1C000] =	vst v63  }
0x18b: {  	s23 =	rddreg [dreg:$0x1f]  }
0x18c: {  	[tilespmem:s26], [sflag:$0x2] =	stream.strided.gather [hbm4b:s22+s3], $0x1000, s4, s3, $0x38;
	[tilespmem:$0x1C000] =	vst v63  }
0x18d: {  	s24 =	sld [smem:$0x7F3]  }
0x18e: {  	[tilespmem:s28], [sflag:$0x2] =	stream.strided.gather [hbm4b:s23+s3], $0x1000, s4, s3, $0x38;
	[tilespmem:$0x1C000] =	vst v63  }
0x18f: {  	s25 =	sld [smem:$0x7F4]  }
0x190: {  	[tilespmem:s30], [sflag:$0x2] =	stream.strided.gather [hbm4b:s24+s3], $0x1000, s4, s3, $0x38;
	[tilespmem:$0x1C000] =	vst v63  }
0x191: {  	s26 =	sld [smem:$0x7F5]  }
0x192: {  	[tilespmem:s31], [sflag:$0x2] =	stream.strided.gather [hbm4b:s25+s3], $0x1000, s4, s3, $0x38;
	[tilespmem:$0x1C000] =	vst v63  }
0x193: {  	s6 =	simm.s32 $0x0;
	s29 =	sld [smem:$0x7F6]  }
0x194: {  	[tilespmem:s0], [sflag:$0x2] =	stream.strided.gather [hbm4b:s26+s3], $0x1000, s4, s3, $0x38;
	[tilespmem:$0x1C000] =	vst v63  }
0x195: {  	s2 =	simm.s32 $0x0;
	s21 =	simm.s32 $0x9000;
	s20 =	simm.s32 $0xA000  }
0x196: {  	[tilespmem:s5], [sflag:$0x2] =	stream.strided.gather [hbm4b:s29+s3], $0x1000, s4, s3, $0x38;
	[tilespmem:$0x1C000] =	vst v63  }
0x197: {  	s30 =	simm.s32 $0x0;
	s26 =	simm.s32 $0xB000;
	s5 =	simm.s32 $0x8000  }
.LBB2_6:
0x198: {  	s18 =	sadd.s32 $0x0, s30;
	s1 =	simm.s32 $0x0  }
0x199: {  	s25 =	smov.u32 s2;
	s3 =	sand.u32 $0x70, s1;
	s2 =	sand.u32 $0x1F80, s18  }
0x19a: {  	s2 =	sor.u32 s3, s2  }
0x19b: {  	v0 =	vld [tilespmem:s2+$0x10000];
	_ =	sdelay $0x4  }
0x19c: {  	s19 =	sand.u32 $0x7E00, s6;
	v28 =	vand.u32 $0xFFF, v0  }
0x19d: {  	s2 =	sor.u32 s3, s19  }
0x19e: {  	s4 =	sadd.s32 $0x12000, s2;
	v27 =	vshrl.u32 v0, $0x10  }
0x19f: {  	v30 =	vld [tilespmem:s4+$0x80]  }
0x1a0: {  	v8 =	vld [tilespmem:s4+$0x100]  }
0x1a1: {  	v2 =	vld.idx.msk [tilespmem:v28+s5+$0x0], $0xffff  }
0x1a2: {  	v0 =	vld [tilespmem:s2+$0x12000]  }
0x1a3: {  	v1 =	vld.idx.msk [tilespmem:v27+s5+$0x0], $0xffff;
	_ =	sdelay $0x1  }
0x1a4: {  	v7 =	vld [tilespmem:s4+$0x180]  }
0x1a5: {  	v3 =	vmul.f32 v2, v30;
	_ =	sdelay $0x1  }
0x1a6: {  	s22 =	sadd.s32 $0x10, s30;
	s2 =	simm.s32 $0x10;
	v2 =	vmul.f32 v1, v2;
	v1 =	vmul.f32 v1, v8;
	v3 =	vadd.f32 v3, v0  }
0x1a7: {  	s4 =	sand.u32 $0x1F80, s22;
	s11 =	sand.u32 $0x70, s2  }
0x1a8: {  	s4 =	sor.u32 s11, s4;
	v2 =	vmul.f32 v2, v7;
	v1 =	vadd.f32 v1, v3  }
0x1a9: {  	v4 =	vld [tilespmem:s4+$0x10000]  }
0x1aa: {  	s23 =	sand.u32 $0x1C00, s1;
	v1 =	vadd.f32 v2, v1  }
0x1ab: {  	s3 =	sor.u32 s3, s23  }
0x1ac: {  	[tilespmem:s3+$0x1A000] =	vst v1  }
0x1ad: {  	v1 =	vld.idx.msk [tilespmem:v28+s21+$0x0], $0xffff  }
0x1ae: {  	v3 =	vshrl.u32 v4, $0x10  }
0x1af: {  	v6 =	vand.u32 $0xFFF, v4;
	v2 =	vld.idx.msk [tilespmem:v27+s21+$0x0], $0xffff;
	_ =	sdelay $0x1  }
0x1b0: {  	s12 =	sadd.s32 $0x40, s6  }
0x1b1: {  	s24 =	sand.u32 $0x7E00, s12;
	[smem:$0x7EE] =	sst s6;
	v4 =	vmul.f32 v1, v30  }
0x1b2: {  	s4 =	sor.u32 s11, s24;
	v9 =	vld.idx.msk [tilespmem:v3+s5+$0x0], $0xffff  }
0x1b3: {  	s13 =	sadd.s32 $0x12000, s4;
	v10 =	vld.idx.msk [tilespmem:v6+s5+$0x0], $0xffff;
	v5 =	vmul.f32 v2, v8;
	v1 =	vmul.f32 v2, v1;
	v2 =	vadd.f32 v4, v0  }
0x1b4: {  	v4 =	vld [tilespmem:s13+$0x80]  }
0x1b5: {  	v1 =	vmul.f32 v1, v7;
	v11 =	vadd.f32 v5, v2;
	v5 =	vld [tilespmem:s4+$0x12000]  }
0x1b6: {  	s16 =	simm.s32 $0x20;
	s0 =	sadd.s32 $0x20, s30;
	v2 =	vld [tilespmem:s13+$0x100]  }
0x1b7: {  	s1 =	sand.u32 $0x70, s16;
	s4 =	sand.u32 $0x1F80, s0;
	v11 =	vadd.f32 v1, v11  }
0x1b8: {  	s4 =	sor.u32 s1, s4;
	v1 =	vld [tilespmem:s13+$0x180]  }
0x1b9: {  	v13 =	vld [tilespmem:s4+$0x10000];
	[tilespmem:s3+$0x1A080] =	vst v11;
	v11 =	vmul.f32 v10, v4  }
0x1ba: {  	v12 =	vld.idx.msk [tilespmem:v28+s20+$0x0], $0xffff  }
0x1bb: {  	v10 =	vmul.f32 v9, v10;
	v9 =	vmul.f32 v9, v2;
	v14 =	vld.idx.msk [tilespmem:v27+s20+$0x0], $0xffff;
	v11 =	vadd.f32 v11, v5;
	_ =	sdelay $0x1  }
0x1bc: {  	v10 =	vmul.f32 v10, v1;
	v9 =	vadd.f32 v9, v11  }
0x1bd: {  	s17 =	simm.s32 $0x80  }
0x1be: {  	s14 =	sand.u32 $0x1C00, s17;
	v11 =	vmul.f32 v12, v30;
	v10 =	vadd.f32 v10, v9  }
0x1bf: {  	s4 =	sor.u32 s11, s14;
	v9 =	vshrl.u32 v13, $0x10;
	v15 =	vmul.f32 v14, v8  }
0x1c0: {  	v12 =	vmul.f32 v14, v12;
	v16 =	vadd.f32 v11, v0;
	[tilespmem:s4+$0x1A000] =	vst v10;
	v11 =	vand.u32 $0xFFF, v13  }
0x1c1: {  	v10 =	vld.idx.msk [tilespmem:v6+s21+$0x0], $0xffff  }
0x1c2: {  	s12 =	sadd.s32 $0x40, s12;
	v12 =	vmul.f32 v12, v7;
	v13 =	vadd.f32 v15, v16  }
0x1c3: {  	s15 =	sand.u32 $0x7E00, s12;
	v14 =	vld.idx.msk [tilespmem:v3+s21+$0x0], $0xffff  }
0x1c4: {  	s11 =	sor.u32 s1, s15;
	v15 =	vld.idx.msk [tilespmem:v9+s5+$0x0], $0xffff;
	v12 =	vadd.f32 v12, v13  }
0x1c5: {  	s18 =	sadd.s32 $0x12000, s11;
	v16 =	vld.idx.msk [tilespmem:v11+s5+$0x0], $0xffff  }
0x1c6: {  	[tilespmem:s3+$0x1A100] =	vst v12;
	v13 =	vmul.f32 v10, v4;
	v12 =	vld [tilespmem:s18+$0x80]  }
0x1c7: {  	v17 =	vld.idx.msk [tilespmem:v28+s26+$0x0], $0xffff  }
0x1c8: {  	v18 =	vmul.f32 v14, v2;
	v14 =	vmul.f32 v14, v10;
	v10 =	vld [tilespmem:s11+$0x12000];
	v19 =	vadd.f32 v13, v5  }
0x1c9: {  	v20 =	vld.idx.msk [tilespmem:v27+s26+$0x0], $0xffff  }
0x1ca: {  	v13 =	vld [tilespmem:s18+$0x100];
	v18 =	vadd.f32 v18, v19;
	v19 =	vmul.f32 v14, v1  }
0x1cb: {  	s29 =	simm.s32 $0x30;
	s14 =	sadd.s32 $0x30, s30  }
0x1cc: {  	s19 =	sand.u32 $0x70, s29;
	s14 =	sand.u32 $0x1F80, s14;
	v14 =	vld [tilespmem:s18+$0x180];
	v21 =	vmul.f32 v17, v30;
	v18 =	vadd.f32 v19, v18  }
0x1cd: {  	s23 =	sor.u32 s19, s14;
	v22 =	vmul.f32 v16, v12  }
0x1ce: {  	v17 =	vmul.f32 v20, v17;
	v19 =	vadd.f32 v21, v0;
	v21 =	vmul.f32 v20, v8;
	v20 =	vld [tilespmem:s23+$0x10000];
	[tilespmem:s4+$0x1A080] =	vst v18  }
0x1cf: {  	v16 =	vmul.f32 v15, v16;
	v15 =	vmul.f32 v15, v13;
	v18 =	vadd.f32 v22, v10;
	v22 =	vld.idx.msk [tilespmem:v6+s20+$0x0], $0xffff  }
0x1d0: {  	v17 =	vmul.f32 v17, v7;
	v19 =	vadd.f32 v21, v19  }
0x1d1: {  	v16 =	vmul.f32 v16, v14;
	v21 =	vld.idx.msk [tilespmem:v3+s20+$0x0], $0xffff;
	v15 =	vadd.f32 v15, v18  }
0x1d2: {  	s13 =	simm.s32 $0x100;
	v17 =	vadd.f32 v17, v19  }
0x1d3: {  	s24 =	sand.u32 $0x1C00, s13;
	v16 =	vadd.f32 v16, v15  }
0x1d4: {  	s23 =	sor.u32 s1, s24;
	v15 =	vshrl.u32 v20, $0x10;
	[tilespmem:s3+$0x1A180] =	vst v17;
	v18 =	vmul.f32 v22, v4  }
0x1d5: {  	[tilespmem:s23+$0x1A000] =	vst v16;
	v17 =	vand.u32 $0xFFF, v20;
	v19 =	vld.idx.msk [tilespmem:v28+s7+$0x0], $0xffff  }
0x1d6: {  	v16 =	vmul.f32 v21, v2;
	v20 =	vmul.f32 v21, v22;
	v21 =	vld.idx.msk [tilespmem:v27+s7+$0x0], $0xffff;
	v18 =	vadd.f32 v18, v5  }
0x1d7: {  	v22 =	vld.idx.msk [tilespmem:v11+s21+$0x0], $0xffff  }
0x1d8: {  	s12 =	sadd.s32 $0x40, s12;
	v23 =	vld.idx.msk [tilespmem:v9+s21+$0x0], $0xffff;
	v16 =	vadd.f32 v16, v18;
	v18 =	vmul.f32 v20, v1  }
0x1d9: {  	s0 =	sand.u32 $0x7E00, s12;
	v24 =	vld.idx.msk [tilespmem:v15+s5+$0x0], $0xffff  }
0x1da: {  	s6 =	sor.u32 s19, s0;
	v25 =	vld.idx.msk [tilespmem:v17+s5+$0x0], $0xffff;
	v20 =	vmul.f32 v19, v30;
	v18 =	vadd.f32 v18, v16  }
0x1db: {  	s1 =	sadd.s32 $0x12000, s6;
	v16 =	vld [tilespmem:s6+$0x12000]  }
0x1dc: {  	v26 =	vmul.f32 v21, v8;
	v21 =	vmul.f32 v21, v19;
	v19 =	vld [tilespmem:s1+$0x80];
	v20 =	vadd.f32 v20, v0;
	[tilespmem:s4+$0x1A100] =	vst v18  }
0x1dd: {  	v29 =	vmul.f32 v22, v12;
	v31 =	vld.idx.msk [tilespmem:v6+s26+$0x0], $0xffff  }
0x1de: {  	v21 =	vmul.f32 v21, v7;
	v18 =	vld [tilespmem:s1+$0x100];
	v20 =	vadd.f32 v26, v20  }
0x1df: {  	v22 =	vmul.f32 v23, v22;
	v26 =	vmul.f32 v23, v13;
	v23 =	vadd.f32 v29, v10;
	v29 =	vld.idx.msk [tilespmem:v3+s26+$0x0], $0xffff  }
0x1e0: {  	v21 =	vadd.f32 v21, v20  }
0x1e1: {  	v22 =	vmul.f32 v22, v14;
	v23 =	vadd.f32 v26, v23;
	v26 =	vmul.f32 v25, v19  }
0x1e2: {  	v20 =	vld [tilespmem:s1+$0x180];
	[tilespmem:s3+$0x1A200] =	vst v21;
	v21 =	vmul.f32 v24, v25;
	v32 =	vmul.f32 v31, v4  }
0x1e3: {  	s22 =	simm.s32 $0x40;
	s15 =	sadd.s32 $0x40, s30;
	v22 =	vadd.f32 v22, v23;
	v23 =	vmul.f32 v24, v18;
	v24 =	vadd.f32 v26, v16  }
0x1e4: {  	s14 =	sand.u32 $0x1F80, s15;
	s6 =	sand.u32 $0x70, s22;
	v25 =	vld.idx.msk [tilespmem:v28+s8+$0x0], $0xffff;
	v33 =	vmul.f32 v29, v2;
	v29 =	vmul.f32 v29, v31;
	v32 =	vadd.f32 v32, v5  }
0x1e5: {  	s14 =	sor.u32 s6, s14;
	v26 =	vld.idx.msk [tilespmem:v27+s8+$0x0], $0xffff  }
0x1e6: {  	v31 =	vld [tilespmem:s14+$0x10000];
	[tilespmem:s23+$0x1A080] =	vst v22;
	v22 =	vadd.f32 v23, v24;
	v29 =	vmul.f32 v29, v1;
	v24 =	vadd.f32 v33, v32  }
0x1e7: {  	v21 =	vmul.f32 v21, v20  }
0x1e8: {  	s24 =	simm.s32 $0x180;
	v23 =	vld.idx.msk [tilespmem:v11+s20+$0x0], $0xffff;
	v24 =	vadd.f32 v29, v24  }
0x1e9: {  	s18 =	sand.u32 $0x1C00, s24;
	v46 =	vld.idx.msk [tilespmem:v9+s20+$0x0], $0xffff;
	v21 =	vadd.f32 v21, v22;
	v22 =	vmul.f32 v25, v30  }
0x1ea: {  	s15 =	sor.u32 s19, s18;
	v29 =	vmul.f32 v26, v8;
	[tilespmem:s4+$0x1A180] =	vst v24  }
0x1eb: {  	v25 =	vmul.f32 v26, v25;
	[tilespmem:s15+$0x1A000] =	vst v21;
	v21 =	vshrl.u32 v31, $0x10;
	v22 =	vadd.f32 v22, v0;
	v26 =	vld.idx.msk [tilespmem:v6+s7+$0x0], $0xffff  }
0x1ec: {  	v48 =	vld.idx.msk [tilespmem:v3+s7+$0x0], $0xffff  }
0x1ed: {  	s18 =	sadd.s32 $0x40, s12;
	v24 =	vmul.f32 v23, v12;
	v25 =	vmul.f32 v25, v7;
	v29 =	vadd.f32 v29, v22  }
0x1ee: {  	s19 =	sand.u32 $0x7E00, s18;
	v23 =	vmul.f32 v46, v23;
	v22 =	vand.u32 $0xFFF, v31;
	v31 =	vld.idx.msk [tilespmem:v17+s21+$0x0], $0xffff  }
0x1ef: {  	s11 =	sor.u32 s6, s19;
	v47 =	vmul.f32 v46, v13;
	v24 =	vadd.f32 v24, v10;
	v25 =	vadd.f32 v25, v29;
	v29 =	vld.idx.msk [tilespmem:v15+s21+$0x0], $0xffff  }
0x1f0: {  	s0 =	sadd.s32 $0x12000, s11;
	v23 =	vmul.f32 v23, v14;
	v34 =	vld.idx.msk [tilespmem:v21+s5+$0x0], $0xffff  }
0x1f1: {  	v24 =	vadd.f32 v47, v24;
	[tilespmem:s3+$0x1A280] =	vst v25;
	v25 =	vmul.f32 v26, v4;
	v32 =	vmul.f32 v48, v26;
	v26 =	vld [tilespmem:s0+$0x80]  }
0x1f2: {  	v49 =	vld.idx.msk [tilespmem:v28+s9+$0x0], $0xffff  }
0x1f3: {  	v23 =	vadd.f32 v23, v24;
	v35 =	vld.idx.msk [tilespmem:v22+s5+$0x0], $0xffff  }
0x1f4: {  	v38 =	vmul.f32 v48, v2;
	v24 =	vmul.f32 v31, v19;
	v36 =	vld.idx.msk [tilespmem:v27+s9+$0x0], $0xffff;
	v37 =	vadd.f32 v25, v5  }
0x1f5: {  	v25 =	vld [tilespmem:s11+$0x12000];
	[tilespmem:s23+$0x1A100] =	vst v23;
	v32 =	vmul.f32 v32, v1;
	v39 =	vmul.f32 v29, v18  }
0x1f6: {  	v29 =	vmul.f32 v29, v31;
	v23 =	vadd.f32 v24, v16;
	v50 =	vld.idx.msk [tilespmem:v11+s26+$0x0], $0xffff;
	v31 =	vadd.f32 v38, v37  }
0x1f7: {  	v24 =	vld [tilespmem:s0+$0x100];
	v51 =	vmul.f32 v49, v30  }
0x1f8: {  	s1 =	sadd.s32 $0x50, s30;
	s11 =	simm.s32 $0x50;
	v52 =	vld.idx.msk [tilespmem:v9+s26+$0x0], $0xffff;
	v39 =	vadd.f32 v39, v23;
	v29 =	vmul.f32 v29, v20;
	v31 =	vadd.f32 v32, v31  }
0x1f9: {  	s14 =	sand.u32 $0x1F80, s1;
	s19 =	sand.u32 $0x70, s11;
	v23 =	vld [tilespmem:s0+$0x180];
	v40 =	vmul.f32 v36, v8;
	v33 =	vmul.f32 v36, v49;
	v38 =	vadd.f32 v51, v0  }
0x1fa: {  	s12 =	sor.u32 s19, s14;
	v53 =	vmul.f32 v35, v26;
	v35 =	vmul.f32 v34, v35;
	v29 =	vadd.f32 v29, v39  }
0x1fb: {  	v56 =	vld [tilespmem:s12+$0x10000];
	[tilespmem:s4+$0x1A200] =	vst v31;
	v33 =	vmul.f32 v33, v7;
	v55 =	vmul.f32 v50, v12;
	v31 =	vadd.f32 v40, v38  }
0x1fc: {  	v34 =	vmul.f32 v34, v24;
	v36 =	vadd.f32 v53, v25;
	v54 =	vld.idx.msk [tilespmem:v6+s8+$0x0], $0xffff;
	[tilespmem:s15+$0x1A080] =	vst v29  }
0x1fd: {  	v58 =	vmul.f32 v52, v13;
	v32 =	vmul.f32 v52, v50;
	v59 =	vld.idx.msk [tilespmem:v15+s20+$0x0], $0xffff;
	v29 =	vadd.f32 v33, v31  }
0x1fe: {  	v57 =	vadd.f32 v55, v10;
	v34 =	vadd.f32 v34, v36;
	v35 =	vmul.f32 v35, v23;
	v31 =	vld.idx.msk [tilespmem:v3+s8+$0x0], $0xffff  }
0x1ff: {  	s12 =	simm.s32 $0x200;
	v42 =	vld.idx.msk [tilespmem:v17+s20+$0x0], $0xffff;
	[tilespmem:s3+$0x1A300] =	vst v29  }
0x200: {  	v32 =	vmul.f32 v32, v14;
	s20 =	sand.u32 $0x1C00, s12;
	v33 =	vadd.f32 v58, v57;
	v29 =	vld.idx.msk [tilespmem:v28+s10+$0x0], $0xffff;
	v28 =	vadd.f32 v35, v34  }
0x201: {  	v60 =	vmul.f32 v54, v4;
	s3 =	sor.u32 s6, s20  }
0x202: {  	v32 =	vadd.f32 v32, v33;
	[tilespmem:s3+$0x1A000] =	vst v28  }
0x203: {  	v28 =	vadd.f32 v60, v5;
	v61 =	vmul.f32 v31, v2;
	v62 =	vmul.f32 v31, v54;
	v31 =	vld.idx.msk [tilespmem:v27+s10+$0x0], $0xffff  }
0x204: {  	[tilespmem:s23+$0x1A180] =	vst v32;
	v27 =	vshrl.u32 v56, $0x10  }
0x205: {  	v63 =	vmul.f32 v42, v19;
	v36 =	vld.idx.msk [tilespmem:v11+s7+$0x0], $0xffff;
	[smem:$0x7EF] =	sst s25;
	v33 =	vadd.f32 v61, v28;
	v34 =	vmul.f32 v62, v1  }
0x206: {  	s1 =	simm.s32 $0xA000;
	s14 =	simm.s32 $0x0;
	v40 =	vmul.f32 v59, v18;
	v28 =	vand.u32 $0xFFF, v56;
	v39 =	vld.idx.msk [tilespmem:v22+s21+$0x0], $0xffff;
	v35 =	vmul.f32 v29, v30  }
0x207: {  	s0 =	sshll.u32 s25, $0xA;
	s20 =	simm.s32 $0x60;
	s6 =	simm.s32 $0x0;
	v42 =	vmul.f32 v59, v42;
	v41 =	vadd.f32 v63, v16;
	v38 =	vld.idx.msk [tilespmem:v9+s7+$0x0], $0xffff;
	v37 =	vadd.f32 v34, v33  }
.LBB2_7:
0x208: {  	p0 =	sne.s32 s20, $0x3F0;
	v32 =	vld.idx.msk [tilespmem:v21+s21+$0x0], $0xffff;
	v43 =	vadd.f32 v35, v0;
	v8 =	vmul.f32 v31, v8;
	v29 =	vmul.f32 v31, v29  }
0x209: {  	v0 =	vmov v5;
	v31 =	vld.idx.msk [tilespmem:v27+s5+$0x0], $0xffff;
	v33 =	vadd.f32 v40, v41;
	v34 =	vmul.f32 v42, v20;
	[tilespmem:s4+$0x1A280] =	vst v37  }
0x20a: {  	s18 =	sadd.s32 $0x40, s18;
	v5 =	vmovc v10;
	v10 =	vmov v16;
	v35 =	vld.idx.msk [tilespmem:v6+s9+$0x0], $0xffff;
	v8 =	vadd.f32 v8, v43;
	v7 =	vmul.f32 v29, v7  }
0x20b: {  	v16 =	vmovc v25;
	v30 =	vmov v12;
	s21 =	sand.u32 $0x7E00, s18;
	v29 =	vld.idx.msk [tilespmem:v28+s5+$0x0], $0xffff;
	v33 =	vadd.f32 v34, v33;
	v34 =	vmul.f32 v36, v12  }
0x20c: {  	s14 =	sor.u32 s6, s14;
	s6 =	smov.u32 s17;
	s21 =	sor.u32 s19, s21;
	v37 =	vmul.f32 v39, v26;
	v12 =	vmovc v19;
	v19 =	vmov v26;
	v40 =	vld.idx.msk [tilespmem:v3+s9+$0x0], $0xffff;
	v7 =	vadd.f32 v7, v8  }
0x20d: {  	s17 =	smov.u32 s13;
	s14 =	sor.u32 $0x380, s14;
	s25 =	sadd.s32 $0x12000, s21;
	v36 =	vmul.f32 v38, v36;
	v25 =	vld [tilespmem:s21+$0x12000];
	[tilespmem:s15+$0x1A100] =	vst v33;
	v33 =	vadd.f32 v34, v5;
	v34 =	vmul.f32 v38, v13  }
0x20e: {  	s13 =	smov.u32 s24;
	s24 =	smov.u32 s12;
	v38 =	vmul.f32 v32, v24;
	v32 =	vmul.f32 v32, v39;
	v26 =	vld [tilespmem:s25+$0x80];
	[tilespmem:s14+$0x1A000] =	vst v7;
	v8 =	vmovc v2;
	v2 =	vmov v13;
	s14 =	smov.u32 s2  }
0x20f: {  	v37 =	vadd.f32 v37, v16;
	s2 =	smov.u32 s16;
	s16 =	smov.u32 s29;
	s29 =	smov.u32 s22;
	v39 =	vld.idx.msk [tilespmem:v17+s26+$0x0], $0xffff;
	v33 =	vadd.f32 v34, v33;
	v34 =	vmul.f32 v36, v14  }
0x210: {  	v13 =	vmovc v18;
	v18 =	vmovc v24;
	s22 =	smov.u32 s11;
	s11 =	smov.u32 s20;
	v36 =	vmul.f32 v35, v4;
	v24 =	vld [tilespmem:s25+$0x100];
	v7 =	vmov v1;
	v1 =	vmov v14  }
0x211: {  	v37 =	vadd.f32 v38, v37;
	v32 =	vmul.f32 v32, v23;
	v38 =	vld.idx.msk [tilespmem:v15+s26+$0x0], $0xffff;
	v33 =	vadd.f32 v34, v33  }
0x212: {  	s21 =	sadd.s32 s20, s30;
	v14 =	vmovc v20;
	v34 =	vadd.f32 v36, v0;
	v36 =	vmul.f32 v40, v8;
	v35 =	vmul.f32 v40, v35  }
0x213: {  	s21 =	sand.u32 $0x1F80, s21;
	v20 =	vmov v23;
	s26 =	sand.u32 $0x70, s20;
	v40 =	vmul.f32 v29, v26;
	v29 =	vmul.f32 v31, v29;
	[tilespmem:s23+$0x1A200] =	vst v33;
	v23 =	vld [tilespmem:s25+$0x180]  }
0x214: {  	v32 =	vadd.f32 v32, v37;
	s21 =	sor.u32 s26, s21;
	v34 =	vadd.f32 v36, v34;
	v35 =	vmul.f32 v35, v7;
	v33 =	vld.idx.msk [tilespmem:v11+s8+$0x0], $0xffff  }
0x215: {  	v36 =	vmul.f32 v39, v12;
	v37 =	vld [tilespmem:s21+$0x10000];
	s21 =	simm.s32 $0x9000;
	v31 =	vmul.f32 v31, v24  }
0x216: {  	v40 =	vadd.f32 v40, v25;
	v34 =	vadd.f32 v35, v34;
	[tilespmem:s3+$0x1A080] =	vst v32;
	v32 =	vld.idx.msk [tilespmem:v9+s8+$0x0], $0xffff  }
0x217: {  	v35 =	vadd.f32 v36, v10;
	v36 =	vmul.f32 v38, v13;
	v38 =	vmul.f32 v38, v39;
	v42 =	vld.idx.msk [tilespmem:v21+s1+$0x0], $0xffff  }
0x218: {  	v31 =	vadd.f32 v31, v40;
	v39 =	vmul.f32 v29, v23;
	v43 =	vld.idx.msk [tilespmem:v22+s1+$0x0], $0xffff;
	[tilespmem:s4+$0x1A300] =	vst v34;
	s4 =	smov.u32 s23;
	s23 =	smov.u32 s15;
	s15 =	smov.u32 s3  }
0x219: {  	s12 =	sadd.s32 $0x80, s12;
	v34 =	vadd.f32 v36, v35;
	v35 =	vmul.f32 v38, v14;
	v29 =	vld.idx.msk [tilespmem:v6+s10+$0x0], $0xffff;
	v6 =	vmovc v11;
	v11 =	vmov v17  }
0x21a: {  	s3 =	sand.u32 $0x1C00, s12;
	v38 =	vmul.f32 v33, v30;
	v17 =	vmovc v22;
	v22 =	vmov v28;
	v36 =	vadd.f32 v39, v31  }
0x21b: {  	s3 =	sor.u32 s19, s3;
	s19 =	smov.u32 s26;
	s26 =	simm.s32 $0xB000;
	v28 =	vadd.f32 v35, v34;
	v31 =	vld.idx.msk [tilespmem:v3+s10+$0x0], $0xffff;
	v3 =	vmovc v9;
	v9 =	vmovc v15;
	v15 =	vmov v21;
	v21 =	vmov v27  }
.Ltmp2:
0x21c: {  	v34 =	vadd.f32 v38, v5;
	v35 =	vmul.f32 v32, v2;
	v32 =	vmul.f32 v32, v33;
	[tilespmem:s3+$0x1A000] =	vst v36;
	(pc) =	sbr.rel @p0 .LBB2_7-.Ltmp2, $4  }
0x21d: {  	v27 =	vshrl.u32 v37, $0x10;
	[tilespmem:s23+$0x1A180] =	vst v28  }
0x21e: {  	v33 =	vmul.f32 v43, v19;
	v34 =	vadd.f32 v35, v34;
	v32 =	vmul.f32 v32, v1;
	v36 =	vld.idx.msk [tilespmem:v11+s7+$0x0], $0xffff  }
0x21f: {  	v40 =	vmul.f32 v42, v18;
	v28 =	vand.u32 $0xFFF, v37;
	v35 =	vmul.f32 v29, v4;
	v4 =	vmovc v30;
	v39 =	vld.idx.msk [tilespmem:v22+s21+$0x0], $0xffff  }
0x220: {  	s20 =	sadd.s32 $0x10, s20;
	v42 =	vmul.f32 v42, v43;
	v41 =	vadd.f32 v33, v16;
	v37 =	vadd.f32 v32, v34;
	v38 =	vld.idx.msk [tilespmem:v9+s7+$0x0], $0xffff  }
0x221: {  	_ =	sdelay $0x1  }
0x222: {  	s18 =	sadd.s32 $0x40, s18  }
0x223: {  	s18 =	sand.u32 $0x7E00, s18  }
0x224: {  	v43 =	vld.idx.msk [tilespmem:v27+s5+$0x0], $0xffff;
	s18 =	sor.u32 s19, s18  }
0x225: {  	v44 =	vld.idx.msk [tilespmem:v28+s5+$0x0], $0xffff;
	s20 =	sadd.s32 $0x12000, s18  }
0x226: {  	v34 =	vld [tilespmem:s20+$0x80]  }
0x227: {  	v32 =	vld [tilespmem:s18+$0x12000]  }
0x228: {  	v33 =	vld [tilespmem:s20+$0x100];
	_ =	sdelay $0x1  }
0x229: {  	v30 =	vld [tilespmem:s20+$0x180]  }
0x22a: {  	v45 =	vmul.f32 v44, v34;
	_ =	sdelay $0x1  }
0x22b: {  	v44 =	vmul.f32 v43, v44;
	v43 =	vmul.f32 v43, v33;
	v45 =	vadd.f32 v45, v32;
	_ =	sdelay $0x1  }
0x22c: {  	v44 =	vmul.f32 v44, v30;
	v43 =	vadd.f32 v43, v45  }
0x22d: {  	s20 =	sadd.s32 $0x80, s12  }
0x22e: {  	v48 =	vld.idx.msk [tilespmem:v21+s21+$0x0], $0xffff;
	s25 =	sand.u32 $0x1C00, s20;
	v43 =	vadd.f32 v44, v43  }
0x22f: {  	s18 =	sor.u32 s19, s25  }
0x230: {  	[tilespmem:s18+$0x1A000] =	vst v43  }
0x231: {  	v49 =	vmul.f32 v39, v26;
	v43 =	vld.idx.msk [tilespmem:v28+s21+$0x0], $0xffff;
	_ =	sdelay $0x1  }
0x232: {  	v47 =	vmul.f32 v48, v24;
	v50 =	vmul.f32 v48, v39;
	v51 =	vadd.f32 v49, v25;
	v46 =	vld.idx.msk [tilespmem:v27+s21+$0x0], $0xffff;
	_ =	sdelay $0x1  }
0x233: {  	v39 =	vmul.f32 v50, v23;
	v44 =	vadd.f32 v47, v51  }
0x234: {  	v52 =	vmul.f32 v43, v34  }
0x235: {  	v39 =	vadd.f32 v39, v44  }
0x236: {  	v43 =	vmul.f32 v46, v43;
	v46 =	vmul.f32 v46, v33;
	v45 =	vadd.f32 v52, v32  }
0x237: {  	[tilespmem:s3+$0x1A080] =	vst v39  }
0x238: {  	v39 =	vld.idx.msk [tilespmem:v22+s1+$0x0], $0xffff;
	v43 =	vmul.f32 v43, v30;
	v53 =	vadd.f32 v46, v45;
	_ =	sdelay $0x1  }
0x239: {  	v54 =	vld.idx.msk [tilespmem:v21+s1+$0x0], $0xffff;
	v43 =	vadd.f32 v43, v53;
	_ =	sdelay $0x1  }
0x23a: {  	[tilespmem:s18+$0x1A080] =	vst v43  }
0x23b: {  	v55 =	vmul.f32 v39, v26;
	v43 =	vld.idx.msk [tilespmem:v28+s1+$0x0], $0xffff  }
0x23c: {  	v40 =	vadd.f32 v40, v41;
	v57 =	vmul.f32 v42, v20  }
0x23d: {  	v58 =	vmul.f32 v54, v24;
	v39 =	vmul.f32 v54, v39;
	v45 =	vadd.f32 v55, v25;
	v56 =	vld.idx.msk [tilespmem:v27+s1+$0x0], $0xffff;
	_ =	sdelay $0x1  }
0x23e: {  	v40 =	vadd.f32 v57, v40;
	v39 =	vmul.f32 v39, v23;
	v42 =	vadd.f32 v58, v45  }
0x23f: {  	v59 =	vmul.f32 v43, v34  }
0x240: {  	[tilespmem:s15+$0x1A100] =	vst v40;
	v39 =	vadd.f32 v39, v42  }
0x241: {  	v61 =	vld.idx.msk [tilespmem:v17+s26+$0x0], $0xffff;
	v60 =	vmul.f32 v56, v33;
	v43 =	vmul.f32 v56, v43;
	v41 =	vadd.f32 v59, v32  }
0x242: {  	v63 =	vld.idx.msk [tilespmem:v15+s26+$0x0], $0xffff;
	[tilespmem:s3+$0x1A100] =	vst v39  }
0x243: {  	v39 =	vld.idx.msk [tilespmem:v22+s26+$0x0], $0xffff;
	v62 =	vmul.f32 v43, v30;
	v40 =	vadd.f32 v60, v41  }
0x244: {  	v49 =	vld.idx.msk [tilespmem:v21+s26+$0x0], $0xffff  }
0x245: {  	v40 =	vadd.f32 v62, v40  }
0x246: {  	v48 =	vmul.f32 v61, v19  }
0x247: {  	v42 =	vmul.f32 v63, v61;
	[tilespmem:s18+$0x1A100] =	vst v40  }
0x248: {  	v50 =	vmul.f32 v63, v18;
	v51 =	vmul.f32 v39, v26;
	v41 =	vadd.f32 v48, v16;
	v40 =	vld.idx.msk [tilespmem:v28+s26+$0x0], $0xffff  }
0x249: {  	v42 =	vmul.f32 v42, v20;
	v53 =	vmul.f32 v49, v24  }
0x24a: {  	v39 =	vmul.f32 v49, v39;
	v44 =	vadd.f32 v51, v25;
	v41 =	vadd.f32 v50, v41;
	v52 =	vld.idx.msk [tilespmem:v27+s26+$0x0], $0xffff;
	_ =	sdelay $0x1  }
0x24b: {  	v39 =	vmul.f32 v39, v23;
	v55 =	vadd.f32 v53, v44;
	v41 =	vadd.f32 v42, v41  }
0x24c: {  	v54 =	vmul.f32 v40, v34  }
0x24d: {  	v39 =	vadd.f32 v39, v55;
	[tilespmem:s15+$0x1A180] =	vst v41  }
0x24e: {  	v58 =	vld.idx.msk [tilespmem:v17+s7+$0x0], $0xffff;
	v57 =	vmul.f32 v52, v33;
	v40 =	vmul.f32 v52, v40;
	v56 =	vadd.f32 v54, v32  }
0x24f: {  	[tilespmem:s3+$0x1A180] =	vst v39;
	v60 =	vld.idx.msk [tilespmem:v15+s7+$0x0], $0xffff  }
0x250: {  	v59 =	vmul.f32 v36, v12;
	v39 =	vld.idx.msk [tilespmem:v22+s7+$0x0], $0xffff;
	v40 =	vmul.f32 v40, v30;
	v41 =	vadd.f32 v57, v56  }
0x251: {  	v63 =	vmul.f32 v38, v36;
	v49 =	vld.idx.msk [tilespmem:v21+s7+$0x0], $0xffff  }
0x252: {  	v61 =	vadd.f32 v59, v10;
	v62 =	vmul.f32 v38, v13;
	v40 =	vadd.f32 v40, v41  }
0x253: {  	v48 =	vmul.f32 v58, v19  }
0x254: {  	v36 =	vmul.f32 v63, v14;
	v50 =	vadd.f32 v62, v61;
	v43 =	vmul.f32 v60, v58;
	[tilespmem:s18+$0x1A180] =	vst v40  }
0x255: {  	v52 =	vmul.f32 v60, v18;
	v53 =	vmul.f32 v39, v26;
	v38 =	vadd.f32 v48, v16;
	v51 =	vld.idx.msk [tilespmem:v28+s7+$0x0], $0xffff  }
0x256: {  	v36 =	vadd.f32 v36, v50;
	v39 =	vmul.f32 v49, v39;
	v55 =	vmul.f32 v43, v20  }
0x257: {  	v56 =	vadd.f32 v53, v25;
	v57 =	vmul.f32 v49, v24;
	v38 =	vadd.f32 v52, v38;
	v54 =	vld.idx.msk [tilespmem:v27+s7+$0x0], $0xffff;
	_ =	sdelay $0x1  }
0x258: {  	[tilespmem:s23+$0x1A200] =	vst v36;
	v39 =	vmul.f32 v39, v23;
	v36 =	vadd.f32 v57, v56;
	v38 =	vadd.f32 v55, v38  }
0x259: {  	v58 =	vld.idx.msk [tilespmem:v11+s8+$0x0], $0xffff;
	v59 =	vmul.f32 v51, v34  }
0x25a: {  	v60 =	vld.idx.msk [tilespmem:v9+s8+$0x0], $0xffff;
	v36 =	vadd.f32 v39, v36;
	[tilespmem:s15+$0x1A200] =	vst v38  }
0x25b: {  	v63 =	vld.idx.msk [tilespmem:v17+s8+$0x0], $0xffff;
	v62 =	vmul.f32 v54, v33;
	v41 =	vmul.f32 v54, v51;
	v61 =	vadd.f32 v59, v32;
	_ =	sdelay $0x1  }
0x25c: {  	[tilespmem:s3+$0x1A200] =	vst v36;
	v50 =	vld.idx.msk [tilespmem:v15+s8+$0x0], $0xffff;
	v48 =	vmul.f32 v41, v30;
	v38 =	vadd.f32 v62, v61  }
0x25d: {  	v36 =	vld.idx.msk [tilespmem:v22+s8+$0x0], $0xffff  }
0x25e: {  	v49 =	vmul.f32 v58, v12;
	v38 =	vadd.f32 v48, v38  }
0x25f: {  	v52 =	vmul.f32 v60, v13;
	v53 =	vmul.f32 v63, v19  }
0x260: {  	v43 =	vmul.f32 v60, v58;
	v51 =	vadd.f32 v49, v10;
	v54 =	vld.idx.msk [tilespmem:v21+s8+$0x0], $0xffff;
	[tilespmem:s18+$0x1A200] =	vst v38  }
0x261: {  	v59 =	vmul.f32 v50, v18;
	v41 =	vmul.f32 v50, v63;
	v58 =	vadd.f32 v53, v16;
	v57 =	vld.idx.msk [tilespmem:v28+s8+$0x0], $0xffff  }
0x262: {  	v56 =	vmul.f32 v43, v14;
	v55 =	vadd.f32 v52, v51;
	v60 =	vmul.f32 v36, v26  }
0x263: {  	v41 =	vmul.f32 v41, v20;
	v63 =	vadd.f32 v59, v58;
	v61 =	vld.idx.msk [tilespmem:v27+s8+$0x0], $0xffff  }
0x264: {  	[tilespmem:s4+$0x1A280] =	vst v37;
	v37 =	vadd.f32 v60, v25;
	v38 =	vadd.f32 v56, v55  }
0x265: {  	v49 =	vld.idx.msk [tilespmem:v3+s9+$0x0], $0xffff;
	v36 =	vmul.f32 v54, v36;
	v48 =	vmul.f32 v54, v24;
	v50 =	vadd.f32 v41, v63  }
0x266: {  	v62 =	vld.idx.msk [tilespmem:v6+s9+$0x0], $0xffff;
	[tilespmem:s23+$0x1A280] =	vst v38;
	v51 =	vmul.f32 v57, v34  }
0x267: {  	v36 =	vmul.f32 v36, v23;
	v37 =	vadd.f32 v48, v37;
	[tilespmem:s15+$0x1A280] =	vst v50;
	v41 =	vld.idx.msk [tilespmem:v11+s9+$0x0], $0xffff  }
0x268: {  	v55 =	vld.idx.msk [tilespmem:v17+s9+$0x0], $0xffff;
	v53 =	vmul.f32 v61, v33;
	v40 =	vmul.f32 v61, v57;
	v52 =	vadd.f32 v51, v32  }
0x269: {  	v36 =	vadd.f32 v36, v37;
	v56 =	vld.idx.msk [tilespmem:v9+s9+$0x0], $0xffff  }
0x26a: {  	v60 =	vld.idx.msk [tilespmem:v15+s9+$0x0], $0xffff;
	v57 =	vmul.f32 v40, v30;
	v38 =	vadd.f32 v53, v52  }
0x26b: {  	v54 =	vmul.f32 v62, v4;
	[tilespmem:s3+$0x1A280] =	vst v36;
	v61 =	vmul.f32 v49, v62  }
0x26c: {  	v59 =	vmul.f32 v49, v2;
	v62 =	vld.idx.msk [tilespmem:v22+s9+$0x0], $0xffff;
	v38 =	vadd.f32 v57, v38  }
0x26d: {  	v58 =	vadd.f32 v54, v5;
	v50 =	vld.idx.msk [tilespmem:v21+s9+$0x0], $0xffff;
	v48 =	vmul.f32 v41, v12;
	v36 =	vmul.f32 v61, v1  }
0x26e: {  	v49 =	vmul.f32 v55, v19;
	v37 =	vmul.f32 v56, v41;
	[tilespmem:s18+$0x1A280] =	vst v38  }
0x26f: {  	v63 =	vadd.f32 v59, v58;
	v43 =	vmul.f32 v60, v55;
	v45 =	vmul.f32 v60, v18;
	v53 =	vld.idx.msk [tilespmem:v28+s9+$0x0], $0xffff  }
0x270: {  	v51 =	vadd.f32 v48, v10;
	v52 =	vmul.f32 v56, v13;
	v42 =	vadd.f32 v49, v16  }
0x271: {  	v36 =	vadd.f32 v36, v63;
	v37 =	vmul.f32 v37, v14;
	v54 =	vmul.f32 v62, v26;
	v55 =	vld.idx.msk [tilespmem:v27+s9+$0x0], $0xffff  }
0x272: {  	v43 =	vmul.f32 v43, v20;
	v58 =	vmul.f32 v50, v24;
	v42 =	vadd.f32 v45, v42  }
0x273: {  	[tilespmem:s4+$0x1A300] =	vst v36;
	v57 =	vmul.f32 v50, v62;
	v56 =	vadd.f32 v54, v25;
	v38 =	vadd.f32 v52, v51  }
0x274: {  	v59 =	vld.idx.msk [tilespmem:v6+s10+$0x0], $0xffff;
	v42 =	vadd.f32 v43, v42;
	v60 =	vmul.f32 v53, v34  }
0x275: {  	v61 =	vld.idx.msk [tilespmem:v3+s10+$0x0], $0xffff;
	v39 =	vmul.f32 v57, v23;
	v36 =	vadd.f32 v58, v56;
	v37 =	vadd.f32 v37, v38  }
0x276: {  	[tilespmem:s15+$0x1A300] =	vst v42;
	v41 =	vmul.f32 v55, v53;
	v40 =	vmul.f32 v55, v33;
	v38 =	vadd.f32 v60, v32  }
0x277: {  	v0 =	vadd.f32 v35, v0;
	v36 =	vadd.f32 v39, v36;
	v39 =	vld.idx.msk [tilespmem:v17+s10+$0x0], $0xffff  }
0x278: {  	v43 =	vld.idx.msk [tilespmem:v15+s10+$0x0], $0xffff;
	[tilespmem:s23+$0x1A300] =	vst v37;
	v63 =	vmul.f32 v41, v30;
	v62 =	vadd.f32 v40, v38  }
0x279: {  	v8 =	vmul.f32 v31, v8;
	v29 =	vmul.f32 v31, v29;
	[tilespmem:s3+$0x1A300] =	vst v36;
	v36 =	vld.idx.msk [tilespmem:v11+s10+$0x0], $0xffff  }
0x27a: {  	v3 =	vmul.f32 v61, v59;
	v42 =	vld.idx.msk [tilespmem:v9+s10+$0x0], $0xffff;
	v40 =	vadd.f32 v63, v62  }
0x27b: {  	v0 =	vadd.f32 v8, v0;
	v7 =	vmul.f32 v29, v7;
	v35 =	vmul.f32 v59, v4;
	v45 =	vld.idx.msk [tilespmem:v22+s10+$0x0], $0xffff  }
0x27c: {  	v44 =	vmul.f32 v3, v1;
	v49 =	vld.idx.msk [tilespmem:v21+s10+$0x0], $0xffff;
	v41 =	vmul.f32 v61, v2;
	[tilespmem:s18+$0x1A300] =	vst v40  }
0x27d: {  	v4 =	vadd.f32 v35, v5;
	v48 =	vmul.f32 v39, v19;
	v51 =	vmul.f32 v43, v18;
	v47 =	vld.idx.msk [tilespmem:v28+s10+$0x0], $0xffff  }
0x27e: {  	v0 =	vadd.f32 v7, v0;
	v6 =	vmul.f32 v43, v39;
	v46 =	vmul.f32 v36, v12  }
0x27f: {  	v2 =	vadd.f32 v41, v4;
	v9 =	vmul.f32 v42, v13;
	v5 =	vmul.f32 v42, v36;
	v50 =	vld.idx.msk [tilespmem:v27+s10+$0x0], $0xffff  }
0x280: {  	v6 =	vmul.f32 v6, v20;
	v52 =	vmul.f32 v45, v26;
	v4 =	vadd.f32 v46, v10  }
0x281: {  	v54 =	vmul.f32 v49, v24;
	v1 =	vadd.f32 v44, v2;
	v2 =	vadd.f32 v48, v16  }
0x282: {  	v3 =	vmul.f32 v49, v45;
	v4 =	vadd.f32 v9, v4;
	v53 =	vmul.f32 v47, v34  }
0x283: {  	s15 =	sor.u32 s6, s14;
	v5 =	vmul.f32 v5, v14;
	v2 =	vadd.f32 v51, v2;
	v9 =	vadd.f32 v52, v25  }
0x284: {  	s2 =	sor.u32 s17, s2;
	s3 =	sor.u32 $0x380, s15;
	v56 =	vmul.f32 v50, v33;
	v8 =	vmul.f32 v50, v47;
	v55 =	vadd.f32 v53, v32  }
0x285: {  	s17 =	sor.u32 s13, s16;
	s2 =	sor.u32 $0x380, s2;
	[tilespmem:s3+$0x1A000] =	vst v0;
	v3 =	vmul.f32 v3, v23;
	v57 =	vadd.f32 v5, v4;
	v58 =	vadd.f32 v54, v9  }
0x286: {  	s3 =	sor.u32 $0x380, s17;
	[tilespmem:s2+$0x1A000] =	vst v1;
	s18 =	sor.u32 s24, s29;
	v59 =	vadd.f32 v6, v2;
	v61 =	vmul.f32 v8, v30;
	v60 =	vadd.f32 v56, v55  }
0x287: {  	s19 =	sor.u32 s12, s22;
	s2 =	sor.u32 $0x380, s18;
	[tilespmem:s3+$0x1A000] =	vst v57;
	v62 =	vadd.f32 v3, v58  }
0x288: {  	s20 =	sor.u32 s20, s11;
	[tilespmem:s2+$0x1A000] =	vst v59;
	s3 =	sor.u32 $0x380, s19;
	v63 =	vadd.f32 v61, v60  }
0x289: {  	s2 =	sor.u32 $0x380, s20;
	[tilespmem:s3+$0x1A000] =	vst v62  }
0x28a: {  	[tilespmem:s2+$0x1A000] =	vst v63  }
0x28b: {  	s25 =	simm.s32 $0x0;
	s2 =	rddreg [dreg:$0x16]  }
0x28c: {  	s22 =	simm.s32 $0x1A000;
	s23 =	simm.s32 $0x4;
	s2 =	sadd.s32 s0, s2  }
0x28d: {  	[hbm4b:s2+s25] =	stream.linear.scatter [tilespmem:s22], [sflag:$0x4], $0x2000, $0x38;
	[tilespmem:$0x1C000] =	vst v63  }
0x28e: {  	_ =	swait.ge [sflag:s23], $0x2000  }
0x28f: {  	s24 =	sld [smem:$0x7EF];
	_ =	sdelay $0x2  }
0x290: {  	s2 =	sadd.s32 $0x1, s24  }
0x291: {  	p0 =	sne.s32 s2, $0x8  }
.Ltmp3:
0x292: {  	_ = 	snop;
	(pc) =	sbr.rel @p0 .LBB2_6-.Ltmp3, $3  }
0x293: {  	s29 =	sld [smem:$0x7EE];
	_ =	sdelay $0x1  }
0x294: {  	s30 =	sadd.s32 $0x400, s30;
	[sflag:s23] =	ssyncset.done $0x0  }
0x295: {  	s20 =	simm.s32 $0xA000;
	[sflag:s23] =	ssyncadd.s32 $0xFFFFE000;
	s6 =	sadd.s32 $0x1000, s29  }
0x296: {  	s2 =	simm.s32 $0x2  }
0x297: {  	_ =	swait.ge [sflag:s2], $0x1000  }
0x298: {  	[sflag:s2] =	ssyncset.done $0x0  }
0x299: {  	[sflag:s2] =	ssyncadd.s32 $0xFFFFF000  }
0x29a: {  	_ =	swait.ge [sflag:s2], $0x1000  }
0x29b: {  	[sflag:s2] =	ssyncset.done $0x0  }
0x29c: {  	[sflag:s2] =	ssyncadd.s32 $0xFFFFF000  }
0x29d: {  	_ =	swait.ge [sflag:s2], $0x1000  }
0x29e: {  	[sflag:s2] =	ssyncset.done $0x0  }
0x29f: {  	[sflag:s2] =	ssyncadd.s32 $0xFFFFF000  }
0x2a0: {  	_ =	swait.ge [sflag:s2], $0x1000  }
0x2a1: {  	[sflag:s2] =	ssyncset.done $0x0  }
0x2a2: {  	[sflag:s2] =	ssyncadd.s32 $0xFFFFF000  }
0x2a3: {  	_ =	swait.ge [sflag:s2], $0x1000  }
0x2a4: {  	[sflag:s2] =	ssyncset.done $0x0  }
0x2a5: {  	[sflag:s2] =	ssyncadd.s32 $0xFFFFF000  }
0x2a6: {  	_ =	swait.ge [sflag:s2], $0x1000  }
0x2a7: {  	[sflag:s2] =	ssyncset.done $0x0  }
0x2a8: {  	[sflag:s2] =	ssyncadd.s32 $0xFFFFF000  }
0x2a9: {  	_ =	swait.ge [sflag:s2], $0x1000  }
0x2aa: {  	[sflag:s2] =	ssyncset.done $0x0  }
0x2ab: {  	[sflag:s2] =	ssyncadd.s32 $0xFFFFF000  }
0x2ac: {  	_ =	swait.ge [sflag:s2], $0x1000  }
0x2ad: {  	s3 =	simm.s32 $0x80;
	[sflag:s2] =	ssyncset.done $0x0;
	s18 =	rddreg [dreg:$0x14]  }
0x2ae: {  	s4 =	simm.s32 $0x400;
	s19 =	sld [smem:$0x7F7];
	[sflag:s2] =	ssyncadd.s32 $0xFFFFF000  }
0x2af: {  	[tilespmem:s5], [sflag:$0x3] =	stream.strided.gather [hbm4b:s18+s3], $0x1000, s4, s3, $0x38;
	[tilespmem:$0x1C000] =	vst v63  }
0x2b0: {  	_ = 	snop  }
0x2b1: {  	[tilespmem:s21], [sflag:$0x3] =	stream.strided.gather [hbm4b:s19+s3], $0x1000, s4, s3, $0x38;
	[tilespmem:$0x1C000] =	vst v63  }
0x2b2: {  	s21 =	sld [smem:$0x7F8];
	_ =	sdelay $0x1  }
0x2b3: {  	s22 =	sld [smem:$0x7F9]  }
0x2b4: {  	[tilespmem:s20], [sflag:$0x3] =	stream.strided.gather [hbm4b:s21+s3], $0x1000, s4, s3, $0x38;
	[tilespmem:$0x1C000] =	vst v63  }
0x2b5: {  	s23 =	sld [smem:$0x7FA]  }
0x2b6: {  	[tilespmem:s26], [sflag:$0x3] =	stream.strided.gather [hbm4b:s22+s3], $0x1000, s4, s3, $0x38;
	[tilespmem:$0x1C000] =	vst v63  }
0x2b7: {  	s6 =	simm.s32 $0x0;
	s24 =	sld [smem:$0x7FB]  }
0x2b8: {  	[tilespmem:s7], [sflag:$0x3] =	stream.strided.gather [hbm4b:s23+s3], $0x1000, s4, s3, $0x38;
	[tilespmem:$0x1C000] =	vst v63  }
0x2b9: {  	s30 =	simm.s32 $0x0;
	s1 =	simm.s32 $0x7000;
	s26 =	sld [smem:$0x7FC]  }
0x2ba: {  	[tilespmem:s8], [sflag:$0x3] =	stream.strided.gather [hbm4b:s24+s3], $0x1000, s4, s3, $0x38;
	[tilespmem:$0x1C000] =	vst v63  }
0x2bb: {  	s29 =	sld [smem:$0x7FD];
	s2 =	simm.s32 $0x0;
	s19 =	simm.s32 $0x6000  }
0x2bc: {  	[tilespmem:s9], [sflag:$0x3] =	stream.strided.gather [hbm4b:s26+s3], $0x1000, s4, s3, $0x38;
	[tilespmem:$0x1C000] =	vst v63  }
0x2bd: {  	s21 =	simm.s32 $0x1000;
	s20 =	simm.s32 $0x2000;
	s26 =	simm.s32 $0x4000  }
0x2be: {  	[tilespmem:s10], [sflag:$0x3] =	stream.strided.gather [hbm4b:s29+s3], $0x1000, s4, s3, $0x38;
	[tilespmem:$0x1C000] =	vst v63  }
.LBB2_10:
0x2bf: {  	s13 =	sadd.s32 $0x0, s30;
	s5 =	simm.s32 $0x0  }
0x2c0: {  	s0 =	smov.u32 s2;
	s3 =	sand.u32 $0x70, s5;
	s2 =	sand.u32 $0x1F80, s13  }
0x2c1: {  	s2 =	sor.u32 s3, s2  }
0x2c2: {  	v0 =	vld [tilespmem:s2+$0x10000];
	_ =	sdelay $0x4  }
0x2c3: {  	s14 =	sand.u32 $0x7E00, s6;
	v28 =	vand.u32 $0xFFF, v0  }
0x2c4: {  	s2 =	sor.u32 s3, s14  }
0x2c5: {  	s4 =	sadd.s32 $0x12000, s2;
	v27 =	vshrl.u32 v0, $0x10  }
0x2c6: {  	v30 =	vld [tilespmem:s4+$0x80]  }
0x2c7: {  	v8 =	vld [tilespmem:s4+$0x100]  }
0x2c8: {  	v2 =	vld.idx.msk [tilespmem:v28+s25+$0x0], $0xffff  }
0x2c9: {  	v0 =	vld [tilespmem:s2+$0x12000]  }
0x2ca: {  	v1 =	vld.idx.msk [tilespmem:v27+s25+$0x0], $0xffff;
	_ =	sdelay $0x1  }
0x2cb: {  	v7 =	vld [tilespmem:s4+$0x180]  }
0x2cc: {  	v3 =	vmul.f32 v2, v30;
	_ =	sdelay $0x1  }
0x2cd: {  	v2 =	vmul.f32 v1, v2;
	v1 =	vmul.f32 v1, v8;
	v3 =	vadd.f32 v3, v0  }
0x2ce: {  	s15 =	sadd.s32 $0x10, s30;
	s2 =	simm.s32 $0x10  }
0x2cf: {  	s4 =	sand.u32 $0x1F80, s15;
	s11 =	sand.u32 $0x70, s2;
	v2 =	vmul.f32 v2, v7;
	v1 =	vadd.f32 v1, v3  }
0x2d0: {  	s4 =	sor.u32 s11, s4  }
0x2d1: {  	s16 =	sand.u32 $0x1C00, s5;
	v4 =	vld [tilespmem:s4+$0x10000];
	v1 =	vadd.f32 v2, v1  }
0x2d2: {  	s3 =	sor.u32 s3, s16  }
0x2d3: {  	[tilespmem:s3+$0x1A000] =	vst v1  }
0x2d4: {  	v1 =	vld.idx.msk [tilespmem:v28+s21+$0x0], $0xffff;
	_ =	sdelay $0x1  }
0x2d5: {  	v3 =	vshrl.u32 v4, $0x10;
	v2 =	vld.idx.msk [tilespmem:v27+s21+$0x0], $0xffff  }
0x2d6: {  	v6 =	vand.u32 $0xFFF, v4;
	_ =	sdelay $0x1  }
0x2d7: {  	s12 =	sadd.s32 $0x40, s6;
	v4 =	vmul.f32 v1, v30  }
0x2d8: {  	s17 =	sand.u32 $0x7E00, s12;
	[smem:$0x7EB] =	sst s6  }
0x2d9: {  	s4 =	sor.u32 s11, s17;
	v9 =	vld.idx.msk [tilespmem:v3+s25+$0x0], $0xffff;
	v5 =	vmul.f32 v2, v8;
	v1 =	vmul.f32 v2, v1;
	v2 =	vadd.f32 v4, v0  }
0x2da: {  	s13 =	sadd.s32 $0x12000, s4;
	v10 =	vld.idx.msk [tilespmem:v6+s25+$0x0], $0xffff  }
0x2db: {  	v4 =	vld [tilespmem:s13+$0x80];
	v1 =	vmul.f32 v1, v7;
	v11 =	vadd.f32 v5, v2  }
0x2dc: {  	v5 =	vld [tilespmem:s4+$0x12000]  }
0x2dd: {  	v2 =	vld [tilespmem:s13+$0x100];
	v11 =	vadd.f32 v1, v11  }
0x2de: {  	s18 =	sadd.s32 $0x20, s30;
	s16 =	simm.s32 $0x20  }
0x2df: {  	s22 =	sand.u32 $0x70, s16;
	s4 =	sand.u32 $0x1F80, s18;
	v1 =	vld [tilespmem:s13+$0x180];
	[tilespmem:s3+$0x1A080] =	vst v11  }
0x2e0: {  	s4 =	sor.u32 s22, s4;
	v11 =	vmul.f32 v10, v4;
	v12 =	vld.idx.msk [tilespmem:v28+s20+$0x0], $0xffff  }
0x2e1: {  	v13 =	vld [tilespmem:s4+$0x10000]  }
0x2e2: {  	v10 =	vmul.f32 v9, v10;
	v9 =	vmul.f32 v9, v2;
	v14 =	vld.idx.msk [tilespmem:v27+s20+$0x0], $0xffff;
	v11 =	vadd.f32 v11, v5;
	_ =	sdelay $0x1  }
0x2e3: {  	v10 =	vmul.f32 v10, v1;
	v9 =	vadd.f32 v9, v11  }
0x2e4: {  	s17 =	simm.s32 $0x80;
	v11 =	vmul.f32 v12, v30  }
0x2e5: {  	s23 =	sand.u32 $0x1C00, s17;
	v10 =	vadd.f32 v10, v9;
	v9 =	vshrl.u32 v13, $0x10  }
0x2e6: {  	s4 =	sor.u32 s11, s23;
	v15 =	vmul.f32 v14, v8;
	v12 =	vmul.f32 v14, v12;
	v16 =	vadd.f32 v11, v0  }
0x2e7: {  	[tilespmem:s4+$0x1A000] =	vst v10;
	v11 =	vand.u32 $0xFFF, v13  }
0x2e8: {  	v12 =	vmul.f32 v12, v7;
	v10 =	vld.idx.msk [tilespmem:v6+s21+$0x0], $0xffff;
	v13 =	vadd.f32 v15, v16;
	_ =	sdelay $0x1  }
0x2e9: {  	s12 =	sadd.s32 $0x40, s12;
	v14 =	vld.idx.msk [tilespmem:v3+s21+$0x0], $0xffff;
	v12 =	vadd.f32 v12, v13  }
0x2ea: {  	s24 =	sand.u32 $0x7E00, s12;
	v15 =	vld.idx.msk [tilespmem:v9+s25+$0x0], $0xffff  }
0x2eb: {  	s11 =	sor.u32 s22, s24;
	v16 =	vld.idx.msk [tilespmem:v11+s25+$0x0], $0xffff;
	[tilespmem:s3+$0x1A100] =	vst v12  }
0x2ec: {  	s5 =	sadd.s32 $0x12000, s11;
	v13 =	vmul.f32 v10, v4;
	v17 =	vld.idx.msk [tilespmem:v28+s28+$0x0], $0xffff  }
0x2ed: {  	v12 =	vld [tilespmem:s5+$0x80]  }
0x2ee: {  	v18 =	vmul.f32 v14, v2;
	v14 =	vmul.f32 v14, v10;
	v20 =	vld.idx.msk [tilespmem:v27+s28+$0x0], $0xffff;
	v19 =	vadd.f32 v13, v5  }
0x2ef: {  	v13 =	vld [tilespmem:s5+$0x100]  }
0x2f0: {  	v10 =	vld [tilespmem:s11+$0x12000];
	v18 =	vadd.f32 v18, v19;
	v19 =	vmul.f32 v14, v1  }
0x2f1: {  	s29 =	simm.s32 $0x30;
	s14 =	sadd.s32 $0x30, s30;
	v21 =	vmul.f32 v17, v30  }
0x2f2: {  	s14 =	sand.u32 $0x1F80, s14;
	s11 =	sand.u32 $0x70, s29;
	v14 =	vld [tilespmem:s5+$0x180];
	v22 =	vmul.f32 v16, v12;
	v18 =	vadd.f32 v19, v18  }
0x2f3: {  	s14 =	sor.u32 s11, s14;
	v17 =	vmul.f32 v20, v17;
	v19 =	vadd.f32 v21, v0;
	v21 =	vmul.f32 v20, v8  }
0x2f4: {  	v16 =	vmul.f32 v15, v16;
	v15 =	vmul.f32 v15, v13;
	v20 =	vld [tilespmem:s14+$0x10000];
	[tilespmem:s4+$0x1A080] =	vst v18  }
0x2f5: {  	v18 =	vadd.f32 v22, v10;
	v17 =	vmul.f32 v17, v7;
	v22 =	vld.idx.msk [tilespmem:v6+s20+$0x0], $0xffff;
	v19 =	vadd.f32 v21, v19;
	_ =	sdelay $0x1  }
0x2f6: {  	v16 =	vmul.f32 v16, v14;
	v21 =	vld.idx.msk [tilespmem:v3+s20+$0x0], $0xffff;
	v15 =	vadd.f32 v15, v18;
	v17 =	vadd.f32 v17, v19  }
0x2f7: {  	s13 =	simm.s32 $0x100  }
0x2f8: {  	s15 =	sand.u32 $0x1C00, s13;
	v16 =	vadd.f32 v16, v15;
	[tilespmem:s3+$0x1A180] =	vst v17  }
0x2f9: {  	s23 =	sor.u32 s22, s15;
	v15 =	vshrl.u32 v20, $0x10;
	v18 =	vmul.f32 v22, v4;
	v19 =	vld.idx.msk [tilespmem:v28+s26+$0x0], $0xffff  }
0x2fa: {  	[tilespmem:s23+$0x1A000] =	vst v16;
	v17 =	vand.u32 $0xFFF, v20  }
0x2fb: {  	v16 =	vmul.f32 v21, v2;
	v20 =	vmul.f32 v21, v22;
	v21 =	vld.idx.msk [tilespmem:v27+s26+$0x0], $0xffff;
	v18 =	vadd.f32 v18, v5  }
0x2fc: {  	v22 =	vld.idx.msk [tilespmem:v11+s21+$0x0], $0xffff  }
0x2fd: {  	s12 =	sadd.s32 $0x40, s12;
	v23 =	vld.idx.msk [tilespmem:v9+s21+$0x0], $0xffff;
	v16 =	vadd.f32 v16, v18;
	v18 =	vmul.f32 v20, v1  }
0x2fe: {  	s18 =	sand.u32 $0x7E00, s12;
	v24 =	vld.idx.msk [tilespmem:v15+s25+$0x0], $0xffff;
	v20 =	vmul.f32 v19, v30  }
0x2ff: {  	s6 =	sor.u32 s11, s18;
	v25 =	vld.idx.msk [tilespmem:v17+s25+$0x0], $0xffff;
	v18 =	vadd.f32 v18, v16  }
0x300: {  	s22 =	sadd.s32 $0x12000, s6;
	v16 =	vld [tilespmem:s6+$0x12000];
	v26 =	vmul.f32 v21, v8;
	v21 =	vmul.f32 v21, v19;
	v20 =	vadd.f32 v20, v0  }
0x301: {  	v19 =	vld [tilespmem:s22+$0x80];
	[tilespmem:s4+$0x1A100] =	vst v18  }
0x302: {  	v29 =	vmul.f32 v22, v12;
	v21 =	vmul.f32 v21, v7;
	v31 =	vld.idx.msk [tilespmem:v6+s28+$0x0], $0xffff;
	v20 =	vadd.f32 v26, v20  }
0x303: {  	v22 =	vmul.f32 v23, v22;
	v18 =	vld [tilespmem:s22+$0x100]  }
0x304: {  	v26 =	vmul.f32 v23, v13;
	v23 =	vadd.f32 v29, v10;
	v29 =	vld.idx.msk [tilespmem:v3+s28+$0x0], $0xffff;
	v21 =	vadd.f32 v21, v20  }
0x305: {  	v20 =	vld [tilespmem:s22+$0x180]  }
0x306: {  	v22 =	vmul.f32 v22, v14;
	v23 =	vadd.f32 v26, v23;
	v26 =	vmul.f32 v25, v19;
	[tilespmem:s3+$0x1A200] =	vst v21  }
0x307: {  	s24 =	sadd.s32 $0x40, s30;
	s22 =	simm.s32 $0x40;
	v21 =	vmul.f32 v24, v25;
	v32 =	vmul.f32 v31, v4;
	v25 =	vld.idx.msk [tilespmem:v28+s31+$0x0], $0xffff  }
0x308: {  	s14 =	sand.u32 $0x1F80, s24;
	s6 =	sand.u32 $0x70, s22;
	v22 =	vadd.f32 v22, v23;
	v23 =	vmul.f32 v24, v18;
	v24 =	vadd.f32 v26, v16  }
0x309: {  	s14 =	sor.u32 s6, s14;
	v26 =	vld.idx.msk [tilespmem:v27+s31+$0x0], $0xffff;
	v33 =	vmul.f32 v29, v2;
	v29 =	vmul.f32 v29, v31;
	v32 =	vadd.f32 v32, v5  }
0x30a: {  	v31 =	vld [tilespmem:s14+$0x10000];
	[tilespmem:s23+$0x1A080] =	vst v22;
	v22 =	vadd.f32 v23, v24;
	v21 =	vmul.f32 v21, v20  }
0x30b: {  	s24 =	simm.s32 $0x180;
	v23 =	vld.idx.msk [tilespmem:v11+s20+$0x0], $0xffff;
	v29 =	vmul.f32 v29, v1;
	v24 =	vadd.f32 v33, v32  }
0x30c: {  	s5 =	sand.u32 $0x1C00, s24;
	v46 =	vld.idx.msk [tilespmem:v9+s20+$0x0], $0xffff;
	v21 =	vadd.f32 v21, v22;
	v22 =	vmul.f32 v25, v30  }
0x30d: {  	s15 =	sor.u32 s11, s5;
	v24 =	vadd.f32 v29, v24  }
0x30e: {  	v29 =	vmul.f32 v26, v8;
	v25 =	vmul.f32 v26, v25;
	[tilespmem:s15+$0x1A000] =	vst v21;
	v22 =	vadd.f32 v22, v0  }
0x30f: {  	v21 =	vshrl.u32 v31, $0x10;
	[tilespmem:s4+$0x1A180] =	vst v24  }
0x310: {  	v24 =	vmul.f32 v23, v12;
	v25 =	vmul.f32 v25, v7;
	v26 =	vld.idx.msk [tilespmem:v6+s26+$0x0], $0xffff;
	v29 =	vadd.f32 v29, v22  }
0x311: {  	v47 =	vmul.f32 v46, v13;
	v48 =	vld.idx.msk [tilespmem:v3+s26+$0x0], $0xffff;
	v22 =	vand.u32 $0xFFF, v31  }
0x312: {  	v23 =	vmul.f32 v46, v23;
	v31 =	vld.idx.msk [tilespmem:v17+s21+$0x0], $0xffff;
	v24 =	vadd.f32 v24, v10;
	v25 =	vadd.f32 v25, v29  }
0x313: {  	v29 =	vld.idx.msk [tilespmem:v15+s21+$0x0], $0xffff  }
0x314: {  	s18 =	sadd.s32 $0x40, s12;
	v23 =	vmul.f32 v23, v14;
	v34 =	vld.idx.msk [tilespmem:v21+s25+$0x0], $0xffff;
	v24 =	vadd.f32 v47, v24;
	[tilespmem:s3+$0x1A280] =	vst v25  }
0x315: {  	s14 =	sand.u32 $0x7E00, s18;
	v49 =	vld.idx.msk [tilespmem:v28+s19+$0x0], $0xffff  }
0x316: {  	s11 =	sor.u32 s6, s14;
	v23 =	vadd.f32 v23, v24;
	v35 =	vld.idx.msk [tilespmem:v22+s25+$0x0], $0xffff  }
0x317: {  	v25 =	vmul.f32 v26, v4;
	v38 =	vmul.f32 v48, v2;
	v36 =	vld.idx.msk [tilespmem:v27+s19+$0x0], $0xffff;
	s19 =	sadd.s32 $0x12000, s11  }
0x318: {  	v32 =	vmul.f32 v48, v26;
	v24 =	vmul.f32 v31, v19;
	v26 =	vld [tilespmem:s19+$0x80];
	[tilespmem:s23+$0x1A100] =	vst v23  }
0x319: {  	v37 =	vadd.f32 v25, v5;
	v39 =	vmul.f32 v29, v18;
	v29 =	vmul.f32 v29, v31;
	v50 =	vld.idx.msk [tilespmem:v11+s28+$0x0], $0xffff  }
0x31a: {  	v23 =	vadd.f32 v24, v16;
	v52 =	vld.idx.msk [tilespmem:v9+s28+$0x0], $0xffff  }
0x31b: {  	v25 =	vld [tilespmem:s11+$0x12000];
	v32 =	vmul.f32 v32, v1;
	v31 =	vadd.f32 v38, v37;
	v29 =	vmul.f32 v29, v20  }
0x31c: {  	v24 =	vld [tilespmem:s19+$0x100];
	v39 =	vadd.f32 v39, v23;
	v51 =	vmul.f32 v49, v30;
	v40 =	vmul.f32 v36, v8  }
0x31d: {  	s5 =	sadd.s32 $0x50, s30;
	s11 =	simm.s32 $0x50;
	v31 =	vadd.f32 v32, v31;
	v33 =	vmul.f32 v36, v49;
	v53 =	vmul.f32 v35, v26  }
0x31e: {  	s14 =	sand.u32 $0x1F80, s5;
	v23 =	vld [tilespmem:s19+$0x180];
	s19 =	sand.u32 $0x70, s11;
	v35 =	vmul.f32 v34, v35;
	v38 =	vadd.f32 v51, v0;
	v55 =	vmul.f32 v50, v12  }
0x31f: {  	s12 =	sor.u32 s19, s14;
	v29 =	vadd.f32 v29, v39;
	v33 =	vmul.f32 v33, v7;
	v58 =	vmul.f32 v52, v13  }
0x320: {  	v56 =	vld [tilespmem:s12+$0x10000];
	[tilespmem:s4+$0x1A200] =	vst v31;
	v32 =	vmul.f32 v52, v50;
	v31 =	vadd.f32 v40, v38;
	v57 =	vadd.f32 v55, v10  }
0x321: {  	v34 =	vmul.f32 v34, v24;
	v54 =	vld.idx.msk [tilespmem:v6+s31+$0x0], $0xffff;
	v36 =	vadd.f32 v53, v25;
	[tilespmem:s15+$0x1A080] =	vst v29  }
0x322: {  	v59 =	vld.idx.msk [tilespmem:v15+s20+$0x0], $0xffff;
	v32 =	vmul.f32 v32, v14;
	v29 =	vadd.f32 v33, v31;
	v33 =	vadd.f32 v58, v57  }
0x323: {  	v35 =	vmul.f32 v35, v23;
	v34 =	vadd.f32 v34, v36;
	v31 =	vld.idx.msk [tilespmem:v3+s31+$0x0], $0xffff  }
0x324: {  	s12 =	simm.s32 $0x200;
	v42 =	vld.idx.msk [tilespmem:v17+s20+$0x0], $0xffff;
	[tilespmem:s3+$0x1A300] =	vst v29;
	v32 =	vadd.f32 v32, v33  }
0x325: {  	s20 =	sand.u32 $0x1C00, s12;
	v29 =	vld.idx.msk [tilespmem:v28+s1+$0x0], $0xffff;
	v28 =	vadd.f32 v35, v34  }
0x326: {  	v60 =	vmul.f32 v54, v4;
	s3 =	sor.u32 s6, s20;
	[tilespmem:s23+$0x1A180] =	vst v32  }
0x327: {  	[tilespmem:s3+$0x1A000] =	vst v28  }
0x328: {  	v28 =	vadd.f32 v60, v5;
	v61 =	vmul.f32 v31, v2;
	v62 =	vmul.f32 v31, v54;
	v31 =	vld.idx.msk [tilespmem:v27+s1+$0x0], $0xffff  }
0x329: {  	v27 =	vshrl.u32 v56, $0x10;
	v36 =	vld.idx.msk [tilespmem:v11+s26+$0x0], $0xffff;
	[smem:$0x7EC] =	sst s0;
	s0 =	sshll.u32 s0, $0xA  }
0x32a: {  	s5 =	simm.s32 $0x7000;
	s28 =	simm.s32 $0x2000;
	v63 =	vmul.f32 v42, v19;
	v33 =	vadd.f32 v61, v28;
	v34 =	vmul.f32 v62, v1;
	[smem:$0x7ED] =	sst s0  }
0x32b: {  	s14 =	simm.s32 $0x0;
	s31 =	simm.s32 $0x3000;
	s20 =	simm.s32 $0x60;
	v40 =	vmul.f32 v59, v18;
	v28 =	vand.u32 $0xFFF, v56;
	v39 =	vld.idx.msk [tilespmem:v22+s21+$0x0], $0xffff;
	v35 =	vmul.f32 v29, v30  }
0x32c: {  	s6 =	simm.s32 $0x0;
	v42 =	vmul.f32 v59, v42;
	v41 =	vadd.f32 v63, v16;
	s1 =	simm.s32 $0x6000;
	s0 =	simm.s32 $0x5000;
	v38 =	vld.idx.msk [tilespmem:v9+s26+$0x0], $0xffff;
	v37 =	vadd.f32 v34, v33  }
.LBB2_11:
0x32d: {  	p0 =	sne.s32 s20, $0x3F0;
	v32 =	vld.idx.msk [tilespmem:v21+s21+$0x0], $0xffff;
	v43 =	vadd.f32 v35, v0;
	v8 =	vmul.f32 v31, v8;
	v29 =	vmul.f32 v31, v29  }
0x32e: {  	v0 =	vmov v5;
	v31 =	vld.idx.msk [tilespmem:v27+s25+$0x0], $0xffff;
	v33 =	vadd.f32 v40, v41;
	v34 =	vmul.f32 v42, v20;
	[tilespmem:s4+$0x1A280] =	vst v37  }
0x32f: {  	s18 =	sadd.s32 $0x40, s18;
	v5 =	vmovc v10;
	v10 =	vmov v16;
	v35 =	vld.idx.msk [tilespmem:v6+s1+$0x0], $0xffff;
	v8 =	vadd.f32 v8, v43;
	v7 =	vmul.f32 v29, v7  }
0x330: {  	v16 =	vmovc v25;
	v30 =	vmov v12;
	s21 =	sand.u32 $0x7E00, s18;
	v29 =	vld.idx.msk [tilespmem:v28+s25+$0x0], $0xffff;
	v33 =	vadd.f32 v34, v33;
	v34 =	vmul.f32 v36, v12  }
0x331: {  	s14 =	sor.u32 s6, s14;
	s6 =	smov.u32 s17;
	s21 =	sor.u32 s19, s21;
	v37 =	vmul.f32 v39, v26;
	v12 =	vmovc v19;
	v19 =	vmov v26;
	v40 =	vld.idx.msk [tilespmem:v3+s1+$0x0], $0xffff;
	v7 =	vadd.f32 v7, v8  }
0x332: {  	s17 =	smov.u32 s13;
	s14 =	sor.u32 $0x380, s14;
	s25 =	sadd.s32 $0x12000, s21;
	v36 =	vmul.f32 v38, v36;
	v25 =	vld [tilespmem:s21+$0x12000];
	[tilespmem:s15+$0x1A100] =	vst v33;
	v33 =	vadd.f32 v34, v5;
	v34 =	vmul.f32 v38, v13  }
0x333: {  	s13 =	smov.u32 s24;
	s24 =	smov.u32 s12;
	v38 =	vmul.f32 v32, v24;
	v32 =	vmul.f32 v32, v39;
	v26 =	vld [tilespmem:s25+$0x80];
	[tilespmem:s14+$0x1A000] =	vst v7;
	v8 =	vmovc v2;
	v2 =	vmov v13;
	s14 =	smov.u32 s2  }
0x334: {  	v37 =	vadd.f32 v37, v16;
	s2 =	smov.u32 s16;
	s16 =	smov.u32 s29;
	s29 =	smov.u32 s22;
	v39 =	vld.idx.msk [tilespmem:v17+s31+$0x0], $0xffff;
	v33 =	vadd.f32 v34, v33;
	v34 =	vmul.f32 v36, v14  }
0x335: {  	v13 =	vmovc v18;
	v18 =	vmovc v24;
	s22 =	smov.u32 s11;
	s11 =	smov.u32 s20;
	v36 =	vmul.f32 v35, v4;
	v24 =	vld [tilespmem:s25+$0x100];
	v7 =	vmov v1;
	v1 =	vmov v14  }
0x336: {  	v37 =	vadd.f32 v38, v37;
	v32 =	vmul.f32 v32, v23;
	v38 =	vld.idx.msk [tilespmem:v15+s31+$0x0], $0xffff;
	v33 =	vadd.f32 v34, v33  }
0x337: {  	s21 =	sadd.s32 s20, s30;
	v14 =	vmovc v20;
	v34 =	vadd.f32 v36, v0;
	v36 =	vmul.f32 v40, v8;
	v35 =	vmul.f32 v40, v35  }
0x338: {  	s26 =	sand.u32 $0x70, s20;
	s21 =	sand.u32 $0x1F80, s21;
	v20 =	vmov v23;
	v40 =	vmul.f32 v29, v26;
	v29 =	vmul.f32 v31, v29;
	[tilespmem:s23+$0x1A200] =	vst v33;
	v23 =	vld [tilespmem:s25+$0x180];
	s25 =	simm.s32 $0x0  }
0x339: {  	s21 =	sor.u32 s26, s21;
	v32 =	vadd.f32 v32, v37;
	v34 =	vadd.f32 v36, v34;
	v35 =	vmul.f32 v35, v7;
	v33 =	vld.idx.msk [tilespmem:v11+s0+$0x0], $0xffff  }
0x33a: {  	v36 =	vmul.f32 v39, v12;
	v37 =	vld [tilespmem:s21+$0x10000];
	s21 =	simm.s32 $0x1000;
	v31 =	vmul.f32 v31, v24  }
0x33b: {  	v40 =	vadd.f32 v40, v25;
	v34 =	vadd.f32 v35, v34;
	[tilespmem:s3+$0x1A080] =	vst v32;
	v32 =	vld.idx.msk [tilespmem:v9+s0+$0x0], $0xffff  }
0x33c: {  	v35 =	vadd.f32 v36, v10;
	v36 =	vmul.f32 v38, v13;
	v38 =	vmul.f32 v38, v39;
	v42 =	vld.idx.msk [tilespmem:v21+s28+$0x0], $0xffff  }
0x33d: {  	v31 =	vadd.f32 v31, v40;
	v39 =	vmul.f32 v29, v23;
	v43 =	vld.idx.msk [tilespmem:v22+s28+$0x0], $0xffff;
	[tilespmem:s4+$0x1A300] =	vst v34;
	s4 =	smov.u32 s23;
	s23 =	smov.u32 s15;
	s15 =	smov.u32 s3  }
0x33e: {  	s12 =	sadd.s32 $0x80, s12;
	v34 =	vadd.f32 v36, v35;
	v35 =	vmul.f32 v38, v14;
	v29 =	vld.idx.msk [tilespmem:v6+s5+$0x0], $0xffff;
	v6 =	vmovc v11;
	v11 =	vmov v17  }
0x33f: {  	s3 =	sand.u32 $0x1C00, s12;
	v38 =	vmul.f32 v33, v30;
	v17 =	vmovc v22;
	v22 =	vmov v28;
	v36 =	vadd.f32 v39, v31  }
0x340: {  	s3 =	sor.u32 s19, s3;
	s19 =	smov.u32 s26;
	s26 =	simm.s32 $0x4000;
	v28 =	vadd.f32 v35, v34;
	v31 =	vld.idx.msk [tilespmem:v3+s5+$0x0], $0xffff;
	v3 =	vmovc v9;
	v9 =	vmovc v15;
	v15 =	vmov v21;
	v21 =	vmov v27  }
.Ltmp4:
0x341: {  	v34 =	vadd.f32 v38, v5;
	v35 =	vmul.f32 v32, v2;
	v32 =	vmul.f32 v32, v33;
	[tilespmem:s3+$0x1A000] =	vst v36;
	(pc) =	sbr.rel @p0 .LBB2_11-.Ltmp4, $4  }
0x342: {  	v27 =	vshrl.u32 v37, $0x10;
	[tilespmem:s23+$0x1A180] =	vst v28  }
0x343: {  	v33 =	vmul.f32 v43, v19;
	v34 =	vadd.f32 v35, v34;
	v32 =	vmul.f32 v32, v1;
	v36 =	vld.idx.msk [tilespmem:v11+s26+$0x0], $0xffff  }
0x344: {  	v40 =	vmul.f32 v42, v18;
	v28 =	vand.u32 $0xFFF, v37;
	v35 =	vmul.f32 v29, v4;
	v4 =	vmovc v30;
	v39 =	vld.idx.msk [tilespmem:v22+s21+$0x0], $0xffff  }
0x345: {  	s20 =	sadd.s32 $0x10, s20;
	v42 =	vmul.f32 v42, v43;
	v41 =	vadd.f32 v33, v16;
	v37 =	vadd.f32 v32, v34;
	v38 =	vld.idx.msk [tilespmem:v9+s26+$0x0], $0xffff  }
0x346: {  	_ =	sdelay $0x1  }
0x347: {  	s18 =	sadd.s32 $0x40, s18  }
0x348: {  	s18 =	sand.u32 $0x7E00, s18  }
0x349: {  	v43 =	vld.idx.msk [tilespmem:v27+s25+$0x0], $0xffff;
	s18 =	sor.u32 s19, s18  }
0x34a: {  	v44 =	vld.idx.msk [tilespmem:v28+s25+$0x0], $0xffff;
	s20 =	sadd.s32 $0x12000, s18  }
0x34b: {  	v34 =	vld [tilespmem:s20+$0x80]  }
0x34c: {  	v32 =	vld [tilespmem:s18+$0x12000]  }
0x34d: {  	v33 =	vld [tilespmem:s20+$0x100];
	_ =	sdelay $0x1  }
0x34e: {  	v30 =	vld [tilespmem:s20+$0x180]  }
0x34f: {  	v45 =	vmul.f32 v44, v34;
	_ =	sdelay $0x1  }
0x350: {  	v44 =	vmul.f32 v43, v44;
	v43 =	vmul.f32 v43, v33;
	v45 =	vadd.f32 v45, v32;
	_ =	sdelay $0x1  }
0x351: {  	v44 =	vmul.f32 v44, v30;
	v43 =	vadd.f32 v43, v45  }
0x352: {  	s20 =	sadd.s32 $0x80, s12  }
0x353: {  	v48 =	vld.idx.msk [tilespmem:v21+s21+$0x0], $0xffff;
	s18 =	sand.u32 $0x1C00, s20;
	v43 =	vadd.f32 v44, v43  }
0x354: {  	s18 =	sor.u32 s19, s18  }
0x355: {  	[tilespmem:s18+$0x1A000] =	vst v43  }
0x356: {  	v49 =	vmul.f32 v39, v26;
	v43 =	vld.idx.msk [tilespmem:v28+s21+$0x0], $0xffff;
	_ =	sdelay $0x1  }
0x357: {  	v47 =	vmul.f32 v48, v24;
	v50 =	vmul.f32 v48, v39;
	v51 =	vadd.f32 v49, v25;
	v46 =	vld.idx.msk [tilespmem:v27+s21+$0x0], $0xffff;
	_ =	sdelay $0x1  }
0x358: {  	v39 =	vmul.f32 v50, v23;
	v44 =	vadd.f32 v47, v51  }
0x359: {  	v52 =	vmul.f32 v43, v34  }
0x35a: {  	v39 =	vadd.f32 v39, v44  }
0x35b: {  	v43 =	vmul.f32 v46, v43;
	v46 =	vmul.f32 v46, v33;
	v45 =	vadd.f32 v52, v32  }
0x35c: {  	[tilespmem:s3+$0x1A080] =	vst v39  }
0x35d: {  	v39 =	vld.idx.msk [tilespmem:v22+s28+$0x0], $0xffff;
	v43 =	vmul.f32 v43, v30;
	v53 =	vadd.f32 v46, v45;
	_ =	sdelay $0x1  }
0x35e: {  	v54 =	vld.idx.msk [tilespmem:v21+s28+$0x0], $0xffff;
	v43 =	vadd.f32 v43, v53;
	_ =	sdelay $0x1  }
0x35f: {  	[tilespmem:s18+$0x1A080] =	vst v43  }
0x360: {  	v55 =	vmul.f32 v39, v26;
	v43 =	vld.idx.msk [tilespmem:v28+s28+$0x0], $0xffff  }
0x361: {  	v40 =	vadd.f32 v40, v41;
	v57 =	vmul.f32 v42, v20  }
0x362: {  	v58 =	vmul.f32 v54, v24;
	v39 =	vmul.f32 v54, v39;
	v45 =	vadd.f32 v55, v25;
	v56 =	vld.idx.msk [tilespmem:v27+s28+$0x0], $0xffff;
	_ =	sdelay $0x1  }
0x363: {  	v40 =	vadd.f32 v57, v40;
	v39 =	vmul.f32 v39, v23;
	v42 =	vadd.f32 v58, v45  }
0x364: {  	v59 =	vmul.f32 v43, v34  }
0x365: {  	[tilespmem:s15+$0x1A100] =	vst v40;
	v39 =	vadd.f32 v39, v42  }
0x366: {  	v61 =	vld.idx.msk [tilespmem:v17+s31+$0x0], $0xffff;
	v60 =	vmul.f32 v56, v33;
	v43 =	vmul.f32 v56, v43;
	v41 =	vadd.f32 v59, v32  }
0x367: {  	v63 =	vld.idx.msk [tilespmem:v15+s31+$0x0], $0xffff;
	[tilespmem:s3+$0x1A100] =	vst v39  }
0x368: {  	v39 =	vld.idx.msk [tilespmem:v22+s31+$0x0], $0xffff;
	v62 =	vmul.f32 v43, v30;
	v40 =	vadd.f32 v60, v41  }
0x369: {  	v49 =	vld.idx.msk [tilespmem:v21+s31+$0x0], $0xffff  }
0x36a: {  	v40 =	vadd.f32 v62, v40  }
0x36b: {  	v48 =	vmul.f32 v61, v19  }
0x36c: {  	v42 =	vmul.f32 v63, v61;
	[tilespmem:s18+$0x1A100] =	vst v40  }
0x36d: {  	v50 =	vmul.f32 v63, v18;
	v51 =	vmul.f32 v39, v26;
	v41 =	vadd.f32 v48, v16;
	v40 =	vld.idx.msk [tilespmem:v28+s31+$0x0], $0xffff  }
0x36e: {  	v42 =	vmul.f32 v42, v20;
	v53 =	vmul.f32 v49, v24  }
0x36f: {  	v39 =	vmul.f32 v49, v39;
	v44 =	vadd.f32 v51, v25;
	v41 =	vadd.f32 v50, v41;
	v52 =	vld.idx.msk [tilespmem:v27+s31+$0x0], $0xffff;
	_ =	sdelay $0x1  }
0x370: {  	v39 =	vmul.f32 v39, v23;
	v55 =	vadd.f32 v53, v44;
	v41 =	vadd.f32 v42, v41  }
0x371: {  	v54 =	vmul.f32 v40, v34  }
0x372: {  	v39 =	vadd.f32 v39, v55;
	[tilespmem:s15+$0x1A180] =	vst v41  }
0x373: {  	v58 =	vld.idx.msk [tilespmem:v17+s26+$0x0], $0xffff;
	v57 =	vmul.f32 v52, v33;
	v40 =	vmul.f32 v52, v40;
	v56 =	vadd.f32 v54, v32  }
0x374: {  	[tilespmem:s3+$0x1A180] =	vst v39;
	v60 =	vld.idx.msk [tilespmem:v15+s26+$0x0], $0xffff  }
0x375: {  	v59 =	vmul.f32 v36, v12;
	v39 =	vld.idx.msk [tilespmem:v22+s26+$0x0], $0xffff;
	v40 =	vmul.f32 v40, v30;
	v41 =	vadd.f32 v57, v56  }
0x376: {  	v63 =	vmul.f32 v38, v36;
	v49 =	vld.idx.msk [tilespmem:v21+s26+$0x0], $0xffff  }
0x377: {  	v61 =	vadd.f32 v59, v10;
	v62 =	vmul.f32 v38, v13;
	v40 =	vadd.f32 v40, v41  }
0x378: {  	v48 =	vmul.f32 v58, v19  }
0x379: {  	v36 =	vmul.f32 v63, v14;
	v50 =	vadd.f32 v62, v61;
	v43 =	vmul.f32 v60, v58;
	[tilespmem:s18+$0x1A180] =	vst v40  }
0x37a: {  	v52 =	vmul.f32 v60, v18;
	v53 =	vmul.f32 v39, v26;
	v38 =	vadd.f32 v48, v16;
	v51 =	vld.idx.msk [tilespmem:v28+s26+$0x0], $0xffff  }
0x37b: {  	v36 =	vadd.f32 v36, v50;
	v39 =	vmul.f32 v49, v39;
	v55 =	vmul.f32 v43, v20  }
0x37c: {  	v56 =	vadd.f32 v53, v25;
	v57 =	vmul.f32 v49, v24;
	v38 =	vadd.f32 v52, v38;
	v54 =	vld.idx.msk [tilespmem:v27+s26+$0x0], $0xffff;
	_ =	sdelay $0x1  }
0x37d: {  	[tilespmem:s23+$0x1A200] =	vst v36;
	v39 =	vmul.f32 v39, v23;
	v36 =	vadd.f32 v57, v56;
	v38 =	vadd.f32 v55, v38  }
0x37e: {  	v58 =	vld.idx.msk [tilespmem:v11+s0+$0x0], $0xffff;
	v59 =	vmul.f32 v51, v34  }
0x37f: {  	v60 =	vld.idx.msk [tilespmem:v9+s0+$0x0], $0xffff;
	v36 =	vadd.f32 v39, v36;
	[tilespmem:s15+$0x1A200] =	vst v38  }
0x380: {  	v63 =	vld.idx.msk [tilespmem:v17+s0+$0x0], $0xffff;
	v62 =	vmul.f32 v54, v33;
	v41 =	vmul.f32 v54, v51;
	v61 =	vadd.f32 v59, v32;
	_ =	sdelay $0x1  }
0x381: {  	[tilespmem:s3+$0x1A200] =	vst v36;
	v50 =	vld.idx.msk [tilespmem:v15+s0+$0x0], $0xffff;
	v48 =	vmul.f32 v41, v30;
	v38 =	vadd.f32 v62, v61  }
0x382: {  	v36 =	vld.idx.msk [tilespmem:v22+s0+$0x0], $0xffff  }
0x383: {  	v49 =	vmul.f32 v58, v12;
	v38 =	vadd.f32 v48, v38  }
0x384: {  	v52 =	vmul.f32 v60, v13;
	v53 =	vmul.f32 v63, v19  }
0x385: {  	v43 =	vmul.f32 v60, v58;
	v51 =	vadd.f32 v49, v10;
	v54 =	vld.idx.msk [tilespmem:v21+s0+$0x0], $0xffff;
	[tilespmem:s18+$0x1A200] =	vst v38  }
0x386: {  	v59 =	vmul.f32 v50, v18;
	v41 =	vmul.f32 v50, v63;
	v58 =	vadd.f32 v53, v16;
	v57 =	vld.idx.msk [tilespmem:v28+s0+$0x0], $0xffff  }
0x387: {  	v56 =	vmul.f32 v43, v14;
	v55 =	vadd.f32 v52, v51;
	v60 =	vmul.f32 v36, v26  }
0x388: {  	v41 =	vmul.f32 v41, v20;
	v63 =	vadd.f32 v59, v58;
	v61 =	vld.idx.msk [tilespmem:v27+s0+$0x0], $0xffff  }
0x389: {  	[tilespmem:s4+$0x1A280] =	vst v37;
	v37 =	vadd.f32 v60, v25;
	v38 =	vadd.f32 v56, v55  }
0x38a: {  	v49 =	vld.idx.msk [tilespmem:v3+s1+$0x0], $0xffff;
	v36 =	vmul.f32 v54, v36;
	v48 =	vmul.f32 v54, v24;
	v50 =	vadd.f32 v41, v63  }
0x38b: {  	v62 =	vld.idx.msk [tilespmem:v6+s1+$0x0], $0xffff;
	[tilespmem:s23+$0x1A280] =	vst v38;
	v51 =	vmul.f32 v57, v34  }
0x38c: {  	v36 =	vmul.f32 v36, v23;
	v37 =	vadd.f32 v48, v37;
	[tilespmem:s15+$0x1A280] =	vst v50;
	v41 =	vld.idx.msk [tilespmem:v11+s1+$0x0], $0xffff  }
0x38d: {  	v55 =	vld.idx.msk [tilespmem:v17+s1+$0x0], $0xffff;
	v53 =	vmul.f32 v61, v33;
	v40 =	vmul.f32 v61, v57;
	v52 =	vadd.f32 v51, v32  }
0x38e: {  	v36 =	vadd.f32 v36, v37;
	v56 =	vld.idx.msk [tilespmem:v9+s1+$0x0], $0xffff  }
0x38f: {  	v60 =	vld.idx.msk [tilespmem:v15+s1+$0x0], $0xffff;
	v57 =	vmul.f32 v40, v30;
	v38 =	vadd.f32 v53, v52  }
0x390: {  	v54 =	vmul.f32 v62, v4;
	[tilespmem:s3+$0x1A280] =	vst v36;
	v61 =	vmul.f32 v49, v62  }
0x391: {  	v59 =	vmul.f32 v49, v2;
	v62 =	vld.idx.msk [tilespmem:v22+s1+$0x0], $0xffff;
	v38 =	vadd.f32 v57, v38  }
0x392: {  	v58 =	vadd.f32 v54, v5;
	v50 =	vld.idx.msk [tilespmem:v21+s1+$0x0], $0xffff;
	v48 =	vmul.f32 v41, v12;
	v36 =	vmul.f32 v61, v1  }
0x393: {  	v49 =	vmul.f32 v55, v19;
	v37 =	vmul.f32 v56, v41;
	[tilespmem:s18+$0x1A280] =	vst v38  }
0x394: {  	v63 =	vadd.f32 v59, v58;
	v43 =	vmul.f32 v60, v55;
	v45 =	vmul.f32 v60, v18;
	v53 =	vld.idx.msk [tilespmem:v28+s1+$0x0], $0xffff  }
0x395: {  	v51 =	vadd.f32 v48, v10;
	v52 =	vmul.f32 v56, v13;
	v42 =	vadd.f32 v49, v16  }
0x396: {  	v36 =	vadd.f32 v36, v63;
	v37 =	vmul.f32 v37, v14;
	v54 =	vmul.f32 v62, v26;
	v55 =	vld.idx.msk [tilespmem:v27+s1+$0x0], $0xffff  }
0x397: {  	v43 =	vmul.f32 v43, v20;
	v58 =	vmul.f32 v50, v24;
	v42 =	vadd.f32 v45, v42  }
0x398: {  	[tilespmem:s4+$0x1A300] =	vst v36;
	v57 =	vmul.f32 v50, v62;
	v56 =	vadd.f32 v54, v25;
	v38 =	vadd.f32 v52, v51  }
0x399: {  	v59 =	vld.idx.msk [tilespmem:v6+s5+$0x0], $0xffff;
	v42 =	vadd.f32 v43, v42;
	v60 =	vmul.f32 v53, v34  }
0x39a: {  	v61 =	vld.idx.msk [tilespmem:v3+s5+$0x0], $0xffff;
	v39 =	vmul.f32 v57, v23;
	v36 =	vadd.f32 v58, v56;
	v37 =	vadd.f32 v37, v38  }
0x39b: {  	[tilespmem:s15+$0x1A300] =	vst v42;
	v41 =	vmul.f32 v55, v53;
	v40 =	vmul.f32 v55, v33;
	v38 =	vadd.f32 v60, v32  }
0x39c: {  	v0 =	vadd.f32 v35, v0;
	v36 =	vadd.f32 v39, v36;
	v39 =	vld.idx.msk [tilespmem:v17+s5+$0x0], $0xffff  }
0x39d: {  	v43 =	vld.idx.msk [tilespmem:v15+s5+$0x0], $0xffff;
	[tilespmem:s23+$0x1A300] =	vst v37;
	v63 =	vmul.f32 v41, v30;
	v62 =	vadd.f32 v40, v38  }
0x39e: {  	v8 =	vmul.f32 v31, v8;
	v29 =	vmul.f32 v31, v29;
	[tilespmem:s3+$0x1A300] =	vst v36;
	v36 =	vld.idx.msk [tilespmem:v11+s5+$0x0], $0xffff  }
0x39f: {  	v3 =	vmul.f32 v61, v59;
	v42 =	vld.idx.msk [tilespmem:v9+s5+$0x0], $0xffff;
	v40 =	vadd.f32 v63, v62  }
0x3a0: {  	v0 =	vadd.f32 v8, v0;
	v7 =	vmul.f32 v29, v7;
	v35 =	vmul.f32 v59, v4;
	v45 =	vld.idx.msk [tilespmem:v22+s5+$0x0], $0xffff  }
0x3a1: {  	v44 =	vmul.f32 v3, v1;
	v49 =	vld.idx.msk [tilespmem:v21+s5+$0x0], $0xffff;
	v41 =	vmul.f32 v61, v2;
	[tilespmem:s18+$0x1A300] =	vst v40  }
0x3a2: {  	v4 =	vadd.f32 v35, v5;
	v48 =	vmul.f32 v39, v19;
	v51 =	vmul.f32 v43, v18;
	v47 =	vld.idx.msk [tilespmem:v28+s5+$0x0], $0xffff  }
0x3a3: {  	v0 =	vadd.f32 v7, v0;
	v6 =	vmul.f32 v43, v39;
	v46 =	vmul.f32 v36, v12  }
0x3a4: {  	v2 =	vadd.f32 v41, v4;
	v9 =	vmul.f32 v42, v13;
	v5 =	vmul.f32 v42, v36;
	v50 =	vld.idx.msk [tilespmem:v27+s5+$0x0], $0xffff  }
0x3a5: {  	v6 =	vmul.f32 v6, v20;
	v52 =	vmul.f32 v45, v26;
	v4 =	vadd.f32 v46, v10  }
0x3a6: {  	v54 =	vmul.f32 v49, v24;
	v1 =	vadd.f32 v44, v2;
	v2 =	vadd.f32 v48, v16  }
0x3a7: {  	v3 =	vmul.f32 v49, v45;
	v4 =	vadd.f32 v9, v4;
	v53 =	vmul.f32 v47, v34  }
0x3a8: {  	s15 =	sor.u32 s6, s14;
	v5 =	vmul.f32 v5, v14;
	v2 =	vadd.f32 v51, v2;
	v9 =	vadd.f32 v52, v25  }
0x3a9: {  	s2 =	sor.u32 s17, s2;
	s3 =	sor.u32 $0x380, s15;
	v56 =	vmul.f32 v50, v33;
	v8 =	vmul.f32 v50, v47;
	v55 =	vadd.f32 v53, v32  }
0x3aa: {  	s16 =	sor.u32 s13, s16;
	s2 =	sor.u32 $0x380, s2;
	[tilespmem:s3+$0x1A000] =	vst v0;
	v3 =	vmul.f32 v3, v23;
	v57 =	vadd.f32 v5, v4;
	v58 =	vadd.f32 v54, v9  }
0x3ab: {  	s17 =	sor.u32 s24, s29;
	s3 =	sor.u32 $0x380, s16;
	[tilespmem:s2+$0x1A000] =	vst v1;
	v59 =	vadd.f32 v6, v2;
	v61 =	vmul.f32 v8, v30;
	v60 =	vadd.f32 v56, v55  }
0x3ac: {  	s18 =	sor.u32 s12, s22;
	s2 =	sor.u32 $0x380, s17;
	[tilespmem:s3+$0x1A000] =	vst v57;
	v62 =	vadd.f32 v3, v58  }
0x3ad: {  	s19 =	sor.u32 s20, s11;
	[tilespmem:s2+$0x1A000] =	vst v59;
	s3 =	sor.u32 $0x380, s18;
	v63 =	vadd.f32 v61, v60  }
0x3ae: {  	s2 =	sor.u32 $0x380, s19;
	[tilespmem:s3+$0x1A000] =	vst v62  }
0x3af: {  	[tilespmem:s2+$0x1A000] =	vst v63  }
0x3b0: {  	s20 =	sld [smem:$0x7ED];
	_ =	sdelay $0x1  }
0x3b1: {  	s2 =	rddreg [dreg:$0x17]  }
0x3b2: {  	s23 =	simm.s32 $0x4;
	s22 =	simm.s32 $0x1A000;
	s2 =	sadd.s32 s20, s2  }
0x3b3: {  	[hbm4b:s2+s25] =	stream.linear.scatter [tilespmem:s22], [sflag:$0x4], $0x2000, $0x38;
	[tilespmem:$0x1C000] =	vst v63  }
0x3b4: {  	_ =	swait.ge [sflag:s23], $0x2000  }
0x3b5: {  	s24 =	sld [smem:$0x7EC];
	_ =	sdelay $0x2  }
0x3b6: {  	s2 =	sadd.s32 $0x1, s24  }
0x3b7: {  	p0 =	sne.s32 s2, $0x8  }
.Ltmp5:
0x3b8: {  	_ = 	snop;
	(pc) =	sbr.rel @p0 .LBB2_10-.Ltmp5, $4  }
0x3b9: {  	s29 =	sld [smem:$0x7EB]  }
0x3ba: {  	s30 =	sadd.s32 $0x400, s30;
	s28 =	simm.s32 $0x3000;
	s31 =	simm.s32 $0x5000  }
0x3bb: {  	s1 =	simm.s32 $0x7000;
	s19 =	simm.s32 $0x6000;
	[sflag:s23] =	ssyncset.done $0x0  }
0x3bc: {  	s20 =	simm.s32 $0x2000;
	[sflag:s23] =	ssyncadd.s32 $0xFFFFE000;
	s6 =	sadd.s32 $0x1000, s29  }
0x3bd: {  	s1 =	simm.s32 $0x3  }
0x3be: {  	_ =	swait.ge [sflag:s1], $0x1000  }
0x3bf: {  	[sflag:s1] =	ssyncset.done $0x0  }
0x3c0: {  	[sflag:s1] =	ssyncadd.s32 $0xFFFFF000  }
0x3c1: {  	_ =	swait.ge [sflag:s1], $0x1000  }
0x3c2: {  	[sflag:s1] =	ssyncset.done $0x0  }
0x3c3: {  	[sflag:s1] =	ssyncadd.s32 $0xFFFFF000  }
0x3c4: {  	_ =	swait.ge [sflag:s1], $0x1000  }
0x3c5: {  	[sflag:s1] =	ssyncset.done $0x0  }
0x3c6: {  	[sflag:s1] =	ssyncadd.s32 $0xFFFFF000  }
0x3c7: {  	_ =	swait.ge [sflag:s1], $0x1000  }
0x3c8: {  	[sflag:s1] =	ssyncset.done $0x0  }
0x3c9: {  	[sflag:s1] =	ssyncadd.s32 $0xFFFFF000  }
0x3ca: {  	_ =	swait.ge [sflag:s1], $0x1000  }
0x3cb: {  	[sflag:s1] =	ssyncset.done $0x0  }
0x3cc: {  	[sflag:s1] =	ssyncadd.s32 $0xFFFFF000  }
0x3cd: {  	_ =	swait.ge [sflag:s1], $0x1000  }
0x3ce: {  	[sflag:s1] =	ssyncset.done $0x0  }
0x3cf: {  	[sflag:s1] =	ssyncadd.s32 $0xFFFFF000  }
0x3d0: {  	_ =	swait.ge [sflag:s1], $0x1000  }
0x3d1: {  	[sflag:s1] =	ssyncset.done $0x0  }
0x3d2: {  	s6 =	simm.s32 $0x0;
	[sflag:s1] =	ssyncadd.s32 $0xFFFFF000  }
0x3d3: {  	s30 =	simm.s32 $0x0;
	s0 =	simm.s32 $0x0;
	_ =	swait.ge [sflag:s1], $0x1000  }
0x3d4: {  	s5 =	simm.s32 $0x8000;
	s21 =	simm.s32 $0x9000;
	[sflag:s1] =	ssyncset.done $0x0  }
0x3d5: {  	s20 =	simm.s32 $0xA000;
	s26 =	simm.s32 $0xB000;
	[sflag:s1] =	ssyncadd.s32 $0xFFFFF000  }
.LBB2_14:
0x3d6: {  	s2 =	sadd.s32 $0x0, s30;
	s1 =	simm.s32 $0x0  }
0x3d7: {  	s3 =	sand.u32 $0x70, s1;
	s2 =	sand.u32 $0x1F80, s2  }
0x3d8: {  	s2 =	sor.u32 s3, s2  }
0x3d9: {  	v0 =	vld [tilespmem:s2+$0x10000];
	_ =	sdelay $0x4  }
0x3da: {  	s19 =	sand.u32 $0x7E00, s6;
	v28 =	vand.u32 $0xFFF, v0  }
0x3db: {  	s2 =	sor.u32 s3, s19  }
0x3dc: {  	s4 =	sadd.s32 $0x12000, s2;
	v27 =	vshrl.u32 v0, $0x10  }
0x3dd: {  	v30 =	vld [tilespmem:s4+$0x80]  }
0x3de: {  	v8 =	vld [tilespmem:s4+$0x100]  }
0x3df: {  	v2 =	vld.idx.msk [tilespmem:v28+s5+$0x0], $0xffff  }
0x3e0: {  	v0 =	vld [tilespmem:s2+$0x12000]  }
0x3e1: {  	v1 =	vld.idx.msk [tilespmem:v27+s5+$0x0], $0xffff;
	_ =	sdelay $0x1  }
0x3e2: {  	v7 =	vld [tilespmem:s4+$0x180]  }
0x3e3: {  	v3 =	vmul.f32 v2, v30;
	_ =	sdelay $0x1  }
0x3e4: {  	s22 =	sadd.s32 $0x10, s30;
	s2 =	simm.s32 $0x10;
	v2 =	vmul.f32 v1, v2;
	v1 =	vmul.f32 v1, v8;
	v3 =	vadd.f32 v3, v0  }
0x3e5: {  	s4 =	sand.u32 $0x1F80, s22;
	s11 =	sand.u32 $0x70, s2  }
0x3e6: {  	s4 =	sor.u32 s11, s4;
	v2 =	vmul.f32 v2, v7;
	v1 =	vadd.f32 v1, v3  }
0x3e7: {  	v4 =	vld [tilespmem:s4+$0x10000]  }
0x3e8: {  	s23 =	sand.u32 $0x1C00, s1;
	v1 =	vadd.f32 v2, v1  }
0x3e9: {  	s3 =	sor.u32 s3, s23  }
0x3ea: {  	[tilespmem:s3+$0x1A000] =	vst v1  }
0x3eb: {  	v1 =	vld.idx.msk [tilespmem:v28+s21+$0x0], $0xffff  }
0x3ec: {  	v3 =	vshrl.u32 v4, $0x10  }
0x3ed: {  	v6 =	vand.u32 $0xFFF, v4;
	v2 =	vld.idx.msk [tilespmem:v27+s21+$0x0], $0xffff;
	_ =	sdelay $0x1  }
0x3ee: {  	s12 =	sadd.s32 $0x40, s6  }
0x3ef: {  	s24 =	sand.u32 $0x7E00, s12;
	[smem:$0x7E9] =	sst s6;
	v4 =	vmul.f32 v1, v30  }
0x3f0: {  	s4 =	sor.u32 s11, s24;
	v9 =	vld.idx.msk [tilespmem:v3+s5+$0x0], $0xffff  }
0x3f1: {  	s13 =	sadd.s32 $0x12000, s4;
	v10 =	vld.idx.msk [tilespmem:v6+s5+$0x0], $0xffff;
	v5 =	vmul.f32 v2, v8;
	v1 =	vmul.f32 v2, v1;
	v2 =	vadd.f32 v4, v0  }
0x3f2: {  	v4 =	vld [tilespmem:s13+$0x80]  }
0x3f3: {  	v1 =	vmul.f32 v1, v7;
	v11 =	vadd.f32 v5, v2;
	v5 =	vld [tilespmem:s4+$0x12000]  }
0x3f4: {  	s16 =	simm.s32 $0x20;
	s25 =	sadd.s32 $0x20, s30;
	v2 =	vld [tilespmem:s13+$0x100]  }
0x3f5: {  	s1 =	sand.u32 $0x70, s16;
	s4 =	sand.u32 $0x1F80, s25;
	v11 =	vadd.f32 v1, v11  }
0x3f6: {  	s4 =	sor.u32 s1, s4;
	v1 =	vld [tilespmem:s13+$0x180]  }
0x3f7: {  	v13 =	vld [tilespmem:s4+$0x10000];
	[tilespmem:s3+$0x1A080] =	vst v11;
	v11 =	vmul.f32 v10, v4  }
0x3f8: {  	v12 =	vld.idx.msk [tilespmem:v28+s20+$0x0], $0xffff  }
0x3f9: {  	v10 =	vmul.f32 v9, v10;
	v9 =	vmul.f32 v9, v2;
	v14 =	vld.idx.msk [tilespmem:v27+s20+$0x0], $0xffff;
	v11 =	vadd.f32 v11, v5;
	_ =	sdelay $0x1  }
0x3fa: {  	v10 =	vmul.f32 v10, v1;
	v9 =	vadd.f32 v9, v11  }
0x3fb: {  	s17 =	simm.s32 $0x80  }
0x3fc: {  	s14 =	sand.u32 $0x1C00, s17;
	v11 =	vmul.f32 v12, v30;
	v10 =	vadd.f32 v10, v9  }
0x3fd: {  	s4 =	sor.u32 s11, s14;
	v9 =	vshrl.u32 v13, $0x10;
	v15 =	vmul.f32 v14, v8  }
0x3fe: {  	v12 =	vmul.f32 v14, v12;
	v16 =	vadd.f32 v11, v0;
	[tilespmem:s4+$0x1A000] =	vst v10;
	v11 =	vand.u32 $0xFFF, v13  }
0x3ff: {  	v10 =	vld.idx.msk [tilespmem:v6+s21+$0x0], $0xffff  }
0x400: {  	s12 =	sadd.s32 $0x40, s12;
	v12 =	vmul.f32 v12, v7;
	v13 =	vadd.f32 v15, v16  }
0x401: {  	s15 =	sand.u32 $0x7E00, s12;
	v14 =	vld.idx.msk [tilespmem:v3+s21+$0x0], $0xffff  }
0x402: {  	s11 =	sor.u32 s1, s15;
	v15 =	vld.idx.msk [tilespmem:v9+s5+$0x0], $0xffff;
	v12 =	vadd.f32 v12, v13  }
0x403: {  	s18 =	sadd.s32 $0x12000, s11;
	v16 =	vld.idx.msk [tilespmem:v11+s5+$0x0], $0xffff  }
0x404: {  	[tilespmem:s3+$0x1A100] =	vst v12;
	v13 =	vmul.f32 v10, v4;
	v12 =	vld [tilespmem:s18+$0x80]  }
0x405: {  	v17 =	vld.idx.msk [tilespmem:v28+s26+$0x0], $0xffff  }
0x406: {  	v18 =	vmul.f32 v14, v2;
	v14 =	vmul.f32 v14, v10;
	v10 =	vld [tilespmem:s11+$0x12000];
	v19 =	vadd.f32 v13, v5  }
0x407: {  	v20 =	vld.idx.msk [tilespmem:v27+s26+$0x0], $0xffff  }
0x408: {  	v13 =	vld [tilespmem:s18+$0x100];
	v18 =	vadd.f32 v18, v19;
	v19 =	vmul.f32 v14, v1  }
0x409: {  	s29 =	simm.s32 $0x30;
	s14 =	sadd.s32 $0x30, s30  }
0x40a: {  	s19 =	sand.u32 $0x70, s29;
	s14 =	sand.u32 $0x1F80, s14;
	v14 =	vld [tilespmem:s18+$0x180];
	v21 =	vmul.f32 v17, v30;
	v18 =	vadd.f32 v19, v18  }
0x40b: {  	s23 =	sor.u32 s19, s14;
	v22 =	vmul.f32 v16, v12  }
0x40c: {  	v17 =	vmul.f32 v20, v17;
	v19 =	vadd.f32 v21, v0;
	v21 =	vmul.f32 v20, v8;
	v20 =	vld [tilespmem:s23+$0x10000];
	[tilespmem:s4+$0x1A080] =	vst v18  }
0x40d: {  	v16 =	vmul.f32 v15, v16;
	v15 =	vmul.f32 v15, v13;
	v18 =	vadd.f32 v22, v10;
	v22 =	vld.idx.msk [tilespmem:v6+s20+$0x0], $0xffff  }
0x40e: {  	v17 =	vmul.f32 v17, v7;
	v19 =	vadd.f32 v21, v19  }
0x40f: {  	v16 =	vmul.f32 v16, v14;
	v21 =	vld.idx.msk [tilespmem:v3+s20+$0x0], $0xffff;
	v15 =	vadd.f32 v15, v18  }
0x410: {  	s13 =	simm.s32 $0x100;
	v17 =	vadd.f32 v17, v19  }
0x411: {  	s24 =	sand.u32 $0x1C00, s13;
	v16 =	vadd.f32 v16, v15  }
0x412: {  	s23 =	sor.u32 s1, s24;
	v15 =	vshrl.u32 v20, $0x10;
	[tilespmem:s3+$0x1A180] =	vst v17;
	v18 =	vmul.f32 v22, v4  }
0x413: {  	[tilespmem:s23+$0x1A000] =	vst v16;
	v17 =	vand.u32 $0xFFF, v20;
	v19 =	vld.idx.msk [tilespmem:v28+s7+$0x0], $0xffff  }
0x414: {  	v16 =	vmul.f32 v21, v2;
	v20 =	vmul.f32 v21, v22;
	v21 =	vld.idx.msk [tilespmem:v27+s7+$0x0], $0xffff;
	v18 =	vadd.f32 v18, v5  }
0x415: {  	v22 =	vld.idx.msk [tilespmem:v11+s21+$0x0], $0xffff  }
0x416: {  	s12 =	sadd.s32 $0x40, s12;
	v23 =	vld.idx.msk [tilespmem:v9+s21+$0x0], $0xffff;
	v16 =	vadd.f32 v16, v18;
	v18 =	vmul.f32 v20, v1  }
0x417: {  	s25 =	sand.u32 $0x7E00, s12;
	v24 =	vld.idx.msk [tilespmem:v15+s5+$0x0], $0xffff  }
0x418: {  	s6 =	sor.u32 s19, s25;
	v25 =	vld.idx.msk [tilespmem:v17+s5+$0x0], $0xffff;
	v20 =	vmul.f32 v19, v30;
	v18 =	vadd.f32 v18, v16  }
0x419: {  	s1 =	sadd.s32 $0x12000, s6;
	v16 =	vld [tilespmem:s6+$0x12000]  }
0x41a: {  	v26 =	vmul.f32 v21, v8;
	v21 =	vmul.f32 v21, v19;
	v19 =	vld [tilespmem:s1+$0x80];
	v20 =	vadd.f32 v20, v0;
	[tilespmem:s4+$0x1A100] =	vst v18  }
0x41b: {  	v29 =	vmul.f32 v22, v12;
	v31 =	vld.idx.msk [tilespmem:v6+s26+$0x0], $0xffff  }
0x41c: {  	v21 =	vmul.f32 v21, v7;
	v18 =	vld [tilespmem:s1+$0x100];
	v20 =	vadd.f32 v26, v20  }
0x41d: {  	v22 =	vmul.f32 v23, v22;
	v26 =	vmul.f32 v23, v13;
	v23 =	vadd.f32 v29, v10;
	v29 =	vld.idx.msk [tilespmem:v3+s26+$0x0], $0xffff  }
0x41e: {  	v21 =	vadd.f32 v21, v20  }
0x41f: {  	v22 =	vmul.f32 v22, v14;
	v23 =	vadd.f32 v26, v23;
	v26 =	vmul.f32 v25, v19  }
0x420: {  	v20 =	vld [tilespmem:s1+$0x180];
	[tilespmem:s3+$0x1A200] =	vst v21;
	v21 =	vmul.f32 v24, v25;
	v32 =	vmul.f32 v31, v4  }
0x421: {  	s22 =	simm.s32 $0x40;
	s15 =	sadd.s32 $0x40, s30;
	v22 =	vadd.f32 v22, v23;
	v23 =	vmul.f32 v24, v18;
	v24 =	vadd.f32 v26, v16  }
0x422: {  	s14 =	sand.u32 $0x1F80, s15;
	s6 =	sand.u32 $0x70, s22;
	v25 =	vld.idx.msk [tilespmem:v28+s8+$0x0], $0xffff;
	v33 =	vmul.f32 v29, v2;
	v29 =	vmul.f32 v29, v31;
	v32 =	vadd.f32 v32, v5  }
0x423: {  	s14 =	sor.u32 s6, s14;
	v26 =	vld.idx.msk [tilespmem:v27+s8+$0x0], $0xffff  }
0x424: {  	v31 =	vld [tilespmem:s14+$0x10000];
	[tilespmem:s23+$0x1A080] =	vst v22;
	v22 =	vadd.f32 v23, v24;
	v29 =	vmul.f32 v29, v1;
	v24 =	vadd.f32 v33, v32  }
0x425: {  	v21 =	vmul.f32 v21, v20  }
0x426: {  	s24 =	simm.s32 $0x180;
	v23 =	vld.idx.msk [tilespmem:v11+s20+$0x0], $0xffff;
	v24 =	vadd.f32 v29, v24  }
0x427: {  	s18 =	sand.u32 $0x1C00, s24;
	v46 =	vld.idx.msk [tilespmem:v9+s20+$0x0], $0xffff;
	v21 =	vadd.f32 v21, v22;
	v22 =	vmul.f32 v25, v30  }
0x428: {  	s15 =	sor.u32 s19, s18;
	v29 =	vmul.f32 v26, v8;
	[tilespmem:s4+$0x1A180] =	vst v24  }
0x429: {  	v25 =	vmul.f32 v26, v25;
	[tilespmem:s15+$0x1A000] =	vst v21;
	v21 =	vshrl.u32 v31, $0x10;
	v22 =	vadd.f32 v22, v0;
	v26 =	vld.idx.msk [tilespmem:v6+s7+$0x0], $0xffff  }
0x42a: {  	v48 =	vld.idx.msk [tilespmem:v3+s7+$0x0], $0xffff  }
0x42b: {  	s18 =	sadd.s32 $0x40, s12;
	v24 =	vmul.f32 v23, v12;
	v25 =	vmul.f32 v25, v7;
	v29 =	vadd.f32 v29, v22  }
0x42c: {  	s19 =	sand.u32 $0x7E00, s18;
	v23 =	vmul.f32 v46, v23;
	v22 =	vand.u32 $0xFFF, v31;
	v31 =	vld.idx.msk [tilespmem:v17+s21+$0x0], $0xffff  }
0x42d: {  	s11 =	sor.u32 s6, s19;
	v47 =	vmul.f32 v46, v13;
	v24 =	vadd.f32 v24, v10;
	v25 =	vadd.f32 v25, v29;
	v29 =	vld.idx.msk [tilespmem:v15+s21+$0x0], $0xffff  }
0x42e: {  	s25 =	sadd.s32 $0x12000, s11;
	v23 =	vmul.f32 v23, v14;
	v34 =	vld.idx.msk [tilespmem:v21+s5+$0x0], $0xffff  }
0x42f: {  	v24 =	vadd.f32 v47, v24;
	[tilespmem:s3+$0x1A280] =	vst v25;
	v25 =	vmul.f32 v26, v4;
	v32 =	vmul.f32 v48, v26;
	v26 =	vld [tilespmem:s25+$0x80]  }
0x430: {  	v49 =	vld.idx.msk [tilespmem:v28+s9+$0x0], $0xffff  }
0x431: {  	v23 =	vadd.f32 v23, v24;
	v35 =	vld.idx.msk [tilespmem:v22+s5+$0x0], $0xffff  }
0x432: {  	v38 =	vmul.f32 v48, v2;
	v24 =	vmul.f32 v31, v19;
	v36 =	vld.idx.msk [tilespmem:v27+s9+$0x0], $0xffff;
	v37 =	vadd.f32 v25, v5  }
0x433: {  	v25 =	vld [tilespmem:s11+$0x12000];
	[tilespmem:s23+$0x1A100] =	vst v23;
	v32 =	vmul.f32 v32, v1;
	v39 =	vmul.f32 v29, v18  }
0x434: {  	v29 =	vmul.f32 v29, v31;
	v23 =	vadd.f32 v24, v16;
	v50 =	vld.idx.msk [tilespmem:v11+s26+$0x0], $0xffff;
	v31 =	vadd.f32 v38, v37  }
0x435: {  	v24 =	vld [tilespmem:s25+$0x100];
	v51 =	vmul.f32 v49, v30  }
0x436: {  	s1 =	sadd.s32 $0x50, s30;
	s11 =	simm.s32 $0x50;
	v52 =	vld.idx.msk [tilespmem:v9+s26+$0x0], $0xffff;
	v39 =	vadd.f32 v39, v23;
	v29 =	vmul.f32 v29, v20;
	v31 =	vadd.f32 v32, v31  }
0x437: {  	s14 =	sand.u32 $0x1F80, s1;
	s19 =	sand.u32 $0x70, s11;
	v23 =	vld [tilespmem:s25+$0x180];
	v40 =	vmul.f32 v36, v8;
	v33 =	vmul.f32 v36, v49;
	v38 =	vadd.f32 v51, v0  }
0x438: {  	s12 =	sor.u32 s19, s14;
	v53 =	vmul.f32 v35, v26;
	v35 =	vmul.f32 v34, v35;
	v29 =	vadd.f32 v29, v39  }
0x439: {  	v56 =	vld [tilespmem:s12+$0x10000];
	[tilespmem:s4+$0x1A200] =	vst v31;
	v33 =	vmul.f32 v33, v7;
	v55 =	vmul.f32 v50, v12;
	v31 =	vadd.f32 v40, v38  }
0x43a: {  	v34 =	vmul.f32 v34, v24;
	v36 =	vadd.f32 v53, v25;
	v54 =	vld.idx.msk [tilespmem:v6+s8+$0x0], $0xffff;
	[tilespmem:s15+$0x1A080] =	vst v29  }
0x43b: {  	v58 =	vmul.f32 v52, v13;
	v32 =	vmul.f32 v52, v50;
	v59 =	vld.idx.msk [tilespmem:v15+s20+$0x0], $0xffff;
	v29 =	vadd.f32 v33, v31  }
0x43c: {  	v57 =	vadd.f32 v55, v10;
	v34 =	vadd.f32 v34, v36;
	v35 =	vmul.f32 v35, v23;
	v31 =	vld.idx.msk [tilespmem:v3+s8+$0x0], $0xffff  }
0x43d: {  	s12 =	simm.s32 $0x200;
	v42 =	vld.idx.msk [tilespmem:v17+s20+$0x0], $0xffff;
	[tilespmem:s3+$0x1A300] =	vst v29  }
0x43e: {  	v32 =	vmul.f32 v32, v14;
	s20 =	sand.u32 $0x1C00, s12;
	v33 =	vadd.f32 v58, v57;
	v29 =	vld.idx.msk [tilespmem:v28+s10+$0x0], $0xffff;
	v28 =	vadd.f32 v35, v34  }
0x43f: {  	v60 =	vmul.f32 v54, v4;
	s3 =	sor.u32 s6, s20  }
0x440: {  	v32 =	vadd.f32 v32, v33;
	[tilespmem:s3+$0x1A000] =	vst v28  }
0x441: {  	v28 =	vadd.f32 v60, v5;
	v61 =	vmul.f32 v31, v2;
	v62 =	vmul.f32 v31, v54;
	v31 =	vld.idx.msk [tilespmem:v27+s10+$0x0], $0xffff  }
0x442: {  	s25 =	sshll.u32 s0, $0xA;
	[tilespmem:s23+$0x1A180] =	vst v32;
	v27 =	vshrl.u32 v56, $0x10  }
0x443: {  	v63 =	vmul.f32 v42, v19;
	v36 =	vld.idx.msk [tilespmem:v11+s7+$0x0], $0xffff;
	[smem:$0x7EA] =	sst s25;
	v33 =	vadd.f32 v61, v28;
	v34 =	vmul.f32 v62, v1  }
0x444: {  	s1 =	simm.s32 $0xA000;
	v40 =	vmul.f32 v59, v18;
	v28 =	vand.u32 $0xFFF, v56;
	v39 =	vld.idx.msk [tilespmem:v22+s21+$0x0], $0xffff;
	v35 =	vmul.f32 v29, v30  }
0x445: {  	s14 =	simm.s32 $0x0;
	s20 =	simm.s32 $0x60;
	s6 =	simm.s32 $0x0;
	v42 =	vmul.f32 v59, v42;
	v41 =	vadd.f32 v63, v16;
	v38 =	vld.idx.msk [tilespmem:v9+s7+$0x0], $0xffff;
	v37 =	vadd.f32 v34, v33  }
.LBB2_15:
0x446: {  	p0 =	sne.s32 s20, $0x3F0;
	v32 =	vld.idx.msk [tilespmem:v21+s21+$0x0], $0xffff;
	v43 =	vadd.f32 v35, v0;
	v8 =	vmul.f32 v31, v8;
	v29 =	vmul.f32 v31, v29  }
0x447: {  	v0 =	vmov v5;
	v31 =	vld.idx.msk [tilespmem:v27+s5+$0x0], $0xffff;
	v33 =	vadd.f32 v40, v41;
	v34 =	vmul.f32 v42, v20;
	[tilespmem:s4+$0x1A280] =	vst v37  }
0x448: {  	s18 =	sadd.s32 $0x40, s18;
	v5 =	vmovc v10;
	v10 =	vmov v16;
	v35 =	vld.idx.msk [tilespmem:v6+s9+$0x0], $0xffff;
	v8 =	vadd.f32 v8, v43;
	v7 =	vmul.f32 v29, v7  }
0x449: {  	v16 =	vmovc v25;
	v30 =	vmov v12;
	s21 =	sand.u32 $0x7E00, s18;
	v29 =	vld.idx.msk [tilespmem:v28+s5+$0x0], $0xffff;
	v33 =	vadd.f32 v34, v33;
	v34 =	vmul.f32 v36, v12  }
0x44a: {  	s14 =	sor.u32 s6, s14;
	s6 =	smov.u32 s17;
	s21 =	sor.u32 s19, s21;
	v37 =	vmul.f32 v39, v26;
	v12 =	vmovc v19;
	v19 =	vmov v26;
	v40 =	vld.idx.msk [tilespmem:v3+s9+$0x0], $0xffff;
	v7 =	vadd.f32 v7, v8  }
0x44b: {  	s17 =	smov.u32 s13;
	s14 =	sor.u32 $0x380, s14;
	s25 =	sadd.s32 $0x12000, s21;
	v36 =	vmul.f32 v38, v36;
	v25 =	vld [tilespmem:s21+$0x12000];
	[tilespmem:s15+$0x1A100] =	vst v33;
	v33 =	vadd.f32 v34, v5;
	v34 =	vmul.f32 v38, v13  }
0x44c: {  	s13 =	smov.u32 s24;
	s24 =	smov.u32 s12;
	v38 =	vmul.f32 v32, v24;
	v32 =	vmul.f32 v32, v39;
	v26 =	vld [tilespmem:s25+$0x80];
	[tilespmem:s14+$0x1A000] =	vst v7;
	v8 =	vmovc v2;
	v2 =	vmov v13;
	s14 =	smov.u32 s2  }
0x44d: {  	v37 =	vadd.f32 v37, v16;
	s2 =	smov.u32 s16;
	s16 =	smov.u32 s29;
	s29 =	smov.u32 s22;
	v39 =	vld.idx.msk [tilespmem:v17+s26+$0x0], $0xffff;
	v33 =	vadd.f32 v34, v33;
	v34 =	vmul.f32 v36, v14  }
0x44e: {  	v13 =	vmovc v18;
	v18 =	vmovc v24;
	s22 =	smov.u32 s11;
	s11 =	smov.u32 s20;
	v36 =	vmul.f32 v35, v4;
	v24 =	vld [tilespmem:s25+$0x100];
	v7 =	vmov v1;
	v1 =	vmov v14  }
0x44f: {  	v37 =	vadd.f32 v38, v37;
	v32 =	vmul.f32 v32, v23;
	v38 =	vld.idx.msk [tilespmem:v15+s26+$0x0], $0xffff;
	v33 =	vadd.f32 v34, v33  }
0x450: {  	s21 =	sadd.s32 s20, s30;
	v14 =	vmovc v20;
	v34 =	vadd.f32 v36, v0;
	v36 =	vmul.f32 v40, v8;
	v35 =	vmul.f32 v40, v35  }
0x451: {  	s21 =	sand.u32 $0x1F80, s21;
	v20 =	vmov v23;
	s26 =	sand.u32 $0x70, s20;
	v40 =	vmul.f32 v29, v26;
	v29 =	vmul.f32 v31, v29;
	[tilespmem:s23+$0x1A200] =	vst v33;
	v23 =	vld [tilespmem:s25+$0x180]  }
0x452: {  	v32 =	vadd.f32 v32, v37;
	s21 =	sor.u32 s26, s21;
	v34 =	vadd.f32 v36, v34;
	v35 =	vmul.f32 v35, v7;
	v33 =	vld.idx.msk [tilespmem:v11+s8+$0x0], $0xffff  }
0x453: {  	v36 =	vmul.f32 v39, v12;
	v37 =	vld [tilespmem:s21+$0x10000];
	s21 =	simm.s32 $0x9000;
	v31 =	vmul.f32 v31, v24  }
0x454: {  	v40 =	vadd.f32 v40, v25;
	v34 =	vadd.f32 v35, v34;
	[tilespmem:s3+$0x1A080] =	vst v32;
	v32 =	vld.idx.msk [tilespmem:v9+s8+$0x0], $0xffff  }
0x455: {  	v35 =	vadd.f32 v36, v10;
	v36 =	vmul.f32 v38, v13;
	v38 =	vmul.f32 v38, v39;
	v42 =	vld.idx.msk [tilespmem:v21+s1+$0x0], $0xffff  }
0x456: {  	v31 =	vadd.f32 v31, v40;
	v39 =	vmul.f32 v29, v23;
	v43 =	vld.idx.msk [tilespmem:v22+s1+$0x0], $0xffff;
	[tilespmem:s4+$0x1A300] =	vst v34;
	s4 =	smov.u32 s23;
	s23 =	smov.u32 s15;
	s15 =	smov.u32 s3  }
0x457: {  	s12 =	sadd.s32 $0x80, s12;
	v34 =	vadd.f32 v36, v35;
	v35 =	vmul.f32 v38, v14;
	v29 =	vld.idx.msk [tilespmem:v6+s10+$0x0], $0xffff;
	v6 =	vmovc v11;
	v11 =	vmov v17  }
0x458: {  	s3 =	sand.u32 $0x1C00, s12;
	v38 =	vmul.f32 v33, v30;
	v17 =	vmovc v22;
	v22 =	vmov v28;
	v36 =	vadd.f32 v39, v31  }
0x459: {  	s3 =	sor.u32 s19, s3;
	s19 =	smov.u32 s26;
	s26 =	simm.s32 $0xB000;
	v28 =	vadd.f32 v35, v34;
	v31 =	vld.idx.msk [tilespmem:v3+s10+$0x0], $0xffff;
	v3 =	vmovc v9;
	v9 =	vmovc v15;
	v15 =	vmov v21;
	v21 =	vmov v27  }
.Ltmp6:
0x45a: {  	v34 =	vadd.f32 v38, v5;
	v35 =	vmul.f32 v32, v2;
	v32 =	vmul.f32 v32, v33;
	[tilespmem:s3+$0x1A000] =	vst v36;
	(pc) =	sbr.rel @p0 .LBB2_15-.Ltmp6, $4  }
0x45b: {  	v27 =	vshrl.u32 v37, $0x10;
	[tilespmem:s23+$0x1A180] =	vst v28  }
0x45c: {  	v33 =	vmul.f32 v43, v19;
	v34 =	vadd.f32 v35, v34;
	v32 =	vmul.f32 v32, v1;
	v36 =	vld.idx.msk [tilespmem:v11+s7+$0x0], $0xffff  }
0x45d: {  	v40 =	vmul.f32 v42, v18;
	v28 =	vand.u32 $0xFFF, v37;
	v35 =	vmul.f32 v29, v4;
	v4 =	vmovc v30;
	v39 =	vld.idx.msk [tilespmem:v22+s21+$0x0], $0xffff  }
0x45e: {  	s20 =	sadd.s32 $0x10, s20;
	v42 =	vmul.f32 v42, v43;
	v41 =	vadd.f32 v33, v16;
	v37 =	vadd.f32 v32, v34;
	v38 =	vld.idx.msk [tilespmem:v9+s7+$0x0], $0xffff  }
0x45f: {  	_ =	sdelay $0x1  }
0x460: {  	s18 =	sadd.s32 $0x40, s18  }
0x461: {  	s18 =	sand.u32 $0x7E00, s18  }
0x462: {  	v43 =	vld.idx.msk [tilespmem:v27+s5+$0x0], $0xffff;
	s18 =	sor.u32 s19, s18  }
0x463: {  	v44 =	vld.idx.msk [tilespmem:v28+s5+$0x0], $0xffff;
	s20 =	sadd.s32 $0x12000, s18  }
0x464: {  	v34 =	vld [tilespmem:s20+$0x80]  }
0x465: {  	v32 =	vld [tilespmem:s18+$0x12000]  }
0x466: {  	v33 =	vld [tilespmem:s20+$0x100];
	_ =	sdelay $0x1  }
0x467: {  	v30 =	vld [tilespmem:s20+$0x180]  }
0x468: {  	v45 =	vmul.f32 v44, v34;
	_ =	sdelay $0x1  }
0x469: {  	v44 =	vmul.f32 v43, v44;
	v43 =	vmul.f32 v43, v33;
	v45 =	vadd.f32 v45, v32;
	_ =	sdelay $0x1  }
0x46a: {  	v44 =	vmul.f32 v44, v30;
	v43 =	vadd.f32 v43, v45  }
0x46b: {  	s20 =	sadd.s32 $0x80, s12  }
0x46c: {  	v48 =	vld.idx.msk [tilespmem:v21+s21+$0x0], $0xffff;
	s25 =	sand.u32 $0x1C00, s20;
	v43 =	vadd.f32 v44, v43  }
0x46d: {  	s18 =	sor.u32 s19, s25  }
0x46e: {  	[tilespmem:s18+$0x1A000] =	vst v43  }
0x46f: {  	v49 =	vmul.f32 v39, v26;
	v43 =	vld.idx.msk [tilespmem:v28+s21+$0x0], $0xffff;
	_ =	sdelay $0x1  }
0x470: {  	v47 =	vmul.f32 v48, v24;
	v50 =	vmul.f32 v48, v39;
	v51 =	vadd.f32 v49, v25;
	v46 =	vld.idx.msk [tilespmem:v27+s21+$0x0], $0xffff;
	_ =	sdelay $0x1  }
0x471: {  	v39 =	vmul.f32 v50, v23;
	v44 =	vadd.f32 v47, v51  }
0x472: {  	v52 =	vmul.f32 v43, v34  }
0x473: {  	v39 =	vadd.f32 v39, v44  }
0x474: {  	v43 =	vmul.f32 v46, v43;
	v46 =	vmul.f32 v46, v33;
	v45 =	vadd.f32 v52, v32  }
0x475: {  	[tilespmem:s3+$0x1A080] =	vst v39  }
0x476: {  	v39 =	vld.idx.msk [tilespmem:v22+s1+$0x0], $0xffff;
	v43 =	vmul.f32 v43, v30;
	v53 =	vadd.f32 v46, v45;
	_ =	sdelay $0x1  }
0x477: {  	v54 =	vld.idx.msk [tilespmem:v21+s1+$0x0], $0xffff;
	v43 =	vadd.f32 v43, v53;
	_ =	sdelay $0x1  }
0x478: {  	[tilespmem:s18+$0x1A080] =	vst v43  }
0x479: {  	v55 =	vmul.f32 v39, v26;
	v43 =	vld.idx.msk [tilespmem:v28+s1+$0x0], $0xffff  }
0x47a: {  	v40 =	vadd.f32 v40, v41;
	v57 =	vmul.f32 v42, v20  }
0x47b: {  	v58 =	vmul.f32 v54, v24;
	v39 =	vmul.f32 v54, v39;
	v45 =	vadd.f32 v55, v25;
	v56 =	vld.idx.msk [tilespmem:v27+s1+$0x0], $0xffff;
	_ =	sdelay $0x1  }
0x47c: {  	v40 =	vadd.f32 v57, v40;
	v39 =	vmul.f32 v39, v23;
	v42 =	vadd.f32 v58, v45  }
0x47d: {  	v59 =	vmul.f32 v43, v34  }
0x47e: {  	[tilespmem:s15+$0x1A100] =	vst v40;
	v39 =	vadd.f32 v39, v42  }
0x47f: {  	v61 =	vld.idx.msk [tilespmem:v17+s26+$0x0], $0xffff;
	v60 =	vmul.f32 v56, v33;
	v43 =	vmul.f32 v56, v43;
	v41 =	vadd.f32 v59, v32  }
0x480: {  	v63 =	vld.idx.msk [tilespmem:v15+s26+$0x0], $0xffff;
	[tilespmem:s3+$0x1A100] =	vst v39  }
0x481: {  	v39 =	vld.idx.msk [tilespmem:v22+s26+$0x0], $0xffff;
	v62 =	vmul.f32 v43, v30;
	v40 =	vadd.f32 v60, v41  }
0x482: {  	v49 =	vld.idx.msk [tilespmem:v21+s26+$0x0], $0xffff  }
0x483: {  	v40 =	vadd.f32 v62, v40  }
0x484: {  	v48 =	vmul.f32 v61, v19  }
0x485: {  	v42 =	vmul.f32 v63, v61;
	[tilespmem:s18+$0x1A100] =	vst v40  }
0x486: {  	v50 =	vmul.f32 v63, v18;
	v51 =	vmul.f32 v39, v26;
	v41 =	vadd.f32 v48, v16;
	v40 =	vld.idx.msk [tilespmem:v28+s26+$0x0], $0xffff  }
0x487: {  	v42 =	vmul.f32 v42, v20;
	v53 =	vmul.f32 v49, v24  }
0x488: {  	v39 =	vmul.f32 v49, v39;
	v44 =	vadd.f32 v51, v25;
	v41 =	vadd.f32 v50, v41;
	v52 =	vld.idx.msk [tilespmem:v27+s26+$0x0], $0xffff;
	_ =	sdelay $0x1  }
0x489: {  	v39 =	vmul.f32 v39, v23;
	v55 =	vadd.f32 v53, v44;
	v41 =	vadd.f32 v42, v41  }
0x48a: {  	v54 =	vmul.f32 v40, v34  }
0x48b: {  	v39 =	vadd.f32 v39, v55;
	[tilespmem:s15+$0x1A180] =	vst v41  }
0x48c: {  	v58 =	vld.idx.msk [tilespmem:v17+s7+$0x0], $0xffff;
	v57 =	vmul.f32 v52, v33;
	v40 =	vmul.f32 v52, v40;
	v56 =	vadd.f32 v54, v32  }
0x48d: {  	[tilespmem:s3+$0x1A180] =	vst v39;
	v60 =	vld.idx.msk [tilespmem:v15+s7+$0x0], $0xffff  }
0x48e: {  	v59 =	vmul.f32 v36, v12;
	v39 =	vld.idx.msk [tilespmem:v22+s7+$0x0], $0xffff;
	v40 =	vmul.f32 v40, v30;
	v41 =	vadd.f32 v57, v56  }
0x48f: {  	v63 =	vmul.f32 v38, v36;
	v49 =	vld.idx.msk [tilespmem:v21+s7+$0x0], $0xffff  }
0x490: {  	v61 =	vadd.f32 v59, v10;
	v62 =	vmul.f32 v38, v13;
	v40 =	vadd.f32 v40, v41  }
0x491: {  	v48 =	vmul.f32 v58, v19  }
0x492: {  	v36 =	vmul.f32 v63, v14;
	v50 =	vadd.f32 v62, v61;
	v43 =	vmul.f32 v60, v58;
	[tilespmem:s18+$0x1A180] =	vst v40  }
0x493: {  	v52 =	vmul.f32 v60, v18;
	v53 =	vmul.f32 v39, v26;
	v38 =	vadd.f32 v48, v16;
	v51 =	vld.idx.msk [tilespmem:v28+s7+$0x0], $0xffff  }
0x494: {  	v36 =	vadd.f32 v36, v50;
	v39 =	vmul.f32 v49, v39;
	v55 =	vmul.f32 v43, v20  }
0x495: {  	v56 =	vadd.f32 v53, v25;
	v57 =	vmul.f32 v49, v24;
	v38 =	vadd.f32 v52, v38;
	v54 =	vld.idx.msk [tilespmem:v27+s7+$0x0], $0xffff;
	_ =	sdelay $0x1  }
0x496: {  	[tilespmem:s23+$0x1A200] =	vst v36;
	v39 =	vmul.f32 v39, v23;
	v36 =	vadd.f32 v57, v56;
	v38 =	vadd.f32 v55, v38  }
0x497: {  	v58 =	vld.idx.msk [tilespmem:v11+s8+$0x0], $0xffff;
	v59 =	vmul.f32 v51, v34  }
0x498: {  	v60 =	vld.idx.msk [tilespmem:v9+s8+$0x0], $0xffff;
	v36 =	vadd.f32 v39, v36;
	[tilespmem:s15+$0x1A200] =	vst v38  }
0x499: {  	v63 =	vld.idx.msk [tilespmem:v17+s8+$0x0], $0xffff;
	v62 =	vmul.f32 v54, v33;
	v41 =	vmul.f32 v54, v51;
	v61 =	vadd.f32 v59, v32;
	_ =	sdelay $0x1  }
0x49a: {  	[tilespmem:s3+$0x1A200] =	vst v36;
	v50 =	vld.idx.msk [tilespmem:v15+s8+$0x0], $0xffff;
	v48 =	vmul.f32 v41, v30;
	v38 =	vadd.f32 v62, v61  }
0x49b: {  	v36 =	vld.idx.msk [tilespmem:v22+s8+$0x0], $0xffff  }
0x49c: {  	v49 =	vmul.f32 v58, v12;
	v38 =	vadd.f32 v48, v38  }
0x49d: {  	v52 =	vmul.f32 v60, v13;
	v53 =	vmul.f32 v63, v19  }
0x49e: {  	v43 =	vmul.f32 v60, v58;
	v51 =	vadd.f32 v49, v10;
	v54 =	vld.idx.msk [tilespmem:v21+s8+$0x0], $0xffff;
	[tilespmem:s18+$0x1A200] =	vst v38  }
0x49f: {  	v59 =	vmul.f32 v50, v18;
	v41 =	vmul.f32 v50, v63;
	v58 =	vadd.f32 v53, v16;
	v57 =	vld.idx.msk [tilespmem:v28+s8+$0x0], $0xffff  }
0x4a0: {  	v56 =	vmul.f32 v43, v14;
	v55 =	vadd.f32 v52, v51;
	v60 =	vmul.f32 v36, v26  }
0x4a1: {  	v41 =	vmul.f32 v41, v20;
	v63 =	vadd.f32 v59, v58;
	v61 =	vld.idx.msk [tilespmem:v27+s8+$0x0], $0xffff  }
0x4a2: {  	[tilespmem:s4+$0x1A280] =	vst v37;
	v37 =	vadd.f32 v60, v25;
	v38 =	vadd.f32 v56, v55  }
0x4a3: {  	v49 =	vld.idx.msk [tilespmem:v3+s9+$0x0], $0xffff;
	v36 =	vmul.f32 v54, v36;
	v48 =	vmul.f32 v54, v24;
	v50 =	vadd.f32 v41, v63  }
0x4a4: {  	v62 =	vld.idx.msk [tilespmem:v6+s9+$0x0], $0xffff;
	[tilespmem:s23+$0x1A280] =	vst v38;
	v51 =	vmul.f32 v57, v34  }
0x4a5: {  	v36 =	vmul.f32 v36, v23;
	v37 =	vadd.f32 v48, v37;
	[tilespmem:s15+$0x1A280] =	vst v50;
	v41 =	vld.idx.msk [tilespmem:v11+s9+$0x0], $0xffff  }
0x4a6: {  	v55 =	vld.idx.msk [tilespmem:v17+s9+$0x0], $0xffff;
	v53 =	vmul.f32 v61, v33;
	v40 =	vmul.f32 v61, v57;
	v52 =	vadd.f32 v51, v32  }
0x4a7: {  	v36 =	vadd.f32 v36, v37;
	v56 =	vld.idx.msk [tilespmem:v9+s9+$0x0], $0xffff  }
0x4a8: {  	v60 =	vld.idx.msk [tilespmem:v15+s9+$0x0], $0xffff;
	v57 =	vmul.f32 v40, v30;
	v38 =	vadd.f32 v53, v52  }
0x4a9: {  	v54 =	vmul.f32 v62, v4;
	[tilespmem:s3+$0x1A280] =	vst v36;
	v61 =	vmul.f32 v49, v62  }
0x4aa: {  	v59 =	vmul.f32 v49, v2;
	v62 =	vld.idx.msk [tilespmem:v22+s9+$0x0], $0xffff;
	v38 =	vadd.f32 v57, v38  }
0x4ab: {  	v58 =	vadd.f32 v54, v5;
	v50 =	vld.idx.msk [tilespmem:v21+s9+$0x0], $0xffff;
	v48 =	vmul.f32 v41, v12;
	v36 =	vmul.f32 v61, v1  }
0x4ac: {  	v49 =	vmul.f32 v55, v19;
	v37 =	vmul.f32 v56, v41;
	[tilespmem:s18+$0x1A280] =	vst v38  }
0x4ad: {  	v63 =	vadd.f32 v59, v58;
	v43 =	vmul.f32 v60, v55;
	v45 =	vmul.f32 v60, v18;
	v53 =	vld.idx.msk [tilespmem:v28+s9+$0x0], $0xffff  }
0x4ae: {  	v51 =	vadd.f32 v48, v10;
	v52 =	vmul.f32 v56, v13;
	v42 =	vadd.f32 v49, v16  }
0x4af: {  	v36 =	vadd.f32 v36, v63;
	v37 =	vmul.f32 v37, v14;
	v54 =	vmul.f32 v62, v26;
	v55 =	vld.idx.msk [tilespmem:v27+s9+$0x0], $0xffff  }
0x4b0: {  	v43 =	vmul.f32 v43, v20;
	v58 =	vmul.f32 v50, v24;
	v42 =	vadd.f32 v45, v42  }
0x4b1: {  	[tilespmem:s4+$0x1A300] =	vst v36;
	v57 =	vmul.f32 v50, v62;
	v56 =	vadd.f32 v54, v25;
	v38 =	vadd.f32 v52, v51  }
0x4b2: {  	v59 =	vld.idx.msk [tilespmem:v6+s10+$0x0], $0xffff;
	v42 =	vadd.f32 v43, v42;
	v60 =	vmul.f32 v53, v34  }
0x4b3: {  	v61 =	vld.idx.msk [tilespmem:v3+s10+$0x0], $0xffff;
	v39 =	vmul.f32 v57, v23;
	v36 =	vadd.f32 v58, v56;
	v37 =	vadd.f32 v37, v38  }
0x4b4: {  	[tilespmem:s15+$0x1A300] =	vst v42;
	v41 =	vmul.f32 v55, v53;
	v40 =	vmul.f32 v55, v33;
	v38 =	vadd.f32 v60, v32  }
0x4b5: {  	v0 =	vadd.f32 v35, v0;
	v36 =	vadd.f32 v39, v36;
	v39 =	vld.idx.msk [tilespmem:v17+s10+$0x0], $0xffff  }
0x4b6: {  	v43 =	vld.idx.msk [tilespmem:v15+s10+$0x0], $0xffff;
	[tilespmem:s23+$0x1A300] =	vst v37;
	v63 =	vmul.f32 v41, v30;
	v62 =	vadd.f32 v40, v38  }
0x4b7: {  	v8 =	vmul.f32 v31, v8;
	v29 =	vmul.f32 v31, v29;
	[tilespmem:s3+$0x1A300] =	vst v36;
	v36 =	vld.idx.msk [tilespmem:v11+s10+$0x0], $0xffff  }
0x4b8: {  	v3 =	vmul.f32 v61, v59;
	v42 =	vld.idx.msk [tilespmem:v9+s10+$0x0], $0xffff;
	v40 =	vadd.f32 v63, v62  }
0x4b9: {  	v0 =	vadd.f32 v8, v0;
	v7 =	vmul.f32 v29, v7;
	v35 =	vmul.f32 v59, v4;
	v45 =	vld.idx.msk [tilespmem:v22+s10+$0x0], $0xffff  }
0x4ba: {  	v44 =	vmul.f32 v3, v1;
	v49 =	vld.idx.msk [tilespmem:v21+s10+$0x0], $0xffff;
	v41 =	vmul.f32 v61, v2;
	[tilespmem:s18+$0x1A300] =	vst v40  }
0x4bb: {  	v4 =	vadd.f32 v35, v5;
	v48 =	vmul.f32 v39, v19;
	v51 =	vmul.f32 v43, v18;
	v47 =	vld.idx.msk [tilespmem:v28+s10+$0x0], $0xffff  }
0x4bc: {  	v0 =	vadd.f32 v7, v0;
	v6 =	vmul.f32 v43, v39;
	v46 =	vmul.f32 v36, v12  }
0x4bd: {  	v2 =	vadd.f32 v41, v4;
	v9 =	vmul.f32 v42, v13;
	v5 =	vmul.f32 v42, v36;
	v50 =	vld.idx.msk [tilespmem:v27+s10+$0x0], $0xffff  }
0x4be: {  	v6 =	vmul.f32 v6, v20;
	v52 =	vmul.f32 v45, v26;
	v4 =	vadd.f32 v46, v10  }
0x4bf: {  	v54 =	vmul.f32 v49, v24;
	v1 =	vadd.f32 v44, v2;
	v2 =	vadd.f32 v48, v16  }
0x4c0: {  	v3 =	vmul.f32 v49, v45;
	v4 =	vadd.f32 v9, v4;
	v53 =	vmul.f32 v47, v34  }
0x4c1: {  	s15 =	sor.u32 s6, s14;
	v5 =	vmul.f32 v5, v14;
	v2 =	vadd.f32 v51, v2;
	v9 =	vadd.f32 v52, v25  }
0x4c2: {  	s2 =	sor.u32 s17, s2;
	s3 =	sor.u32 $0x380, s15;
	v56 =	vmul.f32 v50, v33;
	v8 =	vmul.f32 v50, v47;
	v55 =	vadd.f32 v53, v32  }
0x4c3: {  	s17 =	sor.u32 s13, s16;
	s2 =	sor.u32 $0x380, s2;
	[tilespmem:s3+$0x1A000] =	vst v0;
	v3 =	vmul.f32 v3, v23;
	v57 =	vadd.f32 v5, v4;
	v58 =	vadd.f32 v54, v9  }
0x4c4: {  	s3 =	sor.u32 $0x380, s17;
	[tilespmem:s2+$0x1A000] =	vst v1;
	s18 =	sor.u32 s24, s29;
	v59 =	vadd.f32 v6, v2;
	v61 =	vmul.f32 v8, v30;
	v60 =	vadd.f32 v56, v55  }
0x4c5: {  	s19 =	sor.u32 s12, s22;
	s2 =	sor.u32 $0x380, s18;
	[tilespmem:s3+$0x1A000] =	vst v57;
	v62 =	vadd.f32 v3, v58  }
0x4c6: {  	s20 =	sor.u32 s20, s11;
	[tilespmem:s2+$0x1A000] =	vst v59;
	s3 =	sor.u32 $0x380, s19;
	v63 =	vadd.f32 v61, v60  }
0x4c7: {  	s2 =	sor.u32 $0x380, s20;
	[tilespmem:s3+$0x1A000] =	vst v62  }
0x4c8: {  	[tilespmem:s2+$0x1A000] =	vst v63  }
0x4c9: {  	s22 =	sld [smem:$0x7EA]  }
0x4ca: {  	s0 =	sadd.s32 $0x1, s0  }
0x4cb: {  	p0 =	sne.s32 s0, $0x8;
	s25 =	simm.s32 $0x0;
	s2 =	rddreg [dreg:$0x18]  }
0x4cc: {  	s23 =	simm.s32 $0x1A000;
	s24 =	simm.s32 $0x4;
	s2 =	sadd.s32 s22, s2  }
0x4cd: {  	[hbm4b:s2+s25] =	stream.linear.scatter [tilespmem:s23], [sflag:$0x4], $0x2000, $0x38;
	[tilespmem:$0x1C000] =	vst v63  }
.Ltmp7:
0x4ce: {  	_ =	swait.ge [sflag:s24], $0x2000;
	(pc) =	sbr.rel @p0 .LBB2_14-.Ltmp7, $3  }
0x4cf: {  	s29 =	sld [smem:$0x7E9];
	_ =	sdelay $0x1  }
0x4d0: {  	s30 =	sadd.s32 $0x400, s30;
	[sflag:s24] =	ssyncset.done $0x0  }
0x4d1: {  	s20 =	simm.s32 $0xA000;
	[sflag:s24] =	ssyncadd.s32 $0xFFFFE000;
	s6 =	sadd.s32 $0x1000, s29  }
0x4d2: {  	s3 =	sld [smem:$0x7F2];
	_ =	sdelay $0x2  }
0x4d3: {  	s2 =	rddreg [dreg:$0x19];
	s3 =	sadd.s32 $0x1, s3  }
0x4d4: {  	p0 =	sne.s32 s3, s2  }
.Ltmp8:
0x4d5: {  	_ = 	snop;
	(pc) =	sbr.rel @p0 .LBB2_1-.Ltmp8, $3  }
0x4d6: {  	_ =	sdelay $0x1  }
0x4d7: {  	s1 =	simm.s32 $0xB000;
	s6 =	simm.s32 $0x9000  }
0x4d8: {  	s21 =	simm.s32 $0x1000;
	s26 =	simm.s32 $0x2000;
	s0 =	simm.s32 $0x6000  }
0x4d9: {  	_ =	sfence.sel $0x180000  }
0x4da: {  	[bflag:$0x0] =	sbarrier.arrive $0xFFFF  }
0x4db: {  	_ =	strace $0x90000047  }
0x4dc: {  	s0 =	stileid.u32;
	[bflag:$0x2] =	sbarrier.arrive $0xFFFF  }
0x4dd: {  	p0 =	sne.s32 s0, $0x0;
	s0 =	rddreg [dreg:$0x3]  }
0x4de: {  	s0 =	sadd.s32 @!p0 $0x100000, s0  }
0x4df: {  	[sflag:s0] =	ssyncadd.tile.s32 @!p0 $0x1;
	_ =	shalt  }
.Lfunc_end2:
_tile_overlayer_lowered:
.L_overlay_start_2:
0x4e0: {  	(tag) =	ssettag $0x2  }
0x4e1: {  	s0 =	rddreg [dreg:$0x0];
	s2 =	stileid.u32  }
0x4e2: {  	s1 =	rddreg [dreg:$0x1];
	p0 =	sne.s32 s2, $0x0  }
0x4e3: {  	s3 =	rddreg [dreg:$0x2];
	[bflag:$0x3] =	sbarrier.arrive $0xFFFF;
	s2 =	simm.s32 @!p0 $0x1C04  }
0x4e4: {  	[timem:s3], [sflag:s2] =	dma.local @!p0 [hbm:s0], s1  }
0x4e5: {  	s0 =	simm.s32 @!p0 $0x4  }
0x4e6: {  	_ =	swait.ge @!p0 [sflag:s0], s1  }
0x4e7: {  	s1 =	ssub.s32 @!p0 $0x0, s1;
	[sflag:s0] =	ssyncset.done @!p0 $0x0  }
0x4e8: {  	[sflag:s0] =	ssyncadd.s32 @!p0 s1  }
0x4e9: {  	[bflag:$0x3] =	sbarrier.arrive $0xFFFF  }
0x4ea: {  	_ =	shalt  }

</sc_bundles>
